<compile_context>
chip_gen: v7x
topology: tpu7x:2x2x1
jax: 0.10.2.dev20260603
libtpu: 0.0.44.dev20260713+nightly
codegen_flags: <defaults>
</compile_context>

<pallas_src>
import functools

import jax
import jax.numpy as jnp
from jax import lax
from jax.experimental import pallas as pl
from jax.experimental.pallas import tpu as pltpu
from jax.experimental.pallas import tpu_sc as plsc

EXT = 16
NSEG = 8
FEAT = NSEG * EXT
COEFFS = (1.0, 0.5, 0.25, 0.125, 2.0, 1.5, 0.75, 0.375)

NC = 2
NS = 16
NW = NC * NS
CH = 40
NBUF = 5
NIG = 3


def _sc_partials(x0, x1, src, dst4, zinit):
    n, feat = x0.shape
    e = x1.shape[0]
    per_w = e // NW
    ch = CH
    nchunk = per_w // ch
    nbuf = NBUF
    ngroup = nchunk // nbuf
    rpt = (n // NS) // 8 * 8
    tail = n - rpt * NS
    gch = nbuf * ch

    mesh = plsc.VectorSubcoreMesh(
        core_axis_name="c", subcore_axis_name="s", num_cores=NC, num_subcores=NS
    )

    @functools.partial(
        pl.kernel,
        mesh=mesh,
        out_type=jax.ShapeDtypeStruct((NC, n, feat), jnp.float32),
        scratch_types=[
            pltpu.VMEM((NIG * gch,), jnp.int32),
            pltpu.VMEM((NIG * nbuf, ch), jnp.int32),
            pltpu.VMEM((nbuf - 1, ch, EXT), jnp.float32),
            pltpu.VMEM((nbuf, ch, FEAT), jnp.float32),
            pltpu.VMEM_SHARED((n, feat), jnp.float32),
            pltpu.SemaphoreType.DMA((nbuf,)),
            pltpu.SemaphoreType.DMA((nbuf,)),
            pltpu.SemaphoreType.DMA((nbuf - 1,)),
            pltpu.SemaphoreType.DMA((NIG,)),
            pltpu.SemaphoreType.DMA((NIG,)),
        ],
    )
    def k(x0_hbm, x1_hbm, src_hbm, dst_hbm, z_hbm, out_hbm,
          srcr, dstr, x1c, rows, acc_sh, gsem, ssem, xsem, isem, dsem):
        c = lax.axis_index("c")
        s = lax.axis_index("s")
        wid = s * NC + c

        pltpu.sync_copy(z_hbm.at[pl.ds(s * rpt, rpt)],
                        acc_sh.at[pl.ds(s * rpt, rpt)])

        @pl.when(s == 0)
        def _():
            pltpu.sync_copy(z_hbm.at[pl.ds(NS * rpt, tail)],
                            acc_sh.at[pl.ds(NS * rpt, tail)])

        plsc.subcore_barrier()

        wbase = wid * per_w

        def load_group(g, sl):
            pltpu.async_copy(src_hbm.at[pl.ds(wbase + g * gch, gch)],
                             srcr.at[pl.ds(sl * gch, gch)], isem.at[sl])
            pltpu.async_copy(dst_hbm.at[wid, g],
                             dstr.at[pl.ds(sl * nbuf, nbuf)], dsem.at[sl])

        def wait_group_src(g, sl):
            pltpu.make_async_copy(src_hbm.at[pl.ds(wbase + g * gch, gch)],
                                  srcr.at[pl.ds(sl * gch, gch)],
                                  isem.at[sl]).wait()

        def wait_group_dst(g, sl):
            pltpu.make_async_copy(dst_hbm.at[wid, g],
                                  dstr.at[pl.ds(sl * nbuf, nbuf)],
                                  dsem.at[sl]).wait()

        def fetch_x1(jj, b):
            x4 = lax.rem(jj, nbuf - 1) if not isinstance(jj, int) \
                else jj % (nbuf - 1)
            pltpu.async_copy(x1_hbm.at[pl.ds(wbase + jj * ch, ch)],
                             x1c.at[x4], xsem.at[x4])

        def fetch_rows(jj, b, sl_b):
            pltpu.async_copy(x0_hbm.at[srcr.at[pl.ds(sl_b * ch, ch)]],
                             rows.at[b], gsem.at[b])

        for gg in range(2):
            load_group(gg, gg)
        wait_group_src(0, 0)
        for b in range(nbuf - 1):
            fetch_x1(b, b)
            fetch_rows(b, b, b)

        def group(g, carry):
            sl = lax.rem(g, NIG)
            for b in range(nbuf):
                jj = g * nbuf + b
                x4 = lax.rem(jj, nbuf - 1)

                if b == 0:
                    wait_group_dst(g, sl)

                pltpu.make_async_copy(
                    x0_hbm.at[srcr.at[pl.ds((sl * nbuf + b) * ch, ch)]],
                    rows.at[b], gsem.at[b]).wait()
                pltpu.make_async_copy(
                    x1_hbm.at[pl.ds(wbase + jj * ch, ch)],
                    x1c.at[x4], xsem.at[x4]).wait()

                @plsc.parallel_loop(0, ch, 1, unroll=8)
                def _(i, b=b, x4=x4):
                    x1e = x1c[x4, i, :]
                    for seg in range(NSEG):
                        slc = pl.ds(seg * EXT, EXT)
                        rows[b, i, slc] = rows[b, i, slc] * (x1e * COEFFS[seg])

                pltpu.async_copy(rows.at[b], acc_sh.at[dstr.at[sl * nbuf + b]],
                                 ssem.at[b], add=True)

                nb = (b + nbuf - 1) % nbuf
                jn = jj + nbuf - 1

                @pl.when(jn < nchunk)
                def _(g=g, jj=jj, jn=jn, nb=nb, b=b, sl=sl):
                    @pl.when(jj >= 1)
                    def _():
                        gp = (jj - 1) // nbuf
                        pltpu.make_async_copy(
                            rows.at[nb],
                            acc_sh.at[dstr.at[lax.rem(gp, NIG) * nbuf + nb]],
                            ssem.at[nb]).wait()
                    if b == 1:
                        wait_group_src(g + 1, lax.rem(g + 1, NIG))
                    fetch_x1(jn, nb)
                    gn = jn // nbuf
                    fetch_rows(jn, nb,
                               lax.rem(gn, NIG) * nbuf + (jn - gn * nbuf))

                if b == 0:
                    @pl.when(g < ngroup - 2)
                    def _(g=g):
                        load_group(g + 2, lax.rem(g + 2, NIG))
            return carry

        lax.fori_loop(0, ngroup, group, 0)

        lsl = (ngroup - 1) % NIG
        for b in range(nbuf):
            pltpu.make_async_copy(
                rows.at[b], acc_sh.at[dstr.at[lsl * nbuf + b]],
                ssem.at[b]).wait()

        plsc.subcore_barrier()
        pltpu.sync_copy(acc_sh.at[pl.ds(s * rpt, rpt)],
                        out_hbm.at[c, pl.ds(s * rpt, rpt)])

        @pl.when(s == 0)
        def _():
            pltpu.sync_copy(acc_sh.at[pl.ds(NS * rpt, tail)],
                            out_hbm.at[c, pl.ds(NS * rpt, tail)])

    return k(x0, x1, src, dst4, zinit)


def _tc_sum(partials):
    nc, n, feat = partials.shape
    br = 1000

    def body(p_ref, o_ref):
        o_ref[...] = p_ref[0] + p_ref[1]

    return pl.pallas_call(
        body,
        grid=(n // br,),
        in_specs=[pl.BlockSpec((nc, br, feat), lambda i: (0, i, 0))],
        out_specs=pl.BlockSpec((br, feat), lambda i: (i, 0)),
        out_shape=jax.ShapeDtypeStruct((n, feat), jnp.float32),
    )(partials)


def kernel(x0, x1, src, dst, n_out):
    del n_out
    e = x1.shape[0]
    per_w = e // NW
    dst4 = dst.reshape(NW, per_w // (NBUF * CH), NBUF, CH)
    zinit = jnp.zeros(x0.shape, jnp.float32)
    partials = _sc_partials(x0, x1, src, dst4, zinit)
    return _tc_sum(partials)

# --- scband reference (transcript-rebuilt; emitter-appended) ---
"""Pipeline reference for scband-segmented-polynomial-product-jit-46256797778143 (READ-ONLY COPY).

The authoritative reference and input builder live on the scoring server;
editing this copy changes nothing except your own understanding.
"""

import jax, jax.numpy as jnp
import numpy as np

EXTENT = 16
N_SEG = 8
N_NODES = 10000
N_EDGES = 320000
PATH_COEFFS = np.array([1.0, 0.5, 0.25, 0.125, 2.0, 1.5, 0.75, 0.375], dtype=np.float32)


def setup_inputs(seed: int = 0) -> dict:
    key = jax.random.key(seed)
    k0, k1, k2, k3 = jax.random.split(key, 4)
    x0 = jax.random.normal(k0, (N_NODES, N_SEG * EXTENT), dtype=jnp.float32)
    x1 = jax.random.normal(k1, (N_EDGES, EXTENT), dtype=jnp.float32)
    src = jax.random.randint(k2, (N_EDGES,), 0, N_NODES, dtype=jnp.int32)
    dst = jax.random.randint(k3, (N_EDGES,), 0, N_NODES, dtype=jnp.int32)
    return {"x0": x0, "x1": x1, "src": src, "dst": dst, "n_out": N_NODES}


def reference(x0, x1, src, dst, n_out):
    # Segmented polynomial product (cuEquivariance tensor_product_uniform_1d):
    # input0 is BATCH_DIM_INDEXED via src (gather rows of node features),
    # input1 is batched over edges, output is BATCH_DIM_INDEXED via dst
    # (scatter-add into n_out rows). One operation, buffers (in0, in1, out),
    # 8 paths (s, 0, s) each with a scalar coefficient; math in float32.
    coeffs = jnp.asarray(PATH_COEFFS)
    E = x1.shape[0]
    n_rows = x0.shape[0]
    g0 = jnp.take(x0, src, axis=0).reshape(E, N_SEG, EXTENT)
    g1 = x1.reshape(E, 1, EXTENT)
    msg = coeffs[None, :, None] * g0 * g1
    out = jnp.zeros((n_rows, N_SEG, EXTENT), dtype=jnp.float32).at[dst].add(msg)
    out = out + (jnp.asarray(n_out) * 0).astype(jnp.float32)
    return out.reshape(n_rows, N_SEG * EXTENT)

if __name__ == "__main__":
    import jax
    _d = setup_inputs()
    print(jax.jit(kernel)(*tuple(_d.values())))

</pallas_src>

<mosaic_0001>
#map = affine_map<(d0, d1) -> (0, 0)>
#map1 = affine_map<(d0, d1) -> (0)>
#map2 = affine_map<(d0, d1) -> (0, 0, 0, 0)>
#map3 = affine_map<(d0, d1) -> (0, 0, 0)>
module attributes {stable_mosaic.version = 14 : i64} {
  func.func @k(%arg0: i32, %arg1: i32, %arg2: memref<10000x128xf32, #tpu.memory_space<hbm>>, %arg3: memref<320000x16xf32, #tpu.memory_space<hbm>>, %arg4: memref<320000xi32, #tpu.memory_space<hbm>>, %arg5: memref<32x50x5x40xi32, #tpu.memory_space<hbm>>, %arg6: memref<10000x128xf32, #tpu.memory_space<hbm>>, %arg7: memref<2x10000x128xf32, #tpu.memory_space<hbm>>, %arg8: memref<600xi32, #tpu.memory_space<vmem>>, %arg9: memref<15x40xi32, #tpu.memory_space<vmem>>, %arg10: memref<4x40x16xf32, #tpu.memory_space<vmem>>, %arg11: memref<5x40x128xf32, #tpu.memory_space<vmem>>, %arg12: memref<10000x128xf32, #tpu.memory_space<vmem_shared>>, %arg13: memref<5x!tpu.dma_semaphore, #tpu.memory_space<semaphore_mem>>, %arg14: memref<5x!tpu.dma_semaphore, #tpu.memory_space<semaphore_mem>>, %arg15: memref<4x!tpu.dma_semaphore, #tpu.memory_space<semaphore_mem>>, %arg16: memref<3x!tpu.dma_semaphore, #tpu.memory_space<semaphore_mem>>, %arg17: memref<3x!tpu.dma_semaphore, #tpu.memory_space<semaphore_mem>>) attributes {dimension_semantics = [#tpu.dimension_semantics<core_parallel>, #tpu.dimension_semantics<subcore_parallel>], iteration_bounds = array<i64: 2, 16>, scalar_prefetch = 0 : i64, scratch_operands = 10 : i64, tpu.core_type = #tpu.core_type<sc_vector_subcore>, window_params = [{transform_indices = #map}, {transform_indices = #map}, {transform_indices = #map1}, {transform_indices = #map2}, {transform_indices = #map}, {transform_indices = #map3}]} {
    %mul3A = arith.constant 2 : i32
    %mul3A_0 = arith.muli %arg1, %mul3A : i32
    %add3A = arith.addi %mul3A_0, %arg0 : i32
    %mul3A_1 = arith.constant 624 : i32
    %mul3A_2 = arith.muli %arg1, %mul3A_1 : i32
    %mul3A_3 = arith.constant 624 : i32
    %mul3A_4 = arith.muli %arg1, %mul3A_3 : i32
    "tpu.region"() ({
      %run_scoped3A = tpu.sem_alloc : memref<!tpu.dma_semaphore, #tpu.memory_space<semaphore_mem>>
      %dma_start3A_290 = arith.constant 0 : i32
      %dma_start3A_291 = tpu.memref_slice %arg12[%mul3A_4, %dma_start3A_290] : memref<10000x128xf32, #tpu.memory_space<vmem_shared>> -> memref<624x128xf32, #tpu.memory_space<vmem_shared>>
      %dma_start3A_292 = arith.constant 0 : i32
      %dma_start3A_293 = tpu.memref_slice %arg6[%mul3A_2, %dma_start3A_292] : memref<10000x128xf32, #tpu.memory_space<hbm>> -> memref<624x128xf32, #tpu.memory_space<hbm>>
      tpu.enqueue_dma source(%dma_start3A_293 : memref<624x128xf32, #tpu.memory_space<hbm>>) target(%dma_start3A_291 : memref<624x128xf32, #tpu.memory_space<vmem_shared>>) target_semaphore(%run_scoped3A : memref<!tpu.dma_semaphore, #tpu.memory_space<semaphore_mem>>)
      %dma_wait3A_294 = arith.constant 0 : i32
      %dma_wait3A_295 = tpu.memref_slice %arg12[%mul3A_4, %dma_wait3A_294] : memref<10000x128xf32, #tpu.memory_space<vmem_shared>> -> memref<624x128xf32, #tpu.memory_space<vmem_shared>>
      %dma_wait3A_296 = arith.constant 0 : i32
      %dma_wait3A_297 = tpu.memref_slice %arg6[%mul3A_2, %dma_wait3A_296] : memref<10000x128xf32, #tpu.memory_space<hbm>> -> memref<624x128xf32, #tpu.memory_space<hbm>>
      tpu.wait_dma2 semaphore(%run_scoped3A : memref<!tpu.dma_semaphore, #tpu.memory_space<semaphore_mem>>) src(%dma_wait3A_297 : memref<624x128xf32, #tpu.memory_space<hbm>>) dst(%dma_wait3A_295 : memref<624x128xf32, #tpu.memory_space<vmem_shared>>)
      tpu.yield
    }) : () -> ()
    %eq3A = arith.constant 0 : i32
    %eq3A_5 = arith.cmpi eq, %arg1, %eq3A : i32
    %convert_element_type3A = arith.extui %eq3A_5 : i1 to i32
    %cond3A = arith.constant 0 : i32
    %cond3A_6 = arith.cmpi ne, %convert_element_type3A, %cond3A : i32
    scf.if %cond3A_6 {
      "tpu.region"() ({
        %run_scoped3A = tpu.sem_alloc : memref<!tpu.dma_semaphore, #tpu.memory_space<semaphore_mem>>
        %dma_start3A_290 = arith.constant 9984 : i32
        %dma_start3A_291 = arith.constant 0 : i32
        %dma_start3A_292 = tpu.memref_slice %arg12[%dma_start3A_290, %dma_start3A_291] : memref<10000x128xf32, #tpu.memory_space<vmem_shared>> -> memref<16x128xf32, #tpu.memory_space<vmem_shared>>
        %dma_start3A_293 = arith.constant 9984 : i32
        %dma_start3A_294 = arith.constant 0 : i32
        %dma_start3A_295 = tpu.memref_slice %arg6[%dma_start3A_293, %dma_start3A_294] : memref<10000x128xf32, #tpu.memory_space<hbm>> -> memref<16x128xf32, #tpu.memory_space<hbm>>
        tpu.enqueue_dma source(%dma_start3A_295 : memref<16x128xf32, #tpu.memory_space<hbm>>) target(%dma_start3A_292 : memref<16x128xf32, #tpu.memory_space<vmem_shared>>) target_semaphore(%run_scoped3A : memref<!tpu.dma_semaphore, #tpu.memory_space<semaphore_mem>>)
        %dma_wait3A_296 = arith.constant 9984 : i32
        %dma_wait3A_297 = arith.constant 0 : i32
        %dma_wait3A_298 = tpu.memref_slice %arg12[%dma_wait3A_296, %dma_wait3A_297] : memref<10000x128xf32, #tpu.memory_space<vmem_shared>> -> memref<16x128xf32, #tpu.memory_space<vmem_shared>>
        %dma_wait3A_299 = arith.constant 9984 : i32
        %dma_wait3A_300 = arith.constant 0 : i32
        %dma_wait3A_301 = tpu.memref_slice %arg6[%dma_wait3A_299, %dma_wait3A_300] : memref<10000x128xf32, #tpu.memory_space<hbm>> -> memref<16x128xf32, #tpu.memory_space<hbm>>
        tpu.wait_dma2 semaphore(%run_scoped3A : memref<!tpu.dma_semaphore, #tpu.memory_space<semaphore_mem>>) src(%dma_wait3A_301 : memref<16x128xf32, #tpu.memory_space<hbm>>) dst(%dma_wait3A_298 : memref<16x128xf32, #tpu.memory_space<vmem_shared>>)
        tpu.yield
      }) : () -> ()
    } else {
    }
    %barrier3A = arith.constant 0 : index
    tpu.barrier barrier_id(%barrier3A)
    %mul3A_7 = arith.constant 10000 : i32
    %mul3A_8 = arith.muli %add3A, %mul3A_7 : i32
    %add3A_9 = arith.constant 0 : i32
    %add3A_10 = arith.addi %mul3A_8, %add3A_9 : i32
    %dma_start3A = arith.constant 0 : i32
    %dma_start3A_11 = arith.constant 0 : i32
    %dma_start3A_12 = tpu.memref_slice %arg8[%dma_start3A_11] : memref<600xi32, #tpu.memory_space<vmem>> -> memref<200xi32, #tpu.memory_space<vmem>>
    %dma_start3A_13 = tpu.memref_slice %arg4[%add3A_10] : memref<320000xi32, #tpu.memory_space<hbm>> -> memref<200xi32, #tpu.memory_space<hbm>>
    %dma_start3A_14 = tpu.memref_slice %arg16[%dma_start3A] : memref<3x!tpu.dma_semaphore, #tpu.memory_space<semaphore_mem>> -> memref<1x!tpu.dma_semaphore, #tpu.memory_space<semaphore_mem>>
    %dma_start3A_15 = tpu.memref_squeeze %dma_start3A_14 : memref<1x!tpu.dma_semaphore, #tpu.memory_space<semaphore_mem>> -> memref<!tpu.dma_semaphore, #tpu.memory_space<semaphore_mem>>
    %dma_start3A_16 = arith.constant 0 : i32
    %dma_start3A_17 = tpu.memref_slice %arg8[%dma_start3A_16] : memref<600xi32, #tpu.memory_space<vmem>> -> memref<200xi32, #tpu.memory_space<vmem>>
    %dma_start3A_18 = tpu.memref_slice %arg4[%add3A_10] : memref<320000xi32, #tpu.memory_space<hbm>> -> memref<200xi32, #tpu.memory_space<hbm>>
    tpu.enqueue_dma source(%dma_start3A_18 : memref<200xi32, #tpu.memory_space<hbm>>) target(%dma_start3A_17 : memref<200xi32, #tpu.memory_space<vmem>>) target_semaphore(%dma_start3A_15 : memref<!tpu.dma_semaphore, #tpu.memory_space<semaphore_mem>>)
    %dma_start3A_19 = arith.constant 0 : i32
    %dma_start3A_20 = arith.constant 0 : i32
    %dma_start3A_21 = arith.constant 0 : i32
    %dma_start3A_22 = arith.constant 0 : i32
    %dma_start3A_23 = tpu.memref_slice %arg9[%dma_start3A_21, %dma_start3A_22] : memref<15x40xi32, #tpu.memory_space<vmem>> -> memref<5x40xi32, #tpu.memory_space<vmem>>
    %dma_start3A_24 = arith.constant 0 : i32
    %dma_start3A_25 = arith.constant 0 : i32
    %dma_start3A_26 = tpu.memref_slice %arg5[%add3A, %dma_start3A_19, %dma_start3A_24, %dma_start3A_25] : memref<32x50x5x40xi32, #tpu.memory_space<hbm>> -> memref<1x1x5x40xi32, #tpu.memory_space<hbm>>
    %dma_start3A_27 = tpu.memref_squeeze %dma_start3A_26 : memref<1x1x5x40xi32, #tpu.memory_space<hbm>> -> memref<5x40xi32, #tpu.memory_space<hbm>>
    %dma_start3A_28 = tpu.memref_slice %arg17[%dma_start3A_20] : memref<3x!tpu.dma_semaphore, #tpu.memory_space<semaphore_mem>> -> memref<1x!tpu.dma_semaphore, #tpu.memory_space<semaphore_mem>>
    %dma_start3A_29 = tpu.memref_squeeze %dma_start3A_28 : memref<1x!tpu.dma_semaphore, #tpu.memory_space<semaphore_mem>> -> memref<!tpu.dma_semaphore, #tpu.memory_space<semaphore_mem>>
    %dma_start3A_30 = arith.constant 0 : i32
    %dma_start3A_31 = arith.constant 0 : i32
    %dma_start3A_32 = tpu.memref_slice %arg9[%dma_start3A_30, %dma_start3A_31] : memref<15x40xi32, #tpu.memory_space<vmem>> -> memref<5x40xi32, #tpu.memory_space<vmem>>
    %dma_start3A_33 = arith.constant 0 : i32
    %dma_start3A_34 = arith.constant 0 : i32
    %dma_start3A_35 = tpu.memref_slice %arg5[%add3A, %dma_start3A_19, %dma_start3A_33, %dma_start3A_34] : memref<32x50x5x40xi32, #tpu.memory_space<hbm>> -> memref<1x1x5x40xi32, #tpu.memory_space<hbm>>
    %dma_start3A_36 = tpu.memref_squeeze %dma_start3A_35 : memref<1x1x5x40xi32, #tpu.memory_space<hbm>> -> memref<5x40xi32, #tpu.memory_space<hbm>>
    tpu.enqueue_dma source(%dma_start3A_36 : memref<5x40xi32, #tpu.memory_space<hbm>>) target(%dma_start3A_32 : memref<5x40xi32, #tpu.memory_space<vmem>>) target_semaphore(%dma_start3A_29 : memref<!tpu.dma_semaphore, #tpu.memory_space<semaphore_mem>>)
    %add3A_37 = arith.constant 200 : i32
    %add3A_38 = arith.addi %mul3A_8, %add3A_37 : i32
    %dma_start3A_39 = arith.constant 1 : i32
    %dma_start3A_40 = arith.constant 200 : i32
    %dma_start3A_41 = tpu.memref_slice %arg8[%dma_start3A_40] : memref<600xi32, #tpu.memory_space<vmem>> -> memref<200xi32, #tpu.memory_space<vmem>>
    %dma_start3A_42 = tpu.memref_slice %arg4[%add3A_38] : memref<320000xi32, #tpu.memory_space<hbm>> -> memref<200xi32, #tpu.memory_space<hbm>>
    %dma_start3A_43 = tpu.memref_slice %arg16[%dma_start3A_39] : memref<3x!tpu.dma_semaphore, #tpu.memory_space<semaphore_mem>> -> memref<1x!tpu.dma_semaphore, #tpu.memory_space<semaphore_mem>>
    %dma_start3A_44 = tpu.memref_squeeze %dma_start3A_43 : memref<1x!tpu.dma_semaphore, #tpu.memory_space<semaphore_mem>> -> memref<!tpu.dma_semaphore, #tpu.memory_space<semaphore_mem>>
    %dma_start3A_45 = arith.constant 200 : i32
    %dma_start3A_46 = tpu.memref_slice %arg8[%dma_start3A_45] : memref<600xi32, #tpu.memory_space<vmem>> -> memref<200xi32, #tpu.memory_space<vmem>>
    %dma_start3A_47 = tpu.memref_slice %arg4[%add3A_38] : memref<320000xi32, #tpu.memory_space<hbm>> -> memref<200xi32, #tpu.memory_space<hbm>>
    tpu.enqueue_dma source(%dma_start3A_47 : memref<200xi32, #tpu.memory_space<hbm>>) target(%dma_start3A_46 : memref<200xi32, #tpu.memory_space<vmem>>) target_semaphore(%dma_start3A_44 : memref<!tpu.dma_semaphore, #tpu.memory_space<semaphore_mem>>)
    %dma_start3A_48 = arith.constant 1 : i32
    %dma_start3A_49 = arith.constant 1 : i32
    %dma_start3A_50 = arith.constant 5 : i32
    %dma_start3A_51 = arith.constant 0 : i32
    %dma_start3A_52 = tpu.memref_slice %arg9[%dma_start3A_50, %dma_start3A_51] : memref<15x40xi32, #tpu.memory_space<vmem>> -> memref<5x40xi32, #tpu.memory_space<vmem>>
    %dma_start3A_53 = arith.constant 0 : i32
    %dma_start3A_54 = arith.constant 0 : i32
    %dma_start3A_55 = tpu.memref_slice %arg5[%add3A, %dma_start3A_48, %dma_start3A_53, %dma_start3A_54] : memref<32x50x5x40xi32, #tpu.memory_space<hbm>> -> memref<1x1x5x40xi32, #tpu.memory_space<hbm>>
    %dma_start3A_56 = tpu.memref_squeeze %dma_start3A_55 : memref<1x1x5x40xi32, #tpu.memory_space<hbm>> -> memref<5x40xi32, #tpu.memory_space<hbm>>
    %dma_start3A_57 = tpu.memref_slice %arg17[%dma_start3A_49] : memref<3x!tpu.dma_semaphore, #tpu.memory_space<semaphore_mem>> -> memref<1x!tpu.dma_semaphore, #tpu.memory_space<semaphore_mem>>
    %dma_start3A_58 = tpu.memref_squeeze %dma_start3A_57 : memref<1x!tpu.dma_semaphore, #tpu.memory_space<semaphore_mem>> -> memref<!tpu.dma_semaphore, #tpu.memory_space<semaphore_mem>>
    %dma_start3A_59 = arith.constant 5 : i32
    %dma_start3A_60 = arith.constant 0 : i32
    %dma_start3A_61 = tpu.memref_slice %arg9[%dma_start3A_59, %dma_start3A_60] : memref<15x40xi32, #tpu.memory_space<vmem>> -> memref<5x40xi32, #tpu.memory_space<vmem>>
    %dma_start3A_62 = arith.constant 0 : i32
    %dma_start3A_63 = arith.constant 0 : i32
    %dma_start3A_64 = tpu.memref_slice %arg5[%add3A, %dma_start3A_48, %dma_start3A_62, %dma_start3A_63] : memref<32x50x5x40xi32, #tpu.memory_space<hbm>> -> memref<1x1x5x40xi32, #tpu.memory_space<hbm>>
    %dma_start3A_65 = tpu.memref_squeeze %dma_start3A_64 : memref<1x1x5x40xi32, #tpu.memory_space<hbm>> -> memref<5x40xi32, #tpu.memory_space<hbm>>
    tpu.enqueue_dma source(%dma_start3A_65 : memref<5x40xi32, #tpu.memory_space<hbm>>) target(%dma_start3A_61 : memref<5x40xi32, #tpu.memory_space<vmem>>) target_semaphore(%dma_start3A_58 : memref<!tpu.dma_semaphore, #tpu.memory_space<semaphore_mem>>)
    %add3A_66 = arith.constant 0 : i32
    %add3A_67 = arith.addi %mul3A_8, %add3A_66 : i32
    %dma_wait3A = arith.constant 0 : i32
    %dma_wait3A_68 = arith.constant 0 : i32
    %dma_wait3A_69 = tpu.memref_slice %arg8[%dma_wait3A_68] : memref<600xi32, #tpu.memory_space<vmem>> -> memref<200xi32, #tpu.memory_space<vmem>>
    %dma_wait3A_70 = tpu.memref_slice %arg4[%add3A_67] : memref<320000xi32, #tpu.memory_space<hbm>> -> memref<200xi32, #tpu.memory_space<hbm>>
    %dma_wait3A_71 = tpu.memref_slice %arg16[%dma_wait3A] : memref<3x!tpu.dma_semaphore, #tpu.memory_space<semaphore_mem>> -> memref<1x!tpu.dma_semaphore, #tpu.memory_space<semaphore_mem>>
    %dma_wait3A_72 = tpu.memref_squeeze %dma_wait3A_71 : memref<1x!tpu.dma_semaphore, #tpu.memory_space<semaphore_mem>> -> memref<!tpu.dma_semaphore, #tpu.memory_space<semaphore_mem>>
    %dma_wait3A_73 = arith.constant 0 : i32
    %dma_wait3A_74 = tpu.memref_slice %arg8[%dma_wait3A_73] : memref<600xi32, #tpu.memory_space<vmem>> -> memref<200xi32, #tpu.memory_space<vmem>>
    %dma_wait3A_75 = tpu.memref_slice %arg4[%add3A_67] : memref<320000xi32, #tpu.memory_space<hbm>> -> memref<200xi32, #tpu.memory_space<hbm>>
    tpu.wait_dma2 semaphore(%dma_wait3A_72 : memref<!tpu.dma_semaphore, #tpu.memory_space<semaphore_mem>>) src(%dma_wait3A_75 : memref<200xi32, #tpu.memory_space<hbm>>) dst(%dma_wait3A_74 : memref<200xi32, #tpu.memory_space<vmem>>)
    %add3A_76 = arith.constant 0 : i32
    %add3A_77 = arith.addi %mul3A_8, %add3A_76 : i32
    %dma_start3A_78 = arith.constant 0 : i32
    %dma_start3A_79 = arith.constant 0 : i32
    %dma_start3A_80 = arith.constant 0 : i32
    %dma_start3A_81 = arith.constant 0 : i32
    %dma_start3A_82 = tpu.memref_slice %arg10[%dma_start3A_78, %dma_start3A_80, %dma_start3A_81] : memref<4x40x16xf32, #tpu.memory_space<vmem>> -> memref<1x40x16xf32, #tpu.memory_space<vmem>>
    %dma_start3A_83 = tpu.memref_squeeze %dma_start3A_82 : memref<1x40x16xf32, #tpu.memory_space<vmem>> -> memref<40x16xf32, #tpu.memory_space<vmem>>
    %dma_start3A_84 = arith.constant 0 : i32
    %dma_start3A_85 = tpu.memref_slice %arg3[%add3A_77, %dma_start3A_84] : memref<320000x16xf32, #tpu.memory_space<hbm>> -> memref<40x16xf32, #tpu.memory_space<hbm>>
    %dma_start3A_86 = tpu.memref_slice %arg15[%dma_start3A_79] : memref<4x!tpu.dma_semaphore, #tpu.memory_space<semaphore_mem>> -> memref<1x!tpu.dma_semaphore, #tpu.memory_space<semaphore_mem>>
    %dma_start3A_87 = tpu.memref_squeeze %dma_start3A_86 : memref<1x!tpu.dma_semaphore, #tpu.memory_space<semaphore_mem>> -> memref<!tpu.dma_semaphore, #tpu.memory_space<semaphore_mem>>
    %dma_start3A_88 = arith.constant 0 : i32
    %dma_start3A_89 = arith.constant 0 : i32
    %dma_start3A_90 = tpu.memref_slice %arg10[%dma_start3A_78, %dma_start3A_88, %dma_start3A_89] : memref<4x40x16xf32, #tpu.memory_space<vmem>> -> memref<1x40x16xf32, #tpu.memory_space<vmem>>
    %dma_start3A_91 = tpu.memref_squeeze %dma_start3A_90 : memref<1x40x16xf32, #tpu.memory_space<vmem>> -> memref<40x16xf32, #tpu.memory_space<vmem>>
    %dma_start3A_92 = arith.constant 0 : i32
    %dma_start3A_93 = tpu.memref_slice %arg3[%add3A_77, %dma_start3A_92] : memref<320000x16xf32, #tpu.memory_space<hbm>> -> memref<40x16xf32, #tpu.memory_space<hbm>>
    tpu.enqueue_dma source(%dma_start3A_93 : memref<40x16xf32, #tpu.memory_space<hbm>>) target(%dma_start3A_91 : memref<40x16xf32, #tpu.memory_space<vmem>>) target_semaphore(%dma_start3A_87 : memref<!tpu.dma_semaphore, #tpu.memory_space<semaphore_mem>>)
    %dma_start3A_94 = arith.constant 0 : i32
    %dma_start3A_95 = arith.constant 0 : i32
    %dma_start3A_96 = arith.constant 0 : i32
    %dma_start3A_97 = arith.constant 0 : i32
    %dma_start3A_98 = tpu.memref_slice %arg11[%dma_start3A_94, %dma_start3A_96, %dma_start3A_97] : memref<5x40x128xf32, #tpu.memory_space<vmem>> -> memref<1x40x128xf32, #tpu.memory_space<vmem>>
    %dma_start3A_99 = tpu.memref_squeeze %dma_start3A_98 : memref<1x40x128xf32, #tpu.memory_space<vmem>> -> memref<40x128xf32, #tpu.memory_space<vmem>>
    %dma_start3A_100 = arith.constant 0 : i32
    %dma_start3A_101 = tpu.memref_slice %arg8[%dma_start3A_100] : memref<600xi32, #tpu.memory_space<vmem>> -> memref<40xi32, #tpu.memory_space<vmem>>
    %dma_start3A_102 = arith.constant 0 : i32
    %dma_start3A_103 = arith.constant 0 : i32
    %dma_start3A_104 = tpu.memref_slice %arg2[%dma_start3A_102, %dma_start3A_103] : memref<10000x128xf32, #tpu.memory_space<hbm>> -> memref<10000x128xf32, #tpu.memory_space<hbm>>
    %dma_start3A_105 = tpu.memref_slice %arg13[%dma_start3A_95] : memref<5x!tpu.dma_semaphore, #tpu.memory_space<semaphore_mem>> -> memref<1x!tpu.dma_semaphore, #tpu.memory_space<semaphore_mem>>
    %dma_start3A_106 = tpu.memref_squeeze %dma_start3A_105 : memref<1x!tpu.dma_semaphore, #tpu.memory_space<semaphore_mem>> -> memref<!tpu.dma_semaphore, #tpu.memory_space<semaphore_mem>>
    tpu.enqueue_indirect_dma source(%dma_start3A_104 : memref<10000x128xf32, #tpu.memory_space<hbm>>) target(%dma_start3A_99 : memref<40x128xf32, #tpu.memory_space<vmem>>) offsets(%dma_start3A_101 : memref<40xi32, #tpu.memory_space<vmem>>) semaphore(%dma_start3A_106 : memref<!tpu.dma_semaphore, #tpu.memory_space<semaphore_mem>>)
    %add3A_107 = arith.constant 40 : i32
    %add3A_108 = arith.addi %mul3A_8, %add3A_107 : i32
    %dma_start3A_109 = arith.constant 1 : i32
    %dma_start3A_110 = arith.constant 1 : i32
    %dma_start3A_111 = arith.constant 0 : i32
    %dma_start3A_112 = arith.constant 0 : i32
    %dma_start3A_113 = tpu.memref_slice %arg10[%dma_start3A_109, %dma_start3A_111, %dma_start3A_112] : memref<4x40x16xf32, #tpu.memory_space<vmem>> -> memref<1x40x16xf32, #tpu.memory_space<vmem>>
    %dma_start3A_114 = tpu.memref_squeeze %dma_start3A_113 : memref<1x40x16xf32, #tpu.memory_space<vmem>> -> memref<40x16xf32, #tpu.memory_space<vmem>>
    %dma_start3A_115 = arith.constant 0 : i32
    %dma_start3A_116 = tpu.memref_slice %arg3[%add3A_108, %dma_start3A_115] : memref<320000x16xf32, #tpu.memory_space<hbm>> -> memref<40x16xf32, #tpu.memory_space<hbm>>
    %dma_start3A_117 = tpu.memref_slice %arg15[%dma_start3A_110] : memref<4x!tpu.dma_semaphore, #tpu.memory_space<semaphore_mem>> -> memref<1x!tpu.dma_semaphore, #tpu.memory_space<semaphore_mem>>
    %dma_start3A_118 = tpu.memref_squeeze %dma_start3A_117 : memref<1x!tpu.dma_semaphore, #tpu.memory_space<semaphore_mem>> -> memref<!tpu.dma_semaphore, #tpu.memory_space<semaphore_mem>>
    %dma_start3A_119 = arith.constant 0 : i32
    %dma_start3A_120 = arith.constant 0 : i32
    %dma_start3A_121 = tpu.memref_slice %arg10[%dma_start3A_109, %dma_start3A_119, %dma_start3A_120] : memref<4x40x16xf32, #tpu.memory_space<vmem>> -> memref<1x40x16xf32, #tpu.memory_space<vmem>>
    %dma_start3A_122 = tpu.memref_squeeze %dma_start3A_121 : memref<1x40x16xf32, #tpu.memory_space<vmem>> -> memref<40x16xf32, #tpu.memory_space<vmem>>
    %dma_start3A_123 = arith.constant 0 : i32
    %dma_start3A_124 = tpu.memref_slice %arg3[%add3A_108, %dma_start3A_123] : memref<320000x16xf32, #tpu.memory_space<hbm>> -> memref<40x16xf32, #tpu.memory_space<hbm>>
    tpu.enqueue_dma source(%dma_start3A_124 : memref<40x16xf32, #tpu.memory_space<hbm>>) target(%dma_start3A_122 : memref<40x16xf32, #tpu.memory_space<vmem>>) target_semaphore(%dma_start3A_118 : memref<!tpu.dma_semaphore, #tpu.memory_space<semaphore_mem>>)
    %dma_start3A_125 = arith.constant 1 : i32
    %dma_start3A_126 = arith.constant 1 : i32
    %dma_start3A_127 = arith.constant 0 : i32
    %dma_start3A_128 = arith.constant 0 : i32
    %dma_start3A_129 = tpu.memref_slice %arg11[%dma_start3A_125, %dma_start3A_127, %dma_start3A_128] : memref<5x40x128xf32, #tpu.memory_space<vmem>> -> memref<1x40x128xf32, #tpu.memory_space<vmem>>
    %dma_start3A_130 = tpu.memref_squeeze %dma_start3A_129 : memref<1x40x128xf32, #tpu.memory_space<vmem>> -> memref<40x128xf32, #tpu.memory_space<vmem>>
    %dma_start3A_131 = arith.constant 40 : i32
    %dma_start3A_132 = tpu.memref_slice %arg8[%dma_start3A_131] : memref<600xi32, #tpu.memory_space<vmem>> -> memref<40xi32, #tpu.memory_space<vmem>>
    %dma_start3A_133 = arith.constant 0 : i32
    %dma_start3A_134 = arith.constant 0 : i32
    %dma_start3A_135 = tpu.memref_slice %arg2[%dma_start3A_133, %dma_start3A_134] : memref<10000x128xf32, #tpu.memory_space<hbm>> -> memref<10000x128xf32, #tpu.memory_space<hbm>>
    %dma_start3A_136 = tpu.memref_slice %arg13[%dma_start3A_126] : memref<5x!tpu.dma_semaphore, #tpu.memory_space<semaphore_mem>> -> memref<1x!tpu.dma_semaphore, #tpu.memory_space<semaphore_mem>>
    %dma_start3A_137 = tpu.memref_squeeze %dma_start3A_136 : memref<1x!tpu.dma_semaphore, #tpu.memory_space<semaphore_mem>> -> memref<!tpu.dma_semaphore, #tpu.memory_space<semaphore_mem>>
    tpu.enqueue_indirect_dma source(%dma_start3A_135 : memref<10000x128xf32, #tpu.memory_space<hbm>>) target(%dma_start3A_130 : memref<40x128xf32, #tpu.memory_space<vmem>>) offsets(%dma_start3A_132 : memref<40xi32, #tpu.memory_space<vmem>>) semaphore(%dma_start3A_137 : memref<!tpu.dma_semaphore, #tpu.memory_space<semaphore_mem>>)
    %add3A_138 = arith.constant 80 : i32
    %add3A_139 = arith.addi %mul3A_8, %add3A_138 : i32
    %dma_start3A_140 = arith.constant 2 : i32
    %dma_start3A_141 = arith.constant 2 : i32
    %dma_start3A_142 = arith.constant 0 : i32
    %dma_start3A_143 = arith.constant 0 : i32
    %dma_start3A_144 = tpu.memref_slice %arg10[%dma_start3A_140, %dma_start3A_142, %dma_start3A_143] : memref<4x40x16xf32, #tpu.memory_space<vmem>> -> memref<1x40x16xf32, #tpu.memory_space<vmem>>
    %dma_start3A_145 = tpu.memref_squeeze %dma_start3A_144 : memref<1x40x16xf32, #tpu.memory_space<vmem>> -> memref<40x16xf32, #tpu.memory_space<vmem>>
    %dma_start3A_146 = arith.constant 0 : i32
    %dma_start3A_147 = tpu.memref_slice %arg3[%add3A_139, %dma_start3A_146] : memref<320000x16xf32, #tpu.memory_space<hbm>> -> memref<40x16xf32, #tpu.memory_space<hbm>>
    %dma_start3A_148 = tpu.memref_slice %arg15[%dma_start3A_141] : memref<4x!tpu.dma_semaphore, #tpu.memory_space<semaphore_mem>> -> memref<1x!tpu.dma_semaphore, #tpu.memory_space<semaphore_mem>>
    %dma_start3A_149 = tpu.memref_squeeze %dma_start3A_148 : memref<1x!tpu.dma_semaphore, #tpu.memory_space<semaphore_mem>> -> memref<!tpu.dma_semaphore, #tpu.memory_space<semaphore_mem>>
    %dma_start3A_150 = arith.constant 0 : i32
    %dma_start3A_151 = arith.constant 0 : i32
    %dma_start3A_152 = tpu.memref_slice %arg10[%dma_start3A_140, %dma_start3A_150, %dma_start3A_151] : memref<4x40x16xf32, #tpu.memory_space<vmem>> -> memref<1x40x16xf32, #tpu.memory_space<vmem>>
    %dma_start3A_153 = tpu.memref_squeeze %dma_start3A_152 : memref<1x40x16xf32, #tpu.memory_space<vmem>> -> memref<40x16xf32, #tpu.memory_space<vmem>>
    %dma_start3A_154 = arith.constant 0 : i32
    %dma_start3A_155 = tpu.memref_slice %arg3[%add3A_139, %dma_start3A_154] : memref<320000x16xf32, #tpu.memory_space<hbm>> -> memref<40x16xf32, #tpu.memory_space<hbm>>
    tpu.enqueue_dma source(%dma_start3A_155 : memref<40x16xf32, #tpu.memory_space<hbm>>) target(%dma_start3A_153 : memref<40x16xf32, #tpu.memory_space<vmem>>) target_semaphore(%dma_start3A_149 : memref<!tpu.dma_semaphore, #tpu.memory_space<semaphore_mem>>)
    %dma_start3A_156 = arith.constant 2 : i32
    %dma_start3A_157 = arith.constant 2 : i32
    %dma_start3A_158 = arith.constant 0 : i32
    %dma_start3A_159 = arith.constant 0 : i32
    %dma_start3A_160 = tpu.memref_slice %arg11[%dma_start3A_156, %dma_start3A_158, %dma_start3A_159] : memref<5x40x128xf32, #tpu.memory_space<vmem>> -> memref<1x40x128xf32, #tpu.memory_space<vmem>>
    %dma_start3A_161 = tpu.memref_squeeze %dma_start3A_160 : memref<1x40x128xf32, #tpu.memory_space<vmem>> -> memref<40x128xf32, #tpu.memory_space<vmem>>
    %dma_start3A_162 = arith.constant 80 : i32
    %dma_start3A_163 = tpu.memref_slice %arg8[%dma_start3A_162] : memref<600xi32, #tpu.memory_space<vmem>> -> memref<40xi32, #tpu.memory_space<vmem>>
    %dma_start3A_164 = arith.constant 0 : i32
    %dma_start3A_165 = arith.constant 0 : i32
    %dma_start3A_166 = tpu.memref_slice %arg2[%dma_start3A_164, %dma_start3A_165] : memref<10000x128xf32, #tpu.memory_space<hbm>> -> memref<10000x128xf32, #tpu.memory_space<hbm>>
    %dma_start3A_167 = tpu.memref_slice %arg13[%dma_start3A_157] : memref<5x!tpu.dma_semaphore, #tpu.memory_space<semaphore_mem>> -> memref<1x!tpu.dma_semaphore, #tpu.memory_space<semaphore_mem>>
    %dma_start3A_168 = tpu.memref_squeeze %dma_start3A_167 : memref<1x!tpu.dma_semaphore, #tpu.memory_space<semaphore_mem>> -> memref<!tpu.dma_semaphore, #tpu.memory_space<semaphore_mem>>
    tpu.enqueue_indirect_dma source(%dma_start3A_166 : memref<10000x128xf32, #tpu.memory_space<hbm>>) target(%dma_start3A_161 : memref<40x128xf32, #tpu.memory_space<vmem>>) offsets(%dma_start3A_163 : memref<40xi32, #tpu.memory_space<vmem>>) semaphore(%dma_start3A_168 : memref<!tpu.dma_semaphore, #tpu.memory_space<semaphore_mem>>)
    %add3A_169 = arith.constant 120 : i32
    %add3A_170 = arith.addi %mul3A_8, %add3A_169 : i32
    %dma_start3A_171 = arith.constant 3 : i32
    %dma_start3A_172 = arith.constant 3 : i32
    %dma_start3A_173 = arith.constant 0 : i32
    %dma_start3A_174 = arith.constant 0 : i32
    %dma_start3A_175 = tpu.memref_slice %arg10[%dma_start3A_171, %dma_start3A_173, %dma_start3A_174] : memref<4x40x16xf32, #tpu.memory_space<vmem>> -> memref<1x40x16xf32, #tpu.memory_space<vmem>>
    %dma_start3A_176 = tpu.memref_squeeze %dma_start3A_175 : memref<1x40x16xf32, #tpu.memory_space<vmem>> -> memref<40x16xf32, #tpu.memory_space<vmem>>
    %dma_start3A_177 = arith.constant 0 : i32
    %dma_start3A_178 = tpu.memref_slice %arg3[%add3A_170, %dma_start3A_177] : memref<320000x16xf32, #tpu.memory_space<hbm>> -> memref<40x16xf32, #tpu.memory_space<hbm>>
    %dma_start3A_179 = tpu.memref_slice %arg15[%dma_start3A_172] : memref<4x!tpu.dma_semaphore, #tpu.memory_space<semaphore_mem>> -> memref<1x!tpu.dma_semaphore, #tpu.memory_space<semaphore_mem>>
    %dma_start3A_180 = tpu.memref_squeeze %dma_start3A_179 : memref<1x!tpu.dma_semaphore, #tpu.memory_space<semaphore_mem>> -> memref<!tpu.dma_semaphore, #tpu.memory_space<semaphore_mem>>
    %dma_start3A_181 = arith.constant 0 : i32
    %dma_start3A_182 = arith.constant 0 : i32
    %dma_start3A_183 = tpu.memref_slice %arg10[%dma_start3A_171, %dma_start3A_181, %dma_start3A_182] : memref<4x40x16xf32, #tpu.memory_space<vmem>> -> memref<1x40x16xf32, #tpu.memory_space<vmem>>
    %dma_start3A_184 = tpu.memref_squeeze %dma_start3A_183 : memref<1x40x16xf32, #tpu.memory_space<vmem>> -> memref<40x16xf32, #tpu.memory_space<vmem>>
    %dma_start3A_185 = arith.constant 0 : i32
    %dma_start3A_186 = tpu.memref_slice %arg3[%add3A_170, %dma_start3A_185] : memref<320000x16xf32, #tpu.memory_space<hbm>> -> memref<40x16xf32, #tpu.memory_space<hbm>>
    tpu.enqueue_dma source(%dma_start3A_186 : memref<40x16xf32, #tpu.memory_space<hbm>>) target(%dma_start3A_184 : memref<40x16xf32, #tpu.memory_space<vmem>>) target_semaphore(%dma_start3A_180 : memref<!tpu.dma_semaphore, #tpu.memory_space<semaphore_mem>>)
    %dma_start3A_187 = arith.constant 3 : i32
    %dma_start3A_188 = arith.constant 3 : i32
    %dma_start3A_189 = arith.constant 0 : i32
    %dma_start3A_190 = arith.constant 0 : i32
    %dma_start3A_191 = tpu.memref_slice %arg11[%dma_start3A_187, %dma_start3A_189, %dma_start3A_190] : memref<5x40x128xf32, #tpu.memory_space<vmem>> -> memref<1x40x128xf32, #tpu.memory_space<vmem>>
    %dma_start3A_192 = tpu.memref_squeeze %dma_start3A_191 : memref<1x40x128xf32, #tpu.memory_space<vmem>> -> memref<40x128xf32, #tpu.memory_space<vmem>>
    %dma_start3A_193 = arith.constant 120 : i32
    %dma_start3A_194 = tpu.memref_slice %arg8[%dma_start3A_193] : memref<600xi32, #tpu.memory_space<vmem>> -> memref<40xi32, #tpu.memory_space<vmem>>
    %dma_start3A_195 = arith.constant 0 : i32
    %dma_start3A_196 = arith.constant 0 : i32
    %dma_start3A_197 = tpu.memref_slice %arg2[%dma_start3A_195, %dma_start3A_196] : memref<10000x128xf32, #tpu.memory_space<hbm>> -> memref<10000x128xf32, #tpu.memory_space<hbm>>
    %dma_start3A_198 = tpu.memref_slice %arg13[%dma_start3A_188] : memref<5x!tpu.dma_semaphore, #tpu.memory_space<semaphore_mem>> -> memref<1x!tpu.dma_semaphore, #tpu.memory_space<semaphore_mem>>
    %dma_start3A_199 = tpu.memref_squeeze %dma_start3A_198 : memref<1x!tpu.dma_semaphore, #tpu.memory_space<semaphore_mem>> -> memref<!tpu.dma_semaphore, #tpu.memory_space<semaphore_mem>>
    tpu.enqueue_indirect_dma source(%dma_start3A_197 : memref<10000x128xf32, #tpu.memory_space<hbm>>) target(%dma_start3A_192 : memref<40x128xf32, #tpu.memory_space<vmem>>) offsets(%dma_start3A_194 : memref<40xi32, #tpu.memory_space<vmem>>) semaphore(%dma_start3A_199 : memref<!tpu.dma_semaphore, #tpu.memory_space<semaphore_mem>>)
    %scan3A = arith.constant 0 : i32
    %scan3A_200 = arith.constant 0 : i32
    %scan3A_201 = arith.constant 50 : i32
    %scan3A_202 = arith.addi %scan3A_200, %scan3A_201 : i32
    %scan3A_203 = arith.constant 1 : i32
    scf.for %scan3A_290 = %scan3A_200 to %scan3A_202 step %scan3A_203  : i32 {
      %rem3A = arith.constant 3 : i32
      %rem3A_291 = arith.remsi %scan3A_290, %rem3A : i32
      %mul3A_292 = arith.constant 5 : i32
      %mul3A_293 = arith.muli %scan3A_290, %mul3A_292 : i32
      %add3A_294 = arith.constant 0 : i32
      %add3A_295 = arith.addi %mul3A_293, %add3A_294 : i32
      %rem3A_296 = arith.constant 4 : i32
      %rem3A_297 = arith.remsi %add3A_295, %rem3A_296 : i32
      %mul3A_298 = arith.constant 5 : i32
      %mul3A_299 = arith.muli %rem3A_291, %mul3A_298 : i32
      %dma_wait3A_300 = arith.constant 0 : i32
      %dma_wait3A_301 = tpu.memref_slice %arg9[%mul3A_299, %dma_wait3A_300] : memref<15x40xi32, #tpu.memory_space<vmem>> -> memref<5x40xi32, #tpu.memory_space<vmem>>
      %dma_wait3A_302 = arith.constant 0 : i32
      %dma_wait3A_303 = arith.constant 0 : i32
      %dma_wait3A_304 = tpu.memref_slice %arg5[%add3A, %scan3A_290, %dma_wait3A_302, %dma_wait3A_303] : memref<32x50x5x40xi32, #tpu.memory_space<hbm>> -> memref<1x1x5x40xi32, #tpu.memory_space<hbm>>
      %dma_wait3A_305 = tpu.memref_squeeze %dma_wait3A_304 : memref<1x1x5x40xi32, #tpu.memory_space<hbm>> -> memref<5x40xi32, #tpu.memory_space<hbm>>
      %dma_wait3A_306 = tpu.memref_slice %arg17[%rem3A_291] : memref<3x!tpu.dma_semaphore, #tpu.memory_space<semaphore_mem>> -> memref<1x!tpu.dma_semaphore, #tpu.memory_space<semaphore_mem>>
      %dma_wait3A_307 = tpu.memref_squeeze %dma_wait3A_306 : memref<1x!tpu.dma_semaphore, #tpu.memory_space<semaphore_mem>> -> memref<!tpu.dma_semaphore, #tpu.memory_space<semaphore_mem>>
      %dma_wait3A_308 = arith.constant 0 : i32
      %dma_wait3A_309 = tpu.memref_slice %arg9[%mul3A_299, %dma_wait3A_308] : memref<15x40xi32, #tpu.memory_space<vmem>> -> memref<5x40xi32, #tpu.memory_space<vmem>>
      %dma_wait3A_310 = arith.constant 0 : i32
      %dma_wait3A_311 = arith.constant 0 : i32
      %dma_wait3A_312 = tpu.memref_slice %arg5[%add3A, %scan3A_290, %dma_wait3A_310, %dma_wait3A_311] : memref<32x50x5x40xi32, #tpu.memory_space<hbm>> -> memref<1x1x5x40xi32, #tpu.memory_space<hbm>>
      %dma_wait3A_313 = tpu.memref_squeeze %dma_wait3A_312 : memref<1x1x5x40xi32, #tpu.memory_space<hbm>> -> memref<5x40xi32, #tpu.memory_space<hbm>>
      tpu.wait_dma2 semaphore(%dma_wait3A_307 : memref<!tpu.dma_semaphore, #tpu.memory_space<semaphore_mem>>) src(%dma_wait3A_313 : memref<5x40xi32, #tpu.memory_space<hbm>>) dst(%dma_wait3A_309 : memref<5x40xi32, #tpu.memory_space<vmem>>)
      %mul3A_314 = arith.constant 5 : i32
      %mul3A_315 = arith.muli %rem3A_291, %mul3A_314 : i32
      %add3A_316 = arith.constant 0 : i32
      %add3A_317 = arith.addi %mul3A_315, %add3A_316 : i32
      %mul3A_318 = arith.constant 40 : i32
      %mul3A_319 = arith.muli %add3A_317, %mul3A_318 : i32
      %dma_wait3A_320 = arith.constant 0 : i32
      %dma_wait3A_321 = arith.constant 0 : i32
      %dma_wait3A_322 = arith.constant 0 : i32
      %dma_wait3A_323 = arith.constant 0 : i32
      %dma_wait3A_324 = tpu.memref_slice %arg11[%dma_wait3A_320, %dma_wait3A_322, %dma_wait3A_323] : memref<5x40x128xf32, #tpu.memory_space<vmem>> -> memref<1x40x128xf32, #tpu.memory_space<vmem>>
      %dma_wait3A_325 = tpu.memref_squeeze %dma_wait3A_324 : memref<1x40x128xf32, #tpu.memory_space<vmem>> -> memref<40x128xf32, #tpu.memory_space<vmem>>
      %dma_wait3A_326 = tpu.memref_slice %arg8[%mul3A_319] : memref<600xi32, #tpu.memory_space<vmem>> -> memref<40xi32, #tpu.memory_space<vmem>>
      %dma_wait3A_327 = arith.constant 0 : i32
      %dma_wait3A_328 = arith.constant 0 : i32
      %dma_wait3A_329 = tpu.memref_slice %arg2[%dma_wait3A_327, %dma_wait3A_328] : memref<10000x128xf32, #tpu.memory_space<hbm>> -> memref<10000x128xf32, #tpu.memory_space<hbm>>
      %dma_wait3A_330 = tpu.memref_slice %arg13[%dma_wait3A_321] : memref<5x!tpu.dma_semaphore, #tpu.memory_space<semaphore_mem>> -> memref<1x!tpu.dma_semaphore, #tpu.memory_space<semaphore_mem>>
      %dma_wait3A_331 = tpu.memref_squeeze %dma_wait3A_330 : memref<1x!tpu.dma_semaphore, #tpu.memory_space<semaphore_mem>> -> memref<!tpu.dma_semaphore, #tpu.memory_space<semaphore_mem>>
      tpu.wait_indirect_dma semaphore(%dma_wait3A_331 : memref<!tpu.dma_semaphore, #tpu.memory_space<semaphore_mem>>) src(%dma_wait3A_329 : memref<10000x128xf32, #tpu.memory_space<hbm>>) dst(%dma_wait3A_325 : memref<40x128xf32, #tpu.memory_space<vmem>>)
      %mul3A_332 = arith.constant 40 : i32
      %mul3A_333 = arith.muli %add3A_295, %mul3A_332 : i32
      %add3A_334 = arith.addi %mul3A_8, %mul3A_333 : i32
      %dma_wait3A_335 = arith.constant 0 : i32
      %dma_wait3A_336 = arith.constant 0 : i32
      %dma_wait3A_337 = tpu.memref_slice %arg10[%rem3A_297, %dma_wait3A_335, %dma_wait3A_336] : memref<4x40x16xf32, #tpu.memory_space<vmem>> -> memref<1x40x16xf32, #tpu.memory_space<vmem>>
      %dma_wait3A_338 = tpu.memref_squeeze %dma_wait3A_337 : memref<1x40x16xf32, #tpu.memory_space<vmem>> -> memref<40x16xf32, #tpu.memory_space<vmem>>
      %dma_wait3A_339 = arith.constant 0 : i32
      %dma_wait3A_340 = tpu.memref_slice %arg3[%add3A_334, %dma_wait3A_339] : memref<320000x16xf32, #tpu.memory_space<hbm>> -> memref<40x16xf32, #tpu.memory_space<hbm>>
      %dma_wait3A_341 = tpu.memref_slice %arg15[%rem3A_297] : memref<4x!tpu.dma_semaphore, #tpu.memory_space<semaphore_mem>> -> memref<1x!tpu.dma_semaphore, #tpu.memory_space<semaphore_mem>>
      %dma_wait3A_342 = tpu.memref_squeeze %dma_wait3A_341 : memref<1x!tpu.dma_semaphore, #tpu.memory_space<semaphore_mem>> -> memref<!tpu.dma_semaphore, #tpu.memory_space<semaphore_mem>>
      %dma_wait3A_343 = arith.constant 0 : i32
      %dma_wait3A_344 = arith.constant 0 : i32
      %dma_wait3A_345 = tpu.memref_slice %arg10[%rem3A_297, %dma_wait3A_343, %dma_wait3A_344] : memref<4x40x16xf32, #tpu.memory_space<vmem>> -> memref<1x40x16xf32, #tpu.memory_space<vmem>>
      %dma_wait3A_346 = tpu.memref_squeeze %dma_wait3A_345 : memref<1x40x16xf32, #tpu.memory_space<vmem>> -> memref<40x16xf32, #tpu.memory_space<vmem>>
      %dma_wait3A_347 = arith.constant 0 : i32
      %dma_wait3A_348 = tpu.memref_slice %arg3[%add3A_334, %dma_wait3A_347] : memref<320000x16xf32, #tpu.memory_space<hbm>> -> memref<40x16xf32, #tpu.memory_space<hbm>>
      tpu.wait_dma2 semaphore(%dma_wait3A_342 : memref<!tpu.dma_semaphore, #tpu.memory_space<semaphore_mem>>) src(%dma_wait3A_348 : memref<40x16xf32, #tpu.memory_space<hbm>>) dst(%dma_wait3A_346 : memref<40x16xf32, #tpu.memory_space<vmem>>)
      %parallel_loop3A = arith.constant 0 : i32
      %parallel_loop3A_349 = arith.constant 40 : i32
      %parallel_loop3A_350 = arith.constant 1 : i32
      scf.for %parallel_loop3A_665 = %parallel_loop3A to %parallel_loop3A_349 step %parallel_loop3A_350  : i32 {
        %parallel_loop3A_666 = arith.index_cast %rem3A_297 : i32 to index
        %parallel_loop3A_667 = arith.index_cast %parallel_loop3A_665 : i32 to index
        %parallel_loop3A_668 = arith.constant 0 : index
        %parallel_loop3A_669 = tpu.vector_load %arg10[%parallel_loop3A_666, %parallel_loop3A_667, %parallel_loop3A_668] {strides = array<i32>} : memref<4x40x16xf32, #tpu.memory_space<vmem>>, vector<1x1x16xf32>,
        %parallel_loop3A_670 = vector.shape_cast %parallel_loop3A_669 : vector<1x1x16xf32> to vector<16xf32>
        %parallel_loop3A_671 = arith.constant 0 : i32
        %parallel_loop3A_672 = arith.index_cast %parallel_loop3A_671 : i32 to index
        %parallel_loop3A_673 = arith.index_cast %parallel_loop3A_665 : i32 to index
        %parallel_loop3A_674 = arith.constant 0 : index
        %parallel_loop3A_675 = tpu.vector_load %arg11[%parallel_loop3A_672, %parallel_loop3A_673, %parallel_loop3A_674] {strides = array<i32>} : memref<5x40x128xf32, #tpu.memory_space<vmem>>, vector<1x1x16xf32>,
        %parallel_loop3A_676 = vector.shape_cast %parallel_loop3A_675 : vector<1x1x16xf32> to vector<16xf32>
        %parallel_loop3A_677 = arith.constant 1.000000e+00 : f32
        %parallel_loop3A_678 = vector.broadcast %parallel_loop3A_677 : f32 to vector<16xf32>
        %parallel_loop3A_679 = arith.mulf %parallel_loop3A_670, %parallel_loop3A_678 : vector<16xf32>
        %parallel_loop3A_680 = arith.mulf %parallel_loop3A_676, %parallel_loop3A_679 : vector<16xf32>
        %parallel_loop3A_681 = arith.constant 0 : i32
        %parallel_loop3A_682 = arith.index_cast %parallel_loop3A_681 : i32 to index
        %parallel_loop3A_683 = arith.index_cast %parallel_loop3A_665 : i32 to index
        %parallel_loop3A_684 = arith.constant 0 : index
        %parallel_loop3A_685 = tpu.vector_load %arg11[%parallel_loop3A_682, %parallel_loop3A_683, %parallel_loop3A_684] {strides = array<i32>} : memref<5x40x128xf32, #tpu.memory_space<vmem>>, vector<1x1x16xf32>,
        %parallel_loop3A_686 = vector.shape_cast %parallel_loop3A_685 : vector<1x1x16xf32> to vector<16xf32>
        %parallel_loop3A_687 = vector.shape_cast %parallel_loop3A_680 : vector<16xf32> to vector<1x1x16xf32>
        tpu.vector_store %arg11[%parallel_loop3A_682, %parallel_loop3A_683, %parallel_loop3A_684], %parallel_loop3A_687 {strides = array<i32>} : memref<5x40x128xf32, #tpu.memory_space<vmem>>, vector<1x1x16xf32>,
        %parallel_loop3A_688 = arith.constant 0 : i32
        %parallel_loop3A_689 = arith.index_cast %parallel_loop3A_688 : i32 to index
        %parallel_loop3A_690 = arith.index_cast %parallel_loop3A_665 : i32 to index
        %parallel_loop3A_691 = arith.constant 16 : index
        %parallel_loop3A_692 = tpu.vector_load %arg11[%parallel_loop3A_689, %parallel_loop3A_690, %parallel_loop3A_691] {strides = array<i32>} : memref<5x40x128xf32, #tpu.memory_space<vmem>>, vector<1x1x16xf32>,
        %parallel_loop3A_693 = vector.shape_cast %parallel_loop3A_692 : vector<1x1x16xf32> to vector<16xf32>
        %parallel_loop3A_694 = arith.constant 5.000000e-01 : f32
        %parallel_loop3A_695 = vector.broadcast %parallel_loop3A_694 : f32 to vector<16xf32>
        %parallel_loop3A_696 = arith.mulf %parallel_loop3A_670, %parallel_loop3A_695 : vector<16xf32>
        %parallel_loop3A_697 = arith.mulf %parallel_loop3A_693, %parallel_loop3A_696 : vector<16xf32>
        %parallel_loop3A_698 = arith.constant 0 : i32
        %parallel_loop3A_699 = arith.index_cast %parallel_loop3A_698 : i32 to index
        %parallel_loop3A_700 = arith.index_cast %parallel_loop3A_665 : i32 to index
        %parallel_loop3A_701 = arith.constant 16 : index
        %parallel_loop3A_702 = tpu.vector_load %arg11[%parallel_loop3A_699, %parallel_loop3A_700, %parallel_loop3A_701] {strides = array<i32>} : memref<5x40x128xf32, #tpu.memory_space<vmem>>, vector<1x1x16xf32>,
        %parallel_loop3A_703 = vector.shape_cast %parallel_loop3A_702 : vector<1x1x16xf32> to vector<16xf32>
        %parallel_loop3A_704 = vector.shape_cast %parallel_loop3A_697 : vector<16xf32> to vector<1x1x16xf32>
        tpu.vector_store %arg11[%parallel_loop3A_699, %parallel_loop3A_700, %parallel_loop3A_701], %parallel_loop3A_704 {strides = array<i32>} : memref<5x40x128xf32, #tpu.memory_space<vmem>>, vector<1x1x16xf32>,
        %parallel_loop3A_705 = arith.constant 0 : i32
        %parallel_loop3A_706 = arith.index_cast %parallel_loop3A_705 : i32 to index
        %parallel_loop3A_707 = arith.index_cast %parallel_loop3A_665 : i32 to index
        %parallel_loop3A_708 = arith.constant 32 : index
        %parallel_loop3A_709 = tpu.vector_load %arg11[%parallel_loop3A_706, %parallel_loop3A_707, %parallel_loop3A_708] {strides = array<i32>} : memref<5x40x128xf32, #tpu.memory_space<vmem>>, vector<1x1x16xf32>,
        %parallel_loop3A_710 = vector.shape_cast %parallel_loop3A_709 : vector<1x1x16xf32> to vector<16xf32>
        %parallel_loop3A_711 = arith.constant 2.500000e-01 : f32
        %parallel_loop3A_712 = vector.broadcast %parallel_loop3A_711 : f32 to vector<16xf32>
        %parallel_loop3A_713 = arith.mulf %parallel_loop3A_670, %parallel_loop3A_712 : vector<16xf32>
        %parallel_loop3A_714 = arith.mulf %parallel_loop3A_710, %parallel_loop3A_713 : vector<16xf32>
        %parallel_loop3A_715 = arith.constant 0 : i32
        %parallel_loop3A_716 = arith.index_cast %parallel_loop3A_715 : i32 to index
        %parallel_loop3A_717 = arith.index_cast %parallel_loop3A_665 : i32 to index
        %parallel_loop3A_718 = arith.constant 32 : index
        %parallel_loop3A_719 = tpu.vector_load %arg11[%parallel_loop3A_716, %parallel_loop3A_717, %parallel_loop3A_718] {strides = array<i32>} : memref<5x40x128xf32, #tpu.memory_space<vmem>>, vector<1x1x16xf32>,
        %parallel_loop3A_720 = vector.shape_cast %parallel_loop3A_719 : vector<1x1x16xf32> to vector<16xf32>
        %parallel_loop3A_721 = vector.shape_cast %parallel_loop3A_714 : vector<16xf32> to vector<1x1x16xf32>
        tpu.vector_store %arg11[%parallel_loop3A_716, %parallel_loop3A_717, %parallel_loop3A_718], %parallel_loop3A_721 {strides = array<i32>} : memref<5x40x128xf32, #tpu.memory_space<vmem>>, vector<1x1x16xf32>,
        %parallel_loop3A_722 = arith.constant 0 : i32
        %parallel_loop3A_723 = arith.index_cast %parallel_loop3A_722 : i32 to index
        %parallel_loop3A_724 = arith.index_cast %parallel_loop3A_665 : i32 to index
        %parallel_loop3A_725 = arith.constant 48 : index
        %parallel_loop3A_726 = tpu.vector_load %arg11[%parallel_loop3A_723, %parallel_loop3A_724, %parallel_loop3A_725] {strides = array<i32>} : memref<5x40x128xf32, #tpu.memory_space<vmem>>, vector<1x1x16xf32>,
        %parallel_loop3A_727 = vector.shape_cast %parallel_loop3A_726 : vector<1x1x16xf32> to vector<16xf32>
        %parallel_loop3A_728 = arith.constant 1.250000e-01 : f32
        %parallel_loop3A_729 = vector.broadcast %parallel_loop3A_728 : f32 to vector<16xf32>
        %parallel_loop3A_730 = arith.mulf %parallel_loop3A_670, %parallel_loop3A_729 : vector<16xf32>
        %parallel_loop3A_731 = arith.mulf %parallel_loop3A_727, %parallel_loop3A_730 : vector<16xf32>
        %parallel_loop3A_732 = arith.constant 0 : i32
        %parallel_loop3A_733 = arith.index_cast %parallel_loop3A_732 : i32 to index
        %parallel_loop3A_734 = arith.index_cast %parallel_loop3A_665 : i32 to index
        %parallel_loop3A_735 = arith.constant 48 : index
        %parallel_loop3A_736 = tpu.vector_load %arg11[%parallel_loop3A_733, %parallel_loop3A_734, %parallel_loop3A_735] {strides = array<i32>} : memref<5x40x128xf32, #tpu.memory_space<vmem>>, vector<1x1x16xf32>,
        %parallel_loop3A_737 = vector.shape_cast %parallel_loop3A_736 : vector<1x1x16xf32> to vector<16xf32>
        %parallel_loop3A_738 = vector.shape_cast %parallel_loop3A_731 : vector<16xf32> to vector<1x1x16xf32>
        tpu.vector_store %arg11[%parallel_loop3A_733, %parallel_loop3A_734, %parallel_loop3A_735], %parallel_loop3A_738 {strides = array<i32>} : memref<5x40x128xf32, #tpu.memory_space<vmem>>, vector<1x1x16xf32>,
        %parallel_loop3A_739 = arith.constant 0 : i32
        %parallel_loop3A_740 = arith.index_cast %parallel_loop3A_739 : i32 to index
        %parallel_loop3A_741 = arith.index_cast %parallel_loop3A_665 : i32 to index
        %parallel_loop3A_742 = arith.constant 64 : index
        %parallel_loop3A_743 = tpu.vector_load %arg11[%parallel_loop3A_740, %parallel_loop3A_741, %parallel_loop3A_742] {strides = array<i32>} : memref<5x40x128xf32, #tpu.memory_space<vmem>>, vector<1x1x16xf32>,
        %parallel_loop3A_744 = vector.shape_cast %parallel_loop3A_743 : vector<1x1x16xf32> to vector<16xf32>
        %parallel_loop3A_745 = arith.constant 2.000000e+00 : f32
        %parallel_loop3A_746 = vector.broadcast %parallel_loop3A_745 : f32 to vector<16xf32>
        %parallel_loop3A_747 = arith.mulf %parallel_loop3A_670, %parallel_loop3A_746 : vector<16xf32>
        %parallel_loop3A_748 = arith.mulf %parallel_loop3A_744, %parallel_loop3A_747 : vector<16xf32>
        %parallel_loop3A_749 = arith.constant 0 : i32
        %parallel_loop3A_750 = arith.index_cast %parallel_loop3A_749 : i32 to index
        %parallel_loop3A_751 = arith.index_cast %parallel_loop3A_665 : i32 to index
        %parallel_loop3A_752 = arith.constant 64 : index
        %parallel_loop3A_753 = tpu.vector_load %arg11[%parallel_loop3A_750, %parallel_loop3A_751, %parallel_loop3A_752] {strides = array<i32>} : memref<5x40x128xf32, #tpu.memory_space<vmem>>, vector<1x1x16xf32>,
        %parallel_loop3A_754 = vector.shape_cast %parallel_loop3A_753 : vector<1x1x16xf32> to vector<16xf32>
        %parallel_loop3A_755 = vector.shape_cast %parallel_loop3A_748 : vector<16xf32> to vector<1x1x16xf32>
        tpu.vector_store %arg11[%parallel_loop3A_750, %parallel_loop3A_751, %parallel_loop3A_752], %parallel_loop3A_755 {strides = array<i32>} : memref<5x40x128xf32, #tpu.memory_space<vmem>>, vector<1x1x16xf32>,
        %parallel_loop3A_756 = arith.constant 0 : i32
        %parallel_loop3A_757 = arith.index_cast %parallel_loop3A_756 : i32 to index
        %parallel_loop3A_758 = arith.index_cast %parallel_loop3A_665 : i32 to index
        %parallel_loop3A_759 = arith.constant 80 : index
        %parallel_loop3A_760 = tpu.vector_load %arg11[%parallel_loop3A_757, %parallel_loop3A_758, %parallel_loop3A_759] {strides = array<i32>} : memref<5x40x128xf32, #tpu.memory_space<vmem>>, vector<1x1x16xf32>,
        %parallel_loop3A_761 = vector.shape_cast %parallel_loop3A_760 : vector<1x1x16xf32> to vector<16xf32>
        %parallel_loop3A_762 = arith.constant 1.500000e+00 : f32
        %parallel_loop3A_763 = vector.broadcast %parallel_loop3A_762 : f32 to vector<16xf32>
        %parallel_loop3A_764 = arith.mulf %parallel_loop3A_670, %parallel_loop3A_763 : vector<16xf32>
        %parallel_loop3A_765 = arith.mulf %parallel_loop3A_761, %parallel_loop3A_764 : vector<16xf32>
        %parallel_loop3A_766 = arith.constant 0 : i32
        %parallel_loop3A_767 = arith.index_cast %parallel_loop3A_766 : i32 to index
        %parallel_loop3A_768 = arith.index_cast %parallel_loop3A_665 : i32 to index
        %parallel_loop3A_769 = arith.constant 80 : index
        %parallel_loop3A_770 = tpu.vector_load %arg11[%parallel_loop3A_767, %parallel_loop3A_768, %parallel_loop3A_769] {strides = array<i32>} : memref<5x40x128xf32, #tpu.memory_space<vmem>>, vector<1x1x16xf32>,
        %parallel_loop3A_771 = vector.shape_cast %parallel_loop3A_770 : vector<1x1x16xf32> to vector<16xf32>
        %parallel_loop3A_772 = vector.shape_cast %parallel_loop3A_765 : vector<16xf32> to vector<1x1x16xf32>
        tpu.vector_store %arg11[%parallel_loop3A_767, %parallel_loop3A_768, %parallel_loop3A_769], %parallel_loop3A_772 {strides = array<i32>} : memref<5x40x128xf32, #tpu.memory_space<vmem>>, vector<1x1x16xf32>,
        %parallel_loop3A_773 = arith.constant 0 : i32
        %parallel_loop3A_774 = arith.index_cast %parallel_loop3A_773 : i32 to index
        %parallel_loop3A_775 = arith.index_cast %parallel_loop3A_665 : i32 to index
        %parallel_loop3A_776 = arith.constant 96 : index
        %parallel_loop3A_777 = tpu.vector_load %arg11[%parallel_loop3A_774, %parallel_loop3A_775, %parallel_loop3A_776] {strides = array<i32>} : memref<5x40x128xf32, #tpu.memory_space<vmem>>, vector<1x1x16xf32>,
        %parallel_loop3A_778 = vector.shape_cast %parallel_loop3A_777 : vector<1x1x16xf32> to vector<16xf32>
        %parallel_loop3A_779 = arith.constant 7.500000e-01 : f32
        %parallel_loop3A_780 = vector.broadcast %parallel_loop3A_779 : f32 to vector<16xf32>
        %parallel_loop3A_781 = arith.mulf %parallel_loop3A_670, %parallel_loop3A_780 : vector<16xf32>
        %parallel_loop3A_782 = arith.mulf %parallel_loop3A_778, %parallel_loop3A_781 : vector<16xf32>
        %parallel_loop3A_783 = arith.constant 0 : i32
        %parallel_loop3A_784 = arith.index_cast %parallel_loop3A_783 : i32 to index
        %parallel_loop3A_785 = arith.index_cast %parallel_loop3A_665 : i32 to index
        %parallel_loop3A_786 = arith.constant 96 : index
        %parallel_loop3A_787 = tpu.vector_load %arg11[%parallel_loop3A_784, %parallel_loop3A_785, %parallel_loop3A_786] {strides = array<i32>} : memref<5x40x128xf32, #tpu.memory_space<vmem>>, vector<1x1x16xf32>,
        %parallel_loop3A_788 = vector.shape_cast %parallel_loop3A_787 : vector<1x1x16xf32> to vector<16xf32>
        %parallel_loop3A_789 = vector.shape_cast %parallel_loop3A_782 : vector<16xf32> to vector<1x1x16xf32>
        tpu.vector_store %arg11[%parallel_loop3A_784, %parallel_loop3A_785, %parallel_loop3A_786], %parallel_loop3A_789 {strides = array<i32>} : memref<5x40x128xf32, #tpu.memory_space<vmem>>, vector<1x1x16xf32>,
        %parallel_loop3A_790 = arith.constant 0 : i32
        %parallel_loop3A_791 = arith.index_cast %parallel_loop3A_790 : i32 to index
        %parallel_loop3A_792 = arith.index_cast %parallel_loop3A_665 : i32 to index
        %parallel_loop3A_793 = arith.constant 112 : index
        %parallel_loop3A_794 = tpu.vector_load %arg11[%parallel_loop3A_791, %parallel_loop3A_792, %parallel_loop3A_793] {strides = array<i32>} : memref<5x40x128xf32, #tpu.memory_space<vmem>>, vector<1x1x16xf32>,
        %parallel_loop3A_795 = vector.shape_cast %parallel_loop3A_794 : vector<1x1x16xf32> to vector<16xf32>
        %parallel_loop3A_796 = arith.constant 3.750000e-01 : f32
        %parallel_loop3A_797 = vector.broadcast %parallel_loop3A_796 : f32 to vector<16xf32>
        %parallel_loop3A_798 = arith.mulf %parallel_loop3A_670, %parallel_loop3A_797 : vector<16xf32>
        %parallel_loop3A_799 = arith.mulf %parallel_loop3A_795, %parallel_loop3A_798 : vector<16xf32>
        %parallel_loop3A_800 = arith.constant 0 : i32
        %parallel_loop3A_801 = arith.index_cast %parallel_loop3A_800 : i32 to index
        %parallel_loop3A_802 = arith.index_cast %parallel_loop3A_665 : i32 to index
        %parallel_loop3A_803 = arith.constant 112 : index
        %parallel_loop3A_804 = tpu.vector_load %arg11[%parallel_loop3A_801, %parallel_loop3A_802, %parallel_loop3A_803] {strides = array<i32>} : memref<5x40x128xf32, #tpu.memory_space<vmem>>, vector<1x1x16xf32>,
        %parallel_loop3A_805 = vector.shape_cast %parallel_loop3A_804 : vector<1x1x16xf32> to vector<16xf32>
        %parallel_loop3A_806 = vector.shape_cast %parallel_loop3A_799 : vector<16xf32> to vector<1x1x16xf32>
        tpu.vector_store %arg11[%parallel_loop3A_801, %parallel_loop3A_802, %parallel_loop3A_803], %parallel_loop3A_806 {strides = array<i32>} : memref<5x40x128xf32, #tpu.memory_space<vmem>>, vector<1x1x16xf32>,
      } {sc.loop_unroll_factor = 8 : i64, sc.parallel_access}
      %mul3A_351 = arith.constant 5 : i32
      %mul3A_352 = arith.muli %rem3A_291, %mul3A_351 : i32
      %add3A_353 = arith.constant 0 : i32
      %add3A_354 = arith.addi %mul3A_352, %add3A_353 : i32
      %dma_start3A_355 = arith.constant 0 : i32
      %dma_start3A_356 = arith.constant 0 : i32
      %dma_start3A_357 = arith.constant 0 : i32
      %dma_start3A_358 = arith.constant 0 : i32
      %dma_start3A_359 = tpu.memref_slice %arg11[%dma_start3A_355, %dma_start3A_357, %dma_start3A_358] : memref<5x40x128xf32, #tpu.memory_space<vmem>> -> memref<1x40x128xf32, #tpu.memory_space<vmem>>
      %dma_start3A_360 = tpu.memref_squeeze %dma_start3A_359 : memref<1x40x128xf32, #tpu.memory_space<vmem>> -> memref<40x128xf32, #tpu.memory_space<vmem>>
      %dma_start3A_361 = arith.constant 0 : i32
      %dma_start3A_362 = tpu.memref_slice %arg9[%add3A_354, %dma_start3A_361] : memref<15x40xi32, #tpu.memory_space<vmem>> -> memref<1x40xi32, #tpu.memory_space<vmem>>
      %dma_start3A_363 = tpu.memref_squeeze %dma_start3A_362 : memref<1x40xi32, #tpu.memory_space<vmem>> -> memref<40xi32, #tpu.memory_space<vmem>>
      %dma_start3A_364 = arith.constant 0 : i32
      %dma_start3A_365 = arith.constant 0 : i32
      %dma_start3A_366 = tpu.memref_slice %arg12[%dma_start3A_364, %dma_start3A_365] : memref<10000x128xf32, #tpu.memory_space<vmem_shared>> -> memref<10000x128xf32, #tpu.memory_space<vmem_shared>>
      %dma_start3A_367 = tpu.memref_slice %arg14[%dma_start3A_356] : memref<5x!tpu.dma_semaphore, #tpu.memory_space<semaphore_mem>> -> memref<1x!tpu.dma_semaphore, #tpu.memory_space<semaphore_mem>>
      %dma_start3A_368 = tpu.memref_squeeze %dma_start3A_367 : memref<1x!tpu.dma_semaphore, #tpu.memory_space<semaphore_mem>> -> memref<!tpu.dma_semaphore, #tpu.memory_space<semaphore_mem>>
      tpu.enqueue_indirect_dma source(%dma_start3A_360 : memref<40x128xf32, #tpu.memory_space<vmem>>) target(%dma_start3A_366 : memref<10000x128xf32, #tpu.memory_space<vmem_shared>>) offsets(%dma_start3A_363 : memref<40xi32, #tpu.memory_space<vmem>>) semaphore(%dma_start3A_368 : memref<!tpu.dma_semaphore, #tpu.memory_space<semaphore_mem>>) {add = true}
      %add3A_369 = arith.constant 5 : i32
      %add3A_370 = arith.addi %add3A_295, %add3A_369 : i32
      %sub3A = arith.constant 1 : i32
      %sub3A_371 = arith.subi %add3A_370, %sub3A : i32
      %lt3A = arith.constant 250 : i32
      %lt3A_372 = arith.cmpi slt, %sub3A_371, %lt3A : i32
      %convert_element_type3A_373 = arith.extui %lt3A_372 : i1 to i32
      %cond3A_374 = arith.constant 0 : i32
      %cond3A_375 = arith.cmpi ne, %convert_element_type3A_373, %cond3A_374 : i32
      scf.if %cond3A_375 {
        %ge3A = arith.constant 1 : i32
        %ge3A_665 = arith.cmpi sge, %add3A_295, %ge3A : i32
        %convert_element_type3A_666 = arith.extui %ge3A_665 : i1 to i32
        %cond3A_667 = arith.constant 0 : i32
        %cond3A_668 = arith.cmpi ne, %convert_element_type3A_666, %cond3A_667 : i32
        scf.if %cond3A_668 {
          %sub3A_728 = arith.constant 1 : i32
          %sub3A_729 = arith.subi %add3A_295, %sub3A_728 : i32
          %jit3A_730 = arith.constant 5 : i32
          %div3A_731 = arith.divsi %sub3A_729, %jit3A_730 : i32
          %sign3A_732 = arith.constant 0 : i32
          %sign3A_733 = arith.cmpi sgt, %sub3A_729, %sign3A_732 : i32
          %sign3A_734 = arith.extui %sign3A_733 : i1 to i32
          %sign3A_735 = arith.constant 0 : i32
          %sign3A_736 = arith.cmpi slt, %sub3A_729, %sign3A_735 : i32
          %sign3A_737 = arith.extui %sign3A_736 : i1 to i32
          %sign3A_738 = arith.subi %sign3A_734, %sign3A_737 : i32
          %sign3A_739 = arith.constant 0 : i32
          %sign3A_740 = arith.cmpi sgt, %jit3A_730, %sign3A_739 : i32
          %sign3A_741 = arith.extui %sign3A_740 : i1 to i32
          %sign3A_742 = arith.constant 0 : i32
          %sign3A_743 = arith.cmpi slt, %jit3A_730, %sign3A_742 : i32
          %sign3A_744 = arith.extui %sign3A_743 : i1 to i32
          %sign3A_745 = arith.subi %sign3A_741, %sign3A_744 : i32
          %ne3A_746 = arith.cmpi ne, %sign3A_738, %sign3A_745 : i32
          %rem3A_747 = arith.remsi %sub3A_729, %jit3A_730 : i32
          %ne3A_748 = arith.constant 0 : i32
          %ne3A_749 = arith.cmpi ne, %rem3A_747, %ne3A_748 : i32
          %and3A_750 = arith.andi %ne3A_746, %ne3A_749 : i1
          %sub3A_751 = arith.constant 1 : i32
          %sub3A_752 = arith.subi %div3A_731, %sub3A_751 : i32
          %select_n3A_753 = arith.select %and3A_750, %sub3A_752, %div3A_731 : i32
          %rem3A_754 = arith.constant 3 : i32
          %rem3A_755 = arith.remsi %select_n3A_753, %rem3A_754 : i32
          %mul3A_756 = arith.constant 5 : i32
          %mul3A_757 = arith.muli %rem3A_755, %mul3A_756 : i32
          %add3A_758 = arith.constant 4 : i32
          %add3A_759 = arith.addi %mul3A_757, %add3A_758 : i32
          %dma_wait3A_760 = arith.constant 4 : i32
          %dma_wait3A_761 = arith.constant 4 : i32
          %dma_wait3A_762 = arith.constant 0 : i32
          %dma_wait3A_763 = arith.constant 0 : i32
          %dma_wait3A_764 = tpu.memref_slice %arg11[%dma_wait3A_760, %dma_wait3A_762, %dma_wait3A_763] : memref<5x40x128xf32, #tpu.memory_space<vmem>> -> memref<1x40x128xf32, #tpu.memory_space<vmem>>
          %dma_wait3A_765 = tpu.memref_squeeze %dma_wait3A_764 : memref<1x40x128xf32, #tpu.memory_space<vmem>> -> memref<40x128xf32, #tpu.memory_space<vmem>>
          %dma_wait3A_766 = arith.constant 0 : i32
          %dma_wait3A_767 = tpu.memref_slice %arg9[%add3A_759, %dma_wait3A_766] : memref<15x40xi32, #tpu.memory_space<vmem>> -> memref<1x40xi32, #tpu.memory_space<vmem>>
          %dma_wait3A_768 = tpu.memref_squeeze %dma_wait3A_767 : memref<1x40xi32, #tpu.memory_space<vmem>> -> memref<40xi32, #tpu.memory_space<vmem>>
          %dma_wait3A_769 = arith.constant 0 : i32
          %dma_wait3A_770 = arith.constant 0 : i32
          %dma_wait3A_771 = tpu.memref_slice %arg12[%dma_wait3A_769, %dma_wait3A_770] : memref<10000x128xf32, #tpu.memory_space<vmem_shared>> -> memref<10000x128xf32, #tpu.memory_space<vmem_shared>>
          %dma_wait3A_772 = tpu.memref_slice %arg14[%dma_wait3A_761] : memref<5x!tpu.dma_semaphore, #tpu.memory_space<semaphore_mem>> -> memref<1x!tpu.dma_semaphore, #tpu.memory_space<semaphore_mem>>
          %dma_wait3A_773 = tpu.memref_squeeze %dma_wait3A_772 : memref<1x!tpu.dma_semaphore, #tpu.memory_space<semaphore_mem>> -> memref<!tpu.dma_semaphore, #tpu.memory_space<semaphore_mem>>
          tpu.wait_indirect_dma semaphore(%dma_wait3A_773 : memref<!tpu.dma_semaphore, #tpu.memory_space<semaphore_mem>>) src(%dma_wait3A_765 : memref<40x128xf32, #tpu.memory_space<vmem>>) dst(%dma_wait3A_771 : memref<10000x128xf32, #tpu.memory_space<vmem_shared>>)
        } else {
        }
        %rem3A_669 = arith.constant 4 : i32
        %rem3A_670 = arith.remsi %sub3A_371, %rem3A_669 : i32
        %mul3A_671 = arith.constant 40 : i32
        %mul3A_672 = arith.muli %sub3A_371, %mul3A_671 : i32
        %add3A_673 = arith.addi %mul3A_8, %mul3A_672 : i32
        %dma_start3A_674 = arith.constant 0 : i32
        %dma_start3A_675 = arith.constant 0 : i32
        %dma_start3A_676 = tpu.memref_slice %arg10[%rem3A_670, %dma_start3A_674, %dma_start3A_675] : memref<4x40x16xf32, #tpu.memory_space<vmem>> -> memref<1x40x16xf32, #tpu.memory_space<vmem>>
        %dma_start3A_677 = tpu.memref_squeeze %dma_start3A_676 : memref<1x40x16xf32, #tpu.memory_space<vmem>> -> memref<40x16xf32, #tpu.memory_space<vmem>>
        %dma_start3A_678 = arith.constant 0 : i32
        %dma_start3A_679 = tpu.memref_slice %arg3[%add3A_673, %dma_start3A_678] : memref<320000x16xf32, #tpu.memory_space<hbm>> -> memref<40x16xf32, #tpu.memory_space<hbm>>
        %dma_start3A_680 = tpu.memref_slice %arg15[%rem3A_670] : memref<4x!tpu.dma_semaphore, #tpu.memory_space<semaphore_mem>> -> memref<1x!tpu.dma_semaphore, #tpu.memory_space<semaphore_mem>>
        %dma_start3A_681 = tpu.memref_squeeze %dma_start3A_680 : memref<1x!tpu.dma_semaphore, #tpu.memory_space<semaphore_mem>> -> memref<!tpu.dma_semaphore, #tpu.memory_space<semaphore_mem>>
        %dma_start3A_682 = arith.constant 0 : i32
        %dma_start3A_683 = arith.constant 0 : i32
        %dma_start3A_684 = tpu.memref_slice %arg10[%rem3A_670, %dma_start3A_682, %dma_start3A_683] : memref<4x40x16xf32, #tpu.memory_space<vmem>> -> memref<1x40x16xf32, #tpu.memory_space<vmem>>
        %dma_start3A_685 = tpu.memref_squeeze %dma_start3A_684 : memref<1x40x16xf32, #tpu.memory_space<vmem>> -> memref<40x16xf32, #tpu.memory_space<vmem>>
        %dma_start3A_686 = arith.constant 0 : i32
        %dma_start3A_687 = tpu.memref_slice %arg3[%add3A_673, %dma_start3A_686] : memref<320000x16xf32, #tpu.memory_space<hbm>> -> memref<40x16xf32, #tpu.memory_space<hbm>>
        tpu.enqueue_dma source(%dma_start3A_687 : memref<40x16xf32, #tpu.memory_space<hbm>>) target(%dma_start3A_685 : memref<40x16xf32, #tpu.memory_space<vmem>>) target_semaphore(%dma_start3A_681 : memref<!tpu.dma_semaphore, #tpu.memory_space<semaphore_mem>>)
        %jit3A = arith.constant 5 : i32
        %div3A = arith.divsi %sub3A_371, %jit3A : i32
        %sign3A = arith.constant 0 : i32
        %sign3A_688 = arith.cmpi sgt, %sub3A_371, %sign3A : i32
        %sign3A_689 = arith.extui %sign3A_688 : i1 to i32
        %sign3A_690 = arith.constant 0 : i32
        %sign3A_691 = arith.cmpi slt, %sub3A_371, %sign3A_690 : i32
        %sign3A_692 = arith.extui %sign3A_691 : i1 to i32
        %sign3A_693 = arith.subi %sign3A_689, %sign3A_692 : i32
        %sign3A_694 = arith.constant 0 : i32
        %sign3A_695 = arith.cmpi sgt, %jit3A, %sign3A_694 : i32
        %sign3A_696 = arith.extui %sign3A_695 : i1 to i32
        %sign3A_697 = arith.constant 0 : i32
        %sign3A_698 = arith.cmpi slt, %jit3A, %sign3A_697 : i32
        %sign3A_699 = arith.extui %sign3A_698 : i1 to i32
        %sign3A_700 = arith.subi %sign3A_696, %sign3A_699 : i32
        %ne3A = arith.cmpi ne, %sign3A_693, %sign3A_700 : i32
        %rem3A_701 = arith.remsi %sub3A_371, %jit3A : i32
        %ne3A_702 = arith.constant 0 : i32
        %ne3A_703 = arith.cmpi ne, %rem3A_701, %ne3A_702 : i32
        %and3A = arith.andi %ne3A, %ne3A_703 : i1
        %sub3A_704 = arith.constant 1 : i32
        %sub3A_705 = arith.subi %div3A, %sub3A_704 : i32
        %select_n3A = arith.select %and3A, %sub3A_705, %div3A : i32
        %rem3A_706 = arith.constant 3 : i32
        %rem3A_707 = arith.remsi %select_n3A, %rem3A_706 : i32
        %mul3A_708 = arith.constant 5 : i32
        %mul3A_709 = arith.muli %rem3A_707, %mul3A_708 : i32
        %mul3A_710 = arith.constant 5 : i32
        %mul3A_711 = arith.muli %select_n3A, %mul3A_710 : i32
        %sub3A_712 = arith.subi %sub3A_371, %mul3A_711 : i32
        %add3A_713 = arith.addi %mul3A_709, %sub3A_712 : i32
        %mul3A_714 = arith.constant 40 : i32
        %mul3A_715 = arith.muli %add3A_713, %mul3A_714 : i32
        %dma_start3A_716 = arith.constant 4 : i32
        %dma_start3A_717 = arith.constant 4 : i32
        %dma_start3A_718 = arith.constant 0 : i32
        %dma_start3A_719 = arith.constant 0 : i32
        %dma_start3A_720 = tpu.memref_slice %arg11[%dma_start3A_716, %dma_start3A_718, %dma_start3A_719] : memref<5x40x128xf32, #tpu.memory_space<vmem>> -> memref<1x40x128xf32, #tpu.memory_space<vmem>>
        %dma_start3A_721 = tpu.memref_squeeze %dma_start3A_720 : memref<1x40x128xf32, #tpu.memory_space<vmem>> -> memref<40x128xf32, #tpu.memory_space<vmem>>
        %dma_start3A_722 = tpu.memref_slice %arg8[%mul3A_715] : memref<600xi32, #tpu.memory_space<vmem>> -> memref<40xi32, #tpu.memory_space<vmem>>
        %dma_start3A_723 = arith.constant 0 : i32
        %dma_start3A_724 = arith.constant 0 : i32
        %dma_start3A_725 = tpu.memref_slice %arg2[%dma_start3A_723, %dma_start3A_724] : memref<10000x128xf32, #tpu.memory_space<hbm>> -> memref<10000x128xf32, #tpu.memory_space<hbm>>
        %dma_start3A_726 = tpu.memref_slice %arg13[%dma_start3A_717] : memref<5x!tpu.dma_semaphore, #tpu.memory_space<semaphore_mem>> -> memref<1x!tpu.dma_semaphore, #tpu.memory_space<semaphore_mem>>
        %dma_start3A_727 = tpu.memref_squeeze %dma_start3A_726 : memref<1x!tpu.dma_semaphore, #tpu.memory_space<semaphore_mem>> -> memref<!tpu.dma_semaphore, #tpu.memory_space<semaphore_mem>>
        tpu.enqueue_indirect_dma source(%dma_start3A_725 : memref<10000x128xf32, #tpu.memory_space<hbm>>) target(%dma_start3A_721 : memref<40x128xf32, #tpu.memory_space<vmem>>) offsets(%dma_start3A_722 : memref<40xi32, #tpu.memory_space<vmem>>) semaphore(%dma_start3A_727 : memref<!tpu.dma_semaphore, #tpu.memory_space<semaphore_mem>>)
      } else {
      }
      %lt3A_376 = arith.constant 48 : i32
      %lt3A_377 = arith.cmpi slt, %scan3A_290, %lt3A_376 : i32
      %convert_element_type3A_378 = arith.extui %lt3A_377 : i1 to i32
      %cond3A_379 = arith.constant 0 : i32
      %cond3A_380 = arith.cmpi ne, %convert_element_type3A_378, %cond3A_379 : i32
      scf.if %cond3A_380 {
        %add3A_665 = arith.constant 2 : i32
        %add3A_666 = arith.addi %scan3A_290, %add3A_665 : i32
        %add3A_667 = arith.constant 2 : i32
        %add3A_668 = arith.addi %scan3A_290, %add3A_667 : i32
        %rem3A_669 = arith.constant 3 : i32
        %rem3A_670 = arith.remsi %add3A_668, %rem3A_669 : i32
        %mul3A_671 = arith.constant 200 : i32
        %mul3A_672 = arith.muli %add3A_666, %mul3A_671 : i32
        %add3A_673 = arith.addi %mul3A_8, %mul3A_672 : i32
        %mul3A_674 = arith.constant 200 : i32
        %mul3A_675 = arith.muli %rem3A_670, %mul3A_674 : i32
        %dma_start3A_676 = tpu.memref_slice %arg8[%mul3A_675] : memref<600xi32, #tpu.memory_space<vmem>> -> memref<200xi32, #tpu.memory_space<vmem>>
        %dma_start3A_677 = tpu.memref_slice %arg4[%add3A_673] : memref<320000xi32, #tpu.memory_space<hbm>> -> memref<200xi32, #tpu.memory_space<hbm>>
        %dma_start3A_678 = tpu.memref_slice %arg16[%rem3A_670] : memref<3x!tpu.dma_semaphore, #tpu.memory_space<semaphore_mem>> -> memref<1x!tpu.dma_semaphore, #tpu.memory_space<semaphore_mem>>
        %dma_start3A_679 = tpu.memref_squeeze %dma_start3A_678 : memref<1x!tpu.dma_semaphore, #tpu.memory_space<semaphore_mem>> -> memref<!tpu.dma_semaphore, #tpu.memory_space<semaphore_mem>>
        %dma_start3A_680 = tpu.memref_slice %arg8[%mul3A_675] : memref<600xi32, #tpu.memory_space<vmem>> -> memref<200xi32, #tpu.memory_space<vmem>>
        %dma_start3A_681 = tpu.memref_slice %arg4[%add3A_673] : memref<320000xi32, #tpu.memory_space<hbm>> -> memref<200xi32, #tpu.memory_space<hbm>>
        tpu.enqueue_dma source(%dma_start3A_681 : memref<200xi32, #tpu.memory_space<hbm>>) target(%dma_start3A_680 : memref<200xi32, #tpu.memory_space<vmem>>) target_semaphore(%dma_start3A_679 : memref<!tpu.dma_semaphore, #tpu.memory_space<semaphore_mem>>)
        %mul3A_682 = arith.constant 5 : i32
        %mul3A_683 = arith.muli %rem3A_670, %mul3A_682 : i32
        %dma_start3A_684 = arith.constant 0 : i32
        %dma_start3A_685 = tpu.memref_slice %arg9[%mul3A_683, %dma_start3A_684] : memref<15x40xi32, #tpu.memory_space<vmem>> -> memref<5x40xi32, #tpu.memory_space<vmem>>
        %dma_start3A_686 = arith.constant 0 : i32
        %dma_start3A_687 = arith.constant 0 : i32
        %dma_start3A_688 = tpu.memref_slice %arg5[%add3A, %add3A_666, %dma_start3A_686, %dma_start3A_687] : memref<32x50x5x40xi32, #tpu.memory_space<hbm>> -> memref<1x1x5x40xi32, #tpu.memory_space<hbm>>
        %dma_start3A_689 = tpu.memref_squeeze %dma_start3A_688 : memref<1x1x5x40xi32, #tpu.memory_space<hbm>> -> memref<5x40xi32, #tpu.memory_space<hbm>>
        %dma_start3A_690 = tpu.memref_slice %arg17[%rem3A_670] : memref<3x!tpu.dma_semaphore, #tpu.memory_space<semaphore_mem>> -> memref<1x!tpu.dma_semaphore, #tpu.memory_space<semaphore_mem>>
        %dma_start3A_691 = tpu.memref_squeeze %dma_start3A_690 : memref<1x!tpu.dma_semaphore, #tpu.memory_space<semaphore_mem>> -> memref<!tpu.dma_semaphore, #tpu.memory_space<semaphore_mem>>
        %dma_start3A_692 = arith.constant 0 : i32
        %dma_start3A_693 = tpu.memref_slice %arg9[%mul3A_683, %dma_start3A_692] : memref<15x40xi32, #tpu.memory_space<vmem>> -> memref<5x40xi32, #tpu.memory_space<vmem>>
        %dma_start3A_694 = arith.constant 0 : i32
        %dma_start3A_695 = arith.constant 0 : i32
        %dma_start3A_696 = tpu.memref_slice %arg5[%add3A, %add3A_666, %dma_start3A_694, %dma_start3A_695] : memref<32x50x5x40xi32, #tpu.memory_space<hbm>> -> memref<1x1x5x40xi32, #tpu.memory_space<hbm>>
        %dma_start3A_697 = tpu.memref_squeeze %dma_start3A_696 : memref<1x1x5x40xi32, #tpu.memory_space<hbm>> -> memref<5x40xi32, #tpu.memory_space<hbm>>
        tpu.enqueue_dma source(%dma_start3A_697 : memref<5x40xi32, #tpu.memory_space<hbm>>) target(%dma_start3A_693 : memref<5x40xi32, #tpu.memory_space<vmem>>) target_semaphore(%dma_start3A_691 : memref<!tpu.dma_semaphore, #tpu.memory_space<semaphore_mem>>)
      } else {
      }
      %mul3A_381 = arith.constant 5 : i32
      %mul3A_382 = arith.muli %scan3A_290, %mul3A_381 : i32
      %add3A_383 = arith.constant 1 : i32
      %add3A_384 = arith.addi %mul3A_382, %add3A_383 : i32
      %rem3A_385 = arith.constant 4 : i32
      %rem3A_386 = arith.remsi %add3A_384, %rem3A_385 : i32
      %mul3A_387 = arith.constant 5 : i32
      %mul3A_388 = arith.muli %rem3A_291, %mul3A_387 : i32
      %add3A_389 = arith.constant 1 : i32
      %add3A_390 = arith.addi %mul3A_388, %add3A_389 : i32
      %mul3A_391 = arith.constant 40 : i32
      %mul3A_392 = arith.muli %add3A_390, %mul3A_391 : i32
      %dma_wait3A_393 = arith.constant 1 : i32
      %dma_wait3A_394 = arith.constant 1 : i32
      %dma_wait3A_395 = arith.constant 0 : i32
      %dma_wait3A_396 = arith.constant 0 : i32
      %dma_wait3A_397 = tpu.memref_slice %arg11[%dma_wait3A_393, %dma_wait3A_395, %dma_wait3A_396] : memref<5x40x128xf32, #tpu.memory_space<vmem>> -> memref<1x40x128xf32, #tpu.memory_space<vmem>>
      %dma_wait3A_398 = tpu.memref_squeeze %dma_wait3A_397 : memref<1x40x128xf32, #tpu.memory_space<vmem>> -> memref<40x128xf32, #tpu.memory_space<vmem>>
      %dma_wait3A_399 = tpu.memref_slice %arg8[%mul3A_392] : memref<600xi32, #tpu.memory_space<vmem>> -> memref<40xi32, #tpu.memory_space<vmem>>
      %dma_wait3A_400 = arith.constant 0 : i32
      %dma_wait3A_401 = arith.constant 0 : i32
      %dma_wait3A_402 = tpu.memref_slice %arg2[%dma_wait3A_400, %dma_wait3A_401] : memref<10000x128xf32, #tpu.memory_space<hbm>> -> memref<10000x128xf32, #tpu.memory_space<hbm>>
      %dma_wait3A_403 = tpu.memref_slice %arg13[%dma_wait3A_394] : memref<5x!tpu.dma_semaphore, #tpu.memory_space<semaphore_mem>> -> memref<1x!tpu.dma_semaphore, #tpu.memory_space<semaphore_mem>>
      %dma_wait3A_404 = tpu.memref_squeeze %dma_wait3A_403 : memref<1x!tpu.dma_semaphore, #tpu.memory_space<semaphore_mem>> -> memref<!tpu.dma_semaphore, #tpu.memory_space<semaphore_mem>>
      tpu.wait_indirect_dma semaphore(%dma_wait3A_404 : memref<!tpu.dma_semaphore, #tpu.memory_space<semaphore_mem>>) src(%dma_wait3A_402 : memref<10000x128xf32, #tpu.memory_space<hbm>>) dst(%dma_wait3A_398 : memref<40x128xf32, #tpu.memory_space<vmem>>)
      %mul3A_405 = arith.constant 40 : i32
      %mul3A_406 = arith.muli %add3A_384, %mul3A_405 : i32
      %add3A_407 = arith.addi %mul3A_8, %mul3A_406 : i32
      %dma_wait3A_408 = arith.constant 0 : i32
      %dma_wait3A_409 = arith.constant 0 : i32
      %dma_wait3A_410 = tpu.memref_slice %arg10[%rem3A_386, %dma_wait3A_408, %dma_wait3A_409] : memref<4x40x16xf32, #tpu.memory_space<vmem>> -> memref<1x40x16xf32, #tpu.memory_space<vmem>>
      %dma_wait3A_411 = tpu.memref_squeeze %dma_wait3A_410 : memref<1x40x16xf32, #tpu.memory_space<vmem>> -> memref<40x16xf32, #tpu.memory_space<vmem>>
      %dma_wait3A_412 = arith.constant 0 : i32
      %dma_wait3A_413 = tpu.memref_slice %arg3[%add3A_407, %dma_wait3A_412] : memref<320000x16xf32, #tpu.memory_space<hbm>> -> memref<40x16xf32, #tpu.memory_space<hbm>>
      %dma_wait3A_414 = tpu.memref_slice %arg15[%rem3A_386] : memref<4x!tpu.dma_semaphore, #tpu.memory_space<semaphore_mem>> -> memref<1x!tpu.dma_semaphore, #tpu.memory_space<semaphore_mem>>
      %dma_wait3A_415 = tpu.memref_squeeze %dma_wait3A_414 : memref<1x!tpu.dma_semaphore, #tpu.memory_space<semaphore_mem>> -> memref<!tpu.dma_semaphore, #tpu.memory_space<semaphore_mem>>
      %dma_wait3A_416 = arith.constant 0 : i32
      %dma_wait3A_417 = arith.constant 0 : i32
      %dma_wait3A_418 = tpu.memref_slice %arg10[%rem3A_386, %dma_wait3A_416, %dma_wait3A_417] : memref<4x40x16xf32, #tpu.memory_space<vmem>> -> memref<1x40x16xf32, #tpu.memory_space<vmem>>
      %dma_wait3A_419 = tpu.memref_squeeze %dma_wait3A_418 : memref<1x40x16xf32, #tpu.memory_space<vmem>> -> memref<40x16xf32, #tpu.memory_space<vmem>>
      %dma_wait3A_420 = arith.constant 0 : i32
      %dma_wait3A_421 = tpu.memref_slice %arg3[%add3A_407, %dma_wait3A_420] : memref<320000x16xf32, #tpu.memory_space<hbm>> -> memref<40x16xf32, #tpu.memory_space<hbm>>
      tpu.wait_dma2 semaphore(%dma_wait3A_415 : memref<!tpu.dma_semaphore, #tpu.memory_space<semaphore_mem>>) src(%dma_wait3A_421 : memref<40x16xf32, #tpu.memory_space<hbm>>) dst(%dma_wait3A_419 : memref<40x16xf32, #tpu.memory_space<vmem>>)
      %parallel_loop3A_422 = arith.constant 0 : i32
      %parallel_loop3A_423 = arith.constant 40 : i32
      %parallel_loop3A_424 = arith.constant 1 : i32
      scf.for %parallel_loop3A_665 = %parallel_loop3A_422 to %parallel_loop3A_423 step %parallel_loop3A_424  : i32 {
        %parallel_loop3A_666 = arith.index_cast %rem3A_386 : i32 to index
        %parallel_loop3A_667 = arith.index_cast %parallel_loop3A_665 : i32 to index
        %parallel_loop3A_668 = arith.constant 0 : index
        %parallel_loop3A_669 = tpu.vector_load %arg10[%parallel_loop3A_666, %parallel_loop3A_667, %parallel_loop3A_668] {strides = array<i32>} : memref<4x40x16xf32, #tpu.memory_space<vmem>>, vector<1x1x16xf32>,
        %parallel_loop3A_670 = vector.shape_cast %parallel_loop3A_669 : vector<1x1x16xf32> to vector<16xf32>
        %parallel_loop3A_671 = arith.constant 1 : i32
        %parallel_loop3A_672 = arith.index_cast %parallel_loop3A_671 : i32 to index
        %parallel_loop3A_673 = arith.index_cast %parallel_loop3A_665 : i32 to index
        %parallel_loop3A_674 = arith.constant 0 : index
        %parallel_loop3A_675 = tpu.vector_load %arg11[%parallel_loop3A_672, %parallel_loop3A_673, %parallel_loop3A_674] {strides = array<i32>} : memref<5x40x128xf32, #tpu.memory_space<vmem>>, vector<1x1x16xf32>,
        %parallel_loop3A_676 = vector.shape_cast %parallel_loop3A_675 : vector<1x1x16xf32> to vector<16xf32>
        %parallel_loop3A_677 = arith.constant 1.000000e+00 : f32
        %parallel_loop3A_678 = vector.broadcast %parallel_loop3A_677 : f32 to vector<16xf32>
        %parallel_loop3A_679 = arith.mulf %parallel_loop3A_670, %parallel_loop3A_678 : vector<16xf32>
        %parallel_loop3A_680 = arith.mulf %parallel_loop3A_676, %parallel_loop3A_679 : vector<16xf32>
        %parallel_loop3A_681 = arith.constant 1 : i32
        %parallel_loop3A_682 = arith.index_cast %parallel_loop3A_681 : i32 to index
        %parallel_loop3A_683 = arith.index_cast %parallel_loop3A_665 : i32 to index
        %parallel_loop3A_684 = arith.constant 0 : index
        %parallel_loop3A_685 = tpu.vector_load %arg11[%parallel_loop3A_682, %parallel_loop3A_683, %parallel_loop3A_684] {strides = array<i32>} : memref<5x40x128xf32, #tpu.memory_space<vmem>>, vector<1x1x16xf32>,
        %parallel_loop3A_686 = vector.shape_cast %parallel_loop3A_685 : vector<1x1x16xf32> to vector<16xf32>
        %parallel_loop3A_687 = vector.shape_cast %parallel_loop3A_680 : vector<16xf32> to vector<1x1x16xf32>
        tpu.vector_store %arg11[%parallel_loop3A_682, %parallel_loop3A_683, %parallel_loop3A_684], %parallel_loop3A_687 {strides = array<i32>} : memref<5x40x128xf32, #tpu.memory_space<vmem>>, vector<1x1x16xf32>,
        %parallel_loop3A_688 = arith.constant 1 : i32
        %parallel_loop3A_689 = arith.index_cast %parallel_loop3A_688 : i32 to index
        %parallel_loop3A_690 = arith.index_cast %parallel_loop3A_665 : i32 to index
        %parallel_loop3A_691 = arith.constant 16 : index
        %parallel_loop3A_692 = tpu.vector_load %arg11[%parallel_loop3A_689, %parallel_loop3A_690, %parallel_loop3A_691] {strides = array<i32>} : memref<5x40x128xf32, #tpu.memory_space<vmem>>, vector<1x1x16xf32>,
        %parallel_loop3A_693 = vector.shape_cast %parallel_loop3A_692 : vector<1x1x16xf32> to vector<16xf32>
        %parallel_loop3A_694 = arith.constant 5.000000e-01 : f32
        %parallel_loop3A_695 = vector.broadcast %parallel_loop3A_694 : f32 to vector<16xf32>
        %parallel_loop3A_696 = arith.mulf %parallel_loop3A_670, %parallel_loop3A_695 : vector<16xf32>
        %parallel_loop3A_697 = arith.mulf %parallel_loop3A_693, %parallel_loop3A_696 : vector<16xf32>
        %parallel_loop3A_698 = arith.constant 1 : i32
        %parallel_loop3A_699 = arith.index_cast %parallel_loop3A_698 : i32 to index
        %parallel_loop3A_700 = arith.index_cast %parallel_loop3A_665 : i32 to index
        %parallel_loop3A_701 = arith.constant 16 : index
        %parallel_loop3A_702 = tpu.vector_load %arg11[%parallel_loop3A_699, %parallel_loop3A_700, %parallel_loop3A_701] {strides = array<i32>} : memref<5x40x128xf32, #tpu.memory_space<vmem>>, vector<1x1x16xf32>,
        %parallel_loop3A_703 = vector.shape_cast %parallel_loop3A_702 : vector<1x1x16xf32> to vector<16xf32>
        %parallel_loop3A_704 = vector.shape_cast %parallel_loop3A_697 : vector<16xf32> to vector<1x1x16xf32>
        tpu.vector_store %arg11[%parallel_loop3A_699, %parallel_loop3A_700, %parallel_loop3A_701], %parallel_loop3A_704 {strides = array<i32>} : memref<5x40x128xf32, #tpu.memory_space<vmem>>, vector<1x1x16xf32>,
        %parallel_loop3A_705 = arith.constant 1 : i32
        %parallel_loop3A_706 = arith.index_cast %parallel_loop3A_705 : i32 to index
        %parallel_loop3A_707 = arith.index_cast %parallel_loop3A_665 : i32 to index
        %parallel_loop3A_708 = arith.constant 32 : index
        %parallel_loop3A_709 = tpu.vector_load %arg11[%parallel_loop3A_706, %parallel_loop3A_707, %parallel_loop3A_708] {strides = array<i32>} : memref<5x40x128xf32, #tpu.memory_space<vmem>>, vector<1x1x16xf32>,
        %parallel_loop3A_710 = vector.shape_cast %parallel_loop3A_709 : vector<1x1x16xf32> to vector<16xf32>
        %parallel_loop3A_711 = arith.constant 2.500000e-01 : f32
        %parallel_loop3A_712 = vector.broadcast %parallel_loop3A_711 : f32 to vector<16xf32>
        %parallel_loop3A_713 = arith.mulf %parallel_loop3A_670, %parallel_loop3A_712 : vector<16xf32>
        %parallel_loop3A_714 = arith.mulf %parallel_loop3A_710, %parallel_loop3A_713 : vector<16xf32>
        %parallel_loop3A_715 = arith.constant 1 : i32
        %parallel_loop3A_716 = arith.index_cast %parallel_loop3A_715 : i32 to index
        %parallel_loop3A_717 = arith.index_cast %parallel_loop3A_665 : i32 to index
        %parallel_loop3A_718 = arith.constant 32 : index
        %parallel_loop3A_719 = tpu.vector_load %arg11[%parallel_loop3A_716, %parallel_loop3A_717, %parallel_loop3A_718] {strides = array<i32>} : memref<5x40x128xf32, #tpu.memory_space<vmem>>, vector<1x1x16xf32>,
        %parallel_loop3A_720 = vector.shape_cast %parallel_loop3A_719 : vector<1x1x16xf32> to vector<16xf32>
        %parallel_loop3A_721 = vector.shape_cast %parallel_loop3A_714 : vector<16xf32> to vector<1x1x16xf32>
        tpu.vector_store %arg11[%parallel_loop3A_716, %parallel_loop3A_717, %parallel_loop3A_718], %parallel_loop3A_721 {strides = array<i32>} : memref<5x40x128xf32, #tpu.memory_space<vmem>>, vector<1x1x16xf32>,
        %parallel_loop3A_722 = arith.constant 1 : i32
        %parallel_loop3A_723 = arith.index_cast %parallel_loop3A_722 : i32 to index
        %parallel_loop3A_724 = arith.index_cast %parallel_loop3A_665 : i32 to index
        %parallel_loop3A_725 = arith.constant 48 : index
        %parallel_loop3A_726 = tpu.vector_load %arg11[%parallel_loop3A_723, %parallel_loop3A_724, %parallel_loop3A_725] {strides = array<i32>} : memref<5x40x128xf32, #tpu.memory_space<vmem>>, vector<1x1x16xf32>,
        %parallel_loop3A_727 = vector.shape_cast %parallel_loop3A_726 : vector<1x1x16xf32> to vector<16xf32>
        %parallel_loop3A_728 = arith.constant 1.250000e-01 : f32
        %parallel_loop3A_729 = vector.broadcast %parallel_loop3A_728 : f32 to vector<16xf32>
        %parallel_loop3A_730 = arith.mulf %parallel_loop3A_670, %parallel_loop3A_729 : vector<16xf32>
        %parallel_loop3A_731 = arith.mulf %parallel_loop3A_727, %parallel_loop3A_730 : vector<16xf32>
        %parallel_loop3A_732 = arith.constant 1 : i32
        %parallel_loop3A_733 = arith.index_cast %parallel_loop3A_732 : i32 to index
        %parallel_loop3A_734 = arith.index_cast %parallel_loop3A_665 : i32 to index
        %parallel_loop3A_735 = arith.constant 48 : index
        %parallel_loop3A_736 = tpu.vector_load %arg11[%parallel_loop3A_733, %parallel_loop3A_734, %parallel_loop3A_735] {strides = array<i32>} : memref<5x40x128xf32, #tpu.memory_space<vmem>>, vector<1x1x16xf32>,
        %parallel_loop3A_737 = vector.shape_cast %parallel_loop3A_736 : vector<1x1x16xf32> to vector<16xf32>
        %parallel_loop3A_738 = vector.shape_cast %parallel_loop3A_731 : vector<16xf32> to vector<1x1x16xf32>
        tpu.vector_store %arg11[%parallel_loop3A_733, %parallel_loop3A_734, %parallel_loop3A_735], %parallel_loop3A_738 {strides = array<i32>} : memref<5x40x128xf32, #tpu.memory_space<vmem>>, vector<1x1x16xf32>,
        %parallel_loop3A_739 = arith.constant 1 : i32
        %parallel_loop3A_740 = arith.index_cast %parallel_loop3A_739 : i32 to index
        %parallel_loop3A_741 = arith.index_cast %parallel_loop3A_665 : i32 to index
        %parallel_loop3A_742 = arith.constant 64 : index
        %parallel_loop3A_743 = tpu.vector_load %arg11[%parallel_loop3A_740, %parallel_loop3A_741, %parallel_loop3A_742] {strides = array<i32>} : memref<5x40x128xf32, #tpu.memory_space<vmem>>, vector<1x1x16xf32>,
        %parallel_loop3A_744 = vector.shape_cast %parallel_loop3A_743 : vector<1x1x16xf32> to vector<16xf32>
        %parallel_loop3A_745 = arith.constant 2.000000e+00 : f32
        %parallel_loop3A_746 = vector.broadcast %parallel_loop3A_745 : f32 to vector<16xf32>
        %parallel_loop3A_747 = arith.mulf %parallel_loop3A_670, %parallel_loop3A_746 : vector<16xf32>
        %parallel_loop3A_748 = arith.mulf %parallel_loop3A_744, %parallel_loop3A_747 : vector<16xf32>
        %parallel_loop3A_749 = arith.constant 1 : i32
        %parallel_loop3A_750 = arith.index_cast %parallel_loop3A_749 : i32 to index
        %parallel_loop3A_751 = arith.index_cast %parallel_loop3A_665 : i32 to index
        %parallel_loop3A_752 = arith.constant 64 : index
        %parallel_loop3A_753 = tpu.vector_load %arg11[%parallel_loop3A_750, %parallel_loop3A_751, %parallel_loop3A_752] {strides = array<i32>} : memref<5x40x128xf32, #tpu.memory_space<vmem>>, vector<1x1x16xf32>,
        %parallel_loop3A_754 = vector.shape_cast %parallel_loop3A_753 : vector<1x1x16xf32> to vector<16xf32>
        %parallel_loop3A_755 = vector.shape_cast %parallel_loop3A_748 : vector<16xf32> to vector<1x1x16xf32>
        tpu.vector_store %arg11[%parallel_loop3A_750, %parallel_loop3A_751, %parallel_loop3A_752], %parallel_loop3A_755 {strides = array<i32>} : memref<5x40x128xf32, #tpu.memory_space<vmem>>, vector<1x1x16xf32>,
        %parallel_loop3A_756 = arith.constant 1 : i32
        %parallel_loop3A_757 = arith.index_cast %parallel_loop3A_756 : i32 to index
        %parallel_loop3A_758 = arith.index_cast %parallel_loop3A_665 : i32 to index
        %parallel_loop3A_759 = arith.constant 80 : index
        %parallel_loop3A_760 = tpu.vector_load %arg11[%parallel_loop3A_757, %parallel_loop3A_758, %parallel_loop3A_759] {strides = array<i32>} : memref<5x40x128xf32, #tpu.memory_space<vmem>>, vector<1x1x16xf32>,
        %parallel_loop3A_761 = vector.shape_cast %parallel_loop3A_760 : vector<1x1x16xf32> to vector<16xf32>
        %parallel_loop3A_762 = arith.constant 1.500000e+00 : f32
        %parallel_loop3A_763 = vector.broadcast %parallel_loop3A_762 : f32 to vector<16xf32>
        %parallel_loop3A_764 = arith.mulf %parallel_loop3A_670, %parallel_loop3A_763 : vector<16xf32>
        %parallel_loop3A_765 = arith.mulf %parallel_loop3A_761, %parallel_loop3A_764 : vector<16xf32>
        %parallel_loop3A_766 = arith.constant 1 : i32
        %parallel_loop3A_767 = arith.index_cast %parallel_loop3A_766 : i32 to index
        %parallel_loop3A_768 = arith.index_cast %parallel_loop3A_665 : i32 to index
        %parallel_loop3A_769 = arith.constant 80 : index
        %parallel_loop3A_770 = tpu.vector_load %arg11[%parallel_loop3A_767, %parallel_loop3A_768, %parallel_loop3A_769] {strides = array<i32>} : memref<5x40x128xf32, #tpu.memory_space<vmem>>, vector<1x1x16xf32>,
        %parallel_loop3A_771 = vector.shape_cast %parallel_loop3A_770 : vector<1x1x16xf32> to vector<16xf32>
        %parallel_loop3A_772 = vector.shape_cast %parallel_loop3A_765 : vector<16xf32> to vector<1x1x16xf32>
        tpu.vector_store %arg11[%parallel_loop3A_767, %parallel_loop3A_768, %parallel_loop3A_769], %parallel_loop3A_772 {strides = array<i32>} : memref<5x40x128xf32, #tpu.memory_space<vmem>>, vector<1x1x16xf32>,
        %parallel_loop3A_773 = arith.constant 1 : i32
        %parallel_loop3A_774 = arith.index_cast %parallel_loop3A_773 : i32 to index
        %parallel_loop3A_775 = arith.index_cast %parallel_loop3A_665 : i32 to index
        %parallel_loop3A_776 = arith.constant 96 : index
        %parallel_loop3A_777 = tpu.vector_load %arg11[%parallel_loop3A_774, %parallel_loop3A_775, %parallel_loop3A_776] {strides = array<i32>} : memref<5x40x128xf32, #tpu.memory_space<vmem>>, vector<1x1x16xf32>,
        %parallel_loop3A_778 = vector.shape_cast %parallel_loop3A_777 : vector<1x1x16xf32> to vector<16xf32>
        %parallel_loop3A_779 = arith.constant 7.500000e-01 : f32
        %parallel_loop3A_780 = vector.broadcast %parallel_loop3A_779 : f32 to vector<16xf32>
        %parallel_loop3A_781 = arith.mulf %parallel_loop3A_670, %parallel_loop3A_780 : vector<16xf32>
        %parallel_loop3A_782 = arith.mulf %parallel_loop3A_778, %parallel_loop3A_781 : vector<16xf32>
        %parallel_loop3A_783 = arith.constant 1 : i32
        %parallel_loop3A_784 = arith.index_cast %parallel_loop3A_783 : i32 to index
        %parallel_loop3A_785 = arith.index_cast %parallel_loop3A_665 : i32 to index
        %parallel_loop3A_786 = arith.constant 96 : index
        %parallel_loop3A_787 = tpu.vector_load %arg11[%parallel_loop3A_784, %parallel_loop3A_785, %parallel_loop3A_786] {strides = array<i32>} : memref<5x40x128xf32, #tpu.memory_space<vmem>>, vector<1x1x16xf32>,
        %parallel_loop3A_788 = vector.shape_cast %parallel_loop3A_787 : vector<1x1x16xf32> to vector<16xf32>
        %parallel_loop3A_789 = vector.shape_cast %parallel_loop3A_782 : vector<16xf32> to vector<1x1x16xf32>
        tpu.vector_store %arg11[%parallel_loop3A_784, %parallel_loop3A_785, %parallel_loop3A_786], %parallel_loop3A_789 {strides = array<i32>} : memref<5x40x128xf32, #tpu.memory_space<vmem>>, vector<1x1x16xf32>,
        %parallel_loop3A_790 = arith.constant 1 : i32
        %parallel_loop3A_791 = arith.index_cast %parallel_loop3A_790 : i32 to index
        %parallel_loop3A_792 = arith.index_cast %parallel_loop3A_665 : i32 to index
        %parallel_loop3A_793 = arith.constant 112 : index
        %parallel_loop3A_794 = tpu.vector_load %arg11[%parallel_loop3A_791, %parallel_loop3A_792, %parallel_loop3A_793] {strides = array<i32>} : memref<5x40x128xf32, #tpu.memory_space<vmem>>, vector<1x1x16xf32>,
        %parallel_loop3A_795 = vector.shape_cast %parallel_loop3A_794 : vector<1x1x16xf32> to vector<16xf32>
        %parallel_loop3A_796 = arith.constant 3.750000e-01 : f32
        %parallel_loop3A_797 = vector.broadcast %parallel_loop3A_796 : f32 to vector<16xf32>
        %parallel_loop3A_798 = arith.mulf %parallel_loop3A_670, %parallel_loop3A_797 : vector<16xf32>
        %parallel_loop3A_799 = arith.mulf %parallel_loop3A_795, %parallel_loop3A_798 : vector<16xf32>
        %parallel_loop3A_800 = arith.constant 1 : i32
        %parallel_loop3A_801 = arith.index_cast %parallel_loop3A_800 : i32 to index
        %parallel_loop3A_802 = arith.index_cast %parallel_loop3A_665 : i32 to index
        %parallel_loop3A_803 = arith.constant 112 : index
        %parallel_loop3A_804 = tpu.vector_load %arg11[%parallel_loop3A_801, %parallel_loop3A_802, %parallel_loop3A_803] {strides = array<i32>} : memref<5x40x128xf32, #tpu.memory_space<vmem>>, vector<1x1x16xf32>,
        %parallel_loop3A_805 = vector.shape_cast %parallel_loop3A_804 : vector<1x1x16xf32> to vector<16xf32>
        %parallel_loop3A_806 = vector.shape_cast %parallel_loop3A_799 : vector<16xf32> to vector<1x1x16xf32>
        tpu.vector_store %arg11[%parallel_loop3A_801, %parallel_loop3A_802, %parallel_loop3A_803], %parallel_loop3A_806 {strides = array<i32>} : memref<5x40x128xf32, #tpu.memory_space<vmem>>, vector<1x1x16xf32>,
      } {sc.loop_unroll_factor = 8 : i64, sc.parallel_access}
      %mul3A_425 = arith.constant 5 : i32
      %mul3A_426 = arith.muli %rem3A_291, %mul3A_425 : i32
      %add3A_427 = arith.constant 1 : i32
      %add3A_428 = arith.addi %mul3A_426, %add3A_427 : i32
      %dma_start3A_429 = arith.constant 1 : i32
      %dma_start3A_430 = arith.constant 1 : i32
      %dma_start3A_431 = arith.constant 0 : i32
      %dma_start3A_432 = arith.constant 0 : i32
      %dma_start3A_433 = tpu.memref_slice %arg11[%dma_start3A_429, %dma_start3A_431, %dma_start3A_432] : memref<5x40x128xf32, #tpu.memory_space<vmem>> -> memref<1x40x128xf32, #tpu.memory_space<vmem>>
      %dma_start3A_434 = tpu.memref_squeeze %dma_start3A_433 : memref<1x40x128xf32, #tpu.memory_space<vmem>> -> memref<40x128xf32, #tpu.memory_space<vmem>>
      %dma_start3A_435 = arith.constant 0 : i32
      %dma_start3A_436 = tpu.memref_slice %arg9[%add3A_428, %dma_start3A_435] : memref<15x40xi32, #tpu.memory_space<vmem>> -> memref<1x40xi32, #tpu.memory_space<vmem>>
      %dma_start3A_437 = tpu.memref_squeeze %dma_start3A_436 : memref<1x40xi32, #tpu.memory_space<vmem>> -> memref<40xi32, #tpu.memory_space<vmem>>
      %dma_start3A_438 = arith.constant 0 : i32
      %dma_start3A_439 = arith.constant 0 : i32
      %dma_start3A_440 = tpu.memref_slice %arg12[%dma_start3A_438, %dma_start3A_439] : memref<10000x128xf32, #tpu.memory_space<vmem_shared>> -> memref<10000x128xf32, #tpu.memory_space<vmem_shared>>
      %dma_start3A_441 = tpu.memref_slice %arg14[%dma_start3A_430] : memref<5x!tpu.dma_semaphore, #tpu.memory_space<semaphore_mem>> -> memref<1x!tpu.dma_semaphore, #tpu.memory_space<semaphore_mem>>
      %dma_start3A_442 = tpu.memref_squeeze %dma_start3A_441 : memref<1x!tpu.dma_semaphore, #tpu.memory_space<semaphore_mem>> -> memref<!tpu.dma_semaphore, #tpu.memory_space<semaphore_mem>>
      tpu.enqueue_indirect_dma source(%dma_start3A_434 : memref<40x128xf32, #tpu.memory_space<vmem>>) target(%dma_start3A_440 : memref<10000x128xf32, #tpu.memory_space<vmem_shared>>) offsets(%dma_start3A_437 : memref<40xi32, #tpu.memory_space<vmem>>) semaphore(%dma_start3A_442 : memref<!tpu.dma_semaphore, #tpu.memory_space<semaphore_mem>>) {add = true}
      %add3A_443 = arith.constant 5 : i32
      %add3A_444 = arith.addi %add3A_384, %add3A_443 : i32
      %sub3A_445 = arith.constant 1 : i32
      %sub3A_446 = arith.subi %add3A_444, %sub3A_445 : i32
      %lt3A_447 = arith.constant 250 : i32
      %lt3A_448 = arith.cmpi slt, %sub3A_446, %lt3A_447 : i32
      %convert_element_type3A_449 = arith.extui %lt3A_448 : i1 to i32
      %cond3A_450 = arith.constant 0 : i32
      %cond3A_451 = arith.cmpi ne, %convert_element_type3A_449, %cond3A_450 : i32
      scf.if %cond3A_451 {
        %ge3A = arith.constant 1 : i32
        %ge3A_665 = arith.cmpi sge, %add3A_384, %ge3A : i32
        %convert_element_type3A_666 = arith.extui %ge3A_665 : i1 to i32
        %cond3A_667 = arith.constant 0 : i32
        %cond3A_668 = arith.cmpi ne, %convert_element_type3A_666, %cond3A_667 : i32
        scf.if %cond3A_668 {
          %sub3A_745 = arith.constant 1 : i32
          %sub3A_746 = arith.subi %add3A_384, %sub3A_745 : i32
          %jit3A_747 = arith.constant 5 : i32
          %div3A_748 = arith.divsi %sub3A_746, %jit3A_747 : i32
          %sign3A_749 = arith.constant 0 : i32
          %sign3A_750 = arith.cmpi sgt, %sub3A_746, %sign3A_749 : i32
          %sign3A_751 = arith.extui %sign3A_750 : i1 to i32
          %sign3A_752 = arith.constant 0 : i32
          %sign3A_753 = arith.cmpi slt, %sub3A_746, %sign3A_752 : i32
          %sign3A_754 = arith.extui %sign3A_753 : i1 to i32
          %sign3A_755 = arith.subi %sign3A_751, %sign3A_754 : i32
          %sign3A_756 = arith.constant 0 : i32
          %sign3A_757 = arith.cmpi sgt, %jit3A_747, %sign3A_756 : i32
          %sign3A_758 = arith.extui %sign3A_757 : i1 to i32
          %sign3A_759 = arith.constant 0 : i32
          %sign3A_760 = arith.cmpi slt, %jit3A_747, %sign3A_759 : i32
          %sign3A_761 = arith.extui %sign3A_760 : i1 to i32
          %sign3A_762 = arith.subi %sign3A_758, %sign3A_761 : i32
          %ne3A_763 = arith.cmpi ne, %sign3A_755, %sign3A_762 : i32
          %rem3A_764 = arith.remsi %sub3A_746, %jit3A_747 : i32
          %ne3A_765 = arith.constant 0 : i32
          %ne3A_766 = arith.cmpi ne, %rem3A_764, %ne3A_765 : i32
          %and3A_767 = arith.andi %ne3A_763, %ne3A_766 : i1
          %sub3A_768 = arith.constant 1 : i32
          %sub3A_769 = arith.subi %div3A_748, %sub3A_768 : i32
          %select_n3A_770 = arith.select %and3A_767, %sub3A_769, %div3A_748 : i32
          %rem3A_771 = arith.constant 3 : i32
          %rem3A_772 = arith.remsi %select_n3A_770, %rem3A_771 : i32
          %mul3A_773 = arith.constant 5 : i32
          %mul3A_774 = arith.muli %rem3A_772, %mul3A_773 : i32
          %add3A_775 = arith.constant 0 : i32
          %add3A_776 = arith.addi %mul3A_774, %add3A_775 : i32
          %dma_wait3A_777 = arith.constant 0 : i32
          %dma_wait3A_778 = arith.constant 0 : i32
          %dma_wait3A_779 = arith.constant 0 : i32
          %dma_wait3A_780 = arith.constant 0 : i32
          %dma_wait3A_781 = tpu.memref_slice %arg11[%dma_wait3A_777, %dma_wait3A_779, %dma_wait3A_780] : memref<5x40x128xf32, #tpu.memory_space<vmem>> -> memref<1x40x128xf32, #tpu.memory_space<vmem>>
          %dma_wait3A_782 = tpu.memref_squeeze %dma_wait3A_781 : memref<1x40x128xf32, #tpu.memory_space<vmem>> -> memref<40x128xf32, #tpu.memory_space<vmem>>
          %dma_wait3A_783 = arith.constant 0 : i32
          %dma_wait3A_784 = tpu.memref_slice %arg9[%add3A_776, %dma_wait3A_783] : memref<15x40xi32, #tpu.memory_space<vmem>> -> memref<1x40xi32, #tpu.memory_space<vmem>>
          %dma_wait3A_785 = tpu.memref_squeeze %dma_wait3A_784 : memref<1x40xi32, #tpu.memory_space<vmem>> -> memref<40xi32, #tpu.memory_space<vmem>>
          %dma_wait3A_786 = arith.constant 0 : i32
          %dma_wait3A_787 = arith.constant 0 : i32
          %dma_wait3A_788 = tpu.memref_slice %arg12[%dma_wait3A_786, %dma_wait3A_787] : memref<10000x128xf32, #tpu.memory_space<vmem_shared>> -> memref<10000x128xf32, #tpu.memory_space<vmem_shared>>
          %dma_wait3A_789 = tpu.memref_slice %arg14[%dma_wait3A_778] : memref<5x!tpu.dma_semaphore, #tpu.memory_space<semaphore_mem>> -> memref<1x!tpu.dma_semaphore, #tpu.memory_space<semaphore_mem>>
          %dma_wait3A_790 = tpu.memref_squeeze %dma_wait3A_789 : memref<1x!tpu.dma_semaphore, #tpu.memory_space<semaphore_mem>> -> memref<!tpu.dma_semaphore, #tpu.memory_space<semaphore_mem>>
          tpu.wait_indirect_dma semaphore(%dma_wait3A_790 : memref<!tpu.dma_semaphore, #tpu.memory_space<semaphore_mem>>) src(%dma_wait3A_782 : memref<40x128xf32, #tpu.memory_space<vmem>>) dst(%dma_wait3A_788 : memref<10000x128xf32, #tpu.memory_space<vmem_shared>>)
        } else {
        }
        %add3A_669 = arith.constant 1 : i32
        %add3A_670 = arith.addi %scan3A_290, %add3A_669 : i32
        %add3A_671 = arith.constant 1 : i32
        %add3A_672 = arith.addi %scan3A_290, %add3A_671 : i32
        %rem3A_673 = arith.constant 3 : i32
        %rem3A_674 = arith.remsi %add3A_672, %rem3A_673 : i32
        %mul3A_675 = arith.constant 200 : i32
        %mul3A_676 = arith.muli %add3A_670, %mul3A_675 : i32
        %add3A_677 = arith.addi %mul3A_8, %mul3A_676 : i32
        %mul3A_678 = arith.constant 200 : i32
        %mul3A_679 = arith.muli %rem3A_674, %mul3A_678 : i32
        %dma_wait3A_680 = tpu.memref_slice %arg8[%mul3A_679] : memref<600xi32, #tpu.memory_space<vmem>> -> memref<200xi32, #tpu.memory_space<vmem>>
        %dma_wait3A_681 = tpu.memref_slice %arg4[%add3A_677] : memref<320000xi32, #tpu.memory_space<hbm>> -> memref<200xi32, #tpu.memory_space<hbm>>
        %dma_wait3A_682 = tpu.memref_slice %arg16[%rem3A_674] : memref<3x!tpu.dma_semaphore, #tpu.memory_space<semaphore_mem>> -> memref<1x!tpu.dma_semaphore, #tpu.memory_space<semaphore_mem>>
        %dma_wait3A_683 = tpu.memref_squeeze %dma_wait3A_682 : memref<1x!tpu.dma_semaphore, #tpu.memory_space<semaphore_mem>> -> memref<!tpu.dma_semaphore, #tpu.memory_space<semaphore_mem>>
        %dma_wait3A_684 = tpu.memref_slice %arg8[%mul3A_679] : memref<600xi32, #tpu.memory_space<vmem>> -> memref<200xi32, #tpu.memory_space<vmem>>
        %dma_wait3A_685 = tpu.memref_slice %arg4[%add3A_677] : memref<320000xi32, #tpu.memory_space<hbm>> -> memref<200xi32, #tpu.memory_space<hbm>>
        tpu.wait_dma2 semaphore(%dma_wait3A_683 : memref<!tpu.dma_semaphore, #tpu.memory_space<semaphore_mem>>) src(%dma_wait3A_685 : memref<200xi32, #tpu.memory_space<hbm>>) dst(%dma_wait3A_684 : memref<200xi32, #tpu.memory_space<vmem>>)
        %rem3A_686 = arith.constant 4 : i32
        %rem3A_687 = arith.remsi %sub3A_446, %rem3A_686 : i32
        %mul3A_688 = arith.constant 40 : i32
        %mul3A_689 = arith.muli %sub3A_446, %mul3A_688 : i32
        %add3A_690 = arith.addi %mul3A_8, %mul3A_689 : i32
        %dma_start3A_691 = arith.constant 0 : i32
        %dma_start3A_692 = arith.constant 0 : i32
        %dma_start3A_693 = tpu.memref_slice %arg10[%rem3A_687, %dma_start3A_691, %dma_start3A_692] : memref<4x40x16xf32, #tpu.memory_space<vmem>> -> memref<1x40x16xf32, #tpu.memory_space<vmem>>
        %dma_start3A_694 = tpu.memref_squeeze %dma_start3A_693 : memref<1x40x16xf32, #tpu.memory_space<vmem>> -> memref<40x16xf32, #tpu.memory_space<vmem>>
        %dma_start3A_695 = arith.constant 0 : i32
        %dma_start3A_696 = tpu.memref_slice %arg3[%add3A_690, %dma_start3A_695] : memref<320000x16xf32, #tpu.memory_space<hbm>> -> memref<40x16xf32, #tpu.memory_space<hbm>>
        %dma_start3A_697 = tpu.memref_slice %arg15[%rem3A_687] : memref<4x!tpu.dma_semaphore, #tpu.memory_space<semaphore_mem>> -> memref<1x!tpu.dma_semaphore, #tpu.memory_space<semaphore_mem>>
        %dma_start3A_698 = tpu.memref_squeeze %dma_start3A_697 : memref<1x!tpu.dma_semaphore, #tpu.memory_space<semaphore_mem>> -> memref<!tpu.dma_semaphore, #tpu.memory_space<semaphore_mem>>
        %dma_start3A_699 = arith.constant 0 : i32
        %dma_start3A_700 = arith.constant 0 : i32
        %dma_start3A_701 = tpu.memref_slice %arg10[%rem3A_687, %dma_start3A_699, %dma_start3A_700] : memref<4x40x16xf32, #tpu.memory_space<vmem>> -> memref<1x40x16xf32, #tpu.memory_space<vmem>>
        %dma_start3A_702 = tpu.memref_squeeze %dma_start3A_701 : memref<1x40x16xf32, #tpu.memory_space<vmem>> -> memref<40x16xf32, #tpu.memory_space<vmem>>
        %dma_start3A_703 = arith.constant 0 : i32
        %dma_start3A_704 = tpu.memref_slice %arg3[%add3A_690, %dma_start3A_703] : memref<320000x16xf32, #tpu.memory_space<hbm>> -> memref<40x16xf32, #tpu.memory_space<hbm>>
        tpu.enqueue_dma source(%dma_start3A_704 : memref<40x16xf32, #tpu.memory_space<hbm>>) target(%dma_start3A_702 : memref<40x16xf32, #tpu.memory_space<vmem>>) target_semaphore(%dma_start3A_698 : memref<!tpu.dma_semaphore, #tpu.memory_space<semaphore_mem>>)
        %jit3A = arith.constant 5 : i32
        %div3A = arith.divsi %sub3A_446, %jit3A : i32
        %sign3A = arith.constant 0 : i32
        %sign3A_705 = arith.cmpi sgt, %sub3A_446, %sign3A : i32
        %sign3A_706 = arith.extui %sign3A_705 : i1 to i32
        %sign3A_707 = arith.constant 0 : i32
        %sign3A_708 = arith.cmpi slt, %sub3A_446, %sign3A_707 : i32
        %sign3A_709 = arith.extui %sign3A_708 : i1 to i32
        %sign3A_710 = arith.subi %sign3A_706, %sign3A_709 : i32
        %sign3A_711 = arith.constant 0 : i32
        %sign3A_712 = arith.cmpi sgt, %jit3A, %sign3A_711 : i32
        %sign3A_713 = arith.extui %sign3A_712 : i1 to i32
        %sign3A_714 = arith.constant 0 : i32
        %sign3A_715 = arith.cmpi slt, %jit3A, %sign3A_714 : i32
        %sign3A_716 = arith.extui %sign3A_715 : i1 to i32
        %sign3A_717 = arith.subi %sign3A_713, %sign3A_716 : i32
        %ne3A = arith.cmpi ne, %sign3A_710, %sign3A_717 : i32
        %rem3A_718 = arith.remsi %sub3A_446, %jit3A : i32
        %ne3A_719 = arith.constant 0 : i32
        %ne3A_720 = arith.cmpi ne, %rem3A_718, %ne3A_719 : i32
        %and3A = arith.andi %ne3A, %ne3A_720 : i1
        %sub3A_721 = arith.constant 1 : i32
        %sub3A_722 = arith.subi %div3A, %sub3A_721 : i32
        %select_n3A = arith.select %and3A, %sub3A_722, %div3A : i32
        %rem3A_723 = arith.constant 3 : i32
        %rem3A_724 = arith.remsi %select_n3A, %rem3A_723 : i32
        %mul3A_725 = arith.constant 5 : i32
        %mul3A_726 = arith.muli %rem3A_724, %mul3A_725 : i32
        %mul3A_727 = arith.constant 5 : i32
        %mul3A_728 = arith.muli %select_n3A, %mul3A_727 : i32
        %sub3A_729 = arith.subi %sub3A_446, %mul3A_728 : i32
        %add3A_730 = arith.addi %mul3A_726, %sub3A_729 : i32
        %mul3A_731 = arith.constant 40 : i32
        %mul3A_732 = arith.muli %add3A_730, %mul3A_731 : i32
        %dma_start3A_733 = arith.constant 0 : i32
        %dma_start3A_734 = arith.constant 0 : i32
        %dma_start3A_735 = arith.constant 0 : i32
        %dma_start3A_736 = arith.constant 0 : i32
        %dma_start3A_737 = tpu.memref_slice %arg11[%dma_start3A_733, %dma_start3A_735, %dma_start3A_736] : memref<5x40x128xf32, #tpu.memory_space<vmem>> -> memref<1x40x128xf32, #tpu.memory_space<vmem>>
        %dma_start3A_738 = tpu.memref_squeeze %dma_start3A_737 : memref<1x40x128xf32, #tpu.memory_space<vmem>> -> memref<40x128xf32, #tpu.memory_space<vmem>>
        %dma_start3A_739 = tpu.memref_slice %arg8[%mul3A_732] : memref<600xi32, #tpu.memory_space<vmem>> -> memref<40xi32, #tpu.memory_space<vmem>>
        %dma_start3A_740 = arith.constant 0 : i32
        %dma_start3A_741 = arith.constant 0 : i32
        %dma_start3A_742 = tpu.memref_slice %arg2[%dma_start3A_740, %dma_start3A_741] : memref<10000x128xf32, #tpu.memory_space<hbm>> -> memref<10000x128xf32, #tpu.memory_space<hbm>>
        %dma_start3A_743 = tpu.memref_slice %arg13[%dma_start3A_734] : memref<5x!tpu.dma_semaphore, #tpu.memory_space<semaphore_mem>> -> memref<1x!tpu.dma_semaphore, #tpu.memory_space<semaphore_mem>>
        %dma_start3A_744 = tpu.memref_squeeze %dma_start3A_743 : memref<1x!tpu.dma_semaphore, #tpu.memory_space<semaphore_mem>> -> memref<!tpu.dma_semaphore, #tpu.memory_space<semaphore_mem>>
        tpu.enqueue_indirect_dma source(%dma_start3A_742 : memref<10000x128xf32, #tpu.memory_space<hbm>>) target(%dma_start3A_738 : memref<40x128xf32, #tpu.memory_space<vmem>>) offsets(%dma_start3A_739 : memref<40xi32, #tpu.memory_space<vmem>>) semaphore(%dma_start3A_744 : memref<!tpu.dma_semaphore, #tpu.memory_space<semaphore_mem>>)
      } else {
      }
      %mul3A_452 = arith.constant 5 : i32
      %mul3A_453 = arith.muli %scan3A_290, %mul3A_452 : i32
      %add3A_454 = arith.constant 2 : i32
      %add3A_455 = arith.addi %mul3A_453, %add3A_454 : i32
      %rem3A_456 = arith.constant 4 : i32
      %rem3A_457 = arith.remsi %add3A_455, %rem3A_456 : i32
      %mul3A_458 = arith.constant 5 : i32
      %mul3A_459 = arith.muli %rem3A_291, %mul3A_458 : i32
      %add3A_460 = arith.constant 2 : i32
      %add3A_461 = arith.addi %mul3A_459, %add3A_460 : i32
      %mul3A_462 = arith.constant 40 : i32
      %mul3A_463 = arith.muli %add3A_461, %mul3A_462 : i32
      %dma_wait3A_464 = arith.constant 2 : i32
      %dma_wait3A_465 = arith.constant 2 : i32
      %dma_wait3A_466 = arith.constant 0 : i32
      %dma_wait3A_467 = arith.constant 0 : i32
      %dma_wait3A_468 = tpu.memref_slice %arg11[%dma_wait3A_464, %dma_wait3A_466, %dma_wait3A_467] : memref<5x40x128xf32, #tpu.memory_space<vmem>> -> memref<1x40x128xf32, #tpu.memory_space<vmem>>
      %dma_wait3A_469 = tpu.memref_squeeze %dma_wait3A_468 : memref<1x40x128xf32, #tpu.memory_space<vmem>> -> memref<40x128xf32, #tpu.memory_space<vmem>>
      %dma_wait3A_470 = tpu.memref_slice %arg8[%mul3A_463] : memref<600xi32, #tpu.memory_space<vmem>> -> memref<40xi32, #tpu.memory_space<vmem>>
      %dma_wait3A_471 = arith.constant 0 : i32
      %dma_wait3A_472 = arith.constant 0 : i32
      %dma_wait3A_473 = tpu.memref_slice %arg2[%dma_wait3A_471, %dma_wait3A_472] : memref<10000x128xf32, #tpu.memory_space<hbm>> -> memref<10000x128xf32, #tpu.memory_space<hbm>>
      %dma_wait3A_474 = tpu.memref_slice %arg13[%dma_wait3A_465] : memref<5x!tpu.dma_semaphore, #tpu.memory_space<semaphore_mem>> -> memref<1x!tpu.dma_semaphore, #tpu.memory_space<semaphore_mem>>
      %dma_wait3A_475 = tpu.memref_squeeze %dma_wait3A_474 : memref<1x!tpu.dma_semaphore, #tpu.memory_space<semaphore_mem>> -> memref<!tpu.dma_semaphore, #tpu.memory_space<semaphore_mem>>
      tpu.wait_indirect_dma semaphore(%dma_wait3A_475 : memref<!tpu.dma_semaphore, #tpu.memory_space<semaphore_mem>>) src(%dma_wait3A_473 : memref<10000x128xf32, #tpu.memory_space<hbm>>) dst(%dma_wait3A_469 : memref<40x128xf32, #tpu.memory_space<vmem>>)
      %mul3A_476 = arith.constant 40 : i32
      %mul3A_477 = arith.muli %add3A_455, %mul3A_476 : i32
      %add3A_478 = arith.addi %mul3A_8, %mul3A_477 : i32
      %dma_wait3A_479 = arith.constant 0 : i32
      %dma_wait3A_480 = arith.constant 0 : i32
      %dma_wait3A_481 = tpu.memref_slice %arg10[%rem3A_457, %dma_wait3A_479, %dma_wait3A_480] : memref<4x40x16xf32, #tpu.memory_space<vmem>> -> memref<1x40x16xf32, #tpu.memory_space<vmem>>
      %dma_wait3A_482 = tpu.memref_squeeze %dma_wait3A_481 : memref<1x40x16xf32, #tpu.memory_space<vmem>> -> memref<40x16xf32, #tpu.memory_space<vmem>>
      %dma_wait3A_483 = arith.constant 0 : i32
      %dma_wait3A_484 = tpu.memref_slice %arg3[%add3A_478, %dma_wait3A_483] : memref<320000x16xf32, #tpu.memory_space<hbm>> -> memref<40x16xf32, #tpu.memory_space<hbm>>
      %dma_wait3A_485 = tpu.memref_slice %arg15[%rem3A_457] : memref<4x!tpu.dma_semaphore, #tpu.memory_space<semaphore_mem>> -> memref<1x!tpu.dma_semaphore, #tpu.memory_space<semaphore_mem>>
      %dma_wait3A_486 = tpu.memref_squeeze %dma_wait3A_485 : memref<1x!tpu.dma_semaphore, #tpu.memory_space<semaphore_mem>> -> memref<!tpu.dma_semaphore, #tpu.memory_space<semaphore_mem>>
      %dma_wait3A_487 = arith.constant 0 : i32
      %dma_wait3A_488 = arith.constant 0 : i32
      %dma_wait3A_489 = tpu.memref_slice %arg10[%rem3A_457, %dma_wait3A_487, %dma_wait3A_488] : memref<4x40x16xf32, #tpu.memory_space<vmem>> -> memref<1x40x16xf32, #tpu.memory_space<vmem>>
      %dma_wait3A_490 = tpu.memref_squeeze %dma_wait3A_489 : memref<1x40x16xf32, #tpu.memory_space<vmem>> -> memref<40x16xf32, #tpu.memory_space<vmem>>
      %dma_wait3A_491 = arith.constant 0 : i32
      %dma_wait3A_492 = tpu.memref_slice %arg3[%add3A_478, %dma_wait3A_491] : memref<320000x16xf32, #tpu.memory_space<hbm>> -> memref<40x16xf32, #tpu.memory_space<hbm>>
      tpu.wait_dma2 semaphore(%dma_wait3A_486 : memref<!tpu.dma_semaphore, #tpu.memory_space<semaphore_mem>>) src(%dma_wait3A_492 : memref<40x16xf32, #tpu.memory_space<hbm>>) dst(%dma_wait3A_490 : memref<40x16xf32, #tpu.memory_space<vmem>>)
      %parallel_loop3A_493 = arith.constant 0 : i32
      %parallel_loop3A_494 = arith.constant 40 : i32
      %parallel_loop3A_495 = arith.constant 1 : i32
      scf.for %parallel_loop3A_665 = %parallel_loop3A_493 to %parallel_loop3A_494 step %parallel_loop3A_495  : i32 {
        %parallel_loop3A_666 = arith.index_cast %rem3A_457 : i32 to index
        %parallel_loop3A_667 = arith.index_cast %parallel_loop3A_665 : i32 to index
        %parallel_loop3A_668 = arith.constant 0 : index
        %parallel_loop3A_669 = tpu.vector_load %arg10[%parallel_loop3A_666, %parallel_loop3A_667, %parallel_loop3A_668] {strides = array<i32>} : memref<4x40x16xf32, #tpu.memory_space<vmem>>, vector<1x1x16xf32>,
        %parallel_loop3A_670 = vector.shape_cast %parallel_loop3A_669 : vector<1x1x16xf32> to vector<16xf32>
        %parallel_loop3A_671 = arith.constant 2 : i32
        %parallel_loop3A_672 = arith.index_cast %parallel_loop3A_671 : i32 to index
        %parallel_loop3A_673 = arith.index_cast %parallel_loop3A_665 : i32 to index
        %parallel_loop3A_674 = arith.constant 0 : index
        %parallel_loop3A_675 = tpu.vector_load %arg11[%parallel_loop3A_672, %parallel_loop3A_673, %parallel_loop3A_674] {strides = array<i32>} : memref<5x40x128xf32, #tpu.memory_space<vmem>>, vector<1x1x16xf32>,
        %parallel_loop3A_676 = vector.shape_cast %parallel_loop3A_675 : vector<1x1x16xf32> to vector<16xf32>
        %parallel_loop3A_677 = arith.constant 1.000000e+00 : f32
        %parallel_loop3A_678 = vector.broadcast %parallel_loop3A_677 : f32 to vector<16xf32>
        %parallel_loop3A_679 = arith.mulf %parallel_loop3A_670, %parallel_loop3A_678 : vector<16xf32>
        %parallel_loop3A_680 = arith.mulf %parallel_loop3A_676, %parallel_loop3A_679 : vector<16xf32>
        %parallel_loop3A_681 = arith.constant 2 : i32
        %parallel_loop3A_682 = arith.index_cast %parallel_loop3A_681 : i32 to index
        %parallel_loop3A_683 = arith.index_cast %parallel_loop3A_665 : i32 to index
        %parallel_loop3A_684 = arith.constant 0 : index
        %parallel_loop3A_685 = tpu.vector_load %arg11[%parallel_loop3A_682, %parallel_loop3A_683, %parallel_loop3A_684] {strides = array<i32>} : memref<5x40x128xf32, #tpu.memory_space<vmem>>, vector<1x1x16xf32>,
        %parallel_loop3A_686 = vector.shape_cast %parallel_loop3A_685 : vector<1x1x16xf32> to vector<16xf32>
        %parallel_loop3A_687 = vector.shape_cast %parallel_loop3A_680 : vector<16xf32> to vector<1x1x16xf32>
        tpu.vector_store %arg11[%parallel_loop3A_682, %parallel_loop3A_683, %parallel_loop3A_684], %parallel_loop3A_687 {strides = array<i32>} : memref<5x40x128xf32, #tpu.memory_space<vmem>>, vector<1x1x16xf32>,
        %parallel_loop3A_688 = arith.constant 2 : i32
        %parallel_loop3A_689 = arith.index_cast %parallel_loop3A_688 : i32 to index
        %parallel_loop3A_690 = arith.index_cast %parallel_loop3A_665 : i32 to index
        %parallel_loop3A_691 = arith.constant 16 : index
        %parallel_loop3A_692 = tpu.vector_load %arg11[%parallel_loop3A_689, %parallel_loop3A_690, %parallel_loop3A_691] {strides = array<i32>} : memref<5x40x128xf32, #tpu.memory_space<vmem>>, vector<1x1x16xf32>,
        %parallel_loop3A_693 = vector.shape_cast %parallel_loop3A_692 : vector<1x1x16xf32> to vector<16xf32>
        %parallel_loop3A_694 = arith.constant 5.000000e-01 : f32
        %parallel_loop3A_695 = vector.broadcast %parallel_loop3A_694 : f32 to vector<16xf32>
        %parallel_loop3A_696 = arith.mulf %parallel_loop3A_670, %parallel_loop3A_695 : vector<16xf32>
        %parallel_loop3A_697 = arith.mulf %parallel_loop3A_693, %parallel_loop3A_696 : vector<16xf32>
        %parallel_loop3A_698 = arith.constant 2 : i32
        %parallel_loop3A_699 = arith.index_cast %parallel_loop3A_698 : i32 to index
        %parallel_loop3A_700 = arith.index_cast %parallel_loop3A_665 : i32 to index
        %parallel_loop3A_701 = arith.constant 16 : index
        %parallel_loop3A_702 = tpu.vector_load %arg11[%parallel_loop3A_699, %parallel_loop3A_700, %parallel_loop3A_701] {strides = array<i32>} : memref<5x40x128xf32, #tpu.memory_space<vmem>>, vector<1x1x16xf32>,
        %parallel_loop3A_703 = vector.shape_cast %parallel_loop3A_702 : vector<1x1x16xf32> to vector<16xf32>
        %parallel_loop3A_704 = vector.shape_cast %parallel_loop3A_697 : vector<16xf32> to vector<1x1x16xf32>
        tpu.vector_store %arg11[%parallel_loop3A_699, %parallel_loop3A_700, %parallel_loop3A_701], %parallel_loop3A_704 {strides = array<i32>} : memref<5x40x128xf32, #tpu.memory_space<vmem>>, vector<1x1x16xf32>,
        %parallel_loop3A_705 = arith.constant 2 : i32
        %parallel_loop3A_706 = arith.index_cast %parallel_loop3A_705 : i32 to index
        %parallel_loop3A_707 = arith.index_cast %parallel_loop3A_665 : i32 to index
        %parallel_loop3A_708 = arith.constant 32 : index
        %parallel_loop3A_709 = tpu.vector_load %arg11[%parallel_loop3A_706, %parallel_loop3A_707, %parallel_loop3A_708] {strides = array<i32>} : memref<5x40x128xf32, #tpu.memory_space<vmem>>, vector<1x1x16xf32>,
        %parallel_loop3A_710 = vector.shape_cast %parallel_loop3A_709 : vector<1x1x16xf32> to vector<16xf32>
        %parallel_loop3A_711 = arith.constant 2.500000e-01 : f32
        %parallel_loop3A_712 = vector.broadcast %parallel_loop3A_711 : f32 to vector<16xf32>
        %parallel_loop3A_713 = arith.mulf %parallel_loop3A_670, %parallel_loop3A_712 : vector<16xf32>
        %parallel_loop3A_714 = arith.mulf %parallel_loop3A_710, %parallel_loop3A_713 : vector<16xf32>
        %parallel_loop3A_715 = arith.constant 2 : i32
        %parallel_loop3A_716 = arith.index_cast %parallel_loop3A_715 : i32 to index
        %parallel_loop3A_717 = arith.index_cast %parallel_loop3A_665 : i32 to index
        %parallel_loop3A_718 = arith.constant 32 : index
        %parallel_loop3A_719 = tpu.vector_load %arg11[%parallel_loop3A_716, %parallel_loop3A_717, %parallel_loop3A_718] {strides = array<i32>} : memref<5x40x128xf32, #tpu.memory_space<vmem>>, vector<1x1x16xf32>,
        %parallel_loop3A_720 = vector.shape_cast %parallel_loop3A_719 : vector<1x1x16xf32> to vector<16xf32>
        %parallel_loop3A_721 = vector.shape_cast %parallel_loop3A_714 : vector<16xf32> to vector<1x1x16xf32>
        tpu.vector_store %arg11[%parallel_loop3A_716, %parallel_loop3A_717, %parallel_loop3A_718], %parallel_loop3A_721 {strides = array<i32>} : memref<5x40x128xf32, #tpu.memory_space<vmem>>, vector<1x1x16xf32>,
        %parallel_loop3A_722 = arith.constant 2 : i32
        %parallel_loop3A_723 = arith.index_cast %parallel_loop3A_722 : i32 to index
        %parallel_loop3A_724 = arith.index_cast %parallel_loop3A_665 : i32 to index
        %parallel_loop3A_725 = arith.constant 48 : index
        %parallel_loop3A_726 = tpu.vector_load %arg11[%parallel_loop3A_723, %parallel_loop3A_724, %parallel_loop3A_725] {strides = array<i32>} : memref<5x40x128xf32, #tpu.memory_space<vmem>>, vector<1x1x16xf32>,
        %parallel_loop3A_727 = vector.shape_cast %parallel_loop3A_726 : vector<1x1x16xf32> to vector<16xf32>
        %parallel_loop3A_728 = arith.constant 1.250000e-01 : f32
        %parallel_loop3A_729 = vector.broadcast %parallel_loop3A_728 : f32 to vector<16xf32>
        %parallel_loop3A_730 = arith.mulf %parallel_loop3A_670, %parallel_loop3A_729 : vector<16xf32>
        %parallel_loop3A_731 = arith.mulf %parallel_loop3A_727, %parallel_loop3A_730 : vector<16xf32>
        %parallel_loop3A_732 = arith.constant 2 : i32
        %parallel_loop3A_733 = arith.index_cast %parallel_loop3A_732 : i32 to index
        %parallel_loop3A_734 = arith.index_cast %parallel_loop3A_665 : i32 to index
        %parallel_loop3A_735 = arith.constant 48 : index
        %parallel_loop3A_736 = tpu.vector_load %arg11[%parallel_loop3A_733, %parallel_loop3A_734, %parallel_loop3A_735] {strides = array<i32>} : memref<5x40x128xf32, #tpu.memory_space<vmem>>, vector<1x1x16xf32>,
        %parallel_loop3A_737 = vector.shape_cast %parallel_loop3A_736 : vector<1x1x16xf32> to vector<16xf32>
        %parallel_loop3A_738 = vector.shape_cast %parallel_loop3A_731 : vector<16xf32> to vector<1x1x16xf32>
        tpu.vector_store %arg11[%parallel_loop3A_733, %parallel_loop3A_734, %parallel_loop3A_735], %parallel_loop3A_738 {strides = array<i32>} : memref<5x40x128xf32, #tpu.memory_space<vmem>>, vector<1x1x16xf32>,
        %parallel_loop3A_739 = arith.constant 2 : i32
        %parallel_loop3A_740 = arith.index_cast %parallel_loop3A_739 : i32 to index
        %parallel_loop3A_741 = arith.index_cast %parallel_loop3A_665 : i32 to index
        %parallel_loop3A_742 = arith.constant 64 : index
        %parallel_loop3A_743 = tpu.vector_load %arg11[%parallel_loop3A_740, %parallel_loop3A_741, %parallel_loop3A_742] {strides = array<i32>} : memref<5x40x128xf32, #tpu.memory_space<vmem>>, vector<1x1x16xf32>,
        %parallel_loop3A_744 = vector.shape_cast %parallel_loop3A_743 : vector<1x1x16xf32> to vector<16xf32>
        %parallel_loop3A_745 = arith.constant 2.000000e+00 : f32
        %parallel_loop3A_746 = vector.broadcast %parallel_loop3A_745 : f32 to vector<16xf32>
        %parallel_loop3A_747 = arith.mulf %parallel_loop3A_670, %parallel_loop3A_746 : vector<16xf32>
        %parallel_loop3A_748 = arith.mulf %parallel_loop3A_744, %parallel_loop3A_747 : vector<16xf32>
        %parallel_loop3A_749 = arith.constant 2 : i32
        %parallel_loop3A_750 = arith.index_cast %parallel_loop3A_749 : i32 to index
        %parallel_loop3A_751 = arith.index_cast %parallel_loop3A_665 : i32 to index
        %parallel_loop3A_752 = arith.constant 64 : index
        %parallel_loop3A_753 = tpu.vector_load %arg11[%parallel_loop3A_750, %parallel_loop3A_751, %parallel_loop3A_752] {strides = array<i32>} : memref<5x40x128xf32, #tpu.memory_space<vmem>>, vector<1x1x16xf32>,
        %parallel_loop3A_754 = vector.shape_cast %parallel_loop3A_753 : vector<1x1x16xf32> to vector<16xf32>
        %parallel_loop3A_755 = vector.shape_cast %parallel_loop3A_748 : vector<16xf32> to vector<1x1x16xf32>
        tpu.vector_store %arg11[%parallel_loop3A_750, %parallel_loop3A_751, %parallel_loop3A_752], %parallel_loop3A_755 {strides = array<i32>} : memref<5x40x128xf32, #tpu.memory_space<vmem>>, vector<1x1x16xf32>,
        %parallel_loop3A_756 = arith.constant 2 : i32
        %parallel_loop3A_757 = arith.index_cast %parallel_loop3A_756 : i32 to index
        %parallel_loop3A_758 = arith.index_cast %parallel_loop3A_665 : i32 to index
        %parallel_loop3A_759 = arith.constant 80 : index
        %parallel_loop3A_760 = tpu.vector_load %arg11[%parallel_loop3A_757, %parallel_loop3A_758, %parallel_loop3A_759] {strides = array<i32>} : memref<5x40x128xf32, #tpu.memory_space<vmem>>, vector<1x1x16xf32>,
        %parallel_loop3A_761 = vector.shape_cast %parallel_loop3A_760 : vector<1x1x16xf32> to vector<16xf32>
        %parallel_loop3A_762 = arith.constant 1.500000e+00 : f32
        %parallel_loop3A_763 = vector.broadcast %parallel_loop3A_762 : f32 to vector<16xf32>
        %parallel_loop3A_764 = arith.mulf %parallel_loop3A_670, %parallel_loop3A_763 : vector<16xf32>
        %parallel_loop3A_765 = arith.mulf %parallel_loop3A_761, %parallel_loop3A_764 : vector<16xf32>
        %parallel_loop3A_766 = arith.constant 2 : i32
        %parallel_loop3A_767 = arith.index_cast %parallel_loop3A_766 : i32 to index
        %parallel_loop3A_768 = arith.index_cast %parallel_loop3A_665 : i32 to index
        %parallel_loop3A_769 = arith.constant 80 : index
        %parallel_loop3A_770 = tpu.vector_load %arg11[%parallel_loop3A_767, %parallel_loop3A_768, %parallel_loop3A_769] {strides = array<i32>} : memref<5x40x128xf32, #tpu.memory_space<vmem>>, vector<1x1x16xf32>,
        %parallel_loop3A_771 = vector.shape_cast %parallel_loop3A_770 : vector<1x1x16xf32> to vector<16xf32>
        %parallel_loop3A_772 = vector.shape_cast %parallel_loop3A_765 : vector<16xf32> to vector<1x1x16xf32>
        tpu.vector_store %arg11[%parallel_loop3A_767, %parallel_loop3A_768, %parallel_loop3A_769], %parallel_loop3A_772 {strides = array<i32>} : memref<5x40x128xf32, #tpu.memory_space<vmem>>, vector<1x1x16xf32>,
        %parallel_loop3A_773 = arith.constant 2 : i32
        %parallel_loop3A_774 = arith.index_cast %parallel_loop3A_773 : i32 to index
        %parallel_loop3A_775 = arith.index_cast %parallel_loop3A_665 : i32 to index
        %parallel_loop3A_776 = arith.constant 96 : index
        %parallel_loop3A_777 = tpu.vector_load %arg11[%parallel_loop3A_774, %parallel_loop3A_775, %parallel_loop3A_776] {strides = array<i32>} : memref<5x40x128xf32, #tpu.memory_space<vmem>>, vector<1x1x16xf32>,
        %parallel_loop3A_778 = vector.shape_cast %parallel_loop3A_777 : vector<1x1x16xf32> to vector<16xf32>
        %parallel_loop3A_779 = arith.constant 7.500000e-01 : f32
        %parallel_loop3A_780 = vector.broadcast %parallel_loop3A_779 : f32 to vector<16xf32>
        %parallel_loop3A_781 = arith.mulf %parallel_loop3A_670, %parallel_loop3A_780 : vector<16xf32>
        %parallel_loop3A_782 = arith.mulf %parallel_loop3A_778, %parallel_loop3A_781 : vector<16xf32>
        %parallel_loop3A_783 = arith.constant 2 : i32
        %parallel_loop3A_784 = arith.index_cast %parallel_loop3A_783 : i32 to index
        %parallel_loop3A_785 = arith.index_cast %parallel_loop3A_665 : i32 to index
        %parallel_loop3A_786 = arith.constant 96 : index
        %parallel_loop3A_787 = tpu.vector_load %arg11[%parallel_loop3A_784, %parallel_loop3A_785, %parallel_loop3A_786] {strides = array<i32>} : memref<5x40x128xf32, #tpu.memory_space<vmem>>, vector<1x1x16xf32>,
        %parallel_loop3A_788 = vector.shape_cast %parallel_loop3A_787 : vector<1x1x16xf32> to vector<16xf32>
        %parallel_loop3A_789 = vector.shape_cast %parallel_loop3A_782 : vector<16xf32> to vector<1x1x16xf32>
        tpu.vector_store %arg11[%parallel_loop3A_784, %parallel_loop3A_785, %parallel_loop3A_786], %parallel_loop3A_789 {strides = array<i32>} : memref<5x40x128xf32, #tpu.memory_space<vmem>>, vector<1x1x16xf32>,
        %parallel_loop3A_790 = arith.constant 2 : i32
        %parallel_loop3A_791 = arith.index_cast %parallel_loop3A_790 : i32 to index
        %parallel_loop3A_792 = arith.index_cast %parallel_loop3A_665 : i32 to index
        %parallel_loop3A_793 = arith.constant 112 : index
        %parallel_loop3A_794 = tpu.vector_load %arg11[%parallel_loop3A_791, %parallel_loop3A_792, %parallel_loop3A_793] {strides = array<i32>} : memref<5x40x128xf32, #tpu.memory_space<vmem>>, vector<1x1x16xf32>,
        %parallel_loop3A_795 = vector.shape_cast %parallel_loop3A_794 : vector<1x1x16xf32> to vector<16xf32>
        %parallel_loop3A_796 = arith.constant 3.750000e-01 : f32
        %parallel_loop3A_797 = vector.broadcast %parallel_loop3A_796 : f32 to vector<16xf32>
        %parallel_loop3A_798 = arith.mulf %parallel_loop3A_670, %parallel_loop3A_797 : vector<16xf32>
        %parallel_loop3A_799 = arith.mulf %parallel_loop3A_795, %parallel_loop3A_798 : vector<16xf32>
        %parallel_loop3A_800 = arith.constant 2 : i32
        %parallel_loop3A_801 = arith.index_cast %parallel_loop3A_800 : i32 to index
        %parallel_loop3A_802 = arith.index_cast %parallel_loop3A_665 : i32 to index
        %parallel_loop3A_803 = arith.constant 112 : index
        %parallel_loop3A_804 = tpu.vector_load %arg11[%parallel_loop3A_801, %parallel_loop3A_802, %parallel_loop3A_803] {strides = array<i32>} : memref<5x40x128xf32, #tpu.memory_space<vmem>>, vector<1x1x16xf32>,
        %parallel_loop3A_805 = vector.shape_cast %parallel_loop3A_804 : vector<1x1x16xf32> to vector<16xf32>
        %parallel_loop3A_806 = vector.shape_cast %parallel_loop3A_799 : vector<16xf32> to vector<1x1x16xf32>
        tpu.vector_store %arg11[%parallel_loop3A_801, %parallel_loop3A_802, %parallel_loop3A_803], %parallel_loop3A_806 {strides = array<i32>} : memref<5x40x128xf32, #tpu.memory_space<vmem>>, vector<1x1x16xf32>,
      } {sc.loop_unroll_factor = 8 : i64, sc.parallel_access}
      %mul3A_496 = arith.constant 5 : i32
      %mul3A_497 = arith.muli %rem3A_291, %mul3A_496 : i32
      %add3A_498 = arith.constant 2 : i32
      %add3A_499 = arith.addi %mul3A_497, %add3A_498 : i32
      %dma_start3A_500 = arith.constant 2 : i32
      %dma_start3A_501 = arith.constant 2 : i32
      %dma_start3A_502 = arith.constant 0 : i32
      %dma_start3A_503 = arith.constant 0 : i32
      %dma_start3A_504 = tpu.memref_slice %arg11[%dma_start3A_500, %dma_start3A_502, %dma_start3A_503] : memref<5x40x128xf32, #tpu.memory_space<vmem>> -> memref<1x40x128xf32, #tpu.memory_space<vmem>>
      %dma_start3A_505 = tpu.memref_squeeze %dma_start3A_504 : memref<1x40x128xf32, #tpu.memory_space<vmem>> -> memref<40x128xf32, #tpu.memory_space<vmem>>
      %dma_start3A_506 = arith.constant 0 : i32
      %dma_start3A_507 = tpu.memref_slice %arg9[%add3A_499, %dma_start3A_506] : memref<15x40xi32, #tpu.memory_space<vmem>> -> memref<1x40xi32, #tpu.memory_space<vmem>>
      %dma_start3A_508 = tpu.memref_squeeze %dma_start3A_507 : memref<1x40xi32, #tpu.memory_space<vmem>> -> memref<40xi32, #tpu.memory_space<vmem>>
      %dma_start3A_509 = arith.constant 0 : i32
      %dma_start3A_510 = arith.constant 0 : i32
      %dma_start3A_511 = tpu.memref_slice %arg12[%dma_start3A_509, %dma_start3A_510] : memref<10000x128xf32, #tpu.memory_space<vmem_shared>> -> memref<10000x128xf32, #tpu.memory_space<vmem_shared>>
      %dma_start3A_512 = tpu.memref_slice %arg14[%dma_start3A_501] : memref<5x!tpu.dma_semaphore, #tpu.memory_space<semaphore_mem>> -> memref<1x!tpu.dma_semaphore, #tpu.memory_space<semaphore_mem>>
      %dma_start3A_513 = tpu.memref_squeeze %dma_start3A_512 : memref<1x!tpu.dma_semaphore, #tpu.memory_space<semaphore_mem>> -> memref<!tpu.dma_semaphore, #tpu.memory_space<semaphore_mem>>
      tpu.enqueue_indirect_dma source(%dma_start3A_505 : memref<40x128xf32, #tpu.memory_space<vmem>>) target(%dma_start3A_511 : memref<10000x128xf32, #tpu.memory_space<vmem_shared>>) offsets(%dma_start3A_508 : memref<40xi32, #tpu.memory_space<vmem>>) semaphore(%dma_start3A_513 : memref<!tpu.dma_semaphore, #tpu.memory_space<semaphore_mem>>) {add = true}
      %add3A_514 = arith.constant 5 : i32
      %add3A_515 = arith.addi %add3A_455, %add3A_514 : i32
      %sub3A_516 = arith.constant 1 : i32
      %sub3A_517 = arith.subi %add3A_515, %sub3A_516 : i32
      %lt3A_518 = arith.constant 250 : i32
      %lt3A_519 = arith.cmpi slt, %sub3A_517, %lt3A_518 : i32
      %convert_element_type3A_520 = arith.extui %lt3A_519 : i1 to i32
      %cond3A_521 = arith.constant 0 : i32
      %cond3A_522 = arith.cmpi ne, %convert_element_type3A_520, %cond3A_521 : i32
      scf.if %cond3A_522 {
        %ge3A = arith.constant 1 : i32
        %ge3A_665 = arith.cmpi sge, %add3A_455, %ge3A : i32
        %convert_element_type3A_666 = arith.extui %ge3A_665 : i1 to i32
        %cond3A_667 = arith.constant 0 : i32
        %cond3A_668 = arith.cmpi ne, %convert_element_type3A_666, %cond3A_667 : i32
        scf.if %cond3A_668 {
          %sub3A_728 = arith.constant 1 : i32
          %sub3A_729 = arith.subi %add3A_455, %sub3A_728 : i32
          %jit3A_730 = arith.constant 5 : i32
          %div3A_731 = arith.divsi %sub3A_729, %jit3A_730 : i32
          %sign3A_732 = arith.constant 0 : i32
          %sign3A_733 = arith.cmpi sgt, %sub3A_729, %sign3A_732 : i32
          %sign3A_734 = arith.extui %sign3A_733 : i1 to i32
          %sign3A_735 = arith.constant 0 : i32
          %sign3A_736 = arith.cmpi slt, %sub3A_729, %sign3A_735 : i32
          %sign3A_737 = arith.extui %sign3A_736 : i1 to i32
          %sign3A_738 = arith.subi %sign3A_734, %sign3A_737 : i32
          %sign3A_739 = arith.constant 0 : i32
          %sign3A_740 = arith.cmpi sgt, %jit3A_730, %sign3A_739 : i32
          %sign3A_741 = arith.extui %sign3A_740 : i1 to i32
          %sign3A_742 = arith.constant 0 : i32
          %sign3A_743 = arith.cmpi slt, %jit3A_730, %sign3A_742 : i32
          %sign3A_744 = arith.extui %sign3A_743 : i1 to i32
          %sign3A_745 = arith.subi %sign3A_741, %sign3A_744 : i32
          %ne3A_746 = arith.cmpi ne, %sign3A_738, %sign3A_745 : i32
          %rem3A_747 = arith.remsi %sub3A_729, %jit3A_730 : i32
          %ne3A_748 = arith.constant 0 : i32
          %ne3A_749 = arith.cmpi ne, %rem3A_747, %ne3A_748 : i32
          %and3A_750 = arith.andi %ne3A_746, %ne3A_749 : i1
          %sub3A_751 = arith.constant 1 : i32
          %sub3A_752 = arith.subi %div3A_731, %sub3A_751 : i32
          %select_n3A_753 = arith.select %and3A_750, %sub3A_752, %div3A_731 : i32
          %rem3A_754 = arith.constant 3 : i32
          %rem3A_755 = arith.remsi %select_n3A_753, %rem3A_754 : i32
          %mul3A_756 = arith.constant 5 : i32
          %mul3A_757 = arith.muli %rem3A_755, %mul3A_756 : i32
          %add3A_758 = arith.constant 1 : i32
          %add3A_759 = arith.addi %mul3A_757, %add3A_758 : i32
          %dma_wait3A_760 = arith.constant 1 : i32
          %dma_wait3A_761 = arith.constant 1 : i32
          %dma_wait3A_762 = arith.constant 0 : i32
          %dma_wait3A_763 = arith.constant 0 : i32
          %dma_wait3A_764 = tpu.memref_slice %arg11[%dma_wait3A_760, %dma_wait3A_762, %dma_wait3A_763] : memref<5x40x128xf32, #tpu.memory_space<vmem>> -> memref<1x40x128xf32, #tpu.memory_space<vmem>>
          %dma_wait3A_765 = tpu.memref_squeeze %dma_wait3A_764 : memref<1x40x128xf32, #tpu.memory_space<vmem>> -> memref<40x128xf32, #tpu.memory_space<vmem>>
          %dma_wait3A_766 = arith.constant 0 : i32
          %dma_wait3A_767 = tpu.memref_slice %arg9[%add3A_759, %dma_wait3A_766] : memref<15x40xi32, #tpu.memory_space<vmem>> -> memref<1x40xi32, #tpu.memory_space<vmem>>
          %dma_wait3A_768 = tpu.memref_squeeze %dma_wait3A_767 : memref<1x40xi32, #tpu.memory_space<vmem>> -> memref<40xi32, #tpu.memory_space<vmem>>
          %dma_wait3A_769 = arith.constant 0 : i32
          %dma_wait3A_770 = arith.constant 0 : i32
          %dma_wait3A_771 = tpu.memref_slice %arg12[%dma_wait3A_769, %dma_wait3A_770] : memref<10000x128xf32, #tpu.memory_space<vmem_shared>> -> memref<10000x128xf32, #tpu.memory_space<vmem_shared>>
          %dma_wait3A_772 = tpu.memref_slice %arg14[%dma_wait3A_761] : memref<5x!tpu.dma_semaphore, #tpu.memory_space<semaphore_mem>> -> memref<1x!tpu.dma_semaphore, #tpu.memory_space<semaphore_mem>>
          %dma_wait3A_773 = tpu.memref_squeeze %dma_wait3A_772 : memref<1x!tpu.dma_semaphore, #tpu.memory_space<semaphore_mem>> -> memref<!tpu.dma_semaphore, #tpu.memory_space<semaphore_mem>>
          tpu.wait_indirect_dma semaphore(%dma_wait3A_773 : memref<!tpu.dma_semaphore, #tpu.memory_space<semaphore_mem>>) src(%dma_wait3A_765 : memref<40x128xf32, #tpu.memory_space<vmem>>) dst(%dma_wait3A_771 : memref<10000x128xf32, #tpu.memory_space<vmem_shared>>)
        } else {
        }
        %rem3A_669 = arith.constant 4 : i32
        %rem3A_670 = arith.remsi %sub3A_517, %rem3A_669 : i32
        %mul3A_671 = arith.constant 40 : i32
        %mul3A_672 = arith.muli %sub3A_517, %mul3A_671 : i32
        %add3A_673 = arith.addi %mul3A_8, %mul3A_672 : i32
        %dma_start3A_674 = arith.constant 0 : i32
        %dma_start3A_675 = arith.constant 0 : i32
        %dma_start3A_676 = tpu.memref_slice %arg10[%rem3A_670, %dma_start3A_674, %dma_start3A_675] : memref<4x40x16xf32, #tpu.memory_space<vmem>> -> memref<1x40x16xf32, #tpu.memory_space<vmem>>
        %dma_start3A_677 = tpu.memref_squeeze %dma_start3A_676 : memref<1x40x16xf32, #tpu.memory_space<vmem>> -> memref<40x16xf32, #tpu.memory_space<vmem>>
        %dma_start3A_678 = arith.constant 0 : i32
        %dma_start3A_679 = tpu.memref_slice %arg3[%add3A_673, %dma_start3A_678] : memref<320000x16xf32, #tpu.memory_space<hbm>> -> memref<40x16xf32, #tpu.memory_space<hbm>>
        %dma_start3A_680 = tpu.memref_slice %arg15[%rem3A_670] : memref<4x!tpu.dma_semaphore, #tpu.memory_space<semaphore_mem>> -> memref<1x!tpu.dma_semaphore, #tpu.memory_space<semaphore_mem>>
        %dma_start3A_681 = tpu.memref_squeeze %dma_start3A_680 : memref<1x!tpu.dma_semaphore, #tpu.memory_space<semaphore_mem>> -> memref<!tpu.dma_semaphore, #tpu.memory_space<semaphore_mem>>
        %dma_start3A_682 = arith.constant 0 : i32
        %dma_start3A_683 = arith.constant 0 : i32
        %dma_start3A_684 = tpu.memref_slice %arg10[%rem3A_670, %dma_start3A_682, %dma_start3A_683] : memref<4x40x16xf32, #tpu.memory_space<vmem>> -> memref<1x40x16xf32, #tpu.memory_space<vmem>>
        %dma_start3A_685 = tpu.memref_squeeze %dma_start3A_684 : memref<1x40x16xf32, #tpu.memory_space<vmem>> -> memref<40x16xf32, #tpu.memory_space<vmem>>
        %dma_start3A_686 = arith.constant 0 : i32
        %dma_start3A_687 = tpu.memref_slice %arg3[%add3A_673, %dma_start3A_686] : memref<320000x16xf32, #tpu.memory_space<hbm>> -> memref<40x16xf32, #tpu.memory_space<hbm>>
        tpu.enqueue_dma source(%dma_start3A_687 : memref<40x16xf32, #tpu.memory_space<hbm>>) target(%dma_start3A_685 : memref<40x16xf32, #tpu.memory_space<vmem>>) target_semaphore(%dma_start3A_681 : memref<!tpu.dma_semaphore, #tpu.memory_space<semaphore_mem>>)
        %jit3A = arith.constant 5 : i32
        %div3A = arith.divsi %sub3A_517, %jit3A : i32
        %sign3A = arith.constant 0 : i32
        %sign3A_688 = arith.cmpi sgt, %sub3A_517, %sign3A : i32
        %sign3A_689 = arith.extui %sign3A_688 : i1 to i32
        %sign3A_690 = arith.constant 0 : i32
        %sign3A_691 = arith.cmpi slt, %sub3A_517, %sign3A_690 : i32
        %sign3A_692 = arith.extui %sign3A_691 : i1 to i32
        %sign3A_693 = arith.subi %sign3A_689, %sign3A_692 : i32
        %sign3A_694 = arith.constant 0 : i32
        %sign3A_695 = arith.cmpi sgt, %jit3A, %sign3A_694 : i32
        %sign3A_696 = arith.extui %sign3A_695 : i1 to i32
        %sign3A_697 = arith.constant 0 : i32
        %sign3A_698 = arith.cmpi slt, %jit3A, %sign3A_697 : i32
        %sign3A_699 = arith.extui %sign3A_698 : i1 to i32
        %sign3A_700 = arith.subi %sign3A_696, %sign3A_699 : i32
        %ne3A = arith.cmpi ne, %sign3A_693, %sign3A_700 : i32
        %rem3A_701 = arith.remsi %sub3A_517, %jit3A : i32
        %ne3A_702 = arith.constant 0 : i32
        %ne3A_703 = arith.cmpi ne, %rem3A_701, %ne3A_702 : i32
        %and3A = arith.andi %ne3A, %ne3A_703 : i1
        %sub3A_704 = arith.constant 1 : i32
        %sub3A_705 = arith.subi %div3A, %sub3A_704 : i32
        %select_n3A = arith.select %and3A, %sub3A_705, %div3A : i32
        %rem3A_706 = arith.constant 3 : i32
        %rem3A_707 = arith.remsi %select_n3A, %rem3A_706 : i32
        %mul3A_708 = arith.constant 5 : i32
        %mul3A_709 = arith.muli %rem3A_707, %mul3A_708 : i32
        %mul3A_710 = arith.constant 5 : i32
        %mul3A_711 = arith.muli %select_n3A, %mul3A_710 : i32
        %sub3A_712 = arith.subi %sub3A_517, %mul3A_711 : i32
        %add3A_713 = arith.addi %mul3A_709, %sub3A_712 : i32
        %mul3A_714 = arith.constant 40 : i32
        %mul3A_715 = arith.muli %add3A_713, %mul3A_714 : i32
        %dma_start3A_716 = arith.constant 1 : i32
        %dma_start3A_717 = arith.constant 1 : i32
        %dma_start3A_718 = arith.constant 0 : i32
        %dma_start3A_719 = arith.constant 0 : i32
        %dma_start3A_720 = tpu.memref_slice %arg11[%dma_start3A_716, %dma_start3A_718, %dma_start3A_719] : memref<5x40x128xf32, #tpu.memory_space<vmem>> -> memref<1x40x128xf32, #tpu.memory_space<vmem>>
        %dma_start3A_721 = tpu.memref_squeeze %dma_start3A_720 : memref<1x40x128xf32, #tpu.memory_space<vmem>> -> memref<40x128xf32, #tpu.memory_space<vmem>>
        %dma_start3A_722 = tpu.memref_slice %arg8[%mul3A_715] : memref<600xi32, #tpu.memory_space<vmem>> -> memref<40xi32, #tpu.memory_space<vmem>>
        %dma_start3A_723 = arith.constant 0 : i32
        %dma_start3A_724 = arith.constant 0 : i32
        %dma_start3A_725 = tpu.memref_slice %arg2[%dma_start3A_723, %dma_start3A_724] : memref<10000x128xf32, #tpu.memory_space<hbm>> -> memref<10000x128xf32, #tpu.memory_space<hbm>>
        %dma_start3A_726 = tpu.memref_slice %arg13[%dma_start3A_717] : memref<5x!tpu.dma_semaphore, #tpu.memory_space<semaphore_mem>> -> memref<1x!tpu.dma_semaphore, #tpu.memory_space<semaphore_mem>>
        %dma_start3A_727 = tpu.memref_squeeze %dma_start3A_726 : memref<1x!tpu.dma_semaphore, #tpu.memory_space<semaphore_mem>> -> memref<!tpu.dma_semaphore, #tpu.memory_space<semaphore_mem>>
        tpu.enqueue_indirect_dma source(%dma_start3A_725 : memref<10000x128xf32, #tpu.memory_space<hbm>>) target(%dma_start3A_721 : memref<40x128xf32, #tpu.memory_space<vmem>>) offsets(%dma_start3A_722 : memref<40xi32, #tpu.memory_space<vmem>>) semaphore(%dma_start3A_727 : memref<!tpu.dma_semaphore, #tpu.memory_space<semaphore_mem>>)
      } else {
      }
      %mul3A_523 = arith.constant 5 : i32
      %mul3A_524 = arith.muli %scan3A_290, %mul3A_523 : i32
      %add3A_525 = arith.constant 3 : i32
      %add3A_526 = arith.addi %mul3A_524, %add3A_525 : i32
      %rem3A_527 = arith.constant 4 : i32
      %rem3A_528 = arith.remsi %add3A_526, %rem3A_527 : i32
      %mul3A_529 = arith.constant 5 : i32
      %mul3A_530 = arith.muli %rem3A_291, %mul3A_529 : i32
      %add3A_531 = arith.constant 3 : i32
      %add3A_532 = arith.addi %mul3A_530, %add3A_531 : i32
      %mul3A_533 = arith.constant 40 : i32
      %mul3A_534 = arith.muli %add3A_532, %mul3A_533 : i32
      %dma_wait3A_535 = arith.constant 3 : i32
      %dma_wait3A_536 = arith.constant 3 : i32
      %dma_wait3A_537 = arith.constant 0 : i32
      %dma_wait3A_538 = arith.constant 0 : i32
      %dma_wait3A_539 = tpu.memref_slice %arg11[%dma_wait3A_535, %dma_wait3A_537, %dma_wait3A_538] : memref<5x40x128xf32, #tpu.memory_space<vmem>> -> memref<1x40x128xf32, #tpu.memory_space<vmem>>
      %dma_wait3A_540 = tpu.memref_squeeze %dma_wait3A_539 : memref<1x40x128xf32, #tpu.memory_space<vmem>> -> memref<40x128xf32, #tpu.memory_space<vmem>>
      %dma_wait3A_541 = tpu.memref_slice %arg8[%mul3A_534] : memref<600xi32, #tpu.memory_space<vmem>> -> memref<40xi32, #tpu.memory_space<vmem>>
      %dma_wait3A_542 = arith.constant 0 : i32
      %dma_wait3A_543 = arith.constant 0 : i32
      %dma_wait3A_544 = tpu.memref_slice %arg2[%dma_wait3A_542, %dma_wait3A_543] : memref<10000x128xf32, #tpu.memory_space<hbm>> -> memref<10000x128xf32, #tpu.memory_space<hbm>>
      %dma_wait3A_545 = tpu.memref_slice %arg13[%dma_wait3A_536] : memref<5x!tpu.dma_semaphore, #tpu.memory_space<semaphore_mem>> -> memref<1x!tpu.dma_semaphore, #tpu.memory_space<semaphore_mem>>
      %dma_wait3A_546 = tpu.memref_squeeze %dma_wait3A_545 : memref<1x!tpu.dma_semaphore, #tpu.memory_space<semaphore_mem>> -> memref<!tpu.dma_semaphore, #tpu.memory_space<semaphore_mem>>
      tpu.wait_indirect_dma semaphore(%dma_wait3A_546 : memref<!tpu.dma_semaphore, #tpu.memory_space<semaphore_mem>>) src(%dma_wait3A_544 : memref<10000x128xf32, #tpu.memory_space<hbm>>) dst(%dma_wait3A_540 : memref<40x128xf32, #tpu.memory_space<vmem>>)
      %mul3A_547 = arith.constant 40 : i32
      %mul3A_548 = arith.muli %add3A_526, %mul3A_547 : i32
      %add3A_549 = arith.addi %mul3A_8, %mul3A_548 : i32
      %dma_wait3A_550 = arith.constant 0 : i32
      %dma_wait3A_551 = arith.constant 0 : i32
      %dma_wait3A_552 = tpu.memref_slice %arg10[%rem3A_528, %dma_wait3A_550, %dma_wait3A_551] : memref<4x40x16xf32, #tpu.memory_space<vmem>> -> memref<1x40x16xf32, #tpu.memory_space<vmem>>
      %dma_wait3A_553 = tpu.memref_squeeze %dma_wait3A_552 : memref<1x40x16xf32, #tpu.memory_space<vmem>> -> memref<40x16xf32, #tpu.memory_space<vmem>>
      %dma_wait3A_554 = arith.constant 0 : i32
      %dma_wait3A_555 = tpu.memref_slice %arg3[%add3A_549, %dma_wait3A_554] : memref<320000x16xf32, #tpu.memory_space<hbm>> -> memref<40x16xf32, #tpu.memory_space<hbm>>
      %dma_wait3A_556 = tpu.memref_slice %arg15[%rem3A_528] : memref<4x!tpu.dma_semaphore, #tpu.memory_space<semaphore_mem>> -> memref<1x!tpu.dma_semaphore, #tpu.memory_space<semaphore_mem>>
      %dma_wait3A_557 = tpu.memref_squeeze %dma_wait3A_556 : memref<1x!tpu.dma_semaphore, #tpu.memory_space<semaphore_mem>> -> memref<!tpu.dma_semaphore, #tpu.memory_space<semaphore_mem>>
      %dma_wait3A_558 = arith.constant 0 : i32
      %dma_wait3A_559 = arith.constant 0 : i32
      %dma_wait3A_560 = tpu.memref_slice %arg10[%rem3A_528, %dma_wait3A_558, %dma_wait3A_559] : memref<4x40x16xf32, #tpu.memory_space<vmem>> -> memref<1x40x16xf32, #tpu.memory_space<vmem>>
      %dma_wait3A_561 = tpu.memref_squeeze %dma_wait3A_560 : memref<1x40x16xf32, #tpu.memory_space<vmem>> -> memref<40x16xf32, #tpu.memory_space<vmem>>
      %dma_wait3A_562 = arith.constant 0 : i32
      %dma_wait3A_563 = tpu.memref_slice %arg3[%add3A_549, %dma_wait3A_562] : memref<320000x16xf32, #tpu.memory_space<hbm>> -> memref<40x16xf32, #tpu.memory_space<hbm>>
      tpu.wait_dma2 semaphore(%dma_wait3A_557 : memref<!tpu.dma_semaphore, #tpu.memory_space<semaphore_mem>>) src(%dma_wait3A_563 : memref<40x16xf32, #tpu.memory_space<hbm>>) dst(%dma_wait3A_561 : memref<40x16xf32, #tpu.memory_space<vmem>>)
      %parallel_loop3A_564 = arith.constant 0 : i32
      %parallel_loop3A_565 = arith.constant 40 : i32
      %parallel_loop3A_566 = arith.constant 1 : i32
      scf.for %parallel_loop3A_665 = %parallel_loop3A_564 to %parallel_loop3A_565 step %parallel_loop3A_566  : i32 {
        %parallel_loop3A_666 = arith.index_cast %rem3A_528 : i32 to index
        %parallel_loop3A_667 = arith.index_cast %parallel_loop3A_665 : i32 to index
        %parallel_loop3A_668 = arith.constant 0 : index
        %parallel_loop3A_669 = tpu.vector_load %arg10[%parallel_loop3A_666, %parallel_loop3A_667, %parallel_loop3A_668] {strides = array<i32>} : memref<4x40x16xf32, #tpu.memory_space<vmem>>, vector<1x1x16xf32>,
        %parallel_loop3A_670 = vector.shape_cast %parallel_loop3A_669 : vector<1x1x16xf32> to vector<16xf32>
        %parallel_loop3A_671 = arith.constant 3 : i32
        %parallel_loop3A_672 = arith.index_cast %parallel_loop3A_671 : i32 to index
        %parallel_loop3A_673 = arith.index_cast %parallel_loop3A_665 : i32 to index
        %parallel_loop3A_674 = arith.constant 0 : index
        %parallel_loop3A_675 = tpu.vector_load %arg11[%parallel_loop3A_672, %parallel_loop3A_673, %parallel_loop3A_674] {strides = array<i32>} : memref<5x40x128xf32, #tpu.memory_space<vmem>>, vector<1x1x16xf32>,
        %parallel_loop3A_676 = vector.shape_cast %parallel_loop3A_675 : vector<1x1x16xf32> to vector<16xf32>
        %parallel_loop3A_677 = arith.constant 1.000000e+00 : f32
        %parallel_loop3A_678 = vector.broadcast %parallel_loop3A_677 : f32 to vector<16xf32>
        %parallel_loop3A_679 = arith.mulf %parallel_loop3A_670, %parallel_loop3A_678 : vector<16xf32>
        %parallel_loop3A_680 = arith.mulf %parallel_loop3A_676, %parallel_loop3A_679 : vector<16xf32>
        %parallel_loop3A_681 = arith.constant 3 : i32
        %parallel_loop3A_682 = arith.index_cast %parallel_loop3A_681 : i32 to index
        %parallel_loop3A_683 = arith.index_cast %parallel_loop3A_665 : i32 to index
        %parallel_loop3A_684 = arith.constant 0 : index
        %parallel_loop3A_685 = tpu.vector_load %arg11[%parallel_loop3A_682, %parallel_loop3A_683, %parallel_loop3A_684] {strides = array<i32>} : memref<5x40x128xf32, #tpu.memory_space<vmem>>, vector<1x1x16xf32>,
        %parallel_loop3A_686 = vector.shape_cast %parallel_loop3A_685 : vector<1x1x16xf32> to vector<16xf32>
        %parallel_loop3A_687 = vector.shape_cast %parallel_loop3A_680 : vector<16xf32> to vector<1x1x16xf32>
        tpu.vector_store %arg11[%parallel_loop3A_682, %parallel_loop3A_683, %parallel_loop3A_684], %parallel_loop3A_687 {strides = array<i32>} : memref<5x40x128xf32, #tpu.memory_space<vmem>>, vector<1x1x16xf32>,
        %parallel_loop3A_688 = arith.constant 3 : i32
        %parallel_loop3A_689 = arith.index_cast %parallel_loop3A_688 : i32 to index
        %parallel_loop3A_690 = arith.index_cast %parallel_loop3A_665 : i32 to index
        %parallel_loop3A_691 = arith.constant 16 : index
        %parallel_loop3A_692 = tpu.vector_load %arg11[%parallel_loop3A_689, %parallel_loop3A_690, %parallel_loop3A_691] {strides = array<i32>} : memref<5x40x128xf32, #tpu.memory_space<vmem>>, vector<1x1x16xf32>,
        %parallel_loop3A_693 = vector.shape_cast %parallel_loop3A_692 : vector<1x1x16xf32> to vector<16xf32>
        %parallel_loop3A_694 = arith.constant 5.000000e-01 : f32
        %parallel_loop3A_695 = vector.broadcast %parallel_loop3A_694 : f32 to vector<16xf32>
        %parallel_loop3A_696 = arith.mulf %parallel_loop3A_670, %parallel_loop3A_695 : vector<16xf32>
        %parallel_loop3A_697 = arith.mulf %parallel_loop3A_693, %parallel_loop3A_696 : vector<16xf32>
        %parallel_loop3A_698 = arith.constant 3 : i32
        %parallel_loop3A_699 = arith.index_cast %parallel_loop3A_698 : i32 to index
        %parallel_loop3A_700 = arith.index_cast %parallel_loop3A_665 : i32 to index
        %parallel_loop3A_701 = arith.constant 16 : index
        %parallel_loop3A_702 = tpu.vector_load %arg11[%parallel_loop3A_699, %parallel_loop3A_700, %parallel_loop3A_701] {strides = array<i32>} : memref<5x40x128xf32, #tpu.memory_space<vmem>>, vector<1x1x16xf32>,
        %parallel_loop3A_703 = vector.shape_cast %parallel_loop3A_702 : vector<1x1x16xf32> to vector<16xf32>
        %parallel_loop3A_704 = vector.shape_cast %parallel_loop3A_697 : vector<16xf32> to vector<1x1x16xf32>
        tpu.vector_store %arg11[%parallel_loop3A_699, %parallel_loop3A_700, %parallel_loop3A_701], %parallel_loop3A_704 {strides = array<i32>} : memref<5x40x128xf32, #tpu.memory_space<vmem>>, vector<1x1x16xf32>,
        %parallel_loop3A_705 = arith.constant 3 : i32
        %parallel_loop3A_706 = arith.index_cast %parallel_loop3A_705 : i32 to index
        %parallel_loop3A_707 = arith.index_cast %parallel_loop3A_665 : i32 to index
        %parallel_loop3A_708 = arith.constant 32 : index
        %parallel_loop3A_709 = tpu.vector_load %arg11[%parallel_loop3A_706, %parallel_loop3A_707, %parallel_loop3A_708] {strides = array<i32>} : memref<5x40x128xf32, #tpu.memory_space<vmem>>, vector<1x1x16xf32>,
        %parallel_loop3A_710 = vector.shape_cast %parallel_loop3A_709 : vector<1x1x16xf32> to vector<16xf32>
        %parallel_loop3A_711 = arith.constant 2.500000e-01 : f32
        %parallel_loop3A_712 = vector.broadcast %parallel_loop3A_711 : f32 to vector<16xf32>
        %parallel_loop3A_713 = arith.mulf %parallel_loop3A_670, %parallel_loop3A_712 : vector<16xf32>
        %parallel_loop3A_714 = arith.mulf %parallel_loop3A_710, %parallel_loop3A_713 : vector<16xf32>
        %parallel_loop3A_715 = arith.constant 3 : i32
        %parallel_loop3A_716 = arith.index_cast %parallel_loop3A_715 : i32 to index
        %parallel_loop3A_717 = arith.index_cast %parallel_loop3A_665 : i32 to index
        %parallel_loop3A_718 = arith.constant 32 : index
        %parallel_loop3A_719 = tpu.vector_load %arg11[%parallel_loop3A_716, %parallel_loop3A_717, %parallel_loop3A_718] {strides = array<i32>} : memref<5x40x128xf32, #tpu.memory_space<vmem>>, vector<1x1x16xf32>,
        %parallel_loop3A_720 = vector.shape_cast %parallel_loop3A_719 : vector<1x1x16xf32> to vector<16xf32>
        %parallel_loop3A_721 = vector.shape_cast %parallel_loop3A_714 : vector<16xf32> to vector<1x1x16xf32>
        tpu.vector_store %arg11[%parallel_loop3A_716, %parallel_loop3A_717, %parallel_loop3A_718], %parallel_loop3A_721 {strides = array<i32>} : memref<5x40x128xf32, #tpu.memory_space<vmem>>, vector<1x1x16xf32>,
        %parallel_loop3A_722 = arith.constant 3 : i32
        %parallel_loop3A_723 = arith.index_cast %parallel_loop3A_722 : i32 to index
        %parallel_loop3A_724 = arith.index_cast %parallel_loop3A_665 : i32 to index
        %parallel_loop3A_725 = arith.constant 48 : index
        %parallel_loop3A_726 = tpu.vector_load %arg11[%parallel_loop3A_723, %parallel_loop3A_724, %parallel_loop3A_725] {strides = array<i32>} : memref<5x40x128xf32, #tpu.memory_space<vmem>>, vector<1x1x16xf32>,
        %parallel_loop3A_727 = vector.shape_cast %parallel_loop3A_726 : vector<1x1x16xf32> to vector<16xf32>
        %parallel_loop3A_728 = arith.constant 1.250000e-01 : f32
        %parallel_loop3A_729 = vector.broadcast %parallel_loop3A_728 : f32 to vector<16xf32>
        %parallel_loop3A_730 = arith.mulf %parallel_loop3A_670, %parallel_loop3A_729 : vector<16xf32>
        %parallel_loop3A_731 = arith.mulf %parallel_loop3A_727, %parallel_loop3A_730 : vector<16xf32>
        %parallel_loop3A_732 = arith.constant 3 : i32
        %parallel_loop3A_733 = arith.index_cast %parallel_loop3A_732 : i32 to index
        %parallel_loop3A_734 = arith.index_cast %parallel_loop3A_665 : i32 to index
        %parallel_loop3A_735 = arith.constant 48 : index
        %parallel_loop3A_736 = tpu.vector_load %arg11[%parallel_loop3A_733, %parallel_loop3A_734, %parallel_loop3A_735] {strides = array<i32>} : memref<5x40x128xf32, #tpu.memory_space<vmem>>, vector<1x1x16xf32>,
        %parallel_loop3A_737 = vector.shape_cast %parallel_loop3A_736 : vector<1x1x16xf32> to vector<16xf32>
        %parallel_loop3A_738 = vector.shape_cast %parallel_loop3A_731 : vector<16xf32> to vector<1x1x16xf32>
        tpu.vector_store %arg11[%parallel_loop3A_733, %parallel_loop3A_734, %parallel_loop3A_735], %parallel_loop3A_738 {strides = array<i32>} : memref<5x40x128xf32, #tpu.memory_space<vmem>>, vector<1x1x16xf32>,
        %parallel_loop3A_739 = arith.constant 3 : i32
        %parallel_loop3A_740 = arith.index_cast %parallel_loop3A_739 : i32 to index
        %parallel_loop3A_741 = arith.index_cast %parallel_loop3A_665 : i32 to index
        %parallel_loop3A_742 = arith.constant 64 : index
        %parallel_loop3A_743 = tpu.vector_load %arg11[%parallel_loop3A_740, %parallel_loop3A_741, %parallel_loop3A_742] {strides = array<i32>} : memref<5x40x128xf32, #tpu.memory_space<vmem>>, vector<1x1x16xf32>,
        %parallel_loop3A_744 = vector.shape_cast %parallel_loop3A_743 : vector<1x1x16xf32> to vector<16xf32>
        %parallel_loop3A_745 = arith.constant 2.000000e+00 : f32
        %parallel_loop3A_746 = vector.broadcast %parallel_loop3A_745 : f32 to vector<16xf32>
        %parallel_loop3A_747 = arith.mulf %parallel_loop3A_670, %parallel_loop3A_746 : vector<16xf32>
        %parallel_loop3A_748 = arith.mulf %parallel_loop3A_744, %parallel_loop3A_747 : vector<16xf32>
        %parallel_loop3A_749 = arith.constant 3 : i32
        %parallel_loop3A_750 = arith.index_cast %parallel_loop3A_749 : i32 to index
        %parallel_loop3A_751 = arith.index_cast %parallel_loop3A_665 : i32 to index
        %parallel_loop3A_752 = arith.constant 64 : index
        %parallel_loop3A_753 = tpu.vector_load %arg11[%parallel_loop3A_750, %parallel_loop3A_751, %parallel_loop3A_752] {strides = array<i32>} : memref<5x40x128xf32, #tpu.memory_space<vmem>>, vector<1x1x16xf32>,
        %parallel_loop3A_754 = vector.shape_cast %parallel_loop3A_753 : vector<1x1x16xf32> to vector<16xf32>
        %parallel_loop3A_755 = vector.shape_cast %parallel_loop3A_748 : vector<16xf32> to vector<1x1x16xf32>
        tpu.vector_store %arg11[%parallel_loop3A_750, %parallel_loop3A_751, %parallel_loop3A_752], %parallel_loop3A_755 {strides = array<i32>} : memref<5x40x128xf32, #tpu.memory_space<vmem>>, vector<1x1x16xf32>,
        %parallel_loop3A_756 = arith.constant 3 : i32
        %parallel_loop3A_757 = arith.index_cast %parallel_loop3A_756 : i32 to index
        %parallel_loop3A_758 = arith.index_cast %parallel_loop3A_665 : i32 to index
        %parallel_loop3A_759 = arith.constant 80 : index
        %parallel_loop3A_760 = tpu.vector_load %arg11[%parallel_loop3A_757, %parallel_loop3A_758, %parallel_loop3A_759] {strides = array<i32>} : memref<5x40x128xf32, #tpu.memory_space<vmem>>, vector<1x1x16xf32>,
        %parallel_loop3A_761 = vector.shape_cast %parallel_loop3A_760 : vector<1x1x16xf32> to vector<16xf32>
        %parallel_loop3A_762 = arith.constant 1.500000e+00 : f32
        %parallel_loop3A_763 = vector.broadcast %parallel_loop3A_762 : f32 to vector<16xf32>
        %parallel_loop3A_764 = arith.mulf %parallel_loop3A_670, %parallel_loop3A_763 : vector<16xf32>
        %parallel_loop3A_765 = arith.mulf %parallel_loop3A_761, %parallel_loop3A_764 : vector<16xf32>
        %parallel_loop3A_766 = arith.constant 3 : i32
        %parallel_loop3A_767 = arith.index_cast %parallel_loop3A_766 : i32 to index
        %parallel_loop3A_768 = arith.index_cast %parallel_loop3A_665 : i32 to index
        %parallel_loop3A_769 = arith.constant 80 : index
        %parallel_loop3A_770 = tpu.vector_load %arg11[%parallel_loop3A_767, %parallel_loop3A_768, %parallel_loop3A_769] {strides = array<i32>} : memref<5x40x128xf32, #tpu.memory_space<vmem>>, vector<1x1x16xf32>,
        %parallel_loop3A_771 = vector.shape_cast %parallel_loop3A_770 : vector<1x1x16xf32> to vector<16xf32>
        %parallel_loop3A_772 = vector.shape_cast %parallel_loop3A_765 : vector<16xf32> to vector<1x1x16xf32>
        tpu.vector_store %arg11[%parallel_loop3A_767, %parallel_loop3A_768, %parallel_loop3A_769], %parallel_loop3A_772 {strides = array<i32>} : memref<5x40x128xf32, #tpu.memory_space<vmem>>, vector<1x1x16xf32>,
        %parallel_loop3A_773 = arith.constant 3 : i32
        %parallel_loop3A_774 = arith.index_cast %parallel_loop3A_773 : i32 to index
        %parallel_loop3A_775 = arith.index_cast %parallel_loop3A_665 : i32 to index
        %parallel_loop3A_776 = arith.constant 96 : index
        %parallel_loop3A_777 = tpu.vector_load %arg11[%parallel_loop3A_774, %parallel_loop3A_775, %parallel_loop3A_776] {strides = array<i32>} : memref<5x40x128xf32, #tpu.memory_space<vmem>>, vector<1x1x16xf32>,
        %parallel_loop3A_778 = vector.shape_cast %parallel_loop3A_777 : vector<1x1x16xf32> to vector<16xf32>
        %parallel_loop3A_779 = arith.constant 7.500000e-01 : f32
        %parallel_loop3A_780 = vector.broadcast %parallel_loop3A_779 : f32 to vector<16xf32>
        %parallel_loop3A_781 = arith.mulf %parallel_loop3A_670, %parallel_loop3A_780 : vector<16xf32>
        %parallel_loop3A_782 = arith.mulf %parallel_loop3A_778, %parallel_loop3A_781 : vector<16xf32>
        %parallel_loop3A_783 = arith.constant 3 : i32
        %parallel_loop3A_784 = arith.index_cast %parallel_loop3A_783 : i32 to index
        %parallel_loop3A_785 = arith.index_cast %parallel_loop3A_665 : i32 to index
        %parallel_loop3A_786 = arith.constant 96 : index
        %parallel_loop3A_787 = tpu.vector_load %arg11[%parallel_loop3A_784, %parallel_loop3A_785, %parallel_loop3A_786] {strides = array<i32>} : memref<5x40x128xf32, #tpu.memory_space<vmem>>, vector<1x1x16xf32>,
        %parallel_loop3A_788 = vector.shape_cast %parallel_loop3A_787 : vector<1x1x16xf32> to vector<16xf32>
        %parallel_loop3A_789 = vector.shape_cast %parallel_loop3A_782 : vector<16xf32> to vector<1x1x16xf32>
        tpu.vector_store %arg11[%parallel_loop3A_784, %parallel_loop3A_785, %parallel_loop3A_786], %parallel_loop3A_789 {strides = array<i32>} : memref<5x40x128xf32, #tpu.memory_space<vmem>>, vector<1x1x16xf32>,
        %parallel_loop3A_790 = arith.constant 3 : i32
        %parallel_loop3A_791 = arith.index_cast %parallel_loop3A_790 : i32 to index
        %parallel_loop3A_792 = arith.index_cast %parallel_loop3A_665 : i32 to index
        %parallel_loop3A_793 = arith.constant 112 : index
        %parallel_loop3A_794 = tpu.vector_load %arg11[%parallel_loop3A_791, %parallel_loop3A_792, %parallel_loop3A_793] {strides = array<i32>} : memref<5x40x128xf32, #tpu.memory_space<vmem>>, vector<1x1x16xf32>,
        %parallel_loop3A_795 = vector.shape_cast %parallel_loop3A_794 : vector<1x1x16xf32> to vector<16xf32>
        %parallel_loop3A_796 = arith.constant 3.750000e-01 : f32
        %parallel_loop3A_797 = vector.broadcast %parallel_loop3A_796 : f32 to vector<16xf32>
        %parallel_loop3A_798 = arith.mulf %parallel_loop3A_670, %parallel_loop3A_797 : vector<16xf32>
        %parallel_loop3A_799 = arith.mulf %parallel_loop3A_795, %parallel_loop3A_798 : vector<16xf32>
        %parallel_loop3A_800 = arith.constant 3 : i32
        %parallel_loop3A_801 = arith.index_cast %parallel_loop3A_800 : i32 to index
        %parallel_loop3A_802 = arith.index_cast %parallel_loop3A_665 : i32 to index
        %parallel_loop3A_803 = arith.constant 112 : index
        %parallel_loop3A_804 = tpu.vector_load %arg11[%parallel_loop3A_801, %parallel_loop3A_802, %parallel_loop3A_803] {strides = array<i32>} : memref<5x40x128xf32, #tpu.memory_space<vmem>>, vector<1x1x16xf32>,
        %parallel_loop3A_805 = vector.shape_cast %parallel_loop3A_804 : vector<1x1x16xf32> to vector<16xf32>
        %parallel_loop3A_806 = vector.shape_cast %parallel_loop3A_799 : vector<16xf32> to vector<1x1x16xf32>
        tpu.vector_store %arg11[%parallel_loop3A_801, %parallel_loop3A_802, %parallel_loop3A_803], %parallel_loop3A_806 {strides = array<i32>} : memref<5x40x128xf32, #tpu.memory_space<vmem>>, vector<1x1x16xf32>,
      } {sc.loop_unroll_factor = 8 : i64, sc.parallel_access}
      %mul3A_567 = arith.constant 5 : i32
      %mul3A_568 = arith.muli %rem3A_291, %mul3A_567 : i32
      %add3A_569 = arith.constant 3 : i32
      %add3A_570 = arith.addi %mul3A_568, %add3A_569 : i32
      %dma_start3A_571 = arith.constant 3 : i32
      %dma_start3A_572 = arith.constant 3 : i32
      %dma_start3A_573 = arith.constant 0 : i32
      %dma_start3A_574 = arith.constant 0 : i32
      %dma_start3A_575 = tpu.memref_slice %arg11[%dma_start3A_571, %dma_start3A_573, %dma_start3A_574] : memref<5x40x128xf32, #tpu.memory_space<vmem>> -> memref<1x40x128xf32, #tpu.memory_space<vmem>>
      %dma_start3A_576 = tpu.memref_squeeze %dma_start3A_575 : memref<1x40x128xf32, #tpu.memory_space<vmem>> -> memref<40x128xf32, #tpu.memory_space<vmem>>
      %dma_start3A_577 = arith.constant 0 : i32
      %dma_start3A_578 = tpu.memref_slice %arg9[%add3A_570, %dma_start3A_577] : memref<15x40xi32, #tpu.memory_space<vmem>> -> memref<1x40xi32, #tpu.memory_space<vmem>>
      %dma_start3A_579 = tpu.memref_squeeze %dma_start3A_578 : memref<1x40xi32, #tpu.memory_space<vmem>> -> memref<40xi32, #tpu.memory_space<vmem>>
      %dma_start3A_580 = arith.constant 0 : i32
      %dma_start3A_581 = arith.constant 0 : i32
      %dma_start3A_582 = tpu.memref_slice %arg12[%dma_start3A_580, %dma_start3A_581] : memref<10000x128xf32, #tpu.memory_space<vmem_shared>> -> memref<10000x128xf32, #tpu.memory_space<vmem_shared>>
      %dma_start3A_583 = tpu.memref_slice %arg14[%dma_start3A_572] : memref<5x!tpu.dma_semaphore, #tpu.memory_space<semaphore_mem>> -> memref<1x!tpu.dma_semaphore, #tpu.memory_space<semaphore_mem>>
      %dma_start3A_584 = tpu.memref_squeeze %dma_start3A_583 : memref<1x!tpu.dma_semaphore, #tpu.memory_space<semaphore_mem>> -> memref<!tpu.dma_semaphore, #tpu.memory_space<semaphore_mem>>
      tpu.enqueue_indirect_dma source(%dma_start3A_576 : memref<40x128xf32, #tpu.memory_space<vmem>>) target(%dma_start3A_582 : memref<10000x128xf32, #tpu.memory_space<vmem_shared>>) offsets(%dma_start3A_579 : memref<40xi32, #tpu.memory_space<vmem>>) semaphore(%dma_start3A_584 : memref<!tpu.dma_semaphore, #tpu.memory_space<semaphore_mem>>) {add = true}
      %add3A_585 = arith.constant 5 : i32
      %add3A_586 = arith.addi %add3A_526, %add3A_585 : i32
      %sub3A_587 = arith.constant 1 : i32
      %sub3A_588 = arith.subi %add3A_586, %sub3A_587 : i32
      %lt3A_589 = arith.constant 250 : i32
      %lt3A_590 = arith.cmpi slt, %sub3A_588, %lt3A_589 : i32
      %convert_element_type3A_591 = arith.extui %lt3A_590 : i1 to i32
      %cond3A_592 = arith.constant 0 : i32
      %cond3A_593 = arith.cmpi ne, %convert_element_type3A_591, %cond3A_592 : i32
      scf.if %cond3A_593 {
        %ge3A = arith.constant 1 : i32
        %ge3A_665 = arith.cmpi sge, %add3A_526, %ge3A : i32
        %convert_element_type3A_666 = arith.extui %ge3A_665 : i1 to i32
        %cond3A_667 = arith.constant 0 : i32
        %cond3A_668 = arith.cmpi ne, %convert_element_type3A_666, %cond3A_667 : i32
        scf.if %cond3A_668 {
          %sub3A_728 = arith.constant 1 : i32
          %sub3A_729 = arith.subi %add3A_526, %sub3A_728 : i32
          %jit3A_730 = arith.constant 5 : i32
          %div3A_731 = arith.divsi %sub3A_729, %jit3A_730 : i32
          %sign3A_732 = arith.constant 0 : i32
          %sign3A_733 = arith.cmpi sgt, %sub3A_729, %sign3A_732 : i32
          %sign3A_734 = arith.extui %sign3A_733 : i1 to i32
          %sign3A_735 = arith.constant 0 : i32
          %sign3A_736 = arith.cmpi slt, %sub3A_729, %sign3A_735 : i32
          %sign3A_737 = arith.extui %sign3A_736 : i1 to i32
          %sign3A_738 = arith.subi %sign3A_734, %sign3A_737 : i32
          %sign3A_739 = arith.constant 0 : i32
          %sign3A_740 = arith.cmpi sgt, %jit3A_730, %sign3A_739 : i32
          %sign3A_741 = arith.extui %sign3A_740 : i1 to i32
          %sign3A_742 = arith.constant 0 : i32
          %sign3A_743 = arith.cmpi slt, %jit3A_730, %sign3A_742 : i32
          %sign3A_744 = arith.extui %sign3A_743 : i1 to i32
          %sign3A_745 = arith.subi %sign3A_741, %sign3A_744 : i32
          %ne3A_746 = arith.cmpi ne, %sign3A_738, %sign3A_745 : i32
          %rem3A_747 = arith.remsi %sub3A_729, %jit3A_730 : i32
          %ne3A_748 = arith.constant 0 : i32
          %ne3A_749 = arith.cmpi ne, %rem3A_747, %ne3A_748 : i32
          %and3A_750 = arith.andi %ne3A_746, %ne3A_749 : i1
          %sub3A_751 = arith.constant 1 : i32
          %sub3A_752 = arith.subi %div3A_731, %sub3A_751 : i32
          %select_n3A_753 = arith.select %and3A_750, %sub3A_752, %div3A_731 : i32
          %rem3A_754 = arith.constant 3 : i32
          %rem3A_755 = arith.remsi %select_n3A_753, %rem3A_754 : i32
          %mul3A_756 = arith.constant 5 : i32
          %mul3A_757 = arith.muli %rem3A_755, %mul3A_756 : i32
          %add3A_758 = arith.constant 2 : i32
          %add3A_759 = arith.addi %mul3A_757, %add3A_758 : i32
          %dma_wait3A_760 = arith.constant 2 : i32
          %dma_wait3A_761 = arith.constant 2 : i32
          %dma_wait3A_762 = arith.constant 0 : i32
          %dma_wait3A_763 = arith.constant 0 : i32
          %dma_wait3A_764 = tpu.memref_slice %arg11[%dma_wait3A_760, %dma_wait3A_762, %dma_wait3A_763] : memref<5x40x128xf32, #tpu.memory_space<vmem>> -> memref<1x40x128xf32, #tpu.memory_space<vmem>>
          %dma_wait3A_765 = tpu.memref_squeeze %dma_wait3A_764 : memref<1x40x128xf32, #tpu.memory_space<vmem>> -> memref<40x128xf32, #tpu.memory_space<vmem>>
          %dma_wait3A_766 = arith.constant 0 : i32
          %dma_wait3A_767 = tpu.memref_slice %arg9[%add3A_759, %dma_wait3A_766] : memref<15x40xi32, #tpu.memory_space<vmem>> -> memref<1x40xi32, #tpu.memory_space<vmem>>
          %dma_wait3A_768 = tpu.memref_squeeze %dma_wait3A_767 : memref<1x40xi32, #tpu.memory_space<vmem>> -> memref<40xi32, #tpu.memory_space<vmem>>
          %dma_wait3A_769 = arith.constant 0 : i32
          %dma_wait3A_770 = arith.constant 0 : i32
          %dma_wait3A_771 = tpu.memref_slice %arg12[%dma_wait3A_769, %dma_wait3A_770] : memref<10000x128xf32, #tpu.memory_space<vmem_shared>> -> memref<10000x128xf32, #tpu.memory_space<vmem_shared>>
          %dma_wait3A_772 = tpu.memref_slice %arg14[%dma_wait3A_761] : memref<5x!tpu.dma_semaphore, #tpu.memory_space<semaphore_mem>> -> memref<1x!tpu.dma_semaphore, #tpu.memory_space<semaphore_mem>>
          %dma_wait3A_773 = tpu.memref_squeeze %dma_wait3A_772 : memref<1x!tpu.dma_semaphore, #tpu.memory_space<semaphore_mem>> -> memref<!tpu.dma_semaphore, #tpu.memory_space<semaphore_mem>>
          tpu.wait_indirect_dma semaphore(%dma_wait3A_773 : memref<!tpu.dma_semaphore, #tpu.memory_space<semaphore_mem>>) src(%dma_wait3A_765 : memref<40x128xf32, #tpu.memory_space<vmem>>) dst(%dma_wait3A_771 : memref<10000x128xf32, #tpu.memory_space<vmem_shared>>)
        } else {
        }
        %rem3A_669 = arith.constant 4 : i32
        %rem3A_670 = arith.remsi %sub3A_588, %rem3A_669 : i32
        %mul3A_671 = arith.constant 40 : i32
        %mul3A_672 = arith.muli %sub3A_588, %mul3A_671 : i32
        %add3A_673 = arith.addi %mul3A_8, %mul3A_672 : i32
        %dma_start3A_674 = arith.constant 0 : i32
        %dma_start3A_675 = arith.constant 0 : i32
        %dma_start3A_676 = tpu.memref_slice %arg10[%rem3A_670, %dma_start3A_674, %dma_start3A_675] : memref<4x40x16xf32, #tpu.memory_space<vmem>> -> memref<1x40x16xf32, #tpu.memory_space<vmem>>
        %dma_start3A_677 = tpu.memref_squeeze %dma_start3A_676 : memref<1x40x16xf32, #tpu.memory_space<vmem>> -> memref<40x16xf32, #tpu.memory_space<vmem>>
        %dma_start3A_678 = arith.constant 0 : i32
        %dma_start3A_679 = tpu.memref_slice %arg3[%add3A_673, %dma_start3A_678] : memref<320000x16xf32, #tpu.memory_space<hbm>> -> memref<40x16xf32, #tpu.memory_space<hbm>>
        %dma_start3A_680 = tpu.memref_slice %arg15[%rem3A_670] : memref<4x!tpu.dma_semaphore, #tpu.memory_space<semaphore_mem>> -> memref<1x!tpu.dma_semaphore, #tpu.memory_space<semaphore_mem>>
        %dma_start3A_681 = tpu.memref_squeeze %dma_start3A_680 : memref<1x!tpu.dma_semaphore, #tpu.memory_space<semaphore_mem>> -> memref<!tpu.dma_semaphore, #tpu.memory_space<semaphore_mem>>
        %dma_start3A_682 = arith.constant 0 : i32
        %dma_start3A_683 = arith.constant 0 : i32
        %dma_start3A_684 = tpu.memref_slice %arg10[%rem3A_670, %dma_start3A_682, %dma_start3A_683] : memref<4x40x16xf32, #tpu.memory_space<vmem>> -> memref<1x40x16xf32, #tpu.memory_space<vmem>>
        %dma_start3A_685 = tpu.memref_squeeze %dma_start3A_684 : memref<1x40x16xf32, #tpu.memory_space<vmem>> -> memref<40x16xf32, #tpu.memory_space<vmem>>
        %dma_start3A_686 = arith.constant 0 : i32
        %dma_start3A_687 = tpu.memref_slice %arg3[%add3A_673, %dma_start3A_686] : memref<320000x16xf32, #tpu.memory_space<hbm>> -> memref<40x16xf32, #tpu.memory_space<hbm>>
        tpu.enqueue_dma source(%dma_start3A_687 : memref<40x16xf32, #tpu.memory_space<hbm>>) target(%dma_start3A_685 : memref<40x16xf32, #tpu.memory_space<vmem>>) target_semaphore(%dma_start3A_681 : memref<!tpu.dma_semaphore, #tpu.memory_space<semaphore_mem>>)
        %jit3A = arith.constant 5 : i32
        %div3A = arith.divsi %sub3A_588, %jit3A : i32
        %sign3A = arith.constant 0 : i32
        %sign3A_688 = arith.cmpi sgt, %sub3A_588, %sign3A : i32
        %sign3A_689 = arith.extui %sign3A_688 : i1 to i32
        %sign3A_690 = arith.constant 0 : i32
        %sign3A_691 = arith.cmpi slt, %sub3A_588, %sign3A_690 : i32
        %sign3A_692 = arith.extui %sign3A_691 : i1 to i32
        %sign3A_693 = arith.subi %sign3A_689, %sign3A_692 : i32
        %sign3A_694 = arith.constant 0 : i32
        %sign3A_695 = arith.cmpi sgt, %jit3A, %sign3A_694 : i32
        %sign3A_696 = arith.extui %sign3A_695 : i1 to i32
        %sign3A_697 = arith.constant 0 : i32
        %sign3A_698 = arith.cmpi slt, %jit3A, %sign3A_697 : i32
        %sign3A_699 = arith.extui %sign3A_698 : i1 to i32
        %sign3A_700 = arith.subi %sign3A_696, %sign3A_699 : i32
        %ne3A = arith.cmpi ne, %sign3A_693, %sign3A_700 : i32
        %rem3A_701 = arith.remsi %sub3A_588, %jit3A : i32
        %ne3A_702 = arith.constant 0 : i32
        %ne3A_703 = arith.cmpi ne, %rem3A_701, %ne3A_702 : i32
        %and3A = arith.andi %ne3A, %ne3A_703 : i1
        %sub3A_704 = arith.constant 1 : i32
        %sub3A_705 = arith.subi %div3A, %sub3A_704 : i32
        %select_n3A = arith.select %and3A, %sub3A_705, %div3A : i32
        %rem3A_706 = arith.constant 3 : i32
        %rem3A_707 = arith.remsi %select_n3A, %rem3A_706 : i32
        %mul3A_708 = arith.constant 5 : i32
        %mul3A_709 = arith.muli %rem3A_707, %mul3A_708 : i32
        %mul3A_710 = arith.constant 5 : i32
        %mul3A_711 = arith.muli %select_n3A, %mul3A_710 : i32
        %sub3A_712 = arith.subi %sub3A_588, %mul3A_711 : i32
        %add3A_713 = arith.addi %mul3A_709, %sub3A_712 : i32
        %mul3A_714 = arith.constant 40 : i32
        %mul3A_715 = arith.muli %add3A_713, %mul3A_714 : i32
        %dma_start3A_716 = arith.constant 2 : i32
        %dma_start3A_717 = arith.constant 2 : i32
        %dma_start3A_718 = arith.constant 0 : i32
        %dma_start3A_719 = arith.constant 0 : i32
        %dma_start3A_720 = tpu.memref_slice %arg11[%dma_start3A_716, %dma_start3A_718, %dma_start3A_719] : memref<5x40x128xf32, #tpu.memory_space<vmem>> -> memref<1x40x128xf32, #tpu.memory_space<vmem>>
        %dma_start3A_721 = tpu.memref_squeeze %dma_start3A_720 : memref<1x40x128xf32, #tpu.memory_space<vmem>> -> memref<40x128xf32, #tpu.memory_space<vmem>>
        %dma_start3A_722 = tpu.memref_slice %arg8[%mul3A_715] : memref<600xi32, #tpu.memory_space<vmem>> -> memref<40xi32, #tpu.memory_space<vmem>>
        %dma_start3A_723 = arith.constant 0 : i32
        %dma_start3A_724 = arith.constant 0 : i32
        %dma_start3A_725 = tpu.memref_slice %arg2[%dma_start3A_723, %dma_start3A_724] : memref<10000x128xf32, #tpu.memory_space<hbm>> -> memref<10000x128xf32, #tpu.memory_space<hbm>>
        %dma_start3A_726 = tpu.memref_slice %arg13[%dma_start3A_717] : memref<5x!tpu.dma_semaphore, #tpu.memory_space<semaphore_mem>> -> memref<1x!tpu.dma_semaphore, #tpu.memory_space<semaphore_mem>>
        %dma_start3A_727 = tpu.memref_squeeze %dma_start3A_726 : memref<1x!tpu.dma_semaphore, #tpu.memory_space<semaphore_mem>> -> memref<!tpu.dma_semaphore, #tpu.memory_space<semaphore_mem>>
        tpu.enqueue_indirect_dma source(%dma_start3A_725 : memref<10000x128xf32, #tpu.memory_space<hbm>>) target(%dma_start3A_721 : memref<40x128xf32, #tpu.memory_space<vmem>>) offsets(%dma_start3A_722 : memref<40xi32, #tpu.memory_space<vmem>>) semaphore(%dma_start3A_727 : memref<!tpu.dma_semaphore, #tpu.memory_space<semaphore_mem>>)
      } else {
      }
      %mul3A_594 = arith.constant 5 : i32
      %mul3A_595 = arith.muli %scan3A_290, %mul3A_594 : i32
      %add3A_596 = arith.constant 4 : i32
      %add3A_597 = arith.addi %mul3A_595, %add3A_596 : i32
      %rem3A_598 = arith.constant 4 : i32
      %rem3A_599 = arith.remsi %add3A_597, %rem3A_598 : i32
      %mul3A_600 = arith.constant 5 : i32
      %mul3A_601 = arith.muli %rem3A_291, %mul3A_600 : i32
      %add3A_602 = arith.constant 4 : i32
      %add3A_603 = arith.addi %mul3A_601, %add3A_602 : i32
      %mul3A_604 = arith.constant 40 : i32
      %mul3A_605 = arith.muli %add3A_603, %mul3A_604 : i32
      %dma_wait3A_606 = arith.constant 4 : i32
      %dma_wait3A_607 = arith.constant 4 : i32
      %dma_wait3A_608 = arith.constant 0 : i32
      %dma_wait3A_609 = arith.constant 0 : i32
      %dma_wait3A_610 = tpu.memref_slice %arg11[%dma_wait3A_606, %dma_wait3A_608, %dma_wait3A_609] : memref<5x40x128xf32, #tpu.memory_space<vmem>> -> memref<1x40x128xf32, #tpu.memory_space<vmem>>
      %dma_wait3A_611 = tpu.memref_squeeze %dma_wait3A_610 : memref<1x40x128xf32, #tpu.memory_space<vmem>> -> memref<40x128xf32, #tpu.memory_space<vmem>>
      %dma_wait3A_612 = tpu.memref_slice %arg8[%mul3A_605] : memref<600xi32, #tpu.memory_space<vmem>> -> memref<40xi32, #tpu.memory_space<vmem>>
      %dma_wait3A_613 = arith.constant 0 : i32
      %dma_wait3A_614 = arith.constant 0 : i32
      %dma_wait3A_615 = tpu.memref_slice %arg2[%dma_wait3A_613, %dma_wait3A_614] : memref<10000x128xf32, #tpu.memory_space<hbm>> -> memref<10000x128xf32, #tpu.memory_space<hbm>>
      %dma_wait3A_616 = tpu.memref_slice %arg13[%dma_wait3A_607] : memref<5x!tpu.dma_semaphore, #tpu.memory_space<semaphore_mem>> -> memref<1x!tpu.dma_semaphore, #tpu.memory_space<semaphore_mem>>
      %dma_wait3A_617 = tpu.memref_squeeze %dma_wait3A_616 : memref<1x!tpu.dma_semaphore, #tpu.memory_space<semaphore_mem>> -> memref<!tpu.dma_semaphore, #tpu.memory_space<semaphore_mem>>
      tpu.wait_indirect_dma semaphore(%dma_wait3A_617 : memref<!tpu.dma_semaphore, #tpu.memory_space<semaphore_mem>>) src(%dma_wait3A_615 : memref<10000x128xf32, #tpu.memory_space<hbm>>) dst(%dma_wait3A_611 : memref<40x128xf32, #tpu.memory_space<vmem>>)
      %mul3A_618 = arith.constant 40 : i32
      %mul3A_619 = arith.muli %add3A_597, %mul3A_618 : i32
      %add3A_620 = arith.addi %mul3A_8, %mul3A_619 : i32
      %dma_wait3A_621 = arith.constant 0 : i32
      %dma_wait3A_622 = arith.constant 0 : i32
      %dma_wait3A_623 = tpu.memref_slice %arg10[%rem3A_599, %dma_wait3A_621, %dma_wait3A_622] : memref<4x40x16xf32, #tpu.memory_space<vmem>> -> memref<1x40x16xf32, #tpu.memory_space<vmem>>
      %dma_wait3A_624 = tpu.memref_squeeze %dma_wait3A_623 : memref<1x40x16xf32, #tpu.memory_space<vmem>> -> memref<40x16xf32, #tpu.memory_space<vmem>>
      %dma_wait3A_625 = arith.constant 0 : i32
      %dma_wait3A_626 = tpu.memref_slice %arg3[%add3A_620, %dma_wait3A_625] : memref<320000x16xf32, #tpu.memory_space<hbm>> -> memref<40x16xf32, #tpu.memory_space<hbm>>
      %dma_wait3A_627 = tpu.memref_slice %arg15[%rem3A_599] : memref<4x!tpu.dma_semaphore, #tpu.memory_space<semaphore_mem>> -> memref<1x!tpu.dma_semaphore, #tpu.memory_space<semaphore_mem>>
      %dma_wait3A_628 = tpu.memref_squeeze %dma_wait3A_627 : memref<1x!tpu.dma_semaphore, #tpu.memory_space<semaphore_mem>> -> memref<!tpu.dma_semaphore, #tpu.memory_space<semaphore_mem>>
      %dma_wait3A_629 = arith.constant 0 : i32
      %dma_wait3A_630 = arith.constant 0 : i32
      %dma_wait3A_631 = tpu.memref_slice %arg10[%rem3A_599, %dma_wait3A_629, %dma_wait3A_630] : memref<4x40x16xf32, #tpu.memory_space<vmem>> -> memref<1x40x16xf32, #tpu.memory_space<vmem>>
      %dma_wait3A_632 = tpu.memref_squeeze %dma_wait3A_631 : memref<1x40x16xf32, #tpu.memory_space<vmem>> -> memref<40x16xf32, #tpu.memory_space<vmem>>
      %dma_wait3A_633 = arith.constant 0 : i32
      %dma_wait3A_634 = tpu.memref_slice %arg3[%add3A_620, %dma_wait3A_633] : memref<320000x16xf32, #tpu.memory_space<hbm>> -> memref<40x16xf32, #tpu.memory_space<hbm>>
      tpu.wait_dma2 semaphore(%dma_wait3A_628 : memref<!tpu.dma_semaphore, #tpu.memory_space<semaphore_mem>>) src(%dma_wait3A_634 : memref<40x16xf32, #tpu.memory_space<hbm>>) dst(%dma_wait3A_632 : memref<40x16xf32, #tpu.memory_space<vmem>>)
      %parallel_loop3A_635 = arith.constant 0 : i32
      %parallel_loop3A_636 = arith.constant 40 : i32
      %parallel_loop3A_637 = arith.constant 1 : i32
      scf.for %parallel_loop3A_665 = %parallel_loop3A_635 to %parallel_loop3A_636 step %parallel_loop3A_637  : i32 {
        %parallel_loop3A_666 = arith.index_cast %rem3A_599 : i32 to index
        %parallel_loop3A_667 = arith.index_cast %parallel_loop3A_665 : i32 to index
        %parallel_loop3A_668 = arith.constant 0 : index
        %parallel_loop3A_669 = tpu.vector_load %arg10[%parallel_loop3A_666, %parallel_loop3A_667, %parallel_loop3A_668] {strides = array<i32>} : memref<4x40x16xf32, #tpu.memory_space<vmem>>, vector<1x1x16xf32>,
        %parallel_loop3A_670 = vector.shape_cast %parallel_loop3A_669 : vector<1x1x16xf32> to vector<16xf32>
        %parallel_loop3A_671 = arith.constant 4 : i32
        %parallel_loop3A_672 = arith.index_cast %parallel_loop3A_671 : i32 to index
        %parallel_loop3A_673 = arith.index_cast %parallel_loop3A_665 : i32 to index
        %parallel_loop3A_674 = arith.constant 0 : index
        %parallel_loop3A_675 = tpu.vector_load %arg11[%parallel_loop3A_672, %parallel_loop3A_673, %parallel_loop3A_674] {strides = array<i32>} : memref<5x40x128xf32, #tpu.memory_space<vmem>>, vector<1x1x16xf32>,
        %parallel_loop3A_676 = vector.shape_cast %parallel_loop3A_675 : vector<1x1x16xf32> to vector<16xf32>
        %parallel_loop3A_677 = arith.constant 1.000000e+00 : f32
        %parallel_loop3A_678 = vector.broadcast %parallel_loop3A_677 : f32 to vector<16xf32>
        %parallel_loop3A_679 = arith.mulf %parallel_loop3A_670, %parallel_loop3A_678 : vector<16xf32>
        %parallel_loop3A_680 = arith.mulf %parallel_loop3A_676, %parallel_loop3A_679 : vector<16xf32>
        %parallel_loop3A_681 = arith.constant 4 : i32
        %parallel_loop3A_682 = arith.index_cast %parallel_loop3A_681 : i32 to index
        %parallel_loop3A_683 = arith.index_cast %parallel_loop3A_665 : i32 to index
        %parallel_loop3A_684 = arith.constant 0 : index
        %parallel_loop3A_685 = tpu.vector_load %arg11[%parallel_loop3A_682, %parallel_loop3A_683, %parallel_loop3A_684] {strides = array<i32>} : memref<5x40x128xf32, #tpu.memory_space<vmem>>, vector<1x1x16xf32>,
        %parallel_loop3A_686 = vector.shape_cast %parallel_loop3A_685 : vector<1x1x16xf32> to vector<16xf32>
        %parallel_loop3A_687 = vector.shape_cast %parallel_loop3A_680 : vector<16xf32> to vector<1x1x16xf32>
        tpu.vector_store %arg11[%parallel_loop3A_682, %parallel_loop3A_683, %parallel_loop3A_684], %parallel_loop3A_687 {strides = array<i32>} : memref<5x40x128xf32, #tpu.memory_space<vmem>>, vector<1x1x16xf32>,
        %parallel_loop3A_688 = arith.constant 4 : i32
        %parallel_loop3A_689 = arith.index_cast %parallel_loop3A_688 : i32 to index
        %parallel_loop3A_690 = arith.index_cast %parallel_loop3A_665 : i32 to index
        %parallel_loop3A_691 = arith.constant 16 : index
        %parallel_loop3A_692 = tpu.vector_load %arg11[%parallel_loop3A_689, %parallel_loop3A_690, %parallel_loop3A_691] {strides = array<i32>} : memref<5x40x128xf32, #tpu.memory_space<vmem>>, vector<1x1x16xf32>,
        %parallel_loop3A_693 = vector.shape_cast %parallel_loop3A_692 : vector<1x1x16xf32> to vector<16xf32>
        %parallel_loop3A_694 = arith.constant 5.000000e-01 : f32
        %parallel_loop3A_695 = vector.broadcast %parallel_loop3A_694 : f32 to vector<16xf32>
        %parallel_loop3A_696 = arith.mulf %parallel_loop3A_670, %parallel_loop3A_695 : vector<16xf32>
        %parallel_loop3A_697 = arith.mulf %parallel_loop3A_693, %parallel_loop3A_696 : vector<16xf32>
        %parallel_loop3A_698 = arith.constant 4 : i32
        %parallel_loop3A_699 = arith.index_cast %parallel_loop3A_698 : i32 to index
        %parallel_loop3A_700 = arith.index_cast %parallel_loop3A_665 : i32 to index
        %parallel_loop3A_701 = arith.constant 16 : index
        %parallel_loop3A_702 = tpu.vector_load %arg11[%parallel_loop3A_699, %parallel_loop3A_700, %parallel_loop3A_701] {strides = array<i32>} : memref<5x40x128xf32, #tpu.memory_space<vmem>>, vector<1x1x16xf32>,
        %parallel_loop3A_703 = vector.shape_cast %parallel_loop3A_702 : vector<1x1x16xf32> to vector<16xf32>
        %parallel_loop3A_704 = vector.shape_cast %parallel_loop3A_697 : vector<16xf32> to vector<1x1x16xf32>
        tpu.vector_store %arg11[%parallel_loop3A_699, %parallel_loop3A_700, %parallel_loop3A_701], %parallel_loop3A_704 {strides = array<i32>} : memref<5x40x128xf32, #tpu.memory_space<vmem>>, vector<1x1x16xf32>,
        %parallel_loop3A_705 = arith.constant 4 : i32
        %parallel_loop3A_706 = arith.index_cast %parallel_loop3A_705 : i32 to index
        %parallel_loop3A_707 = arith.index_cast %parallel_loop3A_665 : i32 to index
        %parallel_loop3A_708 = arith.constant 32 : index
        %parallel_loop3A_709 = tpu.vector_load %arg11[%parallel_loop3A_706, %parallel_loop3A_707, %parallel_loop3A_708] {strides = array<i32>} : memref<5x40x128xf32, #tpu.memory_space<vmem>>, vector<1x1x16xf32>,
        %parallel_loop3A_710 = vector.shape_cast %parallel_loop3A_709 : vector<1x1x16xf32> to vector<16xf32>
        %parallel_loop3A_711 = arith.constant 2.500000e-01 : f32
        %parallel_loop3A_712 = vector.broadcast %parallel_loop3A_711 : f32 to vector<16xf32>
        %parallel_loop3A_713 = arith.mulf %parallel_loop3A_670, %parallel_loop3A_712 : vector<16xf32>
        %parallel_loop3A_714 = arith.mulf %parallel_loop3A_710, %parallel_loop3A_713 : vector<16xf32>
        %parallel_loop3A_715 = arith.constant 4 : i32
        %parallel_loop3A_716 = arith.index_cast %parallel_loop3A_715 : i32 to index
        %parallel_loop3A_717 = arith.index_cast %parallel_loop3A_665 : i32 to index
        %parallel_loop3A_718 = arith.constant 32 : index
        %parallel_loop3A_719 = tpu.vector_load %arg11[%parallel_loop3A_716, %parallel_loop3A_717, %parallel_loop3A_718] {strides = array<i32>} : memref<5x40x128xf32, #tpu.memory_space<vmem>>, vector<1x1x16xf32>,
        %parallel_loop3A_720 = vector.shape_cast %parallel_loop3A_719 : vector<1x1x16xf32> to vector<16xf32>
        %parallel_loop3A_721 = vector.shape_cast %parallel_loop3A_714 : vector<16xf32> to vector<1x1x16xf32>
        tpu.vector_store %arg11[%parallel_loop3A_716, %parallel_loop3A_717, %parallel_loop3A_718], %parallel_loop3A_721 {strides = array<i32>} : memref<5x40x128xf32, #tpu.memory_space<vmem>>, vector<1x1x16xf32>,
        %parallel_loop3A_722 = arith.constant 4 : i32
        %parallel_loop3A_723 = arith.index_cast %parallel_loop3A_722 : i32 to index
        %parallel_loop3A_724 = arith.index_cast %parallel_loop3A_665 : i32 to index
        %parallel_loop3A_725 = arith.constant 48 : index
        %parallel_loop3A_726 = tpu.vector_load %arg11[%parallel_loop3A_723, %parallel_loop3A_724, %parallel_loop3A_725] {strides = array<i32>} : memref<5x40x128xf32, #tpu.memory_space<vmem>>, vector<1x1x16xf32>,
        %parallel_loop3A_727 = vector.shape_cast %parallel_loop3A_726 : vector<1x1x16xf32> to vector<16xf32>
        %parallel_loop3A_728 = arith.constant 1.250000e-01 : f32
        %parallel_loop3A_729 = vector.broadcast %parallel_loop3A_728 : f32 to vector<16xf32>
        %parallel_loop3A_730 = arith.mulf %parallel_loop3A_670, %parallel_loop3A_729 : vector<16xf32>
        %parallel_loop3A_731 = arith.mulf %parallel_loop3A_727, %parallel_loop3A_730 : vector<16xf32>
        %parallel_loop3A_732 = arith.constant 4 : i32
        %parallel_loop3A_733 = arith.index_cast %parallel_loop3A_732 : i32 to index
        %parallel_loop3A_734 = arith.index_cast %parallel_loop3A_665 : i32 to index
        %parallel_loop3A_735 = arith.constant 48 : index
        %parallel_loop3A_736 = tpu.vector_load %arg11[%parallel_loop3A_733, %parallel_loop3A_734, %parallel_loop3A_735] {strides = array<i32>} : memref<5x40x128xf32, #tpu.memory_space<vmem>>, vector<1x1x16xf32>,
        %parallel_loop3A_737 = vector.shape_cast %parallel_loop3A_736 : vector<1x1x16xf32> to vector<16xf32>
        %parallel_loop3A_738 = vector.shape_cast %parallel_loop3A_731 : vector<16xf32> to vector<1x1x16xf32>
        tpu.vector_store %arg11[%parallel_loop3A_733, %parallel_loop3A_734, %parallel_loop3A_735], %parallel_loop3A_738 {strides = array<i32>} : memref<5x40x128xf32, #tpu.memory_space<vmem>>, vector<1x1x16xf32>,
        %parallel_loop3A_739 = arith.constant 4 : i32
        %parallel_loop3A_740 = arith.index_cast %parallel_loop3A_739 : i32 to index
        %parallel_loop3A_741 = arith.index_cast %parallel_loop3A_665 : i32 to index
        %parallel_loop3A_742 = arith.constant 64 : index
        %parallel_loop3A_743 = tpu.vector_load %arg11[%parallel_loop3A_740, %parallel_loop3A_741, %parallel_loop3A_742] {strides = array<i32>} : memref<5x40x128xf32, #tpu.memory_space<vmem>>, vector<1x1x16xf32>,
        %parallel_loop3A_744 = vector.shape_cast %parallel_loop3A_743 : vector<1x1x16xf32> to vector<16xf32>
        %parallel_loop3A_745 = arith.constant 2.000000e+00 : f32
        %parallel_loop3A_746 = vector.broadcast %parallel_loop3A_745 : f32 to vector<16xf32>
        %parallel_loop3A_747 = arith.mulf %parallel_loop3A_670, %parallel_loop3A_746 : vector<16xf32>
        %parallel_loop3A_748 = arith.mulf %parallel_loop3A_744, %parallel_loop3A_747 : vector<16xf32>
        %parallel_loop3A_749 = arith.constant 4 : i32
        %parallel_loop3A_750 = arith.index_cast %parallel_loop3A_749 : i32 to index
        %parallel_loop3A_751 = arith.index_cast %parallel_loop3A_665 : i32 to index
        %parallel_loop3A_752 = arith.constant 64 : index
        %parallel_loop3A_753 = tpu.vector_load %arg11[%parallel_loop3A_750, %parallel_loop3A_751, %parallel_loop3A_752] {strides = array<i32>} : memref<5x40x128xf32, #tpu.memory_space<vmem>>, vector<1x1x16xf32>,
        %parallel_loop3A_754 = vector.shape_cast %parallel_loop3A_753 : vector<1x1x16xf32> to vector<16xf32>
        %parallel_loop3A_755 = vector.shape_cast %parallel_loop3A_748 : vector<16xf32> to vector<1x1x16xf32>
        tpu.vector_store %arg11[%parallel_loop3A_750, %parallel_loop3A_751, %parallel_loop3A_752], %parallel_loop3A_755 {strides = array<i32>} : memref<5x40x128xf32, #tpu.memory_space<vmem>>, vector<1x1x16xf32>,
        %parallel_loop3A_756 = arith.constant 4 : i32
        %parallel_loop3A_757 = arith.index_cast %parallel_loop3A_756 : i32 to index
        %parallel_loop3A_758 = arith.index_cast %parallel_loop3A_665 : i32 to index
        %parallel_loop3A_759 = arith.constant 80 : index
        %parallel_loop3A_760 = tpu.vector_load %arg11[%parallel_loop3A_757, %parallel_loop3A_758, %parallel_loop3A_759] {strides = array<i32>} : memref<5x40x128xf32, #tpu.memory_space<vmem>>, vector<1x1x16xf32>,
        %parallel_loop3A_761 = vector.shape_cast %parallel_loop3A_760 : vector<1x1x16xf32> to vector<16xf32>
        %parallel_loop3A_762 = arith.constant 1.500000e+00 : f32
        %parallel_loop3A_763 = vector.broadcast %parallel_loop3A_762 : f32 to vector<16xf32>
        %parallel_loop3A_764 = arith.mulf %parallel_loop3A_670, %parallel_loop3A_763 : vector<16xf32>
        %parallel_loop3A_765 = arith.mulf %parallel_loop3A_761, %parallel_loop3A_764 : vector<16xf32>
        %parallel_loop3A_766 = arith.constant 4 : i32
        %parallel_loop3A_767 = arith.index_cast %parallel_loop3A_766 : i32 to index
        %parallel_loop3A_768 = arith.index_cast %parallel_loop3A_665 : i32 to index
        %parallel_loop3A_769 = arith.constant 80 : index
        %parallel_loop3A_770 = tpu.vector_load %arg11[%parallel_loop3A_767, %parallel_loop3A_768, %parallel_loop3A_769] {strides = array<i32>} : memref<5x40x128xf32, #tpu.memory_space<vmem>>, vector<1x1x16xf32>,
        %parallel_loop3A_771 = vector.shape_cast %parallel_loop3A_770 : vector<1x1x16xf32> to vector<16xf32>
        %parallel_loop3A_772 = vector.shape_cast %parallel_loop3A_765 : vector<16xf32> to vector<1x1x16xf32>
        tpu.vector_store %arg11[%parallel_loop3A_767, %parallel_loop3A_768, %parallel_loop3A_769], %parallel_loop3A_772 {strides = array<i32>} : memref<5x40x128xf32, #tpu.memory_space<vmem>>, vector<1x1x16xf32>,
        %parallel_loop3A_773 = arith.constant 4 : i32
        %parallel_loop3A_774 = arith.index_cast %parallel_loop3A_773 : i32 to index
        %parallel_loop3A_775 = arith.index_cast %parallel_loop3A_665 : i32 to index
        %parallel_loop3A_776 = arith.constant 96 : index
        %parallel_loop3A_777 = tpu.vector_load %arg11[%parallel_loop3A_774, %parallel_loop3A_775, %parallel_loop3A_776] {strides = array<i32>} : memref<5x40x128xf32, #tpu.memory_space<vmem>>, vector<1x1x16xf32>,
        %parallel_loop3A_778 = vector.shape_cast %parallel_loop3A_777 : vector<1x1x16xf32> to vector<16xf32>
        %parallel_loop3A_779 = arith.constant 7.500000e-01 : f32
        %parallel_loop3A_780 = vector.broadcast %parallel_loop3A_779 : f32 to vector<16xf32>
        %parallel_loop3A_781 = arith.mulf %parallel_loop3A_670, %parallel_loop3A_780 : vector<16xf32>
        %parallel_loop3A_782 = arith.mulf %parallel_loop3A_778, %parallel_loop3A_781 : vector<16xf32>
        %parallel_loop3A_783 = arith.constant 4 : i32
        %parallel_loop3A_784 = arith.index_cast %parallel_loop3A_783 : i32 to index
        %parallel_loop3A_785 = arith.index_cast %parallel_loop3A_665 : i32 to index
        %parallel_loop3A_786 = arith.constant 96 : index
        %parallel_loop3A_787 = tpu.vector_load %arg11[%parallel_loop3A_784, %parallel_loop3A_785, %parallel_loop3A_786] {strides = array<i32>} : memref<5x40x128xf32, #tpu.memory_space<vmem>>, vector<1x1x16xf32>,
        %parallel_loop3A_788 = vector.shape_cast %parallel_loop3A_787 : vector<1x1x16xf32> to vector<16xf32>
        %parallel_loop3A_789 = vector.shape_cast %parallel_loop3A_782 : vector<16xf32> to vector<1x1x16xf32>
        tpu.vector_store %arg11[%parallel_loop3A_784, %parallel_loop3A_785, %parallel_loop3A_786], %parallel_loop3A_789 {strides = array<i32>} : memref<5x40x128xf32, #tpu.memory_space<vmem>>, vector<1x1x16xf32>,
        %parallel_loop3A_790 = arith.constant 4 : i32
        %parallel_loop3A_791 = arith.index_cast %parallel_loop3A_790 : i32 to index
        %parallel_loop3A_792 = arith.index_cast %parallel_loop3A_665 : i32 to index
        %parallel_loop3A_793 = arith.constant 112 : index
        %parallel_loop3A_794 = tpu.vector_load %arg11[%parallel_loop3A_791, %parallel_loop3A_792, %parallel_loop3A_793] {strides = array<i32>} : memref<5x40x128xf32, #tpu.memory_space<vmem>>, vector<1x1x16xf32>,
        %parallel_loop3A_795 = vector.shape_cast %parallel_loop3A_794 : vector<1x1x16xf32> to vector<16xf32>
        %parallel_loop3A_796 = arith.constant 3.750000e-01 : f32
        %parallel_loop3A_797 = vector.broadcast %parallel_loop3A_796 : f32 to vector<16xf32>
        %parallel_loop3A_798 = arith.mulf %parallel_loop3A_670, %parallel_loop3A_797 : vector<16xf32>
        %parallel_loop3A_799 = arith.mulf %parallel_loop3A_795, %parallel_loop3A_798 : vector<16xf32>
        %parallel_loop3A_800 = arith.constant 4 : i32
        %parallel_loop3A_801 = arith.index_cast %parallel_loop3A_800 : i32 to index
        %parallel_loop3A_802 = arith.index_cast %parallel_loop3A_665 : i32 to index
        %parallel_loop3A_803 = arith.constant 112 : index
        %parallel_loop3A_804 = tpu.vector_load %arg11[%parallel_loop3A_801, %parallel_loop3A_802, %parallel_loop3A_803] {strides = array<i32>} : memref<5x40x128xf32, #tpu.memory_space<vmem>>, vector<1x1x16xf32>,
        %parallel_loop3A_805 = vector.shape_cast %parallel_loop3A_804 : vector<1x1x16xf32> to vector<16xf32>
        %parallel_loop3A_806 = vector.shape_cast %parallel_loop3A_799 : vector<16xf32> to vector<1x1x16xf32>
        tpu.vector_store %arg11[%parallel_loop3A_801, %parallel_loop3A_802, %parallel_loop3A_803], %parallel_loop3A_806 {strides = array<i32>} : memref<5x40x128xf32, #tpu.memory_space<vmem>>, vector<1x1x16xf32>,
      } {sc.loop_unroll_factor = 8 : i64, sc.parallel_access}
      %mul3A_638 = arith.constant 5 : i32
      %mul3A_639 = arith.muli %rem3A_291, %mul3A_638 : i32
      %add3A_640 = arith.constant 4 : i32
      %add3A_641 = arith.addi %mul3A_639, %add3A_640 : i32
      %dma_start3A_642 = arith.constant 4 : i32
      %dma_start3A_643 = arith.constant 4 : i32
      %dma_start3A_644 = arith.constant 0 : i32
      %dma_start3A_645 = arith.constant 0 : i32
      %dma_start3A_646 = tpu.memref_slice %arg11[%dma_start3A_642, %dma_start3A_644, %dma_start3A_645] : memref<5x40x128xf32, #tpu.memory_space<vmem>> -> memref<1x40x128xf32, #tpu.memory_space<vmem>>
      %dma_start3A_647 = tpu.memref_squeeze %dma_start3A_646 : memref<1x40x128xf32, #tpu.memory_space<vmem>> -> memref<40x128xf32, #tpu.memory_space<vmem>>
      %dma_start3A_648 = arith.constant 0 : i32
      %dma_start3A_649 = tpu.memref_slice %arg9[%add3A_641, %dma_start3A_648] : memref<15x40xi32, #tpu.memory_space<vmem>> -> memref<1x40xi32, #tpu.memory_space<vmem>>
      %dma_start3A_650 = tpu.memref_squeeze %dma_start3A_649 : memref<1x40xi32, #tpu.memory_space<vmem>> -> memref<40xi32, #tpu.memory_space<vmem>>
      %dma_start3A_651 = arith.constant 0 : i32
      %dma_start3A_652 = arith.constant 0 : i32
      %dma_start3A_653 = tpu.memref_slice %arg12[%dma_start3A_651, %dma_start3A_652] : memref<10000x128xf32, #tpu.memory_space<vmem_shared>> -> memref<10000x128xf32, #tpu.memory_space<vmem_shared>>
      %dma_start3A_654 = tpu.memref_slice %arg14[%dma_start3A_643] : memref<5x!tpu.dma_semaphore, #tpu.memory_space<semaphore_mem>> -> memref<1x!tpu.dma_semaphore, #tpu.memory_space<semaphore_mem>>
      %dma_start3A_655 = tpu.memref_squeeze %dma_start3A_654 : memref<1x!tpu.dma_semaphore, #tpu.memory_space<semaphore_mem>> -> memref<!tpu.dma_semaphore, #tpu.memory_space<semaphore_mem>>
      tpu.enqueue_indirect_dma source(%dma_start3A_647 : memref<40x128xf32, #tpu.memory_space<vmem>>) target(%dma_start3A_653 : memref<10000x128xf32, #tpu.memory_space<vmem_shared>>) offsets(%dma_start3A_650 : memref<40xi32, #tpu.memory_space<vmem>>) semaphore(%dma_start3A_655 : memref<!tpu.dma_semaphore, #tpu.memory_space<semaphore_mem>>) {add = true}
      %add3A_656 = arith.constant 5 : i32
      %add3A_657 = arith.addi %add3A_597, %add3A_656 : i32
      %sub3A_658 = arith.constant 1 : i32
      %sub3A_659 = arith.subi %add3A_657, %sub3A_658 : i32
      %lt3A_660 = arith.constant 250 : i32
      %lt3A_661 = arith.cmpi slt, %sub3A_659, %lt3A_660 : i32
      %convert_element_type3A_662 = arith.extui %lt3A_661 : i1 to i32
      %cond3A_663 = arith.constant 0 : i32
      %cond3A_664 = arith.cmpi ne, %convert_element_type3A_662, %cond3A_663 : i32
      scf.if %cond3A_664 {
        %ge3A = arith.constant 1 : i32
        %ge3A_665 = arith.cmpi sge, %add3A_597, %ge3A : i32
        %convert_element_type3A_666 = arith.extui %ge3A_665 : i1 to i32
        %cond3A_667 = arith.constant 0 : i32
        %cond3A_668 = arith.cmpi ne, %convert_element_type3A_666, %cond3A_667 : i32
        scf.if %cond3A_668 {
          %sub3A_728 = arith.constant 1 : i32
          %sub3A_729 = arith.subi %add3A_597, %sub3A_728 : i32
          %jit3A_730 = arith.constant 5 : i32
          %div3A_731 = arith.divsi %sub3A_729, %jit3A_730 : i32
          %sign3A_732 = arith.constant 0 : i32
          %sign3A_733 = arith.cmpi sgt, %sub3A_729, %sign3A_732 : i32
          %sign3A_734 = arith.extui %sign3A_733 : i1 to i32
          %sign3A_735 = arith.constant 0 : i32
          %sign3A_736 = arith.cmpi slt, %sub3A_729, %sign3A_735 : i32
          %sign3A_737 = arith.extui %sign3A_736 : i1 to i32
          %sign3A_738 = arith.subi %sign3A_734, %sign3A_737 : i32
          %sign3A_739 = arith.constant 0 : i32
          %sign3A_740 = arith.cmpi sgt, %jit3A_730, %sign3A_739 : i32
          %sign3A_741 = arith.extui %sign3A_740 : i1 to i32
          %sign3A_742 = arith.constant 0 : i32
          %sign3A_743 = arith.cmpi slt, %jit3A_730, %sign3A_742 : i32
          %sign3A_744 = arith.extui %sign3A_743 : i1 to i32
          %sign3A_745 = arith.subi %sign3A_741, %sign3A_744 : i32
          %ne3A_746 = arith.cmpi ne, %sign3A_738, %sign3A_745 : i32
          %rem3A_747 = arith.remsi %sub3A_729, %jit3A_730 : i32
          %ne3A_748 = arith.constant 0 : i32
          %ne3A_749 = arith.cmpi ne, %rem3A_747, %ne3A_748 : i32
          %and3A_750 = arith.andi %ne3A_746, %ne3A_749 : i1
          %sub3A_751 = arith.constant 1 : i32
          %sub3A_752 = arith.subi %div3A_731, %sub3A_751 : i32
          %select_n3A_753 = arith.select %and3A_750, %sub3A_752, %div3A_731 : i32
          %rem3A_754 = arith.constant 3 : i32
          %rem3A_755 = arith.remsi %select_n3A_753, %rem3A_754 : i32
          %mul3A_756 = arith.constant 5 : i32
          %mul3A_757 = arith.muli %rem3A_755, %mul3A_756 : i32
          %add3A_758 = arith.constant 3 : i32
          %add3A_759 = arith.addi %mul3A_757, %add3A_758 : i32
          %dma_wait3A_760 = arith.constant 3 : i32
          %dma_wait3A_761 = arith.constant 3 : i32
          %dma_wait3A_762 = arith.constant 0 : i32
          %dma_wait3A_763 = arith.constant 0 : i32
          %dma_wait3A_764 = tpu.memref_slice %arg11[%dma_wait3A_760, %dma_wait3A_762, %dma_wait3A_763] : memref<5x40x128xf32, #tpu.memory_space<vmem>> -> memref<1x40x128xf32, #tpu.memory_space<vmem>>
          %dma_wait3A_765 = tpu.memref_squeeze %dma_wait3A_764 : memref<1x40x128xf32, #tpu.memory_space<vmem>> -> memref<40x128xf32, #tpu.memory_space<vmem>>
          %dma_wait3A_766 = arith.constant 0 : i32
          %dma_wait3A_767 = tpu.memref_slice %arg9[%add3A_759, %dma_wait3A_766] : memref<15x40xi32, #tpu.memory_space<vmem>> -> memref<1x40xi32, #tpu.memory_space<vmem>>
          %dma_wait3A_768 = tpu.memref_squeeze %dma_wait3A_767 : memref<1x40xi32, #tpu.memory_space<vmem>> -> memref<40xi32, #tpu.memory_space<vmem>>
          %dma_wait3A_769 = arith.constant 0 : i32
          %dma_wait3A_770 = arith.constant 0 : i32
          %dma_wait3A_771 = tpu.memref_slice %arg12[%dma_wait3A_769, %dma_wait3A_770] : memref<10000x128xf32, #tpu.memory_space<vmem_shared>> -> memref<10000x128xf32, #tpu.memory_space<vmem_shared>>
          %dma_wait3A_772 = tpu.memref_slice %arg14[%dma_wait3A_761] : memref<5x!tpu.dma_semaphore, #tpu.memory_space<semaphore_mem>> -> memref<1x!tpu.dma_semaphore, #tpu.memory_space<semaphore_mem>>
          %dma_wait3A_773 = tpu.memref_squeeze %dma_wait3A_772 : memref<1x!tpu.dma_semaphore, #tpu.memory_space<semaphore_mem>> -> memref<!tpu.dma_semaphore, #tpu.memory_space<semaphore_mem>>
          tpu.wait_indirect_dma semaphore(%dma_wait3A_773 : memref<!tpu.dma_semaphore, #tpu.memory_space<semaphore_mem>>) src(%dma_wait3A_765 : memref<40x128xf32, #tpu.memory_space<vmem>>) dst(%dma_wait3A_771 : memref<10000x128xf32, #tpu.memory_space<vmem_shared>>)
        } else {
        }
        %rem3A_669 = arith.constant 4 : i32
        %rem3A_670 = arith.remsi %sub3A_659, %rem3A_669 : i32
        %mul3A_671 = arith.constant 40 : i32
        %mul3A_672 = arith.muli %sub3A_659, %mul3A_671 : i32
        %add3A_673 = arith.addi %mul3A_8, %mul3A_672 : i32
        %dma_start3A_674 = arith.constant 0 : i32
        %dma_start3A_675 = arith.constant 0 : i32
        %dma_start3A_676 = tpu.memref_slice %arg10[%rem3A_670, %dma_start3A_674, %dma_start3A_675] : memref<4x40x16xf32, #tpu.memory_space<vmem>> -> memref<1x40x16xf32, #tpu.memory_space<vmem>>
        %dma_start3A_677 = tpu.memref_squeeze %dma_start3A_676 : memref<1x40x16xf32, #tpu.memory_space<vmem>> -> memref<40x16xf32, #tpu.memory_space<vmem>>
        %dma_start3A_678 = arith.constant 0 : i32
        %dma_start3A_679 = tpu.memref_slice %arg3[%add3A_673, %dma_start3A_678] : memref<320000x16xf32, #tpu.memory_space<hbm>> -> memref<40x16xf32, #tpu.memory_space<hbm>>
        %dma_start3A_680 = tpu.memref_slice %arg15[%rem3A_670] : memref<4x!tpu.dma_semaphore, #tpu.memory_space<semaphore_mem>> -> memref<1x!tpu.dma_semaphore, #tpu.memory_space<semaphore_mem>>
        %dma_start3A_681 = tpu.memref_squeeze %dma_start3A_680 : memref<1x!tpu.dma_semaphore, #tpu.memory_space<semaphore_mem>> -> memref<!tpu.dma_semaphore, #tpu.memory_space<semaphore_mem>>
        %dma_start3A_682 = arith.constant 0 : i32
        %dma_start3A_683 = arith.constant 0 : i32
        %dma_start3A_684 = tpu.memref_slice %arg10[%rem3A_670, %dma_start3A_682, %dma_start3A_683] : memref<4x40x16xf32, #tpu.memory_space<vmem>> -> memref<1x40x16xf32, #tpu.memory_space<vmem>>
        %dma_start3A_685 = tpu.memref_squeeze %dma_start3A_684 : memref<1x40x16xf32, #tpu.memory_space<vmem>> -> memref<40x16xf32, #tpu.memory_space<vmem>>
        %dma_start3A_686 = arith.constant 0 : i32
        %dma_start3A_687 = tpu.memref_slice %arg3[%add3A_673, %dma_start3A_686] : memref<320000x16xf32, #tpu.memory_space<hbm>> -> memref<40x16xf32, #tpu.memory_space<hbm>>
        tpu.enqueue_dma source(%dma_start3A_687 : memref<40x16xf32, #tpu.memory_space<hbm>>) target(%dma_start3A_685 : memref<40x16xf32, #tpu.memory_space<vmem>>) target_semaphore(%dma_start3A_681 : memref<!tpu.dma_semaphore, #tpu.memory_space<semaphore_mem>>)
        %jit3A = arith.constant 5 : i32
        %div3A = arith.divsi %sub3A_659, %jit3A : i32
        %sign3A = arith.constant 0 : i32
        %sign3A_688 = arith.cmpi sgt, %sub3A_659, %sign3A : i32
        %sign3A_689 = arith.extui %sign3A_688 : i1 to i32
        %sign3A_690 = arith.constant 0 : i32
        %sign3A_691 = arith.cmpi slt, %sub3A_659, %sign3A_690 : i32
        %sign3A_692 = arith.extui %sign3A_691 : i1 to i32
        %sign3A_693 = arith.subi %sign3A_689, %sign3A_692 : i32
        %sign3A_694 = arith.constant 0 : i32
        %sign3A_695 = arith.cmpi sgt, %jit3A, %sign3A_694 : i32
        %sign3A_696 = arith.extui %sign3A_695 : i1 to i32
        %sign3A_697 = arith.constant 0 : i32
        %sign3A_698 = arith.cmpi slt, %jit3A, %sign3A_697 : i32
        %sign3A_699 = arith.extui %sign3A_698 : i1 to i32
        %sign3A_700 = arith.subi %sign3A_696, %sign3A_699 : i32
        %ne3A = arith.cmpi ne, %sign3A_693, %sign3A_700 : i32
        %rem3A_701 = arith.remsi %sub3A_659, %jit3A : i32
        %ne3A_702 = arith.constant 0 : i32
        %ne3A_703 = arith.cmpi ne, %rem3A_701, %ne3A_702 : i32
        %and3A = arith.andi %ne3A, %ne3A_703 : i1
        %sub3A_704 = arith.constant 1 : i32
        %sub3A_705 = arith.subi %div3A, %sub3A_704 : i32
        %select_n3A = arith.select %and3A, %sub3A_705, %div3A : i32
        %rem3A_706 = arith.constant 3 : i32
        %rem3A_707 = arith.remsi %select_n3A, %rem3A_706 : i32
        %mul3A_708 = arith.constant 5 : i32
        %mul3A_709 = arith.muli %rem3A_707, %mul3A_708 : i32
        %mul3A_710 = arith.constant 5 : i32
        %mul3A_711 = arith.muli %select_n3A, %mul3A_710 : i32
        %sub3A_712 = arith.subi %sub3A_659, %mul3A_711 : i32
        %add3A_713 = arith.addi %mul3A_709, %sub3A_712 : i32
        %mul3A_714 = arith.constant 40 : i32
        %mul3A_715 = arith.muli %add3A_713, %mul3A_714 : i32
        %dma_start3A_716 = arith.constant 3 : i32
        %dma_start3A_717 = arith.constant 3 : i32
        %dma_start3A_718 = arith.constant 0 : i32
        %dma_start3A_719 = arith.constant 0 : i32
        %dma_start3A_720 = tpu.memref_slice %arg11[%dma_start3A_716, %dma_start3A_718, %dma_start3A_719] : memref<5x40x128xf32, #tpu.memory_space<vmem>> -> memref<1x40x128xf32, #tpu.memory_space<vmem>>
        %dma_start3A_721 = tpu.memref_squeeze %dma_start3A_720 : memref<1x40x128xf32, #tpu.memory_space<vmem>> -> memref<40x128xf32, #tpu.memory_space<vmem>>
        %dma_start3A_722 = tpu.memref_slice %arg8[%mul3A_715] : memref<600xi32, #tpu.memory_space<vmem>> -> memref<40xi32, #tpu.memory_space<vmem>>
        %dma_start3A_723 = arith.constant 0 : i32
        %dma_start3A_724 = arith.constant 0 : i32
        %dma_start3A_725 = tpu.memref_slice %arg2[%dma_start3A_723, %dma_start3A_724] : memref<10000x128xf32, #tpu.memory_space<hbm>> -> memref<10000x128xf32, #tpu.memory_space<hbm>>
        %dma_start3A_726 = tpu.memref_slice %arg13[%dma_start3A_717] : memref<5x!tpu.dma_semaphore, #tpu.memory_space<semaphore_mem>> -> memref<1x!tpu.dma_semaphore, #tpu.memory_space<semaphore_mem>>
        %dma_start3A_727 = tpu.memref_squeeze %dma_start3A_726 : memref<1x!tpu.dma_semaphore, #tpu.memory_space<semaphore_mem>> -> memref<!tpu.dma_semaphore, #tpu.memory_space<semaphore_mem>>
        tpu.enqueue_indirect_dma source(%dma_start3A_725 : memref<10000x128xf32, #tpu.memory_space<hbm>>) target(%dma_start3A_721 : memref<40x128xf32, #tpu.memory_space<vmem>>) offsets(%dma_start3A_722 : memref<40xi32, #tpu.memory_space<vmem>>) semaphore(%dma_start3A_727 : memref<!tpu.dma_semaphore, #tpu.memory_space<semaphore_mem>>)
      } else {
      }
    }
    %scan3A_204 = arith.constant 50 : i32
    %dma_wait3A_205 = arith.constant 0 : i32
    %dma_wait3A_206 = arith.constant 5 : i32
    %dma_wait3A_207 = arith.constant 0 : i32
    %dma_wait3A_208 = arith.constant 0 : i32
    %dma_wait3A_209 = arith.constant 0 : i32
    %dma_wait3A_210 = tpu.memref_slice %arg11[%dma_wait3A_205, %dma_wait3A_208, %dma_wait3A_209] : memref<5x40x128xf32, #tpu.memory_space<vmem>> -> memref<1x40x128xf32, #tpu.memory_space<vmem>>
    %dma_wait3A_211 = tpu.memref_squeeze %dma_wait3A_210 : memref<1x40x128xf32, #tpu.memory_space<vmem>> -> memref<40x128xf32, #tpu.memory_space<vmem>>
    %dma_wait3A_212 = arith.constant 0 : i32
    %dma_wait3A_213 = tpu.memref_slice %arg9[%dma_wait3A_206, %dma_wait3A_212] : memref<15x40xi32, #tpu.memory_space<vmem>> -> memref<1x40xi32, #tpu.memory_space<vmem>>
    %dma_wait3A_214 = tpu.memref_squeeze %dma_wait3A_213 : memref<1x40xi32, #tpu.memory_space<vmem>> -> memref<40xi32, #tpu.memory_space<vmem>>
    %dma_wait3A_215 = arith.constant 0 : i32
    %dma_wait3A_216 = arith.constant 0 : i32
    %dma_wait3A_217 = tpu.memref_slice %arg12[%dma_wait3A_215, %dma_wait3A_216] : memref<10000x128xf32, #tpu.memory_space<vmem_shared>> -> memref<10000x128xf32, #tpu.memory_space<vmem_shared>>
    %dma_wait3A_218 = tpu.memref_slice %arg14[%dma_wait3A_207] : memref<5x!tpu.dma_semaphore, #tpu.memory_space<semaphore_mem>> -> memref<1x!tpu.dma_semaphore, #tpu.memory_space<semaphore_mem>>
    %dma_wait3A_219 = tpu.memref_squeeze %dma_wait3A_218 : memref<1x!tpu.dma_semaphore, #tpu.memory_space<semaphore_mem>> -> memref<!tpu.dma_semaphore, #tpu.memory_space<semaphore_mem>>
    tpu.wait_indirect_dma semaphore(%dma_wait3A_219 : memref<!tpu.dma_semaphore, #tpu.memory_space<semaphore_mem>>) src(%dma_wait3A_211 : memref<40x128xf32, #tpu.memory_space<vmem>>) dst(%dma_wait3A_217 : memref<10000x128xf32, #tpu.memory_space<vmem_shared>>)
    %dma_wait3A_220 = arith.constant 1 : i32
    %dma_wait3A_221 = arith.constant 6 : i32
    %dma_wait3A_222 = arith.constant 1 : i32
    %dma_wait3A_223 = arith.constant 0 : i32
    %dma_wait3A_224 = arith.constant 0 : i32
    %dma_wait3A_225 = tpu.memref_slice %arg11[%dma_wait3A_220, %dma_wait3A_223, %dma_wait3A_224] : memref<5x40x128xf32, #tpu.memory_space<vmem>> -> memref<1x40x128xf32, #tpu.memory_space<vmem>>
    %dma_wait3A_226 = tpu.memref_squeeze %dma_wait3A_225 : memref<1x40x128xf32, #tpu.memory_space<vmem>> -> memref<40x128xf32, #tpu.memory_space<vmem>>
    %dma_wait3A_227 = arith.constant 0 : i32
    %dma_wait3A_228 = tpu.memref_slice %arg9[%dma_wait3A_221, %dma_wait3A_227] : memref<15x40xi32, #tpu.memory_space<vmem>> -> memref<1x40xi32, #tpu.memory_space<vmem>>
    %dma_wait3A_229 = tpu.memref_squeeze %dma_wait3A_228 : memref<1x40xi32, #tpu.memory_space<vmem>> -> memref<40xi32, #tpu.memory_space<vmem>>
    %dma_wait3A_230 = arith.constant 0 : i32
    %dma_wait3A_231 = arith.constant 0 : i32
    %dma_wait3A_232 = tpu.memref_slice %arg12[%dma_wait3A_230, %dma_wait3A_231] : memref<10000x128xf32, #tpu.memory_space<vmem_shared>> -> memref<10000x128xf32, #tpu.memory_space<vmem_shared>>
    %dma_wait3A_233 = tpu.memref_slice %arg14[%dma_wait3A_222] : memref<5x!tpu.dma_semaphore, #tpu.memory_space<semaphore_mem>> -> memref<1x!tpu.dma_semaphore, #tpu.memory_space<semaphore_mem>>
    %dma_wait3A_234 = tpu.memref_squeeze %dma_wait3A_233 : memref<1x!tpu.dma_semaphore, #tpu.memory_space<semaphore_mem>> -> memref<!tpu.dma_semaphore, #tpu.memory_space<semaphore_mem>>
    tpu.wait_indirect_dma semaphore(%dma_wait3A_234 : memref<!tpu.dma_semaphore, #tpu.memory_space<semaphore_mem>>) src(%dma_wait3A_226 : memref<40x128xf32, #tpu.memory_space<vmem>>) dst(%dma_wait3A_232 : memref<10000x128xf32, #tpu.memory_space<vmem_shared>>)
    %dma_wait3A_235 = arith.constant 2 : i32
    %dma_wait3A_236 = arith.constant 7 : i32
    %dma_wait3A_237 = arith.constant 2 : i32
    %dma_wait3A_238 = arith.constant 0 : i32
    %dma_wait3A_239 = arith.constant 0 : i32
    %dma_wait3A_240 = tpu.memref_slice %arg11[%dma_wait3A_235, %dma_wait3A_238, %dma_wait3A_239] : memref<5x40x128xf32, #tpu.memory_space<vmem>> -> memref<1x40x128xf32, #tpu.memory_space<vmem>>
    %dma_wait3A_241 = tpu.memref_squeeze %dma_wait3A_240 : memref<1x40x128xf32, #tpu.memory_space<vmem>> -> memref<40x128xf32, #tpu.memory_space<vmem>>
    %dma_wait3A_242 = arith.constant 0 : i32
    %dma_wait3A_243 = tpu.memref_slice %arg9[%dma_wait3A_236, %dma_wait3A_242] : memref<15x40xi32, #tpu.memory_space<vmem>> -> memref<1x40xi32, #tpu.memory_space<vmem>>
    %dma_wait3A_244 = tpu.memref_squeeze %dma_wait3A_243 : memref<1x40xi32, #tpu.memory_space<vmem>> -> memref<40xi32, #tpu.memory_space<vmem>>
    %dma_wait3A_245 = arith.constant 0 : i32
    %dma_wait3A_246 = arith.constant 0 : i32
    %dma_wait3A_247 = tpu.memref_slice %arg12[%dma_wait3A_245, %dma_wait3A_246] : memref<10000x128xf32, #tpu.memory_space<vmem_shared>> -> memref<10000x128xf32, #tpu.memory_space<vmem_shared>>
    %dma_wait3A_248 = tpu.memref_slice %arg14[%dma_wait3A_237] : memref<5x!tpu.dma_semaphore, #tpu.memory_space<semaphore_mem>> -> memref<1x!tpu.dma_semaphore, #tpu.memory_space<semaphore_mem>>
    %dma_wait3A_249 = tpu.memref_squeeze %dma_wait3A_248 : memref<1x!tpu.dma_semaphore, #tpu.memory_space<semaphore_mem>> -> memref<!tpu.dma_semaphore, #tpu.memory_space<semaphore_mem>>
    tpu.wait_indirect_dma semaphore(%dma_wait3A_249 : memref<!tpu.dma_semaphore, #tpu.memory_space<semaphore_mem>>) src(%dma_wait3A_241 : memref<40x128xf32, #tpu.memory_space<vmem>>) dst(%dma_wait3A_247 : memref<10000x128xf32, #tpu.memory_space<vmem_shared>>)
    %dma_wait3A_250 = arith.constant 3 : i32
    %dma_wait3A_251 = arith.constant 8 : i32
    %dma_wait3A_252 = arith.constant 3 : i32
    %dma_wait3A_253 = arith.constant 0 : i32
    %dma_wait3A_254 = arith.constant 0 : i32
    %dma_wait3A_255 = tpu.memref_slice %arg11[%dma_wait3A_250, %dma_wait3A_253, %dma_wait3A_254] : memref<5x40x128xf32, #tpu.memory_space<vmem>> -> memref<1x40x128xf32, #tpu.memory_space<vmem>>
    %dma_wait3A_256 = tpu.memref_squeeze %dma_wait3A_255 : memref<1x40x128xf32, #tpu.memory_space<vmem>> -> memref<40x128xf32, #tpu.memory_space<vmem>>
    %dma_wait3A_257 = arith.constant 0 : i32
    %dma_wait3A_258 = tpu.memref_slice %arg9[%dma_wait3A_251, %dma_wait3A_257] : memref<15x40xi32, #tpu.memory_space<vmem>> -> memref<1x40xi32, #tpu.memory_space<vmem>>
    %dma_wait3A_259 = tpu.memref_squeeze %dma_wait3A_258 : memref<1x40xi32, #tpu.memory_space<vmem>> -> memref<40xi32, #tpu.memory_space<vmem>>
    %dma_wait3A_260 = arith.constant 0 : i32
    %dma_wait3A_261 = arith.constant 0 : i32
    %dma_wait3A_262 = tpu.memref_slice %arg12[%dma_wait3A_260, %dma_wait3A_261] : memref<10000x128xf32, #tpu.memory_space<vmem_shared>> -> memref<10000x128xf32, #tpu.memory_space<vmem_shared>>
    %dma_wait3A_263 = tpu.memref_slice %arg14[%dma_wait3A_252] : memref<5x!tpu.dma_semaphore, #tpu.memory_space<semaphore_mem>> -> memref<1x!tpu.dma_semaphore, #tpu.memory_space<semaphore_mem>>
    %dma_wait3A_264 = tpu.memref_squeeze %dma_wait3A_263 : memref<1x!tpu.dma_semaphore, #tpu.memory_space<semaphore_mem>> -> memref<!tpu.dma_semaphore, #tpu.memory_space<semaphore_mem>>
    tpu.wait_indirect_dma semaphore(%dma_wait3A_264 : memref<!tpu.dma_semaphore, #tpu.memory_space<semaphore_mem>>) src(%dma_wait3A_256 : memref<40x128xf32, #tpu.memory_space<vmem>>) dst(%dma_wait3A_262 : memref<10000x128xf32, #tpu.memory_space<vmem_shared>>)
    %dma_wait3A_265 = arith.constant 4 : i32
    %dma_wait3A_266 = arith.constant 9 : i32
    %dma_wait3A_267 = arith.constant 4 : i32
    %dma_wait3A_268 = arith.constant 0 : i32
    %dma_wait3A_269 = arith.constant 0 : i32
    %dma_wait3A_270 = tpu.memref_slice %arg11[%dma_wait3A_265, %dma_wait3A_268, %dma_wait3A_269] : memref<5x40x128xf32, #tpu.memory_space<vmem>> -> memref<1x40x128xf32, #tpu.memory_space<vmem>>
    %dma_wait3A_271 = tpu.memref_squeeze %dma_wait3A_270 : memref<1x40x128xf32, #tpu.memory_space<vmem>> -> memref<40x128xf32, #tpu.memory_space<vmem>>
    %dma_wait3A_272 = arith.constant 0 : i32
    %dma_wait3A_273 = tpu.memref_slice %arg9[%dma_wait3A_266, %dma_wait3A_272] : memref<15x40xi32, #tpu.memory_space<vmem>> -> memref<1x40xi32, #tpu.memory_space<vmem>>
    %dma_wait3A_274 = tpu.memref_squeeze %dma_wait3A_273 : memref<1x40xi32, #tpu.memory_space<vmem>> -> memref<40xi32, #tpu.memory_space<vmem>>
    %dma_wait3A_275 = arith.constant 0 : i32
    %dma_wait3A_276 = arith.constant 0 : i32
    %dma_wait3A_277 = tpu.memref_slice %arg12[%dma_wait3A_275, %dma_wait3A_276] : memref<10000x128xf32, #tpu.memory_space<vmem_shared>> -> memref<10000x128xf32, #tpu.memory_space<vmem_shared>>
    %dma_wait3A_278 = tpu.memref_slice %arg14[%dma_wait3A_267] : memref<5x!tpu.dma_semaphore, #tpu.memory_space<semaphore_mem>> -> memref<1x!tpu.dma_semaphore, #tpu.memory_space<semaphore_mem>>
    %dma_wait3A_279 = tpu.memref_squeeze %dma_wait3A_278 : memref<1x!tpu.dma_semaphore, #tpu.memory_space<semaphore_mem>> -> memref<!tpu.dma_semaphore, #tpu.memory_space<semaphore_mem>>
    tpu.wait_indirect_dma semaphore(%dma_wait3A_279 : memref<!tpu.dma_semaphore, #tpu.memory_space<semaphore_mem>>) src(%dma_wait3A_271 : memref<40x128xf32, #tpu.memory_space<vmem>>) dst(%dma_wait3A_277 : memref<10000x128xf32, #tpu.memory_space<vmem_shared>>)
    %barrier3A_280 = arith.constant 0 : index
    tpu.barrier barrier_id(%barrier3A_280)
    %mul3A_281 = arith.constant 624 : i32
    %mul3A_282 = arith.muli %arg1, %mul3A_281 : i32
    %mul3A_283 = arith.constant 624 : i32
    %mul3A_284 = arith.muli %arg1, %mul3A_283 : i32
    "tpu.region"() ({
      %run_scoped3A = tpu.sem_alloc : memref<!tpu.dma_semaphore, #tpu.memory_space<semaphore_mem>>
      %dma_start3A_290 = arith.constant 0 : i32
      %dma_start3A_291 = tpu.memref_slice %arg7[%arg0, %mul3A_284, %dma_start3A_290] : memref<2x10000x128xf32, #tpu.memory_space<hbm>> -> memref<1x624x128xf32, #tpu.memory_space<hbm>>
      %dma_start3A_292 = tpu.memref_squeeze %dma_start3A_291 : memref<1x624x128xf32, #tpu.memory_space<hbm>> -> memref<624x128xf32, #tpu.memory_space<hbm>>
      %dma_start3A_293 = arith.constant 0 : i32
      %dma_start3A_294 = tpu.memref_slice %arg12[%mul3A_282, %dma_start3A_293] : memref<10000x128xf32, #tpu.memory_space<vmem_shared>> -> memref<624x128xf32, #tpu.memory_space<vmem_shared>>
      tpu.enqueue_dma source(%dma_start3A_294 : memref<624x128xf32, #tpu.memory_space<vmem_shared>>) target(%dma_start3A_292 : memref<624x128xf32, #tpu.memory_space<hbm>>) target_semaphore(%run_scoped3A : memref<!tpu.dma_semaphore, #tpu.memory_space<semaphore_mem>>)
      %dma_wait3A_295 = arith.constant 0 : i32
      %dma_wait3A_296 = tpu.memref_slice %arg7[%arg0, %mul3A_284, %dma_wait3A_295] : memref<2x10000x128xf32, #tpu.memory_space<hbm>> -> memref<1x624x128xf32, #tpu.memory_space<hbm>>
      %dma_wait3A_297 = tpu.memref_squeeze %dma_wait3A_296 : memref<1x624x128xf32, #tpu.memory_space<hbm>> -> memref<624x128xf32, #tpu.memory_space<hbm>>
      %dma_wait3A_298 = arith.constant 0 : i32
      %dma_wait3A_299 = tpu.memref_slice %arg12[%mul3A_282, %dma_wait3A_298] : memref<10000x128xf32, #tpu.memory_space<vmem_shared>> -> memref<624x128xf32, #tpu.memory_space<vmem_shared>>
      tpu.wait_dma2 semaphore(%run_scoped3A : memref<!tpu.dma_semaphore, #tpu.memory_space<semaphore_mem>>) src(%dma_wait3A_299 : memref<624x128xf32, #tpu.memory_space<vmem_shared>>) dst(%dma_wait3A_297 : memref<624x128xf32, #tpu.memory_space<hbm>>)
      tpu.yield
    }) : () -> ()
    %eq3A_285 = arith.constant 0 : i32
    %eq3A_286 = arith.cmpi eq, %arg1, %eq3A_285 : i32
    %convert_element_type3A_287 = arith.extui %eq3A_286 : i1 to i32
    %cond3A_288 = arith.constant 0 : i32
    %cond3A_289 = arith.cmpi ne, %convert_element_type3A_287, %cond3A_288 : i32
    scf.if %cond3A_289 {
      "tpu.region"() ({
        %run_scoped3A = tpu.sem_alloc : memref<!tpu.dma_semaphore, #tpu.memory_space<semaphore_mem>>
        %dma_start3A_290 = arith.constant 9984 : i32
        %dma_start3A_291 = arith.constant 0 : i32
        %dma_start3A_292 = tpu.memref_slice %arg7[%arg0, %dma_start3A_290, %dma_start3A_291] : memref<2x10000x128xf32, #tpu.memory_space<hbm>> -> memref<1x16x128xf32, #tpu.memory_space<hbm>>
        %dma_start3A_293 = tpu.memref_squeeze %dma_start3A_292 : memref<1x16x128xf32, #tpu.memory_space<hbm>> -> memref<16x128xf32, #tpu.memory_space<hbm>>
        %dma_start3A_294 = arith.constant 9984 : i32
        %dma_start3A_295 = arith.constant 0 : i32
        %dma_start3A_296 = tpu.memref_slice %arg12[%dma_start3A_294, %dma_start3A_295] : memref<10000x128xf32, #tpu.memory_space<vmem_shared>> -> memref<16x128xf32, #tpu.memory_space<vmem_shared>>
        tpu.enqueue_dma source(%dma_start3A_296 : memref<16x128xf32, #tpu.memory_space<vmem_shared>>) target(%dma_start3A_293 : memref<16x128xf32, #tpu.memory_space<hbm>>) target_semaphore(%run_scoped3A : memref<!tpu.dma_semaphore, #tpu.memory_space<semaphore_mem>>)
        %dma_wait3A_297 = arith.constant 9984 : i32
        %dma_wait3A_298 = arith.constant 0 : i32
        %dma_wait3A_299 = tpu.memref_slice %arg7[%arg0, %dma_wait3A_297, %dma_wait3A_298] : memref<2x10000x128xf32, #tpu.memory_space<hbm>> -> memref<1x16x128xf32, #tpu.memory_space<hbm>>
        %dma_wait3A_300 = tpu.memref_squeeze %dma_wait3A_299 : memref<1x16x128xf32, #tpu.memory_space<hbm>> -> memref<16x128xf32, #tpu.memory_space<hbm>>
        %dma_wait3A_301 = arith.constant 9984 : i32
        %dma_wait3A_302 = arith.constant 0 : i32
        %dma_wait3A_303 = tpu.memref_slice %arg12[%dma_wait3A_301, %dma_wait3A_302] : memref<10000x128xf32, #tpu.memory_space<vmem_shared>> -> memref<16x128xf32, #tpu.memory_space<vmem_shared>>
        tpu.wait_dma2 semaphore(%run_scoped3A : memref<!tpu.dma_semaphore, #tpu.memory_space<semaphore_mem>>) src(%dma_wait3A_303 : memref<16x128xf32, #tpu.memory_space<vmem_shared>>) dst(%dma_wait3A_300 : memref<16x128xf32, #tpu.memory_space<hbm>>)
        tpu.yield
      }) : () -> ()
    } else {
    }
    return
  }
}

module attributes {stable_mosaic.version = 14 : i64} {
  func.func @body(%arg0: i32, %arg1: memref<2x1000x128xf32, #tpu.memory_space<vmem>>, %arg2: memref<1000x128xf32, #tpu.memory_space<vmem>>) attributes {dimension_semantics = [#tpu.dimension_semantics<arbitrary>], iteration_bounds = array<i64: 10>, scalar_prefetch = 0 : i64, scratch_operands = 0 : i64, tpu.core_type = #tpu.core_type<tc>, window_params = [{transform_indices = @transform_0, window_bounds = array<i64: 2, 1000, 128>}, {transform_indices = @transform_1, window_bounds = array<i64: 1000, 128>}]} {
    %get3A = arith.constant 0 : index
    %get3A_0 = arith.constant 0 : index
    %get3A_1 = arith.constant 0 : index
    %get3A_2 = vector.load %arg1[%get3A, %get3A_0, %get3A_1] : memref<2x1000x128xf32, #tpu.memory_space<vmem>>, vector<1x1000x128xf32>
    %get3A_3 = vector.shape_cast %get3A_2 : vector<1x1000x128xf32> to vector<1000x128xf32>
    %get3A_4 = arith.constant 1 : index
    %get3A_5 = arith.constant 0 : index
    %get3A_6 = arith.constant 0 : index
    %get3A_7 = vector.load %arg1[%get3A_4, %get3A_5, %get3A_6] : memref<2x1000x128xf32, #tpu.memory_space<vmem>>, vector<1x1000x128xf32>
    %get3A_8 = vector.shape_cast %get3A_7 : vector<1x1000x128xf32> to vector<1000x128xf32>
    %add3A = arith.addf %get3A_3, %get3A_8 : vector<1000x128xf32>
    %swap3A = arith.constant 0 : index
    %swap3A_9 = arith.constant 0 : index
    %swap3A_10 = vector.load %arg2[%swap3A, %swap3A_9] : memref<1000x128xf32, #tpu.memory_space<vmem>>, vector<1000x128xf32>
    tpu.vector_store %arg2[%swap3A, %swap3A_9], %add3A {strides = array<i32>} : memref<1000x128xf32, #tpu.memory_space<vmem>>, vector<1000x128xf32>,
    return
  }
  func.func @transform_0(%arg0: i32) -> (i32, i32, i32) {
    %c0_i32 = arith.constant 0 : i32
    %c0_i32_0 = arith.constant 0 : i32
    %c0_i32_1 = arith.constant 0 : i32
    return %c0_i32, %arg0, %c0_i32_0 : i32, i32, i32
  }
  func.func @transform_1(%arg0: i32) -> (i32, i32) {
    %c0_i32 = arith.constant 0 : i32
    %c0_i32_0 = arith.constant 0 : i32
    return %arg0, %c0_i32 : i32, i32
  }
}

</mosaic_0001>

<sc_bundles>
// kernel: kernel.4.cloned.1.call-start
scs
__scs_entry_jumppad:
0x0: {  	(pc) =	sbr.rel $0x88, $3  }
0x1: {  	(tag) =	ssettag $0x0;
	lr =	simm.s32 $0x1  }
0x2: {  	[smem:$0x3F9D] =	sst lr;
	_ =	strace $0xD0000000  }
0x3: {  	_ = 	snop  }
0x4: {  	_ = 	snop  }
0x5: {  	_ = 	snop  }
0x6: {  	_ = 	snop  }
0x7: {  	_ = 	snop  }
__scs_overlays_trampoline_lowered:
0x8: {  	[smem:$0x3FAC] =	sst s0  }
0x9: {  	[smem:$0x3FAD] =	sst s1  }
0xa: {  	[smem:$0x3FAE] =	sst s2  }
0xb: {  	[smem:$0x3FAF] =	sst s3  }
0xc: {  	[smem:$0x3FB0] =	sst s4  }
0xd: {  	[smem:$0x3FB1] =	sst s5  }
0xe: {  	[smem:$0x3FB2] =	sst s6  }
0xf: {  	[smem:$0x3FB3] =	sst s7  }
0x10: {  	[smem:$0x3FB4] =	sst s8  }
0x11: {  	[smem:$0x3FB5] =	sst s9;
	s0 =	simm.s32 @!p0 $0x0  }
0x12: {  	s1 =	sld [smem:$0x3F9B];
	s0 =	simm.s32 @p0 $0x1  }
0x13: {  	[smem:$0x3FB6] =	sst s0;
	s0 =	simm.s32 @!p1 $0x0  }
0x14: {  	s2 =	sld [smem:$0x3F9A];
	s0 =	simm.s32 @p1 $0x1  }
0x15: {  	[smem:$0x3FB7] =	sst s0;
	s0 =	simm.s32 @!p2 $0x0  }
0x16: {  	s3 =	sld [smem:$0x3FDB];
	s0 =	simm.s32 @p2 $0x1  }
0x17: {  	s4 =	simm.s32 $0x1BF5;
	[smem:$0x3FB9] =	sst s0  }
0x18: {  	s0 =	sld [smem:$0x3F9C];
	_ =	swait.ge [sflag:s4], $0x0  }
0x19: {  	s7 =	sld [smem:$0x3F9D]  }
0x1a: {  	s8 =	sadd.s32 $0xFFFFE003, lr  }
0x1b: {  	s9 =	sadd.s32 $0xFFFFFEF7, lr;
	s5 =	simm.s32 $0xFFFFFFFF;
	p2 =	slt.u32 s8, $0xFFFFF086  }
0x1c: {  	p1 =	slt.u32 s9, $0xF7A;
	s5 =	simm.s32 @!p2 $0x0  }
0x1d: {  	s5 =	simm.s32 @p1 $0x1;
	p0 =	seq.s32 s7, s2  }
0x1e: {  	s7 =	smul.u32 @!p0 $0xF7A, s2;
	p2 =	seq.s32 @!p0 s5, $0x0  }
0x1f: {  	s9 =	smul.u32 $0xF7A, s1;
	s8 =	simm.s32 @!p0 $0x1BF5;
	p2 =	por !p2, p0  }
0x20: {  	[sflag:s8] =	ssyncset.s32 @!p0 $0xFFFFF086;
	s6 =	sadd.s32 @!p0 s3, s7;
	s7 =	simm.s32 @!p0 $0x108  }
0x21: {  	s3 =	sadd.s32 s3, s9;
	s6 =	sadd.s32 @!p0 $0x88, s6;
	s7 =	simm.s32 @p2 $0x1082  }
0x22: {  	[simem:s7], [sflag:s8] =	dma.local @!p0 [hbm:s6], $0xF7A  }
0x23: {  	s9 =	sor.u32 $0xD0000000, s2;
	s6 =	simm.s32 $0x108;
	_ =	swait.ge @!p0 [sflag:s8], $0x0  }
0x24: {  	s3 =	sadd.s32 $0x88, s3;
	s6 =	simm.s32 @!p1 $0x1082;
	[sflag:s4] =	ssyncset.s32 $0xFFFFF086  }
0x25: {  	[simem:s6], [sflag:s4] =	dma.local [hbm:s3], $0xF7A  }
0x26: {  	[smem:$0x3F9D] =	sst s1;
	(tag) =	ssettag s2;
	_ =	strace s9  }
0x27: {  	s1 =	sld [smem:$0x3FAD]  }
0x28: {  	s2 =	sld [smem:$0x3FAE]  }
0x29: {  	s4 =	sld [smem:$0x3FB0]  }
0x2a: {  	p0 =	seq.s32 s5, $0x0;
	s5 =	sld [smem:$0x3FB1]  }
0x2b: {  	s6 =	sld [smem:$0x3FB2]  }
0x2c: {  	s7 =	sld [smem:$0x3FB3]  }
0x2d: {  	s3 =	simm.s32 $0x108;
	s8 =	sld [smem:$0x3FB4]  }
0x2e: {  	s3 =	simm.s32 @!p0 $0x1082;
	s9 =	sld [smem:$0x3FB5]  }
0x2f: {  	lr =	sadd.s32 s0, s3;
	s0 =	sld [smem:$0x3FAC]  }
0x30: {  	s3 =	sld [smem:$0x3FAF]  }
0x31: {  	[smem:$0x3FB8] =	sst s10  }
0x32: {  	s10 =	sld [smem:$0x3FB6];
	_ =	sdelay $0x3  }
0x33: {  	p0 =	seq.s32 s10, $0x1;
	s10 =	sld [smem:$0x3FB8];
	_ =	sdelay $0x3  }
0x34: {  	[smem:$0x3FB8] =	sst s10  }
0x35: {  	s10 =	sld [smem:$0x3FB7];
	_ =	sdelay $0x3  }
0x36: {  	p1 =	seq.s32 s10, $0x1;
	s10 =	sld [smem:$0x3FB8];
	_ =	sdelay $0x3  }
0x37: {  	[smem:$0x3FB8] =	sst s10  }
0x38: {  	s10 =	sld [smem:$0x3FB9]  }
0x39: {  	_ = 	snop;
	(pc) =	sbr.ind lr, $3  }
0x3a: {  	_ = 	snop  }
0x3b: {  	_ = 	snop  }
0x3c: {  	p2 =	seq.s32 s10, $0x1;
	s10 =	sld [smem:$0x3FB8]  }
0x3d: {  	_ =	shalt  }
0x3e: {  	_ =	shalt  }
0x3f: {  	_ =	shalt  }
0x40: {  	_ =	shalt  }
0x41: {  	_ =	shalt  }
0x42: {  	_ =	shalt  }
0x43: {  	_ =	shalt  }
0x44: {  	_ =	shalt  }
0x45: {  	_ =	shalt  }
0x46: {  	_ =	shalt  }
0x47: {  	_ =	shalt  }
0x48: {  	_ =	shalt  }
0x49: {  	_ =	shalt  }
0x4a: {  	_ =	shalt  }
0x4b: {  	_ =	shalt  }
0x4c: {  	_ =	shalt  }
0x4d: {  	_ =	shalt  }
0x4e: {  	_ =	shalt  }
0x4f: {  	_ =	shalt  }
0x50: {  	_ =	shalt  }
0x51: {  	_ =	shalt  }
0x52: {  	_ =	shalt  }
0x53: {  	_ =	shalt  }
0x54: {  	_ =	shalt  }
0x55: {  	_ =	shalt  }
0x56: {  	_ =	shalt  }
0x57: {  	_ =	shalt  }
0x58: {  	_ =	shalt  }
0x59: {  	_ =	shalt  }
0x5a: {  	_ =	shalt  }
0x5b: {  	_ =	shalt  }
0x5c: {  	_ =	shalt  }
0x5d: {  	_ =	shalt  }
0x5e: {  	_ =	shalt  }
0x5f: {  	_ =	shalt  }
0x60: {  	_ =	shalt  }
0x61: {  	_ =	shalt  }
0x62: {  	_ =	shalt  }
0x63: {  	_ =	shalt  }
0x64: {  	_ =	shalt  }
0x65: {  	_ =	shalt  }
0x66: {  	_ =	shalt  }
0x67: {  	_ =	shalt  }
0x68: {  	_ =	shalt  }
0x69: {  	_ =	shalt  }
0x6a: {  	_ =	shalt  }
0x6b: {  	_ =	shalt  }
0x6c: {  	_ =	shalt  }
0x6d: {  	_ =	shalt  }
0x6e: {  	_ =	shalt  }
0x6f: {  	_ =	shalt  }
0x70: {  	_ =	shalt  }
0x71: {  	_ =	shalt  }
0x72: {  	_ =	shalt  }
0x73: {  	_ =	shalt  }
0x74: {  	_ =	shalt  }
0x75: {  	_ =	shalt  }
0x76: {  	_ =	shalt  }
0x77: {  	_ =	shalt  }
0x78: {  	_ =	shalt  }
0x79: {  	_ =	shalt  }
0x7a: {  	_ =	shalt  }
0x7b: {  	_ =	shalt  }
0x7c: {  	_ =	shalt  }
0x7d: {  	_ =	shalt  }
0x7e: {  	_ =	shalt  }
0x7f: {  	_ =	shalt  }
0x80: {  	_ =	shalt  }
0x81: {  	_ =	shalt  }
0x82: {  	_ =	shalt  }
0x83: {  	_ =	shalt  }
0x84: {  	_ =	shalt  }
0x85: {  	_ =	shalt  }
0x86: {  	_ =	shalt  }
0x87: {  	_ =	shalt  }
.Lfunc_end0:
.L_simem_size_0:
called_computation_lowered:
.L_overlay_start_0:
0x88: {  	s2 =	sld [smem:$0x3FD9]  }
0x89: {  	s3 =	sld [smem:$0x3FFE];
	_ =	sdelay $0x1  }
0x8a: {  	s1 =	srdreg.scid  }
0x8b: {  	s0 =	sand.u32 $0x1, s1  }
0x8c: {  	s17 =	sshll.u32 s0, $0xA;
	s2 =	sadd.s32 s3, s2  }
0x8d: {  	s2 =	sadd.s32 s2, s17  }
0x8e: {  	[smem:$0x3FC4] =	sst s2  }
0x8f: {  	_ = 	snop  }
0x90: {  	s2 =	sld [smem:$0x3FC9]  }
0x91: {  	s18 =	sld [smem:$0x3FC7]  }
0x92: {  	s4 =	sld [smem:$0x3FD0];
	(tm) =	ssettm $0x1  }
0x93: {  	s5 =	sld [smem:$0x3FFB];
	_ =	sdelay $0x3  }
0x94: {  	_ =	strace s5  }
0x95: {  	s5 =	sld [smem:$0x3FFC];
	_ =	sdelay $0x3  }
0x96: {  	_ =	strace s5  }
0x97: {  	s5 =	sld [smem:$0x3FFD];
	_ =	sdelay $0x3  }
0x98: {  	_ =	strace s5  }
0x99: {  	_ =	strace $0x8FFFFFFF  }
0x9a: {  	s19 =	sld [smem:$0x3FDB];
	_ =	sdelay $0x1  }
0x9b: {  	s6 =	simm.s32 $_scs_section_size  }
0x9c: {  	s7 =	simm.s32 $_size__tile_overlayer_lowered;
	s8 =	simm.s32 $_tile_overlayer_lowered  }
0x9d: {  	s22 =	simm.s32 $0x1BFF;
	s21 =	sshll.u32 s8, $0x1;
	s5 =	sadd.s32 s6, s19  }
0x9e: {  	s9 =	simm.s32 $0x0;
	s20 =	sshll.u32 s7, $0x1;
	s7 =	sadd.s32 s21, s5  }
0x9f: {  	[timem:s9], [sflag:s22] =	dma.local [hbm:s7], s20  }
0xa0: {  	_ =	swait.ge [sflag:s22], s20  }
0xa1: {  	s6 =	ssub.s32 $0x0, s20;
	[sflag:s22] =	ssyncset.done $0x0  }
0xa2: {  	[sflag:s22] =	ssyncadd.s32 s6;
	_ =	sdelay $0x1  }
0xa3: {  	s23 =	simm.s32 $0x1B8B  }
0xa4: {  	_ =	swait.ge [sflag:s23], $0x1  }
0xa5: {  	[sflag:s23] =	ssyncset.done $0x0  }
0xa6: {  	s25 =	simm.s32 $0x1B8E;
	s24 =	sld [smem:$0x3FFE];
	[sflag:s23] =	ssyncadd.s32 $0xFFFFFFFF  }
0xa7: {  	s26 =	simm.s32 $execute0_lowered;
	[smem:$0x3FD2] =	sst s25  }
0xa8: {  	s7 =	sshll.u32 s26, $0x1;
	_ =	strace $0x80000046;
	[dreg:$0x1] =	wrdreg $0xFFFFFFFF  }
0xa9: {  	s28 =	simm.s32 $_size_execute0_lowered;
	s5 =	sadd.s32 s5, s7;
	[dreg:$0x0] =	wrdreg $0x0  }
0xaa: {  	s7 =	sshll.u32 s28, $0x1;
	[dreg:$0x2] =	wrdreg s5  }
0xab: {  	[dreg:$0x3] =	wrdreg s7  }
0xac: {  	[dreg:$0x4] =	wrdreg $0xC0  }
0xad: {  	_ =	task [dreg:s9], $0x5FFFF  }
0xae: {  	[dreg:$0x1] =	wrdreg $0xFFFFFFFF  }
0xaf: {  	[dreg:$0x0] =	wrdreg $0x60  }
0xb0: {  	[dreg:$0x2] =	wrdreg s2  }
0xb1: {  	[dreg:$0x3] =	wrdreg s24  }
0xb2: {  	[dreg:$0x4] =	wrdreg s18  }
0xb3: {  	[dreg:$0x5] =	wrdreg s4  }
0xb4: {  	[dreg:$0x6] =	wrdreg $0xBE800  }
0xb5: {  	[dreg:$0x7] =	wrdreg $0x9  }
0xb6: {  	_ =	task.clear_ibuf [dreg:s9], $0x8FFFF;
	_ =	strace $0x90000046  }
0xb7: {  	s29 =	simm.s32 $0x9;
	_ =	strace $0x80000048  }
0xb8: {  	_ =	swait.ge [sflag:s29], $0x1  }
0xb9: {  	[sflag:s29] =	ssyncadd.s32 $0xFFFFFFFF  }
0xba: {  	_ =	strace $0x90000048  }
0xbb: {  	_ =	sfence  }
0xbc: {  	s30 =	sld [smem:$0x0];
	_ =	sdelay $0x2  }
0xbd: {  	s31 =	sshll.u32 s1, $0xD;
	s1 =	sshrl.u32 s1, $0x2  }
0xbe: {  	s3 =	sand.u32 $0x4000, s31;
	s1 =	sadd.s32 s1, s30  }
0xbf: {  	s0 =	sor.u32 s3, s0;
	s1 =	sshll.u32 s1, $0x11  }
0xc0: {  	s0 =	sor.u32 s1, s0  }
0xc1: {  	s0 =	sadd.s32 $0x8F2B, s0  }
0xc2: {  	[sflag:s0] =	ssyncadd.remote.s32 $0x1  }
0xc3: {  	_ =	sfence.sel $0xFFFF  }
0xc4: {  	[dreg:$0x0] =	wrdreg $0xFFFFFFFF;
	(pc) =	sbr.abs _section_cstart, $3  }
0xc5: {  	[dreg:$0x1] =	wrdreg $0xFFFFFFFF  }
0xc6: {  	_ =	task.clear_ibuf [dreg:s9], $0x2FFFF;
	_ =	strace $0x9FFFFFFF  }
0xc7: {  	(tm) =	ssettm $0x7FFFFFFF  }
tec
execute0_lowered:
.L_overlay_start_1:
0x0: {  	(tag) =	ssettag $0x1  }
0x1: {  	s1 =	rddreg [dreg:$0x0]  }
0x2: {  	s0 =	rddreg [dreg:$0x1]  }
0x3: {  	s15 =	rddreg [dreg:$0x2]  }
0x4: {  	s2 =	rddreg [dreg:$0x3]  }
0x5: {  	s3 =	rddreg [dreg:$0x4];
	s4 =	simm.s32 $0x0;
	s5 =	srdreg.scid  }
0x6: {  	s6 =	stileid.u32;
	s28 =	simm.s32 $0x9680;
	[smem:$0x7FF] =	sst s4  }
0x7: {  	s7 =	sand.u32 $0x1, s5;
	s5 =	sadd.s32 $0x32600, s0;
	s9 =	smul.u32 $0x4E000, s6  }
0x8: {  	s16 =	sadd.s32 $0x600, s0;
	s0 =	sadd.s32 $0x514600, s0;
	s11 =	sshll.u32 s6, $0x1  }
0x9: {  	s12 =	smul.u32 $0x13800, s6;
	s13 =	sshll.u32 s6, $0x6;
	s18 =	sadd.s32 $0x138000, s3  }
0xa: {  	s8 =	ssub.s32 $0x2, s7;
	s11 =	sor.u32 s7, s11;
	s7 =	smul.u32 $0x138800, s7  }
0xb: {  	p0 =	sne.s32 s6, $0x0;
	_ =	strace $0x80000047;
	s20 =	smul.u32 $0xC800, s11  }
0xc: {  	[dreg:$0x9] =	wrdreg s18;
	s10 =	sshrl.u32 s8, $0x1;
	s22 =	smul.u32 $0x138800, s11  }
0xd: {  	s9 =	sshrl.u32 s9, $0x2;
	s17 =	sshrl.u32 s12, $0x3;
	s23 =	smul.u32 $0x27100, s11  }
0xe: {  	s10 =	ssub.s32 s8, s10;
	s14 =	sadd.s32 s9, s3;
	s8 =	smul.u32 $0x2710, s11  }
0xf: {  	s9 =	sadd.s32 s2, s17;
	s17 =	sor.u32 $0x1C15, s13;
	[dreg:$0x6] =	wrdreg s14  }
0x10: {  	s2 =	sadd.s32 $0x27000, s2;
	s25 =	sadd.s32 s12, s7;
	[dreg:$0x7] =	wrdreg s9  }
0x11: {  	s7 =	sshrl.u32 s7, $0x3;
	s12 =	simm.s32 $0x3;
	[dreg:$0xa] =	wrdreg s2  }
0x12: {  	[dreg:$0xb] =	wrdreg s20;
	s14 =	sshrl.u32 s20, $0x3;
	s9 =	smov.u32 s16  }
0x13: {  	s13 =	sshrl.u32 s22, $0x3;
	s11 =	sshrl.u32 s25, $0x3;
	s31 =	smax.u32 s10, $0x1  }
0x14: {  	s10 =	simm.s32 $0x15;
	s20 =	simm.s32 $0x9;
	[dreg:$0x8] =	wrdreg s17  }
0x15: {  	s19 =	sshrl.u32 s8, $0x3;
	s14 =	sadd.s32 s16, s14;
	[dreg:$0x16] =	wrdreg s31  }
0x16: {  	s21 =	sadd.s32 $0xC8, s8;
	s11 =	sadd.s32 s0, s11;
	[dreg:$0xd] =	wrdreg s14  }
0x17: {  	s26 =	sadd.s32 s5, s13;
	s2 =	sadd.s32 s15, s19;
	[dreg:$0x12] =	wrdreg s11  }
0x18: {  	s0 =	sadd.s32 s0, s7;
	s24 =	sadd.s32 $0x80, s14;
	[dreg:$0xc] =	wrdreg s2  }
0x19: {  	s7 =	simm.s32 $0x1;
	s29 =	sadd.s32 $0x280, s26;
	[dreg:$0xf] =	wrdreg s24  }
0x1a: {  	s30 =	sadd.s32 $0x500, s26;
	s0 =	sadd.s32 $0x27000, s0;
	[dreg:$0x11] =	wrdreg s29  }
.Ltmp0:
0x1b: {  	s2 =	sshrl.u32 s21, $0x3;
	[dreg:$0x13] =	wrdreg s30;
	(pc) =	sbr.rel .LBB2_1-.Ltmp0, $4  }
0x1c: {  	s16 =	simm.s32 $0x5;
	[dreg:$0x15] =	wrdreg s0;
	s2 =	sadd.s32 s15, s2  }
0x1d: {  	s13 =	simm.s32 $0x0;
	[dreg:$0xe] =	wrdreg s2;
	s2 =	sadd.s32 s5, s23  }
0x1e: {  	s11 =	simm.s32 $0x2;
	[dreg:$0x10] =	wrdreg s2;
	s2 =	sadd.s32 $0x780, s26  }
0x1f: {  	s14 =	simm.s32 $0x4;
	s0 =	simm.s32 $0x28;
	[dreg:$0x14] =	wrdreg s2  }
.LBB2_14:
0x20: {  	s2 =	simm.s32 $0x6  }
0x21: {  	_ =	swait.ge [sflag:s2], $0x1400  }
0x22: {  	[sflag:s2] =	ssyncset.done $0x0  }
0x23: {  	s25 =	simm.s32 $0x7;
	[sflag:s2] =	ssyncadd.s32 $0xFFFFEC00  }
0x24: {  	_ =	swait.ge [sflag:s25], $0x1400  }
0x25: {  	[sflag:s25] =	ssyncset.done $0x0  }
0x26: {  	s26 =	simm.s32 $0x8;
	[sflag:s25] =	ssyncadd.s32 $0xFFFFEC00  }
0x27: {  	_ =	swait.ge [sflag:s26], $0x1400  }
0x28: {  	[sflag:s26] =	ssyncset.done $0x0  }
0x29: {  	[sflag:s26] =	ssyncadd.s32 $0xFFFFEC00  }
0x2a: {  	_ =	swait.ge [sflag:s20], $0x1400  }
0x2b: {  	[sflag:s20] =	ssyncset.done $0x0  }
0x2c: {  	s29 =	simm.s32 $0xA;
	[sflag:s20] =	ssyncadd.s32 $0xFFFFEC00  }
0x2d: {  	_ =	swait.ge [sflag:s29], $0x1400  }
0x2e: {  	[sflag:s29] =	ssyncset.done $0x0  }
0x2f: {  	[sflag:s29] =	ssyncadd.s32 $0xFFFFEC00  }
0x30: {  	[bflag:$0x0] =	sbarrier.arrive $0xFFFF  }
0x31: {  	s17 =	rddreg [dreg:$0x8]  }
0x32: {  	s30 =	rddreg [dreg:$0x12]  }
0x33: {  	s10 =	simm.s32 $0x15;
	s6 =	rddreg [dreg:$0x18]  }
0x34: {  	[hbm:s30], [sflag:s17] =	dma.local [spmem:s6], $0x2700  }
0x35: {  	_ =	swait.ge [sflag:s10], $0x2700  }
0x36: {  	[sflag:s10] =	ssyncset.done $0x0;
	s2 =	rddreg [dreg:$0x15]  }
0x37: {  	s6 =	rddreg [dreg:$0x19];
	[sflag:s10] =	ssyncadd.s32 $0xFFFFD900  }
0x38: {  	[hbm:s2], [sflag:s17] =	dma.local @!p0 [spmem:s6], $0x100  }
0x39: {  	s2 =	simm.s32 @!p0 $0x15  }
0x3a: {  	_ =	swait.ge @!p0 [sflag:s2], $0x100  }
0x3b: {  	s13 =	rddreg [dreg:$0x17]  }
0x3c: {  	s31 =	rddreg [dreg:$0x16];
	s13 =	sadd.s32 $0x1, s13  }
0x3d: {  	p1 =	sne.s32 s13, s31  }
.Ltmp1:
0x3e: {  	_ = 	snop;
	(pc) =	sbr.rel @!p1 .LBB2_15-.Ltmp1, $3  }
0x3f: {  	_ =	sdelay $0x1  }
0x40: {  	[sflag:s2] =	ssyncset.done @!p0 $0x0  }
0x41: {  	[sflag:s2] =	ssyncadd.s32 @!p0 $0xFFFFFF00  }
.LBB2_1:
0x42: {  	[dreg:$0x17] =	wrdreg s13  }
0x43: {  	s2 =	rddreg [dreg:$0x6]  }
0x44: {  	s23 =	rddreg [dreg:$0x7];
	s6 =	sshrl.u32 s2, $0x3  }
0x45: {  	[dreg:$0x18] =	wrdreg s6  }
0x46: {  	[spmem:s6], [sflag:s17] =	dma.local [hbm:s23], $0x2700  }
0x47: {  	_ =	swait.ge [sflag:s10], $0x2700  }
0x48: {  	s2 =	rddreg [dreg:$0x9]  }
0x49: {  	[sflag:s10] =	ssyncset.done $0x0;
	s6 =	sshrl.u32 @!p0 s2, $0x3;
	s2 =	rddreg [dreg:$0xa]  }
0x4a: {  	[sflag:s10] =	ssyncadd.s32 $0xFFFFD900;
	[dreg:$0x19] =	wrdreg s6  }
0x4b: {  	[spmem:s6], [sflag:s17] =	dma.local @!p0 [hbm:s2], $0x100  }
0x4c: {  	s2 =	simm.s32 @!p0 $0x15  }
0x4d: {  	_ =	swait.ge @!p0 [sflag:s2], $0x100  }
0x4e: {  	[sflag:s2] =	ssyncset.done @!p0 $0x0  }
0x4f: {  	[sflag:s2] =	ssyncadd.s32 @!p0 $0xFFFFFF00  }
0x50: {  	[bflag:$0x0] =	sbarrier.arrive $0xFFFF  }
0x51: {  	s24 =	rddreg [dreg:$0xc]  }
0x52: {  	[tilespmem:s4], [sflag:$0xF] =	stream.linear.gather [hbm4b:s24+s4], $0xC8, $0x38;
	[tilespmem:$0x1F700] =	vst v63  }
0x53: {  	s26 =	simm.s32 $0x280;
	s25 =	rddreg [dreg:$0xd]  }
0x54: {  	[tilespmem:s26], [sflag:$0x12] =	stream.linear.gather [hbm4b:s25+s4], $0x280, $0x38;
	[tilespmem:$0x1F700] =	vst v63  }
0x55: {  	s31 =	simm.s32 $0xC8;
	s29 =	rddreg [dreg:$0xe]  }
0x56: {  	[tilespmem:s31], [sflag:$0x10] =	stream.linear.gather [hbm4b:s29+s4], $0xC8, $0x38;
	[tilespmem:$0x1F700] =	vst v63  }
0x57: {  	s13 =	simm.s32 $0xF;
	s10 =	simm.s32 $0x500;
	s6 =	rddreg [dreg:$0xf]  }
0x58: {  	[tilespmem:s10], [sflag:$0x13] =	stream.linear.gather [hbm4b:s6+s4], $0x280, $0x38;
	[tilespmem:$0x1F700] =	vst v63  }
0x59: {  	_ =	swait.ge [sflag:s13], $0xC8  }
0x5a: {  	[sflag:s13] =	ssyncset.done $0x0  }
0x5b: {  	s17 =	simm.s32 $0xA80;
	s15 =	rddreg [dreg:$0x10];
	[sflag:s13] =	ssyncadd.s32 $0xFFFFFF38  }
0x5c: {  	[tilespmem:s17], [sflag:$0xB] =	stream.linear.gather [hbm4b:s15+s4], $0x1400, $0x38;
	[tilespmem:$0x1F700] =	vst v63  }
0x5d: {  	s18 =	simm.s32 $0x5A80  }
0x5e: {  	[tilespmem:s18], [sflag:$0x1] =	stream.indirect.gather [hbm4b:s1+s0], $0x80, s4, s0, $0xb8;
	[tilespmem:$0x1F700] =	vst v63  }
0x5f: {  	s21 =	simm.s32 $0x1E80;
	s19 =	rddreg [dreg:$0x11]  }
0x60: {  	[tilespmem:s21], [sflag:$0xC] =	stream.linear.gather [hbm4b:s19+s4], $0x1400, $0x38;
	[tilespmem:$0x1F700] =	vst v63  }
0x61: {  	s22 =	simm.s32 $0x6E80;
	s30 =	simm.s32 $0x1;
	s2 =	simm.s32 $0x78  }
0x62: {  	[tilespmem:s22], [sflag:$0x2] =	stream.indirect.gather [hbm4b:s1+s0], $0x80, s0, s0, $0xb8;
	[tilespmem:$0x1F700] =	vst v63  }
0x63: {  	s24 =	simm.s32 $0x3280;
	s25 =	simm.s32 $0x50;
	s23 =	rddreg [dreg:$0x13]  }
0x64: {  	[tilespmem:s24], [sflag:$0xD] =	stream.linear.gather [hbm4b:s23+s4], $0x1400, $0x38;
	[tilespmem:$0x1F700] =	vst v63  }
0x65: {  	s26 =	simm.s32 $0x8280;
	s31 =	simm.s32 $0x4680;
	s29 =	rddreg [dreg:$0x14]  }
0x66: {  	[tilespmem:s26], [sflag:$0x3] =	stream.indirect.gather [hbm4b:s1+s0], $0x80, s25, s0, $0xb8;
	[tilespmem:$0x1F700] =	vst v63  }
0x67: {  	s15 =	simm.s32 $0x3;
	s17 =	simm.s32 $0x0;
	s18 =	simm.s32 $0x0  }
0x68: {  	[tilespmem:s31], [sflag:$0xE] =	stream.linear.gather [hbm4b:s29+s4], $0x1400, $0x38;
	[tilespmem:$0x1F700] =	vst v63  }
.LBB2_2:
0x69: {  	s6 =	smul.u32 $0xAB, s18;
	_ =	sdelay $0x1  }
0x6a: {  	s6 =	sshrl.u32 s6, $0x9  }
0x6b: {  	s6 =	sand.u32 $0x7F, s6  }
0x6c: {  	s6 =	smul.u32 $0x3, s6  }
0x6d: {  	[tilespmem:s28], [sflag:$0x4] =	stream.indirect.gather [hbm4b:s1+s0], $0x80, s2, s0, $0xb8;
	[tilespmem:$0x1F700] =	vst v63  }
0x6e: {  	s23 =	ssub.s32 s18, s6  }
0x6f: {  	s26 =	sand.u32 $0xFF, s23  }
0x70: {  	s2 =	sadd.s32 $0x12, s26  }
0x71: {  	_ =	swait.ge [sflag:s2], $0x280  }
0x72: {  	[sflag:s2] =	ssyncset.done $0x0  }
0x73: {  	s21 =	smul.u32 $0x5, s18;
	[sflag:s2] =	ssyncadd.s32 $0xFFFFFD80  }
0x74: {  	_ =	swait.ge [sflag:s7], $0x1400  }
0x75: {  	s24 =	sand.u32 $0x3, s17;
	s22 =	sand.u32 $0x3, s21;
	[sflag:s7] =	ssyncset.done $0x0  }
0x76: {  	s19 =	sadd.s32 $0xB, s22;
	s2 =	smul.u32 $0x5000, s24;
	[sflag:s7] =	ssyncadd.s32 $0xFFFFEC00  }
0x77: {  	_ =	swait.ge [sflag:s19], $0x1400  }
0x78: {  	s2 =	sshrl.u32 s2, $0x2;
	[sflag:s19] =	ssyncset.done $0x0  }
0x79: {  	s23 =	sadd.s32 $0xC80, s2;
	[sflag:s19] =	ssyncadd.s32 $0xFFFFEC00  }
0x7a: {  	v6 =	vld [tilespmem:s23+$0x180]  }
0x7b: {  	s24 =	simm.s32 $0x5C80;
	v1 =	vld [tilespmem:s23+$0xFFFFFE80]  }
0x7c: {  	v0 =	vld [tilespmem:s24+$0x1F0]  }
0x7d: {  	v2 =	vld [tilespmem:s23+$0xFFFFFF00]  }
0x7e: {  	v3 =	vld [tilespmem:s23+$0xFFFFFF80]  }
0x7f: {  	v8 =	vld [tilespmem:s23+$0x0]  }
0x80: {  	v7 =	vld [tilespmem:s23+$0x80]  }
0x81: {  	v4 =	vld [tilespmem:s23+$0x100]  }
0x82: {  	v5 =	vld [tilespmem:s23+$0xFFFFFE00]  }
0x83: {  	v9 =	vld [tilespmem:s24+$0xFFFFFE00]  }
0x84: {  	v10 =	vld [tilespmem:s24+$0xFFFFFE10]  }
0x85: {  	v11 =	vld [tilespmem:s24+$0xFFFFFE20]  }
0x86: {  	v12 =	vld [tilespmem:s24+$0xFFFFFE30]  }
0x87: {  	v13 =	vld [tilespmem:s24+$0xFFFFFE40]  }
0x88: {  	v14 =	vld [tilespmem:s24+$0xFFFFFE50]  }
0x89: {  	v15 =	vld [tilespmem:s24+$0xFFFFFE60]  }
0x8a: {  	v16 =	vld [tilespmem:s24+$0xFFFFFE70]  }
0x8b: {  	v17 =	vld [tilespmem:s24+$0xFFFFFE80]  }
0x8c: {  	v19 =	vld [tilespmem:s24+$0xFFFFFE90];
	v18 =	vmul.f32 $3.750000000e-01, v6  }
0x8d: {  	v33 =	vld [tilespmem:s24+$0xFFFFFF80];
	v20 =	vmul.f32 $5.000000000e-01, v1;
	v21 =	vmul.f32 $2.500000000e-01, v1  }
0x8e: {  	v22 =	vld [tilespmem:s24+$0xFFFFFEA0];
	v23 =	vmul.f32 $1.250000000e-01, v1;
	v24 =	vmul.f32 $5.000000000e-01, v5  }
0x8f: {  	v26 =	vld [tilespmem:s24+$0xFFFFFEC0];
	v25 =	vmul.f32 $2.500000000e-01, v5;
	v27 =	vmul.f32 $1.250000000e-01, v5  }
0x90: {  	v29 =	vld [tilespmem:s24+$0xFFFFFED0];
	v28 =	vmul.f32 $1.500000000e+00, v5;
	v31 =	vmul.f32 $7.500000000e-01, v5  }
0x91: {  	v32 =	vld [tilespmem:s24+$0xFFFFFEE0];
	v56 =	vmul.f32 $1.500000000e+00, v1;
	v39 =	vmul.f32 v17, v1  }
0x92: {  	v57 =	vld [tilespmem:s24+$0xFFFFFF20];
	v41 =	vmul.f32 v33, v3;
	v44 =	vmul.f32 $1.500000000e+00, v6  }
0x93: {  	v58 =	vld [tilespmem:s24+$0xFFFFFF60];
	v30 =	vadd.f32 v5, v5;
	v0 =	vmul.f32 v0, v18;
	v10 =	vmul.f32 v10, v24  }
0x94: {  	v59 =	vld [tilespmem:s24+$0xFFFFFF70];
	v24 =	vmul.f32 $3.750000000e-01, v5;
	v11 =	vmul.f32 v11, v25  }
0x95: {  	v61 =	vld [tilespmem:s24+$0xFFFFFFE0];
	v12 =	vmul.f32 v12, v27;
	v13 =	vmul.f32 v13, v30  }
0x96: {  	v17 =	vld [tilespmem:s24+$0x10];
	v14 =	vmul.f32 v14, v28;
	v15 =	vmul.f32 v15, v31;
	[tilespmem:s24+$0x1F0] =	vst v0  }
0x97: {  	v18 =	vld [tilespmem:s24+$0xFFFFFEB0];
	v19 =	vmul.f32 v19, v20;
	v21 =	vmul.f32 v22, v21;
	[tilespmem:s24+$0xFFFFFE10] =	vst v10  }
0x98: {  	v25 =	vld [tilespmem:s24+$0xFFFFFEF0];
	v22 =	vmul.f32 $7.500000000e-01, v1;
	v29 =	vmul.f32 v29, v56;
	[tilespmem:s24+$0xFFFFFE20] =	vst v11  }
0x99: {  	v27 =	vld [tilespmem:s24+$0xFFFFFF00];
	v16 =	vmul.f32 v16, v24;
	v0 =	vmul.f32 $3.750000000e-01, v1;
	[tilespmem:s24+$0xFFFFFE30] =	vst v12  }
0x9a: {  	v28 =	vld [tilespmem:s24+$0xFFFFFF10];
	v10 =	vmul.f32 $5.000000000e-01, v2;
	v11 =	vmul.f32 $2.500000000e-01, v2;
	[tilespmem:s24+$0xFFFFFE40] =	vst v13  }
0x9b: {  	v20 =	vld [tilespmem:s24+$0xFFFFFF30];
	v22 =	vmul.f32 v32, v22;
	v12 =	vmul.f32 $1.250000000e-01, v2;
	[tilespmem:s24+$0xFFFFFE50] =	vst v14  }
0x9c: {  	v24 =	vadd.f32 v1, v1;
	v13 =	vld [tilespmem:s24+$0xFFFFFF90];
	v14 =	vmul.f32 $1.500000000e+00, v2;
	[tilespmem:s24+$0xFFFFFE60] =	vst v15;
	v15 =	vmul.f32 $7.500000000e-01, v2  }
0x9d: {  	[tilespmem:s24+$0xFFFFFE90] =	vst v19;
	v19 =	vmul.f32 $5.000000000e-01, v3;
	v32 =	vmul.f32 v9, v5;
	v9 =	vld [tilespmem:s24+$0x0]  }
0x9e: {  	[tilespmem:s24+$0xFFFFFEA0] =	vst v21;
	v21 =	vmul.f32 $2.500000000e-01, v3;
	v24 =	vmul.f32 v26, v24;
	v26 =	vld [tilespmem:s24+$0xFFFFFF50]  }
0x9f: {  	v11 =	vmul.f32 v57, v11;
	[tilespmem:s24+$0xFFFFFE70] =	vst v16;
	v16 =	vld [tilespmem:s24+$0xFFFFFFC0];
	v15 =	vmul.f32 v58, v15  }
0xa0: {  	[tilespmem:s24+$0xFFFFFEE0] =	vst v22;
	v22 =	vmul.f32 $7.500000000e-01, v3;
	v18 =	vmul.f32 v18, v23;
	v23 =	vld [tilespmem:s24+$0xFFFFFF40]  }
0xa1: {  	v25 =	vmul.f32 v25, v0;
	v12 =	vmul.f32 v20, v12;
	v20 =	vld [tilespmem:s24+$0xFFFFFFA0]  }
0xa2: {  	v10 =	vmul.f32 v28, v10;
	v28 =	vld [tilespmem:s24+$0xFFFFFFB0];
	v36 =	vmul.f32 v27, v2;
	[tilespmem:s24+$0xFFFFFEC0] =	vst v24  }
0xa3: {  	v27 =	vmul.f32 $2.500000000e-01, v8;
	v22 =	vmul.f32 v61, v22;
	[tilespmem:s24+$0xFFFFFF60] =	vst v15;
	v15 =	vld [tilespmem:s24+$0x90]  }
0xa4: {  	v5 =	vadd.f32 v3, v3;
	v24 =	vld [tilespmem:s24+$0x30];
	[tilespmem:s24+$0xFFFFFEB0] =	vst v18;
	v18 =	vmul.f32 $1.250000000e-01, v3;
	v13 =	vmul.f32 v13, v19  }
0xa5: {  	v0 =	vadd.f32 v2, v2;
	[tilespmem:s24+$0xFFFFFF20] =	vst v11;
	v11 =	vld [tilespmem:s24+$0x50];
	v38 =	vmul.f32 v9, v8;
	v14 =	vmul.f32 v26, v14  }
0xa6: {  	v26 =	vld [tilespmem:s24+$0xFFFFFFD0];
	v16 =	vmul.f32 v16, v5;
	[tilespmem:s24+$0xFFFFFF90] =	vst v13;
	v13 =	vmul.f32 $5.000000000e-01, v7  }
0xa7: {  	[tilespmem:s24+$0xFFFFFEF0] =	vst v25;
	v23 =	vmul.f32 v23, v0;
	v20 =	vmul.f32 v20, v21;
	v21 =	vld [tilespmem:s24+$0x20]  }
0xa8: {  	v19 =	vld [tilespmem:s24+$0xFFFFFFF0];
	[tilespmem:s24+$0xFFFFFF10] =	vst v10;
	v0 =	vmul.f32 $3.750000000e-01, v2;
	v13 =	vmul.f32 v15, v13  }
0xa9: {  	v10 =	vld [tilespmem:s24+$0x40];
	v5 =	vmul.f32 $1.500000000e+00, v3;
	v18 =	vmul.f32 v28, v18;
	[tilespmem:s24+$0xFFFFFF50] =	vst v14  }
0xaa: {  	v14 =	vld [tilespmem:s24+$0x80];
	v60 =	vmul.f32 v59, v0;
	[tilespmem:s24+$0x90] =	vst v13;
	v13 =	vmul.f32 $1.250000000e-01, v6  }
0xab: {  	[tilespmem:s24+$0xFFFFFFA0] =	vst v20;
	v20 =	vld [tilespmem:s24+$0xC0];
	v25 =	vmul.f32 v26, v5;
	v5 =	vmul.f32 $3.750000000e-01, v3  }
0xac: {  	[tilespmem:s24+$0xFFFFFF30] =	vst v12;
	v12 =	vld [tilespmem:s24+$0x60];
	v26 =	vmul.f32 $5.000000000e-01, v8;
	v21 =	vmul.f32 v21, v27  }
0xad: {  	[tilespmem:s24+$0xFFFFFED0] =	vst v29;
	v9 =	vld [tilespmem:s24+$0xB0];
	v27 =	vmul.f32 $1.500000000e+00, v8;
	v19 =	vmul.f32 v19, v5  }
0xae: {  	[tilespmem:s24+$0xFFFFFFC0] =	vst v16;
	v16 =	vld [tilespmem:s24+$0xE0];
	v15 =	vadd.f32 v7, v7;
	v5 =	vmul.f32 $1.250000000e-01, v8;
	v17 =	vmul.f32 v17, v26  }
0xaf: {  	[tilespmem:s24+$0xFFFFFFE0] =	vst v22;
	v22 =	vld [tilespmem:s24+$0x100];
	v37 =	vmul.f32 v14, v7;
	v11 =	vmul.f32 v11, v27  }
0xb0: {  	[tilespmem:s24+$0xFFFFFF40] =	vst v23;
	v23 =	vld [tilespmem:s24+$0x70];
	v26 =	vadd.f32 v8, v8;
	v29 =	vmul.f32 v20, v15;
	v15 =	vmul.f32 $7.500000000e-01, v7  }
0xb1: {  	v28 =	vld [tilespmem:s24+$0xA0];
	[tilespmem:s24+$0x20] =	vst v21;
	v21 =	vmul.f32 $7.500000000e-01, v4;
	v24 =	vmul.f32 v24, v5  }
0xb2: {  	[tilespmem:s24+$0xFFFFFFB0] =	vst v18;
	v14 =	vld [tilespmem:s24+$0x120];
	v10 =	vmul.f32 v10, v26;
	v26 =	vmul.f32 $7.500000000e-01, v8  }
0xb3: {  	v18 =	vld [tilespmem:s24+$0xD0];
	[tilespmem:s24+$0xFFFFFFD0] =	vst v25;
	v8 =	vmul.f32 $3.750000000e-01, v8;
	v63 =	vmul.f32 v16, v15  }
0xb4: {  	v20 =	vld [tilespmem:s24+$0x140];
	[tilespmem:s24+$0xFFFFFFF0] =	vst v19;
	v12 =	vmul.f32 v12, v26;
	v26 =	vmul.f32 $2.500000000e-01, v7  }
0xb5: {  	v19 =	vld [tilespmem:s24+$0x110];
	[tilespmem:s24+$0x10] =	vst v17;
	v16 =	vmul.f32 $2.500000000e-01, v4;
	v23 =	vmul.f32 v23, v8  }
0xb6: {  	[tilespmem:s24+$0x50] =	vst v11;
	v8 =	vmul.f32 $1.250000000e-01, v7;
	v25 =	vmul.f32 v28, v26;
	v26 =	vld [tilespmem:s24+$0xF0]  }
0xb7: {  	v11 =	vld [tilespmem:s24+$0x160];
	[tilespmem:s24+$0x40] =	vst v10;
	v10 =	vmul.f32 $1.250000000e-01, v4;
	v17 =	vmul.f32 v14, v16  }
0xb8: {  	v14 =	vld [tilespmem:s24+$0x170];
	v27 =	vmul.f32 v9, v8;
	v9 =	vmul.f32 $1.500000000e+00, v7  }
0xb9: {  	v16 =	vmul.f32 v22, v4;
	v7 =	vmul.f32 $3.750000000e-01, v7;
	[tilespmem:s24+$0x70] =	vst v23;
	v23 =	vld [tilespmem:s24+$0x180]  }
0xba: {  	[tilespmem:s24+$0xFFFFFF70] =	vst v60;
	v62 =	vmul.f32 v18, v9;
	v18 =	vld [tilespmem:s24+$0x130];
	v9 =	vmul.f32 $5.000000000e-01, v4  }
0xbb: {  	[tilespmem:s24+$0x60] =	vst v12;
	v12 =	vmul.f32 $1.500000000e+00, v4;
	v15 =	vmul.f32 v26, v7;
	v7 =	vld [tilespmem:s24+$0x150]  }
0xbc: {  	s28 =	sand.u32 $0x3, s30;
	s10 =	smul.u32 $0x5000, s22;
	[tilespmem:s24+$0x30] =	vst v24;
	v9 =	vmul.f32 v19, v9;
	v19 =	vadd.f32 v4, v4;
	v4 =	vmul.f32 $3.750000000e-01, v4;
	v26 =	vld [tilespmem:s24+$0x190]  }
0xbd: {  	s25 =	sand.u32 $0x3, s15;
	s6 =	smul.u32 $0x5000, s28;
	v28 =	vmul.f32 $5.000000000e-01, v6;
	[tilespmem:s24+$0xA0] =	vst v25;
	v24 =	vmul.f32 v11, v21;
	v21 =	vld [tilespmem:s24+$0x1C0]  }
0xbe: {  	s2 =	smul.u32 $0x5000, s25;
	[tilespmem:s24+$0xB0] =	vst v27;
	v27 =	vld [tilespmem:s24+$0x1D0];
	v23 =	vmul.f32 v23, v6;
	v25 =	vmul.f32 v14, v4  }
0xbf: {  	s31 =	simm.s32 $0x0;
	s29 =	simm.s32 $0x5C80;
	s25 =	sshrl.u32 s10, $0x2;
	[tilespmem:s24+$0xC0] =	vst v29;
	v18 =	vmul.f32 v18, v10;
	v10 =	vmul.f32 v20, v19;
	v19 =	vld [tilespmem:s24+$0x1A0]  }
0xc0: {  	s6 =	sshrl.u32 s6, $0x2;
	s25 =	sadd.s32 $0xA80, s25;
	s2 =	sshrl.u32 s2, $0x2;
	[tilespmem:s24+$0xE0] =	vst v63;
	v14 =	vmul.f32 $7.500000000e-01, v6;
	v20 =	vld [tilespmem:s24+$0x1B0];
	v22 =	vmul.f32 v7, v12  }
0xc1: {  	s10 =	sadd.s32 $0xC80, s2;
	s2 =	sadd.s32 $0xC80, s6;
	s6 =	sadd.s32 $0x400, s23;
	v2 =	vadd.f32 v6, v6;
	[tilespmem:s24+$0xD0] =	vst v62;
	v12 =	vmul.f32 $2.500000000e-01, v6;
	v26 =	vmul.f32 v26, v28;
	v7 =	vld [tilespmem:s24+$0x1E0]  }
.LBB2_3:
0xc2: {  	v6 =	vld [tilespmem:s6+$0x180]  }
0xc3: {  	[tilespmem:s29+$0x130] =	vst v18;
	v18 =	vld [tilespmem:s6+$0x0]  }
0xc4: {  	[tilespmem:s24+$0xF0] =	vst v15;
	s24 =	sadd.s32 $0x400, s24;
	v29 =	vld [tilespmem:s6+$0xFFFFFE00]  }
0xc5: {  	[tilespmem:s29+$0x110] =	vst v9;
	v28 =	vld [tilespmem:s24+$0x1F0]  }
0xc6: {  	[tilespmem:s29+$0x120] =	vst v17;
	v15 =	vld [tilespmem:s6+$0x80]  }
0xc7: {  	[tilespmem:s29+$0x140] =	vst v10;
	v57 =	vld [tilespmem:s24+$0xFFFFFE10]  }
0xc8: {  	[tilespmem:s29+$0x160] =	vst v24;
	v58 =	vld [tilespmem:s24+$0xFFFFFE20]  }
0xc9: {  	[tilespmem:s29+$0x0] =	vst v38;
	v59 =	vld [tilespmem:s24+$0xFFFFFE30]  }
0xca: {  	[tilespmem:s29+$0x150] =	vst v22;
	v62 =	vld [tilespmem:s24+$0xFFFFFE40]  }
0xcb: {  	[tilespmem:s29+$0x190] =	vst v26;
	v1 =	vld [tilespmem:s24+$0xFFFFFE50]  }
0xcc: {  	v3 =	vld [tilespmem:s24+$0xFFFFFE60];
	[tilespmem:s29+$0x80] =	vst v37  }
0xcd: {  	v5 =	vld [tilespmem:s24+$0xFFFFFE70];
	[tilespmem:s29+$0x180] =	vst v23  }
0xce: {  	v9 =	vld [tilespmem:s6+$0x100];
	[tilespmem:s29+$0x170] =	vst v25  }
0xcf: {  	v37 =	vld [tilespmem:s24+$0xFFFFFEC0];
	[tilespmem:s29+$0x100] =	vst v16  }
0xd0: {  	v12 =	vmul.f32 v19, v12;
	v19 =	vld [tilespmem:s6+$0xFFFFFE80];
	v13 =	vmul.f32 v20, v13;
	[tilespmem:s29+$0xFFFFFE80] =	vst v39  }
0xd1: {  	v31 =	vmul.f32 v21, v2;
	v21 =	vld [tilespmem:s6+$0xFFFFFF00];
	v14 =	vmul.f32 v7, v14;
	[tilespmem:s29+$0xFFFFFF00] =	vst v36  }
0xd2: {  	v20 =	vld [tilespmem:s6+$0xFFFFFF80];
	[tilespmem:s29+$0xFFFFFF80] =	vst v41;
	v0 =	vmul.f32 $5.000000000e-01, v6;
	v10 =	vmul.f32 $3.750000000e-01, v6  }
0xd3: {  	v38 =	vld [tilespmem:s24+$0xFFFFFED0];
	v61 =	vmul.f32 $2.500000000e-01, v29;
	[tilespmem:s29+$0x1A0] =	vst v12;
	v7 =	vmul.f32 $1.250000000e-01, v15  }
0xd4: {  	v40 =	vld [tilespmem:s24+$0xFFFFFEF0];
	v63 =	vadd.f32 v29, v29;
	v2 =	vmul.f32 $1.500000000e+00, v29;
	[tilespmem:$0x1FFF0] =	vst v0;
	v0 =	vadd.f32 v6, v6  }
0xd5: {  	v39 =	vld [tilespmem:s24+$0xFFFFFEE0];
	v4 =	vmul.f32 $7.500000000e-01, v29;
	v10 =	vmul.f32 v28, v10;
	[tilespmem:$0x1FF30] =	vst v7  }
0xd6: {  	v33 =	vld [tilespmem:s24+$0xFFFFFE80];
	v58 =	vmul.f32 v58, v61;
	v61 =	vmul.f32 v62, v63;
	[tilespmem:$0x1FFC0] =	vst v0  }
0xd7: {  	v30 =	vmul.f32 $3.750000000e-01, v29;
	v35 =	vld [tilespmem:s24+$0xFFFFFEA0];
	v1 =	vmul.f32 v1, v2;
	[tilespmem:s24+$0x1F0] =	vst v10  }
0xd8: {  	v36 =	vld [tilespmem:s24+$0xFFFFFEB0];
	v3 =	vmul.f32 v3, v4;
	[tilespmem:s24+$0xFFFFFE40] =	vst v61  }
0xd9: {  	v60 =	vmul.f32 $5.000000000e-01, v29;
	v41 =	vld [tilespmem:s24+$0xFFFFFF10];
	v4 =	vmul.f32 v5, v30;
	[tilespmem:s24+$0xFFFFFE50] =	vst v1  }
0xda: {  	v11 =	vmul.f32 v27, v44;
	v42 =	vld [tilespmem:s24+$0xFFFFFF20];
	[tilespmem:s24+$0xFFFFFE60] =	vst v3  }
0xdb: {  	v43 =	vld [tilespmem:s24+$0xFFFFFF30];
	v57 =	vmul.f32 v57, v60;
	v0 =	vmul.f32 $5.000000000e-01, v19;
	[tilespmem:s24+$0xFFFFFE70] =	vst v4  }
0xdc: {  	v60 =	vld [tilespmem:s24+$0xFFFFFF40];
	v7 =	vmul.f32 $7.500000000e-01, v15;
	v22 =	vmul.f32 $1.250000000e-01, v19;
	[tilespmem:s29+$0x1D0] =	vst v11  }
0xdd: {  	v2 =	vld [tilespmem:s24+$0xFFFFFF60];
	v48 =	vmul.f32 $1.500000000e+00, v19;
	v49 =	vmul.f32 $7.500000000e-01, v19;
	[tilespmem:$0x1FED0] =	vst v0;
	v0 =	vadd.f32 v19, v19  }
0xde: {  	v5 =	vld [tilespmem:s24+$0xFFFFFF70];
	v51 =	vmul.f32 $3.750000000e-01, v19;
	[tilespmem:$0x1FF50] =	vst v7;
	v7 =	vmul.f32 $3.750000000e-01, v15  }
0xdf: {  	v63 =	vld [tilespmem:s24+$0xFFFFFF90];
	v52 =	vmul.f32 $5.000000000e-01, v21;
	v53 =	vmul.f32 $2.500000000e-01, v21;
	[tilespmem:$0x1FEE0] =	vst v0;
	v0 =	vadd.f32 v21, v21  }
0xe0: {  	v56 =	vmul.f32 $3.750000000e-01, v21;
	v61 =	vld [tilespmem:s24+$0xFFFFFFF0];
	v22 =	vmul.f32 v36, v22;
	[tilespmem:$0x1FF60] =	vst v7  }
0xe1: {  	v50 =	vmul.f32 $5.000000000e-01, v20;
	v4 =	vmul.f32 v42, v53;
	[tilespmem:$0x1FEF0] =	vst v0;
	v0 =	vld [tilespmem:s24+$0xFFFFFE00]  }
0xe2: {  	v11 =	vld [tilespmem:s24+$0xFFFFFE90];
	v1 =	vmul.f32 v38, v48;
	v7 =	vmul.f32 $5.000000000e-01, v9;
	[tilespmem:s24+$0xFFFFFEB0] =	vst v22  }
0xe3: {  	v48 =	vmul.f32 v39, v49;
	v49 =	vld [tilespmem:s24+$0xFFFFFFA0];
	v5 =	vmul.f32 v5, v56;
	[tilespmem:s24+$0xFFFFFF20] =	vst v4  }
0xe4: {  	v3 =	vmul.f32 v40, v51;
	v51 =	vmul.f32 v41, v52;
	v52 =	vld [tilespmem:s24+$0xFFFFFFB0];
	[tilespmem:$0x1FF70] =	vst v7  }
0xe5: {  	v27 =	vmul.f32 $2.500000000e-01, v19;
	v39 =	vmul.f32 v33, v19;
	v19 =	vld [tilespmem:s24+$0x10];
	[tilespmem:s24+$0xFFFFFF70] =	vst v5  }
0xe6: {  	v22 =	vmul.f32 v63, v50;
	v63 =	vld [tilespmem:s24+$0x0];
	[tilespmem:$0x1FF00] =	vst v0;
	v0 =	vadd.f32 v20, v20  }
0xe7: {  	v4 =	vld [tilespmem:s24+$0x50];
	[tilespmem:s29+$0xFFFFFE00] =	vst v32  }
0xe8: {  	v7 =	vld [tilespmem:s24+$0xFFFFFF00];
	[tilespmem:$0x1FF10] =	vst v0;
	v0 =	vadd.f32 v18, v18  }
0xe9: {  	v62 =	vld [tilespmem:$0x1FEE0];
	[tilespmem:s24+$0xFFFFFF90] =	vst v22  }
0xea: {  	v25 =	vmul.f32 $1.500000000e+00, v18;
	v16 =	vmul.f32 $2.500000000e-01, v15;
	v5 =	vld [tilespmem:s24+$0xA0];
	[tilespmem:$0x1FF20] =	vst v0;
	v0 =	vadd.f32 v15, v15  }
0xeb: {  	v12 =	vmul.f32 $2.500000000e-01, v9;
	v54 =	vmul.f32 $1.250000000e-01, v21;
	v22 =	vld [tilespmem:s24+$0xB0];
	[tilespmem:s24+$0xFFFFFE20] =	vst v58  }
0xec: {  	v55 =	vmul.f32 $1.500000000e+00, v21;
	v45 =	vmul.f32 $7.500000000e-01, v21;
	v58 =	vld [tilespmem:s24+$0xFFFFFFC0];
	[tilespmem:$0x1FF40] =	vst v0;
	v0 =	vadd.f32 v9, v9  }
0xed: {  	[tilespmem:$0x1FF80] =	vst v12;
	v12 =	vmul.f32 $1.250000000e-01, v9;
	v4 =	vmul.f32 v4, v25;
	v25 =	vld [tilespmem:s24+$0x170]  }
0xee: {  	v36 =	vmul.f32 v7, v21;
	v21 =	vld [tilespmem:s24+$0x20];
	[tilespmem:$0x1FFA0] =	vst v0;
	v0 =	vmul.f32 $1.250000000e-01, v29  }
0xef: {  	[tilespmem:$0x1FF90] =	vst v12;
	v12 =	vmul.f32 $1.500000000e+00, v9;
	v5 =	vmul.f32 v5, v16;
	v16 =	vld [tilespmem:s24+$0x100]  }
0xf0: {  	[tilespmem:s24+$0x50] =	vst v4;
	v4 =	vld [tilespmem:$0x1FF70];
	v0 =	vmul.f32 v59, v0  }
0xf1: {  	v46 =	vmul.f32 $5.000000000e-01, v18;
	[tilespmem:$0x1FFB0] =	vst v12;
	v30 =	vmul.f32 v37, v62;
	v62 =	vld [tilespmem:$0x1FF00]  }
0xf2: {  	v47 =	vmul.f32 $2.500000000e-01, v18;
	v24 =	vmul.f32 $1.250000000e-01, v18;
	[tilespmem:s24+$0xFFFFFE30] =	vst v0;
	v0 =	vld [tilespmem:$0x1FED0]  }
0xf3: {  	v26 =	vmul.f32 $3.750000000e-01, v18;
	v28 =	vmul.f32 $7.500000000e-01, v18;
	[tilespmem:s24+$0xA0] =	vst v5;
	v5 =	vld [tilespmem:$0x1FFB0]  }
0xf4: {  	[tilespmem:s29+$0x1B0] =	vst v13;
	v38 =	vmul.f32 v63, v18;
	v18 =	vmul.f32 v19, v46;
	v19 =	vld [tilespmem:s24+$0x60]  }
0xf5: {  	v2 =	vmul.f32 v2, v45;
	[tilespmem:s24+$0xFFFFFED0] =	vst v1;
	v1 =	vld [tilespmem:$0x1FF10]  }
0xf6: {  	[tilespmem:s24+$0x10] =	vst v18;
	v18 =	vld [tilespmem:s24+$0x120]  }
0xf7: {  	[tilespmem:s24+$0xFFFFFF60] =	vst v2;
	v2 =	vld [tilespmem:$0x1FF20];
	v0 =	vmul.f32 v11, v0  }
0xf8: {  	[tilespmem:s29+$0x1C0] =	vst v31;
	v11 =	vmul.f32 v35, v27;
	v27 =	vld [tilespmem:s24+$0xFFFFFF80]  }
0xf9: {  	v19 =	vmul.f32 v19, v28;
	[tilespmem:s24+$0xFFFFFE90] =	vst v0;
	v0 =	vld [tilespmem:$0x1FEF0]  }
0xfa: {  	[tilespmem:s24+$0xFFFFFEA0] =	vst v11;
	v11 =	vld [tilespmem:s24+$0xFFFFFFE0]  }
0xfb: {  	v8 =	vmul.f32 $2.500000000e-01, v20;
	v34 =	vmul.f32 $1.500000000e+00, v20;
	[tilespmem:s24+$0x60] =	vst v19;
	v19 =	vld [tilespmem:s24+$0x1A0]  }
0xfc: {  	v10 =	vmul.f32 $7.500000000e-01, v20;
	v17 =	vmul.f32 $3.750000000e-01, v20;
	v59 =	vld [tilespmem:s24+$0xFFFFFF50]  }
0xfd: {  	v32 =	vmul.f32 $1.250000000e-01, v20;
	v41 =	vmul.f32 v27, v20;
	v20 =	vld [tilespmem:s24+$0x70]  }
0xfe: {  	v0 =	vmul.f32 v60, v0;
	v60 =	vld [tilespmem:s24+$0xFFFFFFD0]  }
0xff: {  	[tilespmem:s24+$0xFFFFFEF0] =	vst v3;
	v3 =	vmul.f32 v11, v10;
	v10 =	vld [tilespmem:s24+$0x30]  }
0x100: {  	v11 =	vmul.f32 v61, v17;
	v17 =	vld [tilespmem:s24+$0x40]  }
0x101: {  	[tilespmem:s24+$0xFFFFFF40] =	vst v0;
	v0 =	vmul.f32 v21, v47;
	v21 =	vld [tilespmem:s24+$0x80]  }
0x102: {  	v8 =	vmul.f32 v49, v8;
	[tilespmem:s24+$0xFFFFFFE0] =	vst v3;
	v3 =	vld [tilespmem:$0x1FF30]  }
0x103: {  	v23 =	vmul.f32 $1.500000000e+00, v15;
	[tilespmem:s24+$0xFFFFFFF0] =	vst v11;
	v11 =	vld [tilespmem:$0x1FF40]  }
0x104: {  	v31 =	vmul.f32 $5.000000000e-01, v15;
	[tilespmem:s24+$0xFFFFFFA0] =	vst v8;
	v8 =	vmul.f32 v20, v26;
	v20 =	vld [tilespmem:s24+$0xC0]  }
0x105: {  	v37 =	vmul.f32 v62, v29;
	v29 =	vmul.f32 v52, v32;
	[tilespmem:s24+$0x20] =	vst v0;
	v0 =	vld [tilespmem:$0x1FF50]  }
0x106: {  	v7 =	vmul.f32 v60, v34;
	v2 =	vmul.f32 v17, v2;
	v17 =	vld [tilespmem:s24+$0x90]  }
0x107: {  	v32 =	vmov v37;
	v10 =	vmul.f32 v10, v24;
	v37 =	vmul.f32 v21, v15;
	v15 =	vld [tilespmem:s24+$0xD0]  }
0x108: {  	[tilespmem:s24+$0xFFFFFFD0] =	vst v7;
	v7 =	vld [tilespmem:s24+$0xF0]  }
0x109: {  	[tilespmem:s24+$0x30] =	vst v10;
	v10 =	vld [tilespmem:$0x1FF60]  }
0x10a: {  	[tilespmem:s24+$0x70] =	vst v8;
	v8 =	vld [tilespmem:$0x1FF90]  }
0x10b: {  	v1 =	vmul.f32 v58, v1;
	v21 =	vld [tilespmem:s24+$0x130]  }
0x10c: {  	[tilespmem:s29+$0x1E0] =	vst v14;
	v11 =	vmul.f32 v20, v11;
	v20 =	vld [tilespmem:s24+$0x110]  }
0x10d: {  	v12 =	vmul.f32 $7.500000000e-01, v9;
	[tilespmem:s24+$0xFFFFFFC0] =	vst v1;
	v1 =	vmul.f32 v17, v31;
	v17 =	vld [tilespmem:s24+$0xE0]  }
0x10e: {  	[tilespmem:s24+$0xFFFFFEE0] =	vst v48;
	v23 =	vmul.f32 v15, v23;
	v15 =	vmul.f32 v7, v10;
	v7 =	vld [tilespmem:s24+$0x140]  }
0x10f: {  	[tilespmem:$0x1FFD0] =	vst v12;
	v3 =	vmul.f32 v22, v3;
	v10 =	vld [tilespmem:$0x1FF80]  }
0x110: {  	[tilespmem:s24+$0x90] =	vst v1;
	v1 =	vld [tilespmem:$0x1FFA0]  }
0x111: {  	v12 =	vmul.f32 $3.750000000e-01, v9;
	[tilespmem:s24+$0xB0] =	vst v3;
	v3 =	vld [tilespmem:$0x1FFD0]  }
0x112: {  	[tilespmem:s24+$0xFFFFFF10] =	vst v51;
	v16 =	vmul.f32 v16, v9;
	v9 =	vmul.f32 v20, v4;
	v4 =	vld [tilespmem:s24+$0x160]  }
0x113: {  	[tilespmem:s24+$0x40] =	vst v2;
	v2 =	vld [tilespmem:s24+$0x150];
	v0 =	vmul.f32 v17, v0  }
0x114: {  	[tilespmem:s24+$0xFFFFFE10] =	vst v57;
	v17 =	vmul.f32 v18, v10;
	v18 =	vmul.f32 v21, v8;
	v8 =	vld [tilespmem:s24+$0x180]  }
0x115: {  	v57 =	vmul.f32 v43, v54;
	[tilespmem:$0x1FFE0] =	vst v12;
	v10 =	vmul.f32 v7, v1;
	v1 =	vld [tilespmem:s24+$0x190]  }
0x116: {  	s31 =	sadd.s32 $0x8, s31;
	[tilespmem:s24+$0xE0] =	vst v0;
	v0 =	vld [tilespmem:$0x1FFF0]  }
0x117: {  	p1 =	slt.u32 s31, $0x20;
	[tilespmem:s24+$0xFFFFFF30] =	vst v57;
	v24 =	vmul.f32 v4, v3;
	v3 =	vld [tilespmem:$0x1FFE0]  }
.Ltmp2:
0x118: {  	[tilespmem:s24+$0xFFFFFEC0] =	vst v30;
	v59 =	vmul.f32 v59, v55;
	v27 =	vld [tilespmem:s24+$0x1D0];
	(pc) =	sbr.rel @p1 .LBB2_3-.Ltmp2, $4  }
0x119: {  	v44 =	vmul.f32 $1.500000000e+00, v6;
	[tilespmem:s24+$0xFFFFFFB0] =	vst v29;
	v22 =	vmul.f32 v2, v5;
	v2 =	vld [tilespmem:$0x1FFC0]  }
0x11a: {  	v13 =	vmul.f32 $1.250000000e-01, v6;
	v14 =	vmul.f32 $7.500000000e-01, v6;
	[tilespmem:s24+$0xFFFFFF50] =	vst v59;
	v20 =	vld [tilespmem:s24+$0x1B0]  }
0x11b: {  	v12 =	vmul.f32 $2.500000000e-01, v6;
	[tilespmem:s24+$0xD0] =	vst v23;
	v21 =	vld [tilespmem:s24+$0x1C0];
	v23 =	vmul.f32 v8, v6  }
0x11c: {  	s6 =	sadd.s32 $0x400, s6;
	s29 =	smov.u32 s24;
	[tilespmem:s24+$0xC0] =	vst v11;
	v7 =	vld [tilespmem:s24+$0x1E0];
	v26 =	vmul.f32 v1, v0;
	v25 =	vmul.f32 v25, v3  }
0x11d: {  	[tilespmem:s24+$0xF0] =	vst v15  }
0x11e: {  	[tilespmem:s29+$0x110] =	vst v9  }
0x11f: {  	[tilespmem:s29+$0x120] =	vst v17  }
0x120: {  	[tilespmem:s29+$0x130] =	vst v18  }
0x121: {  	[tilespmem:s29+$0x140] =	vst v10  }
0x122: {  	[tilespmem:s29+$0x150] =	vst v22  }
0x123: {  	[tilespmem:s29+$0x160] =	vst v24  }
0x124: {  	[tilespmem:s29+$0xFFFFFE00] =	vst v32  }
0x125: {  	[tilespmem:s29+$0xFFFFFE80] =	vst v39  }
0x126: {  	[tilespmem:s29+$0xFFFFFF00] =	vst v36  }
0x127: {  	[tilespmem:s29+$0xFFFFFF80] =	vst v41  }
0x128: {  	[tilespmem:s29+$0x0] =	vst v38  }
0x129: {  	[tilespmem:s29+$0x100] =	vst v16  }
0x12a: {  	[tilespmem:s29+$0x180] =	vst v23  }
0x12b: {  	[tilespmem:s29+$0x170] =	vst v25  }
0x12c: {  	v0 =	vmul.f32 v19, v12;
	[tilespmem:s29+$0x190] =	vst v26  }
0x12d: {  	[tilespmem:s29+$0x80] =	vst v37;
	v1 =	vmul.f32 v20, v13  }
0x12e: {  	[tilespmem:s29+$0x1A0] =	vst v0;
	v0 =	vmul.f32 v27, v44  }
0x12f: {  	s6 =	smul.u32 $0xA00, s26;
	v2 =	vmul.f32 v21, v2;
	[tilespmem:s29+$0x1B0] =	vst v1  }
0x130: {  	s13 =	simm.s32 $0x5A80;
	v1 =	vmul.f32 v7, v14;
	[tilespmem:s29+$0x1D0] =	vst v0  }
0x131: {  	s28 =	sadd.s32 $0x4, s21;
	p1 =	seq.s32 s18, $0x0;
	s24 =	sshrl.u32 s6, $0x2;
	[tilespmem:s29+$0x1C0] =	vst v2  }
0x132: {  	s31 =	simm.s32 @!p1 $0xA;
	s6 =	sadd.s32 $0x280, s24;
	[tilespmem:s29+$0x1E0] =	vst v1;
	s29 =	smul.u32 $0x28, s28  }
0x133: {  	[spmem:s3] =	stream.indirect.scatter.add.f32 [tilespmem:s13], [sflag:$0x6], $0x80, s6, s0, $0xb8;
	[tilespmem:$0x1F700] =	vst v63  }
0x134: {  	_ =	swait.ge @!p1 [sflag:s31], $0x1400;
	s29 =	sadd.s32 s8, s29  }
0x135: {  	s13 =	ssub.s32 s26, s18;
	[sflag:s31] =	ssyncset.done @!p1 $0x0;
	s29 =	sshll.u32 s29, $0x4  }
0x136: {  	[sflag:s31] =	ssyncadd.s32 @!p1 $0xFFFFEC00;
	s29 =	sadd.s32 s5, s29;
	p1 =	sgt.u32 s18, $0x2F  }
0x137: {  	[tilespmem:s25], [sflag:s19] =	stream.linear.gather [hbm4b:s29+s4], $0x1400, $0x38;
	[tilespmem:$0x1F700] =	vst v63  }
0x138: {  	s26 =	smul.u32 $0x5, s13;
	s29 =	sadd.s32 @!p1 $0x2, s18  }
0x139: {  	s31 =	smul.u32 @!p1 $0xAB, s29  }
0x13a: {  	s6 =	sadd.s32 s28, s26  }
0x13b: {  	s6 =	smul.u32 $0xA0, s6;
	s26 =	sshrl.u32 @!p1 s31, $0x9  }
0x13c: {  	s26 =	sand.u32 @!p1 $0x7F, s26  }
0x13d: {  	s28 =	simm.s32 $0xAA80;
	s6 =	sshra.s32 s6, $0x2;
	s26 =	smul.u32 @!p1 $0x3, s26  }
0x13e: {  	[tilespmem:s28], [sflag:$0x5] =	stream.indirect.gather [hbm4b:s1+s0], $0x80, s6, s0, $0xb8;
	[tilespmem:$0x1F700] =	vst v63  }
0x13f: {  	s6 =	ssub.s32 @!p1 s29, s26;
	s26 =	smul.u32 @!p1 $0xC8, s29  }
0x140: {  	s6 =	sand.u32 @!p1 $0xFF, s6  }
0x141: {  	s31 =	smul.u32 @!p1 $0x320, s6;
	s26 =	sadd.s32 @!p1 s8, s26  }
0x142: {  	s28 =	rddreg [dreg:$0x2];
	s13 =	sadd.s32 @!p1 $0xF, s6;
	s26 =	sshrl.u32 @!p1 s26, $0x3  }
0x143: {  	s31 =	sshrl.u32 @!p1 s31, $0x2;
	s26 =	sadd.s32 @!p1 s28, s26;
	s28 =	simm.s32 @!p1 $0x0  }
0x144: {  	[tilespmem:s31], [sflag:s13] =	stream.linear.gather @!p1 [hbm4b:s26+s28], $0xC8, $0x38;
	[tilespmem:$0x1F700] =	vst v63  }
0x145: {  	s13 =	sshll.u32 @!p1 s29, $0xA;
	s26 =	smul.u32 @!p1 $0xA00, s6;
	s29 =	rddreg [dreg:$0xb]  }
0x146: {  	s13 =	sadd.s32 @!p1 s29, s13  }
0x147: {  	s26 =	sshrl.u32 @!p1 s26, $0x2;
	s13 =	sshrl.u32 @!p1 s13, $0x3  }
0x148: {  	s6 =	sadd.s32 @!p1 $0x12, s6;
	s26 =	sadd.s32 @!p1 $0x280, s26;
	s13 =	sadd.s32 @!p1 s9, s13  }
0x149: {  	[tilespmem:s26], [sflag:s6] =	stream.linear.gather @!p1 [hbm4b:s13+s28], $0x280, $0x38;
	[tilespmem:$0x1F700] =	vst v63  }
0x14a: {  	s31 =	sadd.s32 $0x1, s21;
	_ =	swait.ge [sflag:s11], $0x1400  }
0x14b: {  	s6 =	sand.u32 $0x3, s31;
	[sflag:s11] =	ssyncset.done $0x0  }
0x14c: {  	s6 =	sadd.s32 $0xB, s6;
	[sflag:s11] =	ssyncadd.s32 $0xFFFFEC00  }
0x14d: {  	_ =	swait.ge [sflag:s6], $0x1400  }
0x14e: {  	[sflag:s6] =	ssyncset.done $0x0  }
0x14f: {  	[sflag:s6] =	ssyncadd.s32 $0xFFFFEC00  }
0x150: {  	v5 =	vld [tilespmem:s2+$0x180]  }
0x151: {  	s26 =	simm.s32 $0x7270;
	v1 =	vld [tilespmem:s2+$0xFFFFFE80]  }
0x152: {  	v0 =	vld [tilespmem:s26+$0x0]  }
0x153: {  	v2 =	vld [tilespmem:s2+$0xFFFFFF00]  }
0x154: {  	v3 =	vld [tilespmem:s2+$0xFFFFFF80]  }
0x155: {  	v8 =	vld [tilespmem:s2+$0x0]  }
0x156: {  	v7 =	vld [tilespmem:s2+$0x80]  }
0x157: {  	v4 =	vld [tilespmem:s2+$0x100]  }
0x158: {  	v6 =	vld [tilespmem:s2+$0xFFFFFE00]  }
0x159: {  	v9 =	vld [tilespmem:s26+$0xFFFFFC10]  }
0x15a: {  	v10 =	vld [tilespmem:s26+$0xFFFFFC20]  }
0x15b: {  	v11 =	vld [tilespmem:s26+$0xFFFFFC30]  }
0x15c: {  	v12 =	vld [tilespmem:s26+$0xFFFFFC40]  }
0x15d: {  	v13 =	vld [tilespmem:s26+$0xFFFFFC50]  }
0x15e: {  	v14 =	vld [tilespmem:s26+$0xFFFFFC60]  }
0x15f: {  	v15 =	vld [tilespmem:s26+$0xFFFFFC70]  }
0x160: {  	v16 =	vld [tilespmem:s26+$0xFFFFFC80]  }
0x161: {  	v17 =	vld [tilespmem:s26+$0xFFFFFC90]  }
0x162: {  	v19 =	vld [tilespmem:s26+$0xFFFFFCA0];
	v18 =	vmul.f32 $3.750000000e-01, v5  }
0x163: {  	v22 =	vld [tilespmem:s26+$0xFFFFFCB0];
	v20 =	vmul.f32 $5.000000000e-01, v1;
	v21 =	vmul.f32 $2.500000000e-01, v1  }
0x164: {  	v26 =	vld [tilespmem:s26+$0xFFFFFCD0];
	v23 =	vmul.f32 $1.250000000e-01, v1;
	v24 =	vmul.f32 $5.000000000e-01, v6  }
0x165: {  	v29 =	vld [tilespmem:s26+$0xFFFFFCE0];
	v25 =	vmul.f32 $2.500000000e-01, v6;
	v27 =	vmul.f32 $1.250000000e-01, v6  }
0x166: {  	v62 =	vld [tilespmem:s26+$0xFFFFFCF0];
	v28 =	vmul.f32 $1.500000000e+00, v6;
	v31 =	vmul.f32 $7.500000000e-01, v6  }
0x167: {  	v63 =	vld [tilespmem:s26+$0xFFFFFD80];
	v32 =	vmul.f32 v9, v6;
	v39 =	vmul.f32 v17, v1  }
0x168: {  	v33 =	vld [tilespmem:s26+$0xFFFFFD90];
	v43 =	vmul.f32 $1.500000000e+00, v5;
	v0 =	vmul.f32 v0, v18  }
0x169: {  	v30 =	vadd.f32 v6, v6;
	v9 =	vld [tilespmem:s26+$0xFFFFFE10];
	v10 =	vmul.f32 v10, v24;
	v24 =	vmul.f32 $3.750000000e-01, v6  }
0x16a: {  	v17 =	vld [tilespmem:s26+$0xFFFFFE20];
	v11 =	vmul.f32 v11, v25;
	v12 =	vmul.f32 v12, v27  }
0x16b: {  	v18 =	vld [tilespmem:s26+$0xFFFFFCC0];
	v13 =	vmul.f32 v13, v30;
	v30 =	vmul.f32 $1.500000000e+00, v1;
	[tilespmem:s26+$0x0] =	vst v0  }
0x16c: {  	v25 =	vld [tilespmem:s26+$0xFFFFFD00];
	v14 =	vmul.f32 v14, v28;
	v15 =	vmul.f32 v15, v31;
	[tilespmem:s26+$0xFFFFFC20] =	vst v10  }
0x16d: {  	v27 =	vld [tilespmem:s26+$0xFFFFFD10];
	v19 =	vmul.f32 v19, v20;
	v21 =	vmul.f32 v22, v21;
	[tilespmem:s26+$0xFFFFFC30] =	vst v11  }
0x16e: {  	v28 =	vld [tilespmem:s26+$0xFFFFFD20];
	v22 =	vmul.f32 $7.500000000e-01, v1;
	v16 =	vmul.f32 v16, v24;
	[tilespmem:s26+$0xFFFFFC40] =	vst v12  }
0x16f: {  	v31 =	vld [tilespmem:s26+$0xFFFFFD30];
	v0 =	vmul.f32 $3.750000000e-01, v1;
	v10 =	vmul.f32 $5.000000000e-01, v2;
	[tilespmem:s26+$0xFFFFFC50] =	vst v13  }
0x170: {  	v20 =	vld [tilespmem:s26+$0xFFFFFD40];
	v29 =	vmul.f32 v29, v30;
	v11 =	vmul.f32 $2.500000000e-01, v2;
	[tilespmem:s26+$0xFFFFFC60] =	vst v14  }
0x171: {  	v30 =	vld [tilespmem:s26+$0xFFFFFD70];
	v22 =	vmul.f32 v62, v22;
	v12 =	vmul.f32 $1.250000000e-01, v2;
	[tilespmem:s26+$0xFFFFFC70] =	vst v15  }
0x172: {  	v24 =	vadd.f32 v1, v1;
	v13 =	vld [tilespmem:s26+$0xFFFFFDA0];
	v14 =	vmul.f32 $1.500000000e+00, v2;
	v15 =	vmul.f32 $7.500000000e-01, v2;
	[tilespmem:s26+$0xFFFFFCA0] =	vst v19  }
0x173: {  	v19 =	vmul.f32 $5.000000000e-01, v3;
	[tilespmem:s26+$0xFFFFFCB0] =	vst v21;
	v36 =	vmul.f32 v9, v8;
	v9 =	vld [tilespmem:s26+$0xFFFFFEC0]  }
0x174: {  	v21 =	vmul.f32 $2.500000000e-01, v3;
	v24 =	vmul.f32 v26, v24;
	v26 =	vld [tilespmem:s26+$0xFFFFFD60];
	[tilespmem:s26+$0xFFFFFC80] =	vst v16  }
0x175: {  	v16 =	vld [tilespmem:s26+$0xFFFFFDD0];
	[tilespmem:s26+$0xFFFFFCF0] =	vst v22;
	v22 =	vmul.f32 $7.500000000e-01, v3;
	v18 =	vmul.f32 v18, v23  }
0x176: {  	v23 =	vld [tilespmem:s26+$0xFFFFFD50];
	v25 =	vmul.f32 v25, v0;
	v10 =	vmul.f32 v28, v10  }
0x177: {  	v11 =	vmul.f32 v31, v11;
	v12 =	vmul.f32 v20, v12;
	v20 =	vld [tilespmem:s26+$0xFFFFFDB0]  }
0x178: {  	v28 =	vld [tilespmem:s26+$0xFFFFFDC0];
	v41 =	vmul.f32 v27, v2;
	v27 =	vmul.f32 $2.500000000e-01, v8  }
0x179: {  	v6 =	vadd.f32 v3, v3;
	v31 =	vld [tilespmem:s26+$0xFFFFFDF0];
	v15 =	vmul.f32 v30, v15;
	[tilespmem:s26+$0xFFFFFCC0] =	vst v18;
	v18 =	vmul.f32 $1.250000000e-01, v3  }
0x17a: {  	v0 =	vadd.f32 v2, v2;
	[tilespmem:s26+$0xFFFFFCD0] =	vst v24;
	v24 =	vld [tilespmem:s26+$0xFFFFFE40];
	v13 =	vmul.f32 v13, v19;
	v30 =	vmul.f32 v33, v3  }
0x17b: {  	[tilespmem:s26+$0xFFFFFD00] =	vst v25;
	v14 =	vmul.f32 v26, v14;
	v26 =	vld [tilespmem:s26+$0xFFFFFDE0];
	v16 =	vmul.f32 v16, v6  }
0x17c: {  	v6 =	vmul.f32 $1.500000000e+00, v3;
	[tilespmem:s26+$0xFFFFFD70] =	vst v15;
	v15 =	vld [tilespmem:s26+$0xFFFFFEA0];
	v23 =	vmul.f32 v23, v0  }
0x17d: {  	[tilespmem:s26+$0xFFFFFD20] =	vst v10;
	v0 =	vmul.f32 $3.750000000e-01, v2;
	v20 =	vmul.f32 v20, v21;
	v21 =	vld [tilespmem:s26+$0xFFFFFE30]  }
0x17e: {  	v19 =	vld [tilespmem:s26+$0xFFFFFE00];
	[tilespmem:s26+$0xFFFFFDA0] =	vst v13;
	v13 =	vmul.f32 $5.000000000e-01, v7;
	v18 =	vmul.f32 v28, v18  }
0x17f: {  	v22 =	vmul.f32 v31, v22;
	[tilespmem:s26+$0xFFFFFD60] =	vst v14;
	v14 =	vld [tilespmem:s26+$0xFFFFFE90];
	v0 =	vmul.f32 v63, v0  }
0x180: {  	[tilespmem:s26+$0xFFFFFD30] =	vst v11;
	v11 =	vld [tilespmem:s26+$0xFFFFFE60];
	v25 =	vmul.f32 v26, v6;
	v6 =	vmul.f32 $3.750000000e-01, v3  }
0x181: {  	[tilespmem:s26+$0xFFFFFDB0] =	vst v20;
	v20 =	vld [tilespmem:s26+$0xFFFFFED0];
	v26 =	vmul.f32 $5.000000000e-01, v8;
	v15 =	vmul.f32 v15, v13  }
0x182: {  	v10 =	vld [tilespmem:s26+$0xFFFFFE50];
	[tilespmem:s26+$0xFFFFFD40] =	vst v12;
	v21 =	vmul.f32 v21, v27;
	v27 =	vmul.f32 $1.500000000e+00, v8  }
0x183: {  	v12 =	vld [tilespmem:s26+$0xFFFFFE70];
	[tilespmem:s26+$0xFFFFFDD0] =	vst v16;
	v19 =	vmul.f32 v19, v6;
	v6 =	vmul.f32 $1.250000000e-01, v8  }
0x184: {  	v16 =	vld [tilespmem:s26+$0xFFFFFEF0];
	[tilespmem:s26+$0xFFFFFD50] =	vst v23;
	v13 =	vadd.f32 v7, v7;
	v17 =	vmul.f32 v17, v26;
	v37 =	vmul.f32 v14, v7  }
0x185: {  	v23 =	vld [tilespmem:s26+$0xFFFFFE80];
	v26 =	vadd.f32 v8, v8;
	[tilespmem:s26+$0xFFFFFEA0] =	vst v15;
	v15 =	vmul.f32 $1.250000000e-01, v5;
	v11 =	vmul.f32 v11, v27  }
0x186: {  	[tilespmem:s26+$0xFFFFFCE0] =	vst v29;
	v28 =	vld [tilespmem:s26+$0xFFFFFEB0];
	v29 =	vmul.f32 v20, v13;
	v13 =	vmul.f32 $7.500000000e-01, v7  }
0x187: {  	[tilespmem:s26+$0xFFFFFDC0] =	vst v18;
	v18 =	vld [tilespmem:s26+$0xFFFFFEE0];
	v10 =	vmul.f32 v10, v26;
	v26 =	vmul.f32 $7.500000000e-01, v8  }
0x188: {  	[tilespmem:s26+$0xFFFFFDF0] =	vst v22;
	v22 =	vld [tilespmem:s26+$0xFFFFFF10];
	v24 =	vmul.f32 v24, v6;
	v8 =	vmul.f32 $3.750000000e-01, v8  }
0x189: {  	[tilespmem:s26+$0xFFFFFD80] =	vst v0;
	v14 =	vld [tilespmem:s26+$0xFFFFFF30];
	v12 =	vmul.f32 v12, v26;
	v26 =	vmul.f32 $2.500000000e-01, v7  }
0x18a: {  	[tilespmem:s26+$0xFFFFFDE0] =	vst v25;
	v20 =	vld [tilespmem:s26+$0xFFFFFF50];
	v31 =	vmul.f32 v16, v13;
	v23 =	vmul.f32 v23, v8  }
0x18b: {  	[tilespmem:s26+$0xFFFFFE00] =	vst v19;
	v8 =	vmul.f32 $1.250000000e-01, v7;
	v25 =	vmul.f32 v28, v26;
	v26 =	vld [tilespmem:s26+$0xFFFFFF00]  }
0x18c: {  	v19 =	vld [tilespmem:s26+$0xFFFFFF20];
	v16 =	vmul.f32 $2.500000000e-01, v4;
	[tilespmem:s26+$0xFFFFFE50] =	vst v10;
	v10 =	vmul.f32 $1.250000000e-01, v4  }
0x18d: {  	[tilespmem:s26+$0xFFFFFE20] =	vst v17;
	v17 =	vld [tilespmem:s26+$0xFFFFFF40];
	v27 =	vmul.f32 v9, v8;
	v9 =	vmul.f32 $1.500000000e+00, v7  }
0x18e: {  	[tilespmem:s26+$0xFFFFFE30] =	vst v21;
	v21 =	vld [tilespmem:s26+$0xFFFFFF80];
	v16 =	vmul.f32 v14, v16;
	v7 =	vmul.f32 $3.750000000e-01, v7  }
0x18f: {  	[tilespmem:s26+$0xFFFFFE60] =	vst v11;
	v11 =	vld [tilespmem:s26+$0xFFFFFF70];
	v14 =	vmul.f32 $2.500000000e-01, v5;
	v0 =	vmul.f32 v18, v9  }
0x190: {  	[tilespmem:s26+$0xFFFFFE70] =	vst v12;
	v9 =	vmul.f32 $5.000000000e-01, v4;
	v13 =	vmul.f32 v26, v7;
	v7 =	vld [tilespmem:s26+$0xFFFFFF60]  }
0x191: {  	v12 =	vmul.f32 $1.500000000e+00, v4;
	[tilespmem:s26+$0xFFFFFE80] =	vst v23;
	v23 =	vmul.f32 $7.500000000e-01, v4;
	v26 =	vld [tilespmem:s26+$0xFFFFFF90]  }
0x192: {  	v1 =	vld [tilespmem:s26+$0xFFFFFFA0];
	[tilespmem:s26+$0xFFFFFED0] =	vst v29;
	v18 =	vmul.f32 v17, v10;
	v9 =	vmul.f32 v19, v9;
	v19 =	vadd.f32 v4, v4  }
0x193: {  	v17 =	vmul.f32 v22, v4;
	[tilespmem:s26+$0xFFFFFEC0] =	vst v27;
	v27 =	vld [tilespmem:s26+$0xFFFFFFE0];
	v4 =	vmul.f32 $3.750000000e-01, v4  }
0x194: {  	[tilespmem:s26+$0xFFFFFE40] =	vst v24;
	v28 =	vmul.f32 $5.000000000e-01, v5;
	v10 =	vmul.f32 v20, v19;
	v19 =	vld [tilespmem:s26+$0xFFFFFFB0]  }
0x195: {  	[tilespmem:s26+$0xFFFFFEB0] =	vst v25;
	v24 =	vmul.f32 v11, v23;
	v20 =	vld [tilespmem:s26+$0xFFFFFFC0];
	v25 =	vmul.f32 v21, v4  }
0x196: {  	[tilespmem:s26+$0xFFFFFEF0] =	vst v31;
	v21 =	vld [tilespmem:s26+$0xFFFFFFD0];
	v22 =	vmul.f32 v7, v12;
	v23 =	vmul.f32 v26, v5  }
0x197: {  	s29 =	simm.s32 $0x0;
	s6 =	sadd.s32 $0x400, s2;
	s2 =	simm.s32 $0x7270;
	v2 =	vadd.f32 v5, v5;
	[tilespmem:s26+$0xFFFFFEE0] =	vst v0;
	v12 =	vmul.f32 $7.500000000e-01, v5;
	v26 =	vmul.f32 v1, v28;
	v7 =	vld [tilespmem:s26+$0xFFFFFFF0]  }
.LBB2_5:
0x198: {  	v5 =	vld [tilespmem:s6+$0x180];
	[tilespmem:s26+$0xFFFFFF00] =	vst v13  }
0x199: {  	[tilespmem:s2+$0xFFFFFF40] =	vst v18;
	v18 =	vld [tilespmem:s6+$0x0]  }
0x19a: {  	[tilespmem:s2+$0xFFFFFF20] =	vst v9;
	s26 =	sadd.s32 $0x400, s26;
	v29 =	vld [tilespmem:s6+$0xFFFFFE00]  }
0x19b: {  	[tilespmem:s2+$0xFFFFFF30] =	vst v16;
	v28 =	vld [tilespmem:s26+$0x0]  }
0x19c: {  	[tilespmem:s2+$0xFFFFFF50] =	vst v10;
	v13 =	vld [tilespmem:s6+$0x80]  }
0x19d: {  	[tilespmem:s2+$0xFFFFFF70] =	vst v24;
	v57 =	vld [tilespmem:s26+$0xFFFFFC20]  }
0x19e: {  	[tilespmem:s2+$0xFFFFFE10] =	vst v36;
	v58 =	vld [tilespmem:s26+$0xFFFFFC30]  }
0x19f: {  	[tilespmem:s2+$0xFFFFFF60] =	vst v22;
	v62 =	vld [tilespmem:s26+$0xFFFFFC50]  }
0x1a0: {  	v1 =	vld [tilespmem:s26+$0xFFFFFC60];
	[tilespmem:s2+$0xFFFFFE90] =	vst v37  }
0x1a1: {  	v9 =	vld [tilespmem:s6+$0x100];
	[tilespmem:s2+$0xFFFFFF80] =	vst v25  }
0x1a2: {  	v3 =	vld [tilespmem:s26+$0xFFFFFC70];
	[tilespmem:s2+$0xFFFFFF10] =	vst v17;
	v14 =	vmul.f32 v19, v14  }
0x1a3: {  	v19 =	vld [tilespmem:s6+$0xFFFFFE80];
	v15 =	vmul.f32 v20, v15;
	v31 =	vmul.f32 v21, v2;
	[tilespmem:s2+$0xFFFFFC90] =	vst v39  }
0x1a4: {  	v21 =	vld [tilespmem:s6+$0xFFFFFF00];
	v12 =	vmul.f32 v7, v12;
	v7 =	vmov v30;
	[tilespmem:s2+$0xFFFFFD10] =	vst v41;
	v0 =	vmul.f32 $5.000000000e-01, v5  }
0x1a5: {  	v20 =	vld [tilespmem:s6+$0xFFFFFF80];
	v10 =	vmul.f32 $3.750000000e-01, v5;
	[tilespmem:s2+$0xFFFFFD90] =	vst v7;
	v7 =	vmul.f32 $1.250000000e-01, v13  }
0x1a6: {  	v6 =	vld [tilespmem:s26+$0xFFFFFC80];
	v63 =	vadd.f32 v29, v29;
	[tilespmem:$0x1FEC0] =	vst v0;
	v0 =	vadd.f32 v5, v5  }
0x1a7: {  	v59 =	vld [tilespmem:s26+$0xFFFFFC40];
	v2 =	vmul.f32 $1.500000000e+00, v29;
	v10 =	vmul.f32 v28, v10;
	[tilespmem:$0x1FE00] =	vst v7  }
0x1a8: {  	v37 =	vld [tilespmem:s26+$0xFFFFFCE0];
	v30 =	vmul.f32 $7.500000000e-01, v29;
	v63 =	vmul.f32 v62, v63;
	[tilespmem:$0x1FE90] =	vst v0  }
0x1a9: {  	v38 =	vld [tilespmem:s26+$0xFFFFFCF0];
	v4 =	vmul.f32 $3.750000000e-01, v29;
	v1 =	vmul.f32 v1, v2;
	[tilespmem:s26+$0x0] =	vst v10  }
0x1aa: {  	v39 =	vld [tilespmem:s26+$0xFFFFFD00];
	v3 =	vmul.f32 v3, v30;
	[tilespmem:s26+$0xFFFFFC50] =	vst v63  }
0x1ab: {  	v33 =	vld [tilespmem:s26+$0xFFFFFC90];
	v4 =	vmul.f32 v6, v4;
	[tilespmem:s26+$0xFFFFFC60] =	vst v1  }
0x1ac: {  	v11 =	vmul.f32 v27, v43;
	v34 =	vld [tilespmem:s26+$0xFFFFFCA0];
	[tilespmem:s26+$0xFFFFFC70] =	vst v3  }
0x1ad: {  	v35 =	vld [tilespmem:s26+$0xFFFFFCB0];
	[tilespmem:s26+$0xFFFFFC80] =	vst v4  }
0x1ae: {  	v36 =	vld [tilespmem:s26+$0xFFFFFCC0];
	v7 =	vmul.f32 $7.500000000e-01, v13;
	[tilespmem:s2+$0xFFFFFFE0] =	vst v11  }
0x1af: {  	v60 =	vmul.f32 $5.000000000e-01, v29;
	v40 =	vld [tilespmem:s26+$0xFFFFFD20];
	v0 =	vmul.f32 $2.500000000e-01, v19;
	[tilespmem:s2+$0xFFFFFFF0] =	vst v12  }
0x1b0: {  	v41 =	vld [tilespmem:s26+$0xFFFFFD30];
	[tilespmem:$0x1FE20] =	vst v7;
	v7 =	vmul.f32 $3.750000000e-01, v13  }
0x1b1: {  	v61 =	vmul.f32 $2.500000000e-01, v29;
	v42 =	vld [tilespmem:s26+$0xFFFFFD40];
	v57 =	vmul.f32 v57, v60;
	[tilespmem:$0x1FDA0] =	vst v0;
	v0 =	vadd.f32 v19, v19  }
0x1b2: {  	v60 =	vld [tilespmem:s26+$0xFFFFFD50];
	v44 =	vmul.f32 $1.250000000e-01, v19;
	v12 =	vmul.f32 $2.500000000e-01, v9;
	[tilespmem:$0x1FE30] =	vst v7  }
0x1b3: {  	v58 =	vmul.f32 v58, v61;
	v2 =	vld [tilespmem:s26+$0xFFFFFD70];
	v53 =	vmul.f32 $2.500000000e-01, v21;
	[tilespmem:$0x1FDB0] =	vst v0;
	v0 =	vadd.f32 v21, v21  }
0x1b4: {  	v6 =	vld [tilespmem:s26+$0xFFFFFD80];
	v48 =	vmul.f32 $1.500000000e+00, v19;
	v61 =	vmul.f32 v36, v44;
	[tilespmem:$0x1FE50] =	vst v12  }
0x1b5: {  	v49 =	vmul.f32 $7.500000000e-01, v19;
	v4 =	vmul.f32 v41, v53;
	[tilespmem:$0x1FDC0] =	vst v0;
	v0 =	vld [tilespmem:s26+$0xFFFFFC10]  }
0x1b6: {  	v30 =	vld [tilespmem:s26+$0xFFFFFD90];
	v51 =	vmul.f32 $3.750000000e-01, v19;
	v7 =	vmul.f32 $5.000000000e-01, v9;
	[tilespmem:s26+$0xFFFFFCC0] =	vst v61  }
0x1b7: {  	v56 =	vmul.f32 $3.750000000e-01, v21;
	v63 =	vld [tilespmem:s26+$0xFFFFFDA0];
	v12 =	vmul.f32 $1.250000000e-01, v9;
	[tilespmem:s26+$0xFFFFFD30] =	vst v4  }
0x1b8: {  	v52 =	vmul.f32 $5.000000000e-01, v21;
	v11 =	vld [tilespmem:s26+$0xFFFFFCD0];
	v1 =	vmul.f32 v37, v48;
	[tilespmem:$0x1FE40] =	vst v7  }
0x1b9: {  	v48 =	vmul.f32 v38, v49;
	v49 =	vld [tilespmem:s26+$0xFFFFFDB0];
	v6 =	vmul.f32 v6, v56;
	[tilespmem:$0x1FE60] =	vst v12  }
0x1ba: {  	v3 =	vmul.f32 v39, v51;
	v51 =	vmul.f32 v40, v52;
	v52 =	vld [tilespmem:s26+$0xFFFFFDC0];
	[tilespmem:$0x1FDD0] =	vst v0;
	v0 =	vadd.f32 v20, v20  }
0x1bb: {  	v4 =	vld [tilespmem:s26+$0xFFFFFE60];
	[tilespmem:s26+$0xFFFFFD80] =	vst v6  }
0x1bc: {  	v62 =	vld [tilespmem:$0x1FDB0];
	[tilespmem:$0x1FDE0] =	vst v0;
	v0 =	vadd.f32 v18, v18  }
0x1bd: {  	v25 =	vmul.f32 $1.500000000e+00, v18;
	v17 =	vmul.f32 $2.500000000e-01, v13;
	v7 =	vld [tilespmem:s26+$0xFFFFFD10];
	[tilespmem:s2+$0xFFFFFC10] =	vst v32  }
0x1be: {  	v27 =	vmul.f32 $5.000000000e-01, v19;
	v54 =	vmul.f32 $1.250000000e-01, v21;
	v6 =	vld [tilespmem:s26+$0xFFFFFEB0];
	[tilespmem:$0x1FDF0] =	vst v0;
	v0 =	vadd.f32 v13, v13  }
0x1bf: {  	v55 =	vmul.f32 $1.500000000e+00, v21;
	v39 =	vmul.f32 v33, v19;
	v19 =	vld [tilespmem:s26+$0xFFFFFE20];
	[tilespmem:s26+$0xFFFFFC30] =	vst v58  }
0x1c0: {  	v45 =	vmul.f32 $7.500000000e-01, v21;
	v12 =	vmul.f32 $1.500000000e+00, v9;
	v58 =	vld [tilespmem:s26+$0xFFFFFDD0];
	[tilespmem:$0x1FE10] =	vst v0;
	v0 =	vadd.f32 v9, v9  }
0x1c1: {  	[tilespmem:s26+$0xFFFFFCE0] =	vst v1;
	v4 =	vmul.f32 v4, v25;
	v11 =	vmul.f32 v11, v62;
	v62 =	vld [tilespmem:s26+$0xFFFFFE00]  }
0x1c2: {  	v41 =	vmul.f32 v7, v21;
	v21 =	vld [tilespmem:s26+$0xFFFFFE50];
	[tilespmem:$0x1FE70] =	vst v0;
	v0 =	vmul.f32 $1.250000000e-01, v29  }
0x1c3: {  	v50 =	vmul.f32 $5.000000000e-01, v20;
	[tilespmem:$0x1FE80] =	vst v12;
	v6 =	vmul.f32 v6, v17;
	v17 =	vld [tilespmem:s26+$0xFFFFFF10]  }
0x1c4: {  	[tilespmem:s26+$0xFFFFFE60] =	vst v4;
	v4 =	vld [tilespmem:$0x1FE40];
	v0 =	vmul.f32 v59, v0  }
0x1c5: {  	v61 =	vmul.f32 v63, v50;
	v32 =	vmul.f32 $1.250000000e-01, v20;
	v63 =	vld [tilespmem:$0x1FDD0];
	[tilespmem:s26+$0xFFFFFEB0] =	vst v6  }
0x1c6: {  	v6 =	vld [tilespmem:$0x1FE80];
	[tilespmem:s26+$0xFFFFFC40] =	vst v0;
	v0 =	vmul.f32 v34, v27  }
0x1c7: {  	[tilespmem:s26+$0xFFFFFCD0] =	vst v11;
	v11 =	vmul.f32 v52, v32;
	v1 =	vld [tilespmem:$0x1FDE0]  }
0x1c8: {  	v8 =	vmul.f32 $2.500000000e-01, v20;
	[tilespmem:s26+$0xFFFFFCA0] =	vst v0;
	v0 =	vld [tilespmem:$0x1FDC0]  }
0x1c9: {  	v10 =	vmul.f32 $1.500000000e+00, v20;
	v22 =	vmul.f32 $3.750000000e-01, v20;
	[tilespmem:s26+$0xFFFFFDC0] =	vst v11;
	v11 =	vld [tilespmem:s26+$0xFFFFFEE0]  }
0x1ca: {  	v16 =	vmul.f32 $7.500000000e-01, v20;
	v2 =	vmul.f32 v2, v45;
	v27 =	vld [tilespmem:$0x1FDA0]  }
0x1cb: {  	v30 =	vmul.f32 v30, v20;
	v20 =	vmul.f32 v62, v22;
	v22 =	vld [tilespmem:s26+$0xFFFFFE90]  }
0x1cc: {  	[tilespmem:s26+$0xFFFFFD70] =	vst v2;
	v2 =	vld [tilespmem:$0x1FDF0]  }
0x1cd: {  	[tilespmem:s2+$0xFFFFFF90] =	vst v23;
	v23 =	vmul.f32 $1.500000000e+00, v13;
	v0 =	vmul.f32 v60, v0;
	v60 =	vld [tilespmem:s26+$0xFFFFFDE0]  }
0x1ce: {  	[tilespmem:s26+$0xFFFFFE00] =	vst v20;
	v20 =	vld [tilespmem:$0x1FE10]  }
0x1cf: {  	v11 =	vmul.f32 v11, v23;
	v23 =	vld [tilespmem:s26+$0xFFFFFF80];
	v27 =	vmul.f32 v35, v27  }
0x1d0: {  	[tilespmem:s2+$0xFFFFFFD0] =	vst v31;
	v31 =	vmul.f32 $5.000000000e-01, v13;
	v37 =	vmul.f32 v22, v13;
	v13 =	vld [tilespmem:s26+$0xFFFFFEF0]  }
0x1d1: {  	[tilespmem:s26+$0xFFFFFCB0] =	vst v27;
	v27 =	vld [tilespmem:s26+$0xFFFFFDF0]  }
0x1d2: {  	v29 =	vmul.f32 v63, v29;
	v7 =	vmul.f32 v60, v10;
	v10 =	vld [tilespmem:s26+$0xFFFFFE30]  }
0x1d3: {  	v59 =	vld [tilespmem:s26+$0xFFFFFD60]  }
0x1d4: {  	v46 =	vmul.f32 $5.000000000e-01, v18;
	v32 =	vmov v29;
	v29 =	vld [tilespmem:s26+$0xFFFFFE10]  }
0x1d5: {  	[tilespmem:s2+$0xFFFFFFA0] =	vst v26;
	v47 =	vmul.f32 $2.500000000e-01, v18;
	v2 =	vmul.f32 v21, v2;
	v21 =	vld [tilespmem:s26+$0xFFFFFEA0]  }
0x1d6: {  	v24 =	vmul.f32 $1.250000000e-01, v18;
	[tilespmem:s26+$0xFFFFFD00] =	vst v3;
	v3 =	vmul.f32 v27, v16;
	v16 =	vld [tilespmem:s26+$0xFFFFFE40]  }
0x1d7: {  	v26 =	vmul.f32 $3.750000000e-01, v18;
	[tilespmem:s26+$0xFFFFFD50] =	vst v0;
	v0 =	vmul.f32 v10, v47;
	v10 =	vld [tilespmem:s26+$0xFFFFFE80]  }
0x1d8: {  	v28 =	vmul.f32 $7.500000000e-01, v18;
	v8 =	vmul.f32 v49, v8;
	[tilespmem:s26+$0xFFFFFE50] =	vst v2;
	v2 =	vld [tilespmem:s26+$0xFFFFFF60]  }
0x1d9: {  	v36 =	vmul.f32 v29, v18;
	v18 =	vmul.f32 v19, v46;
	v19 =	vld [tilespmem:s26+$0xFFFFFE70]  }
0x1da: {  	v1 =	vmul.f32 v58, v1;
	[tilespmem:s26+$0xFFFFFDF0] =	vst v3;
	v3 =	vld [tilespmem:$0x1FE00]  }
0x1db: {  	[tilespmem:s26+$0xFFFFFDB0] =	vst v8;
	v16 =	vmul.f32 v16, v24;
	v24 =	vld [tilespmem:s26+$0xFFFFFEC0]  }
0x1dc: {  	[tilespmem:s26+$0xFFFFFDD0] =	vst v1;
	v8 =	vmul.f32 v10, v26;
	v10 =	vld [tilespmem:s26+$0xFFFFFED0]  }
0x1dd: {  	v1 =	vmul.f32 v21, v31;
	[tilespmem:s26+$0xFFFFFE30] =	vst v0;
	v0 =	vld [tilespmem:$0x1FE20]  }
0x1de: {  	[tilespmem:s26+$0xFFFFFE20] =	vst v18;
	v18 =	vld [tilespmem:s26+$0xFFFFFF30]  }
0x1df: {  	[tilespmem:s26+$0xFFFFFEA0] =	vst v1;
	v1 =	vld [tilespmem:$0x1FE70]  }
0x1e0: {  	v12 =	vmul.f32 $7.500000000e-01, v9;
	[tilespmem:s26+$0xFFFFFDE0] =	vst v7;
	v7 =	vld [tilespmem:s26+$0xFFFFFF00]  }
0x1e1: {  	v21 =	vmul.f32 v10, v20;
	v10 =	vld [tilespmem:s26+$0xFFFFFF20]  }
0x1e2: {  	[tilespmem:$0x1FEA0] =	vst v12;
	v3 =	vmul.f32 v24, v3;
	v0 =	vmul.f32 v13, v0;
	v13 =	vld [tilespmem:$0x1FE30]  }
0x1e3: {  	[tilespmem:s26+$0xFFFFFE80] =	vst v8;
	v8 =	vld [tilespmem:$0x1FE60]  }
0x1e4: {  	[tilespmem:s26+$0xFFFFFEC0] =	vst v3;
	v3 =	vld [tilespmem:$0x1FEA0]  }
0x1e5: {  	[tilespmem:s2+$0xFFFFFFB0] =	vst v14;
	v12 =	vmul.f32 $3.750000000e-01, v9;
	v20 =	vld [tilespmem:s26+$0xFFFFFF40]  }
0x1e6: {  	[tilespmem:s2+$0xFFFFFFC0] =	vst v15;
	v17 =	vmul.f32 v17, v9;
	v9 =	vmul.f32 v10, v4;
	v10 =	vld [tilespmem:$0x1FE50]  }
0x1e7: {  	[tilespmem:s26+$0xFFFFFCF0] =	vst v48;
	v4 =	vld [tilespmem:s26+$0xFFFFFF70]  }
0x1e8: {  	[tilespmem:s26+$0xFFFFFD20] =	vst v51;
	v13 =	vmul.f32 v7, v13;
	v7 =	vld [tilespmem:s26+$0xFFFFFF50]  }
0x1e9: {  	[tilespmem:$0x1FEB0] =	vst v12;
	v22 =	vmul.f32 v2, v6;
	v2 =	vld [tilespmem:$0x1FE90]  }
0x1ea: {  	[tilespmem:s26+$0xFFFFFEF0] =	vst v0;
	v0 =	vld [tilespmem:$0x1FEC0]  }
0x1eb: {  	[tilespmem:s26+$0xFFFFFE40] =	vst v16;
	v16 =	vmul.f32 v18, v10;
	v18 =	vmul.f32 v20, v8;
	v8 =	vld [tilespmem:s26+$0xFFFFFF90]  }
0x1ec: {  	s29 =	sadd.s32 $0x8, s29;
	[tilespmem:s26+$0xFFFFFC20] =	vst v57;
	v19 =	vmul.f32 v19, v28;
	v24 =	vmul.f32 v4, v3;
	v3 =	vld [tilespmem:$0x1FEB0]  }
0x1ed: {  	p1 =	slt.u32 s29, $0x20;
	v57 =	vmul.f32 v42, v54;
	[tilespmem:s26+$0xFFFFFDA0] =	vst v61;
	v10 =	vmul.f32 v7, v1;
	v1 =	vld [tilespmem:s26+$0xFFFFFFA0]  }
.Ltmp3:
0x1ee: {  	[tilespmem:s26+$0xFFFFFE70] =	vst v19;
	v19 =	vld [tilespmem:s26+$0xFFFFFFB0];
	(pc) =	sbr.rel @p1 .LBB2_5-.Ltmp3, $4  }
0x1ef: {  	v43 =	vmul.f32 $1.500000000e+00, v5;
	v14 =	vmul.f32 $2.500000000e-01, v5;
	[tilespmem:s26+$0xFFFFFD40] =	vst v57;
	v27 =	vld [tilespmem:s26+$0xFFFFFFE0]  }
0x1f0: {  	v15 =	vmul.f32 $1.250000000e-01, v5;
	v59 =	vmul.f32 v59, v55;
	[tilespmem:s26+$0xFFFFFED0] =	vst v21;
	v21 =	vld [tilespmem:s26+$0xFFFFFFD0]  }
0x1f1: {  	v12 =	vmul.f32 $7.500000000e-01, v5;
	[tilespmem:s26+$0xFFFFFEE0] =	vst v11;
	v20 =	vld [tilespmem:s26+$0xFFFFFFC0];
	v25 =	vmul.f32 v23, v3  }
0x1f2: {  	s6 =	sadd.s32 $0x400, s6;
	s2 =	smov.u32 s26;
	[tilespmem:s26+$0xFFFFFD60] =	vst v59;
	v7 =	vld [tilespmem:s26+$0xFFFFFFF0];
	v23 =	vmul.f32 v8, v5;
	v26 =	vmul.f32 v1, v0  }
0x1f3: {  	[tilespmem:s26+$0xFFFFFF00] =	vst v13  }
0x1f4: {  	[tilespmem:s2+$0xFFFFFF20] =	vst v9  }
0x1f5: {  	[tilespmem:s2+$0xFFFFFF30] =	vst v16  }
0x1f6: {  	[tilespmem:s2+$0xFFFFFF40] =	vst v18  }
0x1f7: {  	[tilespmem:s2+$0xFFFFFF50] =	vst v10  }
0x1f8: {  	[tilespmem:s2+$0xFFFFFF60] =	vst v22  }
0x1f9: {  	[tilespmem:s2+$0xFFFFFF70] =	vst v24  }
0x1fa: {  	[tilespmem:s2+$0xFFFFFF80] =	vst v25  }
0x1fb: {  	[tilespmem:s2+$0xFFFFFC10] =	vst v32  }
0x1fc: {  	[tilespmem:s2+$0xFFFFFC90] =	vst v39  }
0x1fd: {  	[tilespmem:s2+$0xFFFFFD10] =	vst v41  }
0x1fe: {  	[tilespmem:s2+$0xFFFFFD90] =	vst v30  }
0x1ff: {  	[tilespmem:s2+$0xFFFFFE10] =	vst v36  }
0x200: {  	[tilespmem:s2+$0xFFFFFF10] =	vst v17  }
0x201: {  	[tilespmem:s2+$0xFFFFFFA0] =	vst v26  }
0x202: {  	v0 =	vmul.f32 v19, v14;
	[tilespmem:s2+$0xFFFFFE90] =	vst v37  }
0x203: {  	[tilespmem:s2+$0xFFFFFF90] =	vst v23;
	v2 =	vmul.f32 v21, v2  }
0x204: {  	p1 =	seq.s32 s18, $0x31;
	[tilespmem:s2+$0xFFFFFFB0] =	vst v0;
	v1 =	vmul.f32 v20, v15  }
0x205: {  	s6 =	sadd.s32 @!p1 $0x1, s18;
	v0 =	vmul.f32 v27, v43;
	[tilespmem:s2+$0xFFFFFFD0] =	vst v2  }
0x206: {  	s13 =	smulhi.u32 @!p1 $0xAAAAAAAB, s6;
	[tilespmem:s2+$0xFFFFFFC0] =	vst v1;
	v1 =	vmul.f32 v7, v12  }
0x207: {  	s28 =	sadd.s32 $0x300, s24;
	[tilespmem:s2+$0xFFFFFFE0] =	vst v0  }
0x208: {  	s31 =	simm.s32 $0x6E80;
	s13 =	sshrl.u32 @!p1 s13, $0x1;
	[tilespmem:s2+$0xFFFFFFF0] =	vst v1;
	s2 =	simm.s32 @!p1 $0x6  }
0x209: {  	[spmem:s3] =	stream.indirect.scatter.add.f32 [tilespmem:s31], [sflag:$0x7], $0x80, s28, s0, $0xb8;
	[tilespmem:$0x1F700] =	vst v63  }
0x20a: {  	s13 =	smul.u32 @!p1 $0x3, s13;
	_ =	swait.ge @!p1 [sflag:s2], $0x1400  }
0x20b: {  	s26 =	sadd.s32 @!p1 $0x5, s21;
	[sflag:s2] =	ssyncset.done @!p1 $0x0  }
0x20c: {  	[sflag:s2] =	ssyncadd.s32 @!p1 $0xFFFFEC00;
	s2 =	ssub.s32 @!p1 s6, s13;
	s6 =	sand.u32 @!p1 $0x3, s26  }
0x20d: {  	s29 =	sxor.u32 @!p1 $0xFFFFFFFF, s18;
	s13 =	sadd.s32 @!p1 $0xF, s2;
	s28 =	smul.u32 @!p1 $0x5000, s6  }
0x20e: {  	s2 =	sadd.s32 @!p1 s29, s2;
	s29 =	smul.u32 @!p1 $0x28, s26;
	_ =	swait.ge @!p1 [sflag:s13], $0xC8  }
0x20f: {  	s2 =	smul.u32 @!p1 $0x5, s2;
	[sflag:s13] =	ssyncset.done @!p1 $0x0;
	s28 =	sshrl.u32 @!p1 s28, $0x2  }
0x210: {  	[sflag:s13] =	ssyncadd.s32 @!p1 $0xFFFFFF38;
	s13 =	sadd.s32 @!p1 $0xA80, s28;
	s28 =	sadd.s32 @!p1 s8, s29  }
0x211: {  	s6 =	sadd.s32 @!p1 $0xB, s6;
	s26 =	sadd.s32 @!p1 s26, s2;
	s28 =	sshll.u32 @!p1 s28, $0x4  }
0x212: {  	s29 =	simm.s32 @!p1 $0x0;
	s26 =	smul.u32 @!p1 $0xA0, s26;
	s28 =	sadd.s32 @!p1 s5, s28  }
0x213: {  	[tilespmem:s13], [sflag:s6] =	stream.linear.gather @!p1 [hbm4b:s28+s29], $0x1400, $0x38;
	[tilespmem:$0x1F700] =	vst v63  }
0x214: {  	s6 =	sshra.s32 @!p1 s26, $0x2;
	s13 =	simm.s32 @!p1 $0x28;
	s26 =	simm.s32 @!p1 $0x5A80  }
0x215: {  	[tilespmem:s26], [sflag:$0x1] =	stream.indirect.gather @!p1 [hbm4b:s1+s13], $0x80, s6, s13, $0xb8;
	[tilespmem:$0x1F700] =	vst v63  }
0x216: {  	_ =	swait.ge [sflag:s12], $0x1400  }
0x217: {  	s28 =	sxor.u32 $0x2, s22;
	[sflag:s12] =	ssyncset.done $0x0  }
0x218: {  	s31 =	sadd.s32 $0xB, s28;
	s6 =	smul.u32 $0x5000, s28;
	[sflag:s12] =	ssyncadd.s32 $0xFFFFEC00  }
0x219: {  	_ =	swait.ge [sflag:s31], $0x1400  }
0x21a: {  	s6 =	sshrl.u32 s6, $0x2;
	[sflag:s31] =	ssyncset.done $0x0  }
0x21b: {  	s6 =	sadd.s32 $0xC80, s6;
	[sflag:s31] =	ssyncadd.s32 $0xFFFFEC00  }
0x21c: {  	v5 =	vld [tilespmem:s6+$0x180]  }
0x21d: {  	s22 =	simm.s32 $0x8670;
	v1 =	vld [tilespmem:s6+$0xFFFFFE80]  }
0x21e: {  	v0 =	vld [tilespmem:s22+$0x0]  }
0x21f: {  	v2 =	vld [tilespmem:s6+$0xFFFFFF00]  }
0x220: {  	v3 =	vld [tilespmem:s6+$0xFFFFFF80]  }
0x221: {  	v8 =	vld [tilespmem:s6+$0x0]  }
0x222: {  	v7 =	vld [tilespmem:s6+$0x80]  }
0x223: {  	v4 =	vld [tilespmem:s6+$0x100]  }
0x224: {  	v6 =	vld [tilespmem:s6+$0xFFFFFE00]  }
0x225: {  	v9 =	vld [tilespmem:s22+$0xFFFFFC10]  }
0x226: {  	v10 =	vld [tilespmem:s22+$0xFFFFFC20]  }
0x227: {  	v11 =	vld [tilespmem:s22+$0xFFFFFC30]  }
0x228: {  	v12 =	vld [tilespmem:s22+$0xFFFFFC40]  }
0x229: {  	v13 =	vld [tilespmem:s22+$0xFFFFFC50]  }
0x22a: {  	v14 =	vld [tilespmem:s22+$0xFFFFFC60]  }
0x22b: {  	v15 =	vld [tilespmem:s22+$0xFFFFFC70]  }
0x22c: {  	v16 =	vld [tilespmem:s22+$0xFFFFFC80]  }
0x22d: {  	v17 =	vld [tilespmem:s22+$0xFFFFFC90]  }
0x22e: {  	v19 =	vld [tilespmem:s22+$0xFFFFFCA0];
	v18 =	vmul.f32 $3.750000000e-01, v5  }
0x22f: {  	v22 =	vld [tilespmem:s22+$0xFFFFFCB0];
	v20 =	vmul.f32 $5.000000000e-01, v1;
	v21 =	vmul.f32 $2.500000000e-01, v1  }
0x230: {  	v26 =	vld [tilespmem:s22+$0xFFFFFCD0];
	v23 =	vmul.f32 $1.250000000e-01, v1;
	v24 =	vmul.f32 $5.000000000e-01, v6  }
0x231: {  	v29 =	vld [tilespmem:s22+$0xFFFFFCE0];
	v25 =	vmul.f32 $2.500000000e-01, v6;
	v27 =	vmul.f32 $1.250000000e-01, v6  }
0x232: {  	v62 =	vld [tilespmem:s22+$0xFFFFFCF0];
	v28 =	vmul.f32 $1.500000000e+00, v6;
	v31 =	vmul.f32 $7.500000000e-01, v6  }
0x233: {  	v63 =	vld [tilespmem:s22+$0xFFFFFD80];
	v32 =	vmul.f32 v9, v6;
	v39 =	vmul.f32 v17, v1  }
0x234: {  	v33 =	vld [tilespmem:s22+$0xFFFFFD90];
	v43 =	vmul.f32 $1.500000000e+00, v5;
	v0 =	vmul.f32 v0, v18  }
0x235: {  	v30 =	vadd.f32 v6, v6;
	v9 =	vld [tilespmem:s22+$0xFFFFFE10];
	v10 =	vmul.f32 v10, v24;
	v24 =	vmul.f32 $3.750000000e-01, v6  }
0x236: {  	v17 =	vld [tilespmem:s22+$0xFFFFFE20];
	v11 =	vmul.f32 v11, v25;
	v12 =	vmul.f32 v12, v27  }
0x237: {  	v18 =	vld [tilespmem:s22+$0xFFFFFCC0];
	v13 =	vmul.f32 v13, v30;
	v30 =	vmul.f32 $1.500000000e+00, v1;
	[tilespmem:s22+$0x0] =	vst v0  }
0x238: {  	v25 =	vld [tilespmem:s22+$0xFFFFFD00];
	v14 =	vmul.f32 v14, v28;
	v15 =	vmul.f32 v15, v31;
	[tilespmem:s22+$0xFFFFFC20] =	vst v10  }
0x239: {  	v27 =	vld [tilespmem:s22+$0xFFFFFD10];
	v19 =	vmul.f32 v19, v20;
	v21 =	vmul.f32 v22, v21;
	[tilespmem:s22+$0xFFFFFC30] =	vst v11  }
0x23a: {  	v28 =	vld [tilespmem:s22+$0xFFFFFD20];
	v22 =	vmul.f32 $7.500000000e-01, v1;
	v16 =	vmul.f32 v16, v24;
	[tilespmem:s22+$0xFFFFFC40] =	vst v12  }
0x23b: {  	v31 =	vld [tilespmem:s22+$0xFFFFFD30];
	v0 =	vmul.f32 $3.750000000e-01, v1;
	v10 =	vmul.f32 $5.000000000e-01, v2;
	[tilespmem:s22+$0xFFFFFC50] =	vst v13  }
0x23c: {  	v20 =	vld [tilespmem:s22+$0xFFFFFD40];
	v29 =	vmul.f32 v29, v30;
	v11 =	vmul.f32 $2.500000000e-01, v2;
	[tilespmem:s22+$0xFFFFFC60] =	vst v14  }
0x23d: {  	v30 =	vld [tilespmem:s22+$0xFFFFFD70];
	v22 =	vmul.f32 v62, v22;
	v12 =	vmul.f32 $1.250000000e-01, v2;
	[tilespmem:s22+$0xFFFFFC70] =	vst v15  }
0x23e: {  	v24 =	vadd.f32 v1, v1;
	v13 =	vld [tilespmem:s22+$0xFFFFFDA0];
	v14 =	vmul.f32 $1.500000000e+00, v2;
	v15 =	vmul.f32 $7.500000000e-01, v2;
	[tilespmem:s22+$0xFFFFFCA0] =	vst v19  }
0x23f: {  	v19 =	vmul.f32 $5.000000000e-01, v3;
	[tilespmem:s22+$0xFFFFFCB0] =	vst v21;
	v36 =	vmul.f32 v9, v8;
	v9 =	vld [tilespmem:s22+$0xFFFFFEC0]  }
0x240: {  	v21 =	vmul.f32 $2.500000000e-01, v3;
	v24 =	vmul.f32 v26, v24;
	v26 =	vld [tilespmem:s22+$0xFFFFFD60];
	[tilespmem:s22+$0xFFFFFC80] =	vst v16  }
0x241: {  	v16 =	vld [tilespmem:s22+$0xFFFFFDD0];
	[tilespmem:s22+$0xFFFFFCF0] =	vst v22;
	v22 =	vmul.f32 $7.500000000e-01, v3;
	v18 =	vmul.f32 v18, v23  }
0x242: {  	v23 =	vld [tilespmem:s22+$0xFFFFFD50];
	v25 =	vmul.f32 v25, v0;
	v10 =	vmul.f32 v28, v10  }
0x243: {  	v11 =	vmul.f32 v31, v11;
	v12 =	vmul.f32 v20, v12;
	v20 =	vld [tilespmem:s22+$0xFFFFFDB0]  }
0x244: {  	v28 =	vld [tilespmem:s22+$0xFFFFFDC0];
	v41 =	vmul.f32 v27, v2;
	v27 =	vmul.f32 $2.500000000e-01, v8  }
0x245: {  	v6 =	vadd.f32 v3, v3;
	v31 =	vld [tilespmem:s22+$0xFFFFFDF0];
	v15 =	vmul.f32 v30, v15;
	[tilespmem:s22+$0xFFFFFCC0] =	vst v18;
	v18 =	vmul.f32 $1.250000000e-01, v3  }
0x246: {  	v0 =	vadd.f32 v2, v2;
	[tilespmem:s22+$0xFFFFFCD0] =	vst v24;
	v24 =	vld [tilespmem:s22+$0xFFFFFE40];
	v13 =	vmul.f32 v13, v19;
	v30 =	vmul.f32 v33, v3  }
0x247: {  	[tilespmem:s22+$0xFFFFFD00] =	vst v25;
	v14 =	vmul.f32 v26, v14;
	v26 =	vld [tilespmem:s22+$0xFFFFFDE0];
	v16 =	vmul.f32 v16, v6  }
0x248: {  	v6 =	vmul.f32 $1.500000000e+00, v3;
	[tilespmem:s22+$0xFFFFFD70] =	vst v15;
	v15 =	vld [tilespmem:s22+$0xFFFFFEA0];
	v23 =	vmul.f32 v23, v0  }
0x249: {  	[tilespmem:s22+$0xFFFFFD20] =	vst v10;
	v0 =	vmul.f32 $3.750000000e-01, v2;
	v20 =	vmul.f32 v20, v21;
	v21 =	vld [tilespmem:s22+$0xFFFFFE30]  }
0x24a: {  	v19 =	vld [tilespmem:s22+$0xFFFFFE00];
	[tilespmem:s22+$0xFFFFFDA0] =	vst v13;
	v13 =	vmul.f32 $5.000000000e-01, v7;
	v18 =	vmul.f32 v28, v18  }
0x24b: {  	v22 =	vmul.f32 v31, v22;
	[tilespmem:s22+$0xFFFFFD60] =	vst v14;
	v14 =	vld [tilespmem:s22+$0xFFFFFE90];
	v0 =	vmul.f32 v63, v0  }
0x24c: {  	[tilespmem:s22+$0xFFFFFD30] =	vst v11;
	v11 =	vld [tilespmem:s22+$0xFFFFFE60];
	v25 =	vmul.f32 v26, v6;
	v6 =	vmul.f32 $3.750000000e-01, v3  }
0x24d: {  	[tilespmem:s22+$0xFFFFFDB0] =	vst v20;
	v20 =	vld [tilespmem:s22+$0xFFFFFED0];
	v26 =	vmul.f32 $5.000000000e-01, v8;
	v15 =	vmul.f32 v15, v13  }
0x24e: {  	v10 =	vld [tilespmem:s22+$0xFFFFFE50];
	[tilespmem:s22+$0xFFFFFD40] =	vst v12;
	v21 =	vmul.f32 v21, v27;
	v27 =	vmul.f32 $1.500000000e+00, v8  }
0x24f: {  	v12 =	vld [tilespmem:s22+$0xFFFFFE70];
	[tilespmem:s22+$0xFFFFFDD0] =	vst v16;
	v19 =	vmul.f32 v19, v6;
	v6 =	vmul.f32 $1.250000000e-01, v8  }
0x250: {  	v16 =	vld [tilespmem:s22+$0xFFFFFEF0];
	[tilespmem:s22+$0xFFFFFD50] =	vst v23;
	v13 =	vadd.f32 v7, v7;
	v17 =	vmul.f32 v17, v26;
	v37 =	vmul.f32 v14, v7  }
0x251: {  	v23 =	vld [tilespmem:s22+$0xFFFFFE80];
	v26 =	vadd.f32 v8, v8;
	[tilespmem:s22+$0xFFFFFEA0] =	vst v15;
	v15 =	vmul.f32 $1.250000000e-01, v5;
	v11 =	vmul.f32 v11, v27  }
0x252: {  	[tilespmem:s22+$0xFFFFFCE0] =	vst v29;
	v28 =	vld [tilespmem:s22+$0xFFFFFEB0];
	v29 =	vmul.f32 v20, v13;
	v13 =	vmul.f32 $7.500000000e-01, v7  }
0x253: {  	[tilespmem:s22+$0xFFFFFDC0] =	vst v18;
	v18 =	vld [tilespmem:s22+$0xFFFFFEE0];
	v10 =	vmul.f32 v10, v26;
	v26 =	vmul.f32 $7.500000000e-01, v8  }
0x254: {  	[tilespmem:s22+$0xFFFFFDF0] =	vst v22;
	v22 =	vld [tilespmem:s22+$0xFFFFFF10];
	v24 =	vmul.f32 v24, v6;
	v8 =	vmul.f32 $3.750000000e-01, v8  }
0x255: {  	[tilespmem:s22+$0xFFFFFD80] =	vst v0;
	v14 =	vld [tilespmem:s22+$0xFFFFFF30];
	v12 =	vmul.f32 v12, v26;
	v26 =	vmul.f32 $2.500000000e-01, v7  }
0x256: {  	[tilespmem:s22+$0xFFFFFDE0] =	vst v25;
	v20 =	vld [tilespmem:s22+$0xFFFFFF50];
	v31 =	vmul.f32 v16, v13;
	v23 =	vmul.f32 v23, v8  }
0x257: {  	[tilespmem:s22+$0xFFFFFE00] =	vst v19;
	v8 =	vmul.f32 $1.250000000e-01, v7;
	v25 =	vmul.f32 v28, v26;
	v26 =	vld [tilespmem:s22+$0xFFFFFF00]  }
0x258: {  	v19 =	vld [tilespmem:s22+$0xFFFFFF20];
	v16 =	vmul.f32 $2.500000000e-01, v4;
	[tilespmem:s22+$0xFFFFFE50] =	vst v10;
	v10 =	vmul.f32 $1.250000000e-01, v4  }
0x259: {  	[tilespmem:s22+$0xFFFFFE20] =	vst v17;
	v17 =	vld [tilespmem:s22+$0xFFFFFF40];
	v27 =	vmul.f32 v9, v8;
	v9 =	vmul.f32 $1.500000000e+00, v7  }
0x25a: {  	[tilespmem:s22+$0xFFFFFE30] =	vst v21;
	v21 =	vld [tilespmem:s22+$0xFFFFFF80];
	v16 =	vmul.f32 v14, v16;
	v7 =	vmul.f32 $3.750000000e-01, v7  }
0x25b: {  	[tilespmem:s22+$0xFFFFFE60] =	vst v11;
	v11 =	vld [tilespmem:s22+$0xFFFFFF70];
	v14 =	vmul.f32 $2.500000000e-01, v5;
	v0 =	vmul.f32 v18, v9  }
0x25c: {  	[tilespmem:s22+$0xFFFFFE70] =	vst v12;
	v9 =	vmul.f32 $5.000000000e-01, v4;
	v13 =	vmul.f32 v26, v7;
	v7 =	vld [tilespmem:s22+$0xFFFFFF60]  }
0x25d: {  	v12 =	vmul.f32 $1.500000000e+00, v4;
	[tilespmem:s22+$0xFFFFFE80] =	vst v23;
	v23 =	vmul.f32 $7.500000000e-01, v4;
	v26 =	vld [tilespmem:s22+$0xFFFFFF90]  }
0x25e: {  	v1 =	vld [tilespmem:s22+$0xFFFFFFA0];
	[tilespmem:s22+$0xFFFFFED0] =	vst v29;
	v18 =	vmul.f32 v17, v10;
	v9 =	vmul.f32 v19, v9;
	v19 =	vadd.f32 v4, v4  }
0x25f: {  	v17 =	vmul.f32 v22, v4;
	[tilespmem:s22+$0xFFFFFEC0] =	vst v27;
	v27 =	vld [tilespmem:s22+$0xFFFFFFE0];
	v4 =	vmul.f32 $3.750000000e-01, v4  }
0x260: {  	[tilespmem:s22+$0xFFFFFE40] =	vst v24;
	v28 =	vmul.f32 $5.000000000e-01, v5;
	v10 =	vmul.f32 v20, v19;
	v19 =	vld [tilespmem:s22+$0xFFFFFFB0]  }
0x261: {  	[tilespmem:s22+$0xFFFFFEB0] =	vst v25;
	v24 =	vmul.f32 v11, v23;
	v20 =	vld [tilespmem:s22+$0xFFFFFFC0];
	v25 =	vmul.f32 v21, v4  }
0x262: {  	[tilespmem:s22+$0xFFFFFEF0] =	vst v31;
	v21 =	vld [tilespmem:s22+$0xFFFFFFD0];
	v22 =	vmul.f32 v7, v12;
	v23 =	vmul.f32 v26, v5  }
0x263: {  	s29 =	simm.s32 $0x0;
	s26 =	simm.s32 $0x8670;
	s6 =	sadd.s32 $0x400, s6;
	v2 =	vadd.f32 v5, v5;
	[tilespmem:s22+$0xFFFFFEE0] =	vst v0;
	v12 =	vmul.f32 $7.500000000e-01, v5;
	v26 =	vmul.f32 v1, v28;
	v7 =	vld [tilespmem:s22+$0xFFFFFFF0]  }
.LBB2_7:
0x264: {  	v5 =	vld [tilespmem:s6+$0x180];
	[tilespmem:s22+$0xFFFFFF00] =	vst v13  }
0x265: {  	[tilespmem:s26+$0xFFFFFF40] =	vst v18;
	v18 =	vld [tilespmem:s6+$0x0]  }
0x266: {  	[tilespmem:s26+$0xFFFFFF20] =	vst v9;
	s22 =	sadd.s32 $0x400, s22;
	v29 =	vld [tilespmem:s6+$0xFFFFFE00]  }
0x267: {  	[tilespmem:s26+$0xFFFFFF30] =	vst v16;
	v28 =	vld [tilespmem:s22+$0x0]  }
0x268: {  	[tilespmem:s26+$0xFFFFFF50] =	vst v10;
	v13 =	vld [tilespmem:s6+$0x80]  }
0x269: {  	[tilespmem:s26+$0xFFFFFF70] =	vst v24;
	v57 =	vld [tilespmem:s22+$0xFFFFFC20]  }
0x26a: {  	[tilespmem:s26+$0xFFFFFE10] =	vst v36;
	v58 =	vld [tilespmem:s22+$0xFFFFFC30]  }
0x26b: {  	[tilespmem:s26+$0xFFFFFF60] =	vst v22;
	v62 =	vld [tilespmem:s22+$0xFFFFFC50]  }
0x26c: {  	v1 =	vld [tilespmem:s22+$0xFFFFFC60];
	[tilespmem:s26+$0xFFFFFE90] =	vst v37  }
0x26d: {  	v9 =	vld [tilespmem:s6+$0x100];
	[tilespmem:s26+$0xFFFFFF80] =	vst v25  }
0x26e: {  	v3 =	vld [tilespmem:s22+$0xFFFFFC70];
	[tilespmem:s26+$0xFFFFFF10] =	vst v17;
	v14 =	vmul.f32 v19, v14  }
0x26f: {  	v19 =	vld [tilespmem:s6+$0xFFFFFE80];
	v15 =	vmul.f32 v20, v15;
	v31 =	vmul.f32 v21, v2;
	[tilespmem:s26+$0xFFFFFC90] =	vst v39  }
0x270: {  	v21 =	vld [tilespmem:s6+$0xFFFFFF00];
	v12 =	vmul.f32 v7, v12;
	v7 =	vmov v30;
	[tilespmem:s26+$0xFFFFFD10] =	vst v41;
	v0 =	vmul.f32 $5.000000000e-01, v5  }
0x271: {  	v20 =	vld [tilespmem:s6+$0xFFFFFF80];
	v10 =	vmul.f32 $3.750000000e-01, v5;
	[tilespmem:s26+$0xFFFFFD90] =	vst v7;
	v7 =	vmul.f32 $1.250000000e-01, v13  }
0x272: {  	v6 =	vld [tilespmem:s22+$0xFFFFFC80];
	v63 =	vadd.f32 v29, v29;
	[tilespmem:$0x1FD90] =	vst v0;
	v0 =	vadd.f32 v5, v5  }
0x273: {  	v59 =	vld [tilespmem:s22+$0xFFFFFC40];
	v2 =	vmul.f32 $1.500000000e+00, v29;
	v10 =	vmul.f32 v28, v10;
	[tilespmem:$0x1FCD0] =	vst v7  }
0x274: {  	v37 =	vld [tilespmem:s22+$0xFFFFFCE0];
	v30 =	vmul.f32 $7.500000000e-01, v29;
	v63 =	vmul.f32 v62, v63;
	[tilespmem:$0x1FD60] =	vst v0  }
0x275: {  	v38 =	vld [tilespmem:s22+$0xFFFFFCF0];
	v4 =	vmul.f32 $3.750000000e-01, v29;
	v1 =	vmul.f32 v1, v2;
	[tilespmem:s22+$0x0] =	vst v10  }
0x276: {  	v39 =	vld [tilespmem:s22+$0xFFFFFD00];
	v3 =	vmul.f32 v3, v30;
	[tilespmem:s22+$0xFFFFFC50] =	vst v63  }
0x277: {  	v33 =	vld [tilespmem:s22+$0xFFFFFC90];
	v4 =	vmul.f32 v6, v4;
	[tilespmem:s22+$0xFFFFFC60] =	vst v1  }
0x278: {  	v11 =	vmul.f32 v27, v43;
	v34 =	vld [tilespmem:s22+$0xFFFFFCA0];
	[tilespmem:s22+$0xFFFFFC70] =	vst v3  }
0x279: {  	v35 =	vld [tilespmem:s22+$0xFFFFFCB0];
	[tilespmem:s22+$0xFFFFFC80] =	vst v4  }
0x27a: {  	v36 =	vld [tilespmem:s22+$0xFFFFFCC0];
	v7 =	vmul.f32 $7.500000000e-01, v13;
	[tilespmem:s26+$0xFFFFFFE0] =	vst v11  }
0x27b: {  	v60 =	vmul.f32 $5.000000000e-01, v29;
	v40 =	vld [tilespmem:s22+$0xFFFFFD20];
	v0 =	vmul.f32 $2.500000000e-01, v19;
	[tilespmem:s26+$0xFFFFFFF0] =	vst v12  }
0x27c: {  	v41 =	vld [tilespmem:s22+$0xFFFFFD30];
	[tilespmem:$0x1FCF0] =	vst v7;
	v7 =	vmul.f32 $3.750000000e-01, v13  }
0x27d: {  	v61 =	vmul.f32 $2.500000000e-01, v29;
	v42 =	vld [tilespmem:s22+$0xFFFFFD40];
	v57 =	vmul.f32 v57, v60;
	[tilespmem:$0x1FC70] =	vst v0;
	v0 =	vadd.f32 v19, v19  }
0x27e: {  	v60 =	vld [tilespmem:s22+$0xFFFFFD50];
	v44 =	vmul.f32 $1.250000000e-01, v19;
	v12 =	vmul.f32 $2.500000000e-01, v9;
	[tilespmem:$0x1FD00] =	vst v7  }
0x27f: {  	v58 =	vmul.f32 v58, v61;
	v2 =	vld [tilespmem:s22+$0xFFFFFD70];
	v53 =	vmul.f32 $2.500000000e-01, v21;
	[tilespmem:$0x1FC80] =	vst v0;
	v0 =	vadd.f32 v21, v21  }
0x280: {  	v6 =	vld [tilespmem:s22+$0xFFFFFD80];
	v48 =	vmul.f32 $1.500000000e+00, v19;
	v61 =	vmul.f32 v36, v44;
	[tilespmem:$0x1FD20] =	vst v12  }
0x281: {  	v49 =	vmul.f32 $7.500000000e-01, v19;
	v4 =	vmul.f32 v41, v53;
	[tilespmem:$0x1FC90] =	vst v0;
	v0 =	vld [tilespmem:s22+$0xFFFFFC10]  }
0x282: {  	v30 =	vld [tilespmem:s22+$0xFFFFFD90];
	v51 =	vmul.f32 $3.750000000e-01, v19;
	v7 =	vmul.f32 $5.000000000e-01, v9;
	[tilespmem:s22+$0xFFFFFCC0] =	vst v61  }
0x283: {  	v56 =	vmul.f32 $3.750000000e-01, v21;
	v63 =	vld [tilespmem:s22+$0xFFFFFDA0];
	v12 =	vmul.f32 $1.250000000e-01, v9;
	[tilespmem:s22+$0xFFFFFD30] =	vst v4  }
0x284: {  	v52 =	vmul.f32 $5.000000000e-01, v21;
	v11 =	vld [tilespmem:s22+$0xFFFFFCD0];
	v1 =	vmul.f32 v37, v48;
	[tilespmem:$0x1FD10] =	vst v7  }
0x285: {  	v48 =	vmul.f32 v38, v49;
	v49 =	vld [tilespmem:s22+$0xFFFFFDB0];
	v6 =	vmul.f32 v6, v56;
	[tilespmem:$0x1FD30] =	vst v12  }
0x286: {  	v3 =	vmul.f32 v39, v51;
	v51 =	vmul.f32 v40, v52;
	v52 =	vld [tilespmem:s22+$0xFFFFFDC0];
	[tilespmem:$0x1FCA0] =	vst v0;
	v0 =	vadd.f32 v20, v20  }
0x287: {  	v4 =	vld [tilespmem:s22+$0xFFFFFE60];
	[tilespmem:s22+$0xFFFFFD80] =	vst v6  }
0x288: {  	v62 =	vld [tilespmem:$0x1FC80];
	[tilespmem:$0x1FCB0] =	vst v0;
	v0 =	vadd.f32 v18, v18  }
0x289: {  	v25 =	vmul.f32 $1.500000000e+00, v18;
	v17 =	vmul.f32 $2.500000000e-01, v13;
	v7 =	vld [tilespmem:s22+$0xFFFFFD10];
	[tilespmem:s26+$0xFFFFFC10] =	vst v32  }
0x28a: {  	v27 =	vmul.f32 $5.000000000e-01, v19;
	v54 =	vmul.f32 $1.250000000e-01, v21;
	v6 =	vld [tilespmem:s22+$0xFFFFFEB0];
	[tilespmem:$0x1FCC0] =	vst v0;
	v0 =	vadd.f32 v13, v13  }
0x28b: {  	v55 =	vmul.f32 $1.500000000e+00, v21;
	v39 =	vmul.f32 v33, v19;
	v19 =	vld [tilespmem:s22+$0xFFFFFE20];
	[tilespmem:s22+$0xFFFFFC30] =	vst v58  }
0x28c: {  	v45 =	vmul.f32 $7.500000000e-01, v21;
	v12 =	vmul.f32 $1.500000000e+00, v9;
	v58 =	vld [tilespmem:s22+$0xFFFFFDD0];
	[tilespmem:$0x1FCE0] =	vst v0;
	v0 =	vadd.f32 v9, v9  }
0x28d: {  	[tilespmem:s22+$0xFFFFFCE0] =	vst v1;
	v4 =	vmul.f32 v4, v25;
	v11 =	vmul.f32 v11, v62;
	v62 =	vld [tilespmem:s22+$0xFFFFFE00]  }
0x28e: {  	v41 =	vmul.f32 v7, v21;
	v21 =	vld [tilespmem:s22+$0xFFFFFE50];
	[tilespmem:$0x1FD40] =	vst v0;
	v0 =	vmul.f32 $1.250000000e-01, v29  }
0x28f: {  	v50 =	vmul.f32 $5.000000000e-01, v20;
	[tilespmem:$0x1FD50] =	vst v12;
	v6 =	vmul.f32 v6, v17;
	v17 =	vld [tilespmem:s22+$0xFFFFFF10]  }
0x290: {  	[tilespmem:s22+$0xFFFFFE60] =	vst v4;
	v4 =	vld [tilespmem:$0x1FD10];
	v0 =	vmul.f32 v59, v0  }
0x291: {  	v61 =	vmul.f32 v63, v50;
	v32 =	vmul.f32 $1.250000000e-01, v20;
	v63 =	vld [tilespmem:$0x1FCA0];
	[tilespmem:s22+$0xFFFFFEB0] =	vst v6  }
0x292: {  	v6 =	vld [tilespmem:$0x1FD50];
	[tilespmem:s22+$0xFFFFFC40] =	vst v0;
	v0 =	vmul.f32 v34, v27  }
0x293: {  	[tilespmem:s22+$0xFFFFFCD0] =	vst v11;
	v11 =	vmul.f32 v52, v32;
	v1 =	vld [tilespmem:$0x1FCB0]  }
0x294: {  	v8 =	vmul.f32 $2.500000000e-01, v20;
	[tilespmem:s22+$0xFFFFFCA0] =	vst v0;
	v0 =	vld [tilespmem:$0x1FC90]  }
0x295: {  	v10 =	vmul.f32 $1.500000000e+00, v20;
	v22 =	vmul.f32 $3.750000000e-01, v20;
	[tilespmem:s22+$0xFFFFFDC0] =	vst v11;
	v11 =	vld [tilespmem:s22+$0xFFFFFEE0]  }
0x296: {  	v16 =	vmul.f32 $7.500000000e-01, v20;
	v2 =	vmul.f32 v2, v45;
	v27 =	vld [tilespmem:$0x1FC70]  }
0x297: {  	v30 =	vmul.f32 v30, v20;
	v20 =	vmul.f32 v62, v22;
	v22 =	vld [tilespmem:s22+$0xFFFFFE90]  }
0x298: {  	[tilespmem:s22+$0xFFFFFD70] =	vst v2;
	v2 =	vld [tilespmem:$0x1FCC0]  }
0x299: {  	[tilespmem:s26+$0xFFFFFF90] =	vst v23;
	v23 =	vmul.f32 $1.500000000e+00, v13;
	v0 =	vmul.f32 v60, v0;
	v60 =	vld [tilespmem:s22+$0xFFFFFDE0]  }
0x29a: {  	[tilespmem:s22+$0xFFFFFE00] =	vst v20;
	v20 =	vld [tilespmem:$0x1FCE0]  }
0x29b: {  	v11 =	vmul.f32 v11, v23;
	v23 =	vld [tilespmem:s22+$0xFFFFFF80];
	v27 =	vmul.f32 v35, v27  }
0x29c: {  	[tilespmem:s26+$0xFFFFFFD0] =	vst v31;
	v31 =	vmul.f32 $5.000000000e-01, v13;
	v37 =	vmul.f32 v22, v13;
	v13 =	vld [tilespmem:s22+$0xFFFFFEF0]  }
0x29d: {  	[tilespmem:s22+$0xFFFFFCB0] =	vst v27;
	v27 =	vld [tilespmem:s22+$0xFFFFFDF0]  }
0x29e: {  	v29 =	vmul.f32 v63, v29;
	v7 =	vmul.f32 v60, v10;
	v10 =	vld [tilespmem:s22+$0xFFFFFE30]  }
0x29f: {  	v59 =	vld [tilespmem:s22+$0xFFFFFD60]  }
0x2a0: {  	v46 =	vmul.f32 $5.000000000e-01, v18;
	v32 =	vmov v29;
	v29 =	vld [tilespmem:s22+$0xFFFFFE10]  }
0x2a1: {  	[tilespmem:s26+$0xFFFFFFA0] =	vst v26;
	v47 =	vmul.f32 $2.500000000e-01, v18;
	v2 =	vmul.f32 v21, v2;
	v21 =	vld [tilespmem:s22+$0xFFFFFEA0]  }
0x2a2: {  	v24 =	vmul.f32 $1.250000000e-01, v18;
	[tilespmem:s22+$0xFFFFFD00] =	vst v3;
	v3 =	vmul.f32 v27, v16;
	v16 =	vld [tilespmem:s22+$0xFFFFFE40]  }
0x2a3: {  	v26 =	vmul.f32 $3.750000000e-01, v18;
	[tilespmem:s22+$0xFFFFFD50] =	vst v0;
	v0 =	vmul.f32 v10, v47;
	v10 =	vld [tilespmem:s22+$0xFFFFFE80]  }
0x2a4: {  	v28 =	vmul.f32 $7.500000000e-01, v18;
	v8 =	vmul.f32 v49, v8;
	[tilespmem:s22+$0xFFFFFE50] =	vst v2;
	v2 =	vld [tilespmem:s22+$0xFFFFFF60]  }
0x2a5: {  	v36 =	vmul.f32 v29, v18;
	v18 =	vmul.f32 v19, v46;
	v19 =	vld [tilespmem:s22+$0xFFFFFE70]  }
0x2a6: {  	v1 =	vmul.f32 v58, v1;
	[tilespmem:s22+$0xFFFFFDF0] =	vst v3;
	v3 =	vld [tilespmem:$0x1FCD0]  }
0x2a7: {  	[tilespmem:s22+$0xFFFFFDB0] =	vst v8;
	v16 =	vmul.f32 v16, v24;
	v24 =	vld [tilespmem:s22+$0xFFFFFEC0]  }
0x2a8: {  	[tilespmem:s22+$0xFFFFFDD0] =	vst v1;
	v8 =	vmul.f32 v10, v26;
	v10 =	vld [tilespmem:s22+$0xFFFFFED0]  }
0x2a9: {  	v1 =	vmul.f32 v21, v31;
	[tilespmem:s22+$0xFFFFFE30] =	vst v0;
	v0 =	vld [tilespmem:$0x1FCF0]  }
0x2aa: {  	[tilespmem:s22+$0xFFFFFE20] =	vst v18;
	v18 =	vld [tilespmem:s22+$0xFFFFFF30]  }
0x2ab: {  	[tilespmem:s22+$0xFFFFFEA0] =	vst v1;
	v1 =	vld [tilespmem:$0x1FD40]  }
0x2ac: {  	v12 =	vmul.f32 $7.500000000e-01, v9;
	[tilespmem:s22+$0xFFFFFDE0] =	vst v7;
	v7 =	vld [tilespmem:s22+$0xFFFFFF00]  }
0x2ad: {  	v21 =	vmul.f32 v10, v20;
	v10 =	vld [tilespmem:s22+$0xFFFFFF20]  }
0x2ae: {  	[tilespmem:$0x1FD70] =	vst v12;
	v3 =	vmul.f32 v24, v3;
	v0 =	vmul.f32 v13, v0;
	v13 =	vld [tilespmem:$0x1FD00]  }
0x2af: {  	[tilespmem:s22+$0xFFFFFE80] =	vst v8;
	v8 =	vld [tilespmem:$0x1FD30]  }
0x2b0: {  	[tilespmem:s22+$0xFFFFFEC0] =	vst v3;
	v3 =	vld [tilespmem:$0x1FD70]  }
0x2b1: {  	[tilespmem:s26+$0xFFFFFFB0] =	vst v14;
	v12 =	vmul.f32 $3.750000000e-01, v9;
	v20 =	vld [tilespmem:s22+$0xFFFFFF40]  }
0x2b2: {  	[tilespmem:s26+$0xFFFFFFC0] =	vst v15;
	v17 =	vmul.f32 v17, v9;
	v9 =	vmul.f32 v10, v4;
	v10 =	vld [tilespmem:$0x1FD20]  }
0x2b3: {  	[tilespmem:s22+$0xFFFFFCF0] =	vst v48;
	v4 =	vld [tilespmem:s22+$0xFFFFFF70]  }
0x2b4: {  	[tilespmem:s22+$0xFFFFFD20] =	vst v51;
	v13 =	vmul.f32 v7, v13;
	v7 =	vld [tilespmem:s22+$0xFFFFFF50]  }
0x2b5: {  	[tilespmem:$0x1FD80] =	vst v12;
	v22 =	vmul.f32 v2, v6;
	v2 =	vld [tilespmem:$0x1FD60]  }
0x2b6: {  	[tilespmem:s22+$0xFFFFFEF0] =	vst v0;
	v0 =	vld [tilespmem:$0x1FD90]  }
0x2b7: {  	[tilespmem:s22+$0xFFFFFE40] =	vst v16;
	v16 =	vmul.f32 v18, v10;
	v18 =	vmul.f32 v20, v8;
	v8 =	vld [tilespmem:s22+$0xFFFFFF90]  }
0x2b8: {  	s29 =	sadd.s32 $0x8, s29;
	[tilespmem:s22+$0xFFFFFC20] =	vst v57;
	v19 =	vmul.f32 v19, v28;
	v24 =	vmul.f32 v4, v3;
	v3 =	vld [tilespmem:$0x1FD80]  }
0x2b9: {  	p2 =	slt.u32 s29, $0x20;
	v57 =	vmul.f32 v42, v54;
	[tilespmem:s22+$0xFFFFFDA0] =	vst v61;
	v10 =	vmul.f32 v7, v1;
	v1 =	vld [tilespmem:s22+$0xFFFFFFA0]  }
.Ltmp4:
0x2ba: {  	[tilespmem:s22+$0xFFFFFE70] =	vst v19;
	v19 =	vld [tilespmem:s22+$0xFFFFFFB0];
	(pc) =	sbr.rel @p2 .LBB2_7-.Ltmp4, $4  }
0x2bb: {  	v43 =	vmul.f32 $1.500000000e+00, v5;
	v14 =	vmul.f32 $2.500000000e-01, v5;
	[tilespmem:s22+$0xFFFFFD40] =	vst v57;
	v27 =	vld [tilespmem:s22+$0xFFFFFFE0]  }
0x2bc: {  	v15 =	vmul.f32 $1.250000000e-01, v5;
	v59 =	vmul.f32 v59, v55;
	[tilespmem:s22+$0xFFFFFED0] =	vst v21;
	v21 =	vld [tilespmem:s22+$0xFFFFFFD0]  }
0x2bd: {  	v12 =	vmul.f32 $7.500000000e-01, v5;
	[tilespmem:s22+$0xFFFFFEE0] =	vst v11;
	v20 =	vld [tilespmem:s22+$0xFFFFFFC0];
	v25 =	vmul.f32 v23, v3  }
0x2be: {  	s6 =	sadd.s32 $0x400, s6;
	s26 =	smov.u32 s22;
	[tilespmem:s22+$0xFFFFFD60] =	vst v59;
	v7 =	vld [tilespmem:s22+$0xFFFFFFF0];
	v23 =	vmul.f32 v8, v5;
	v26 =	vmul.f32 v1, v0  }
0x2bf: {  	[tilespmem:s22+$0xFFFFFF00] =	vst v13  }
0x2c0: {  	[tilespmem:s26+$0xFFFFFF20] =	vst v9  }
0x2c1: {  	[tilespmem:s26+$0xFFFFFF30] =	vst v16  }
0x2c2: {  	[tilespmem:s26+$0xFFFFFF40] =	vst v18  }
0x2c3: {  	[tilespmem:s26+$0xFFFFFF50] =	vst v10  }
0x2c4: {  	[tilespmem:s26+$0xFFFFFF60] =	vst v22  }
0x2c5: {  	[tilespmem:s26+$0xFFFFFF70] =	vst v24  }
0x2c6: {  	[tilespmem:s26+$0xFFFFFF80] =	vst v25  }
0x2c7: {  	[tilespmem:s26+$0xFFFFFC10] =	vst v32  }
0x2c8: {  	[tilespmem:s26+$0xFFFFFC90] =	vst v39  }
0x2c9: {  	[tilespmem:s26+$0xFFFFFD10] =	vst v41  }
0x2ca: {  	[tilespmem:s26+$0xFFFFFD90] =	vst v30  }
0x2cb: {  	[tilespmem:s26+$0xFFFFFE10] =	vst v36  }
0x2cc: {  	[tilespmem:s26+$0xFFFFFF10] =	vst v17  }
0x2cd: {  	[tilespmem:s26+$0xFFFFFFA0] =	vst v26  }
0x2ce: {  	v0 =	vmul.f32 v19, v14;
	[tilespmem:s26+$0xFFFFFE90] =	vst v37  }
0x2cf: {  	[tilespmem:s26+$0xFFFFFF90] =	vst v23;
	v2 =	vmul.f32 v21, v2  }
0x2d0: {  	[tilespmem:s26+$0xFFFFFFB0] =	vst v0;
	v1 =	vmul.f32 v20, v15  }
0x2d1: {  	v0 =	vmul.f32 v27, v43;
	[tilespmem:s26+$0xFFFFFFD0] =	vst v2  }
0x2d2: {  	[tilespmem:s26+$0xFFFFFFC0] =	vst v1;
	v1 =	vmul.f32 v7, v12  }
0x2d3: {  	[tilespmem:s26+$0xFFFFFFE0] =	vst v0  }
0x2d4: {  	s6 =	sadd.s32 $0x380, s24;
	s13 =	simm.s32 $0x8280;
	[tilespmem:s26+$0xFFFFFFF0] =	vst v1  }
0x2d5: {  	[spmem:s3] =	stream.indirect.scatter.add.f32 [tilespmem:s13], [sflag:$0x8], $0x80, s6, s0, $0xb8;
	[tilespmem:$0x1F700] =	vst v63  }
0x2d6: {  	s6 =	sadd.s32 @!p1 $0x6, s21  }
0x2d7: {  	s13 =	sand.u32 @!p1 $0x3, s6  }
0x2d8: {  	s22 =	simm.s32 @!p1 $0x7;
	s26 =	smul.u32 @!p1 $0x5000, s13  }
0x2d9: {  	_ =	swait.ge @!p1 [sflag:s22], $0x1400;
	s28 =	smul.u32 @!p1 $0x28, s6  }
0x2da: {  	[sflag:s22] =	ssyncset.done @!p1 $0x0;
	s26 =	sshrl.u32 @!p1 s26, $0x2  }
0x2db: {  	[sflag:s22] =	ssyncadd.s32 @!p1 $0xFFFFEC00;
	s22 =	sadd.s32 @!p1 $0xA80, s26;
	s26 =	sadd.s32 @!p1 s8, s28  }
0x2dc: {  	s6 =	sadd.s32 @!p1 s6, s2;
	s13 =	sadd.s32 @!p1 $0xB, s13;
	s26 =	sshll.u32 @!p1 s26, $0x4  }
0x2dd: {  	s6 =	smul.u32 @!p1 $0xA0, s6;
	s28 =	simm.s32 @!p1 $0x0;
	s26 =	sadd.s32 @!p1 s5, s26  }
0x2de: {  	[tilespmem:s22], [sflag:s13] =	stream.linear.gather @!p1 [hbm4b:s26+s28], $0x1400, $0x38;
	[tilespmem:$0x1F700] =	vst v63  }
0x2df: {  	s6 =	sshra.s32 @!p1 s6, $0x2;
	s13 =	simm.s32 @!p1 $0x28;
	s22 =	simm.s32 @!p1 $0x6E80  }
0x2e0: {  	[tilespmem:s22], [sflag:$0x2] =	stream.indirect.gather @!p1 [hbm4b:s1+s13], $0x80, s6, s13, $0xb8;
	[tilespmem:$0x1F700] =	vst v63  }
0x2e1: {  	s31 =	sadd.s32 $0xFFFFFFFF, s21;
	_ =	swait.ge [sflag:s14], $0x1400  }
0x2e2: {  	s6 =	sand.u32 $0x3, s31;
	[sflag:s14] =	ssyncset.done $0x0  }
0x2e3: {  	s6 =	sadd.s32 $0xB, s6;
	[sflag:s14] =	ssyncadd.s32 $0xFFFFEC00  }
0x2e4: {  	_ =	swait.ge [sflag:s6], $0x1400  }
0x2e5: {  	[sflag:s6] =	ssyncset.done $0x0  }
0x2e6: {  	[sflag:s6] =	ssyncadd.s32 $0xFFFFEC00  }
0x2e7: {  	v5 =	vld [tilespmem:s10+$0x180]  }
0x2e8: {  	s22 =	simm.s32 $0x9A70;
	v1 =	vld [tilespmem:s10+$0xFFFFFE80]  }
0x2e9: {  	v0 =	vld [tilespmem:s22+$0x0]  }
0x2ea: {  	v2 =	vld [tilespmem:s10+$0xFFFFFF00]  }
0x2eb: {  	v3 =	vld [tilespmem:s10+$0xFFFFFF80]  }
0x2ec: {  	v8 =	vld [tilespmem:s10+$0x0]  }
0x2ed: {  	v7 =	vld [tilespmem:s10+$0x80]  }
0x2ee: {  	v4 =	vld [tilespmem:s10+$0x100]  }
0x2ef: {  	v6 =	vld [tilespmem:s10+$0xFFFFFE00]  }
0x2f0: {  	v9 =	vld [tilespmem:s22+$0xFFFFFC10]  }
0x2f1: {  	v10 =	vld [tilespmem:s22+$0xFFFFFC20]  }
0x2f2: {  	v11 =	vld [tilespmem:s22+$0xFFFFFC30]  }
0x2f3: {  	v12 =	vld [tilespmem:s22+$0xFFFFFC40]  }
0x2f4: {  	v13 =	vld [tilespmem:s22+$0xFFFFFC50]  }
0x2f5: {  	v14 =	vld [tilespmem:s22+$0xFFFFFC60]  }
0x2f6: {  	v15 =	vld [tilespmem:s22+$0xFFFFFC70]  }
0x2f7: {  	v16 =	vld [tilespmem:s22+$0xFFFFFC80]  }
0x2f8: {  	v17 =	vld [tilespmem:s22+$0xFFFFFC90]  }
0x2f9: {  	v19 =	vld [tilespmem:s22+$0xFFFFFCA0];
	v18 =	vmul.f32 $3.750000000e-01, v5  }
0x2fa: {  	v22 =	vld [tilespmem:s22+$0xFFFFFCB0];
	v20 =	vmul.f32 $5.000000000e-01, v1;
	v21 =	vmul.f32 $2.500000000e-01, v1  }
0x2fb: {  	v26 =	vld [tilespmem:s22+$0xFFFFFCD0];
	v23 =	vmul.f32 $1.250000000e-01, v1;
	v24 =	vmul.f32 $5.000000000e-01, v6  }
0x2fc: {  	v29 =	vld [tilespmem:s22+$0xFFFFFCE0];
	v25 =	vmul.f32 $2.500000000e-01, v6;
	v27 =	vmul.f32 $1.250000000e-01, v6  }
0x2fd: {  	v62 =	vld [tilespmem:s22+$0xFFFFFCF0];
	v28 =	vmul.f32 $1.500000000e+00, v6;
	v31 =	vmul.f32 $7.500000000e-01, v6  }
0x2fe: {  	v63 =	vld [tilespmem:s22+$0xFFFFFD80];
	v32 =	vmul.f32 v9, v6;
	v39 =	vmul.f32 v17, v1  }
0x2ff: {  	v33 =	vld [tilespmem:s22+$0xFFFFFD90];
	v43 =	vmul.f32 $1.500000000e+00, v5;
	v0 =	vmul.f32 v0, v18  }
0x300: {  	v30 =	vadd.f32 v6, v6;
	v9 =	vld [tilespmem:s22+$0xFFFFFE10];
	v10 =	vmul.f32 v10, v24;
	v24 =	vmul.f32 $3.750000000e-01, v6  }
0x301: {  	v17 =	vld [tilespmem:s22+$0xFFFFFE20];
	v11 =	vmul.f32 v11, v25;
	v12 =	vmul.f32 v12, v27  }
0x302: {  	v18 =	vld [tilespmem:s22+$0xFFFFFCC0];
	v13 =	vmul.f32 v13, v30;
	v30 =	vmul.f32 $1.500000000e+00, v1;
	[tilespmem:s22+$0x0] =	vst v0  }
0x303: {  	v25 =	vld [tilespmem:s22+$0xFFFFFD00];
	v14 =	vmul.f32 v14, v28;
	v15 =	vmul.f32 v15, v31;
	[tilespmem:s22+$0xFFFFFC20] =	vst v10  }
0x304: {  	v27 =	vld [tilespmem:s22+$0xFFFFFD10];
	v19 =	vmul.f32 v19, v20;
	v21 =	vmul.f32 v22, v21;
	[tilespmem:s22+$0xFFFFFC30] =	vst v11  }
0x305: {  	v28 =	vld [tilespmem:s22+$0xFFFFFD20];
	v22 =	vmul.f32 $7.500000000e-01, v1;
	v16 =	vmul.f32 v16, v24;
	[tilespmem:s22+$0xFFFFFC40] =	vst v12  }
0x306: {  	v31 =	vld [tilespmem:s22+$0xFFFFFD30];
	v0 =	vmul.f32 $3.750000000e-01, v1;
	v10 =	vmul.f32 $5.000000000e-01, v2;
	[tilespmem:s22+$0xFFFFFC50] =	vst v13  }
0x307: {  	v20 =	vld [tilespmem:s22+$0xFFFFFD40];
	v29 =	vmul.f32 v29, v30;
	v11 =	vmul.f32 $2.500000000e-01, v2;
	[tilespmem:s22+$0xFFFFFC60] =	vst v14  }
0x308: {  	v30 =	vld [tilespmem:s22+$0xFFFFFD70];
	v22 =	vmul.f32 v62, v22;
	v12 =	vmul.f32 $1.250000000e-01, v2;
	[tilespmem:s22+$0xFFFFFC70] =	vst v15  }
0x309: {  	v24 =	vadd.f32 v1, v1;
	v13 =	vld [tilespmem:s22+$0xFFFFFDA0];
	v14 =	vmul.f32 $1.500000000e+00, v2;
	v15 =	vmul.f32 $7.500000000e-01, v2;
	[tilespmem:s22+$0xFFFFFCA0] =	vst v19  }
0x30a: {  	v19 =	vmul.f32 $5.000000000e-01, v3;
	[tilespmem:s22+$0xFFFFFCB0] =	vst v21;
	v36 =	vmul.f32 v9, v8;
	v9 =	vld [tilespmem:s22+$0xFFFFFEC0]  }
0x30b: {  	v21 =	vmul.f32 $2.500000000e-01, v3;
	v24 =	vmul.f32 v26, v24;
	v26 =	vld [tilespmem:s22+$0xFFFFFD60];
	[tilespmem:s22+$0xFFFFFC80] =	vst v16  }
0x30c: {  	v16 =	vld [tilespmem:s22+$0xFFFFFDD0];
	[tilespmem:s22+$0xFFFFFCF0] =	vst v22;
	v22 =	vmul.f32 $7.500000000e-01, v3;
	v18 =	vmul.f32 v18, v23  }
0x30d: {  	v23 =	vld [tilespmem:s22+$0xFFFFFD50];
	v25 =	vmul.f32 v25, v0;
	v10 =	vmul.f32 v28, v10  }
0x30e: {  	v11 =	vmul.f32 v31, v11;
	v12 =	vmul.f32 v20, v12;
	v20 =	vld [tilespmem:s22+$0xFFFFFDB0]  }
0x30f: {  	v28 =	vld [tilespmem:s22+$0xFFFFFDC0];
	v41 =	vmul.f32 v27, v2;
	v27 =	vmul.f32 $2.500000000e-01, v8  }
0x310: {  	v6 =	vadd.f32 v3, v3;
	v31 =	vld [tilespmem:s22+$0xFFFFFDF0];
	v15 =	vmul.f32 v30, v15;
	[tilespmem:s22+$0xFFFFFCC0] =	vst v18;
	v18 =	vmul.f32 $1.250000000e-01, v3  }
0x311: {  	v0 =	vadd.f32 v2, v2;
	[tilespmem:s22+$0xFFFFFCD0] =	vst v24;
	v24 =	vld [tilespmem:s22+$0xFFFFFE40];
	v13 =	vmul.f32 v13, v19;
	v30 =	vmul.f32 v33, v3  }
0x312: {  	[tilespmem:s22+$0xFFFFFD00] =	vst v25;
	v14 =	vmul.f32 v26, v14;
	v26 =	vld [tilespmem:s22+$0xFFFFFDE0];
	v16 =	vmul.f32 v16, v6  }
0x313: {  	v6 =	vmul.f32 $1.500000000e+00, v3;
	[tilespmem:s22+$0xFFFFFD70] =	vst v15;
	v15 =	vld [tilespmem:s22+$0xFFFFFEA0];
	v23 =	vmul.f32 v23, v0  }
0x314: {  	[tilespmem:s22+$0xFFFFFD20] =	vst v10;
	v0 =	vmul.f32 $3.750000000e-01, v2;
	v20 =	vmul.f32 v20, v21;
	v21 =	vld [tilespmem:s22+$0xFFFFFE30]  }
0x315: {  	v19 =	vld [tilespmem:s22+$0xFFFFFE00];
	[tilespmem:s22+$0xFFFFFDA0] =	vst v13;
	v13 =	vmul.f32 $5.000000000e-01, v7;
	v18 =	vmul.f32 v28, v18  }
0x316: {  	v22 =	vmul.f32 v31, v22;
	[tilespmem:s22+$0xFFFFFD60] =	vst v14;
	v14 =	vld [tilespmem:s22+$0xFFFFFE90];
	v0 =	vmul.f32 v63, v0  }
0x317: {  	[tilespmem:s22+$0xFFFFFD30] =	vst v11;
	v11 =	vld [tilespmem:s22+$0xFFFFFE60];
	v25 =	vmul.f32 v26, v6;
	v6 =	vmul.f32 $3.750000000e-01, v3  }
0x318: {  	[tilespmem:s22+$0xFFFFFDB0] =	vst v20;
	v20 =	vld [tilespmem:s22+$0xFFFFFED0];
	v26 =	vmul.f32 $5.000000000e-01, v8;
	v15 =	vmul.f32 v15, v13  }
0x319: {  	v10 =	vld [tilespmem:s22+$0xFFFFFE50];
	[tilespmem:s22+$0xFFFFFD40] =	vst v12;
	v21 =	vmul.f32 v21, v27;
	v27 =	vmul.f32 $1.500000000e+00, v8  }
0x31a: {  	v12 =	vld [tilespmem:s22+$0xFFFFFE70];
	[tilespmem:s22+$0xFFFFFDD0] =	vst v16;
	v19 =	vmul.f32 v19, v6;
	v6 =	vmul.f32 $1.250000000e-01, v8  }
0x31b: {  	v16 =	vld [tilespmem:s22+$0xFFFFFEF0];
	[tilespmem:s22+$0xFFFFFD50] =	vst v23;
	v13 =	vadd.f32 v7, v7;
	v17 =	vmul.f32 v17, v26;
	v37 =	vmul.f32 v14, v7  }
0x31c: {  	v23 =	vld [tilespmem:s22+$0xFFFFFE80];
	v26 =	vadd.f32 v8, v8;
	[tilespmem:s22+$0xFFFFFEA0] =	vst v15;
	v15 =	vmul.f32 $1.250000000e-01, v5;
	v11 =	vmul.f32 v11, v27  }
0x31d: {  	[tilespmem:s22+$0xFFFFFCE0] =	vst v29;
	v28 =	vld [tilespmem:s22+$0xFFFFFEB0];
	v29 =	vmul.f32 v20, v13;
	v13 =	vmul.f32 $7.500000000e-01, v7  }
0x31e: {  	[tilespmem:s22+$0xFFFFFDC0] =	vst v18;
	v18 =	vld [tilespmem:s22+$0xFFFFFEE0];
	v10 =	vmul.f32 v10, v26;
	v26 =	vmul.f32 $7.500000000e-01, v8  }
0x31f: {  	[tilespmem:s22+$0xFFFFFDF0] =	vst v22;
	v22 =	vld [tilespmem:s22+$0xFFFFFF10];
	v24 =	vmul.f32 v24, v6;
	v8 =	vmul.f32 $3.750000000e-01, v8  }
0x320: {  	[tilespmem:s22+$0xFFFFFD80] =	vst v0;
	v14 =	vld [tilespmem:s22+$0xFFFFFF30];
	v12 =	vmul.f32 v12, v26;
	v26 =	vmul.f32 $2.500000000e-01, v7  }
0x321: {  	[tilespmem:s22+$0xFFFFFDE0] =	vst v25;
	v20 =	vld [tilespmem:s22+$0xFFFFFF50];
	v31 =	vmul.f32 v16, v13;
	v23 =	vmul.f32 v23, v8  }
0x322: {  	[tilespmem:s22+$0xFFFFFE00] =	vst v19;
	v8 =	vmul.f32 $1.250000000e-01, v7;
	v25 =	vmul.f32 v28, v26;
	v26 =	vld [tilespmem:s22+$0xFFFFFF00]  }
0x323: {  	v19 =	vld [tilespmem:s22+$0xFFFFFF20];
	v16 =	vmul.f32 $2.500000000e-01, v4;
	[tilespmem:s22+$0xFFFFFE50] =	vst v10;
	v10 =	vmul.f32 $1.250000000e-01, v4  }
0x324: {  	[tilespmem:s22+$0xFFFFFE20] =	vst v17;
	v17 =	vld [tilespmem:s22+$0xFFFFFF40];
	v27 =	vmul.f32 v9, v8;
	v9 =	vmul.f32 $1.500000000e+00, v7  }
0x325: {  	[tilespmem:s22+$0xFFFFFE30] =	vst v21;
	v21 =	vld [tilespmem:s22+$0xFFFFFF80];
	v16 =	vmul.f32 v14, v16;
	v7 =	vmul.f32 $3.750000000e-01, v7  }
0x326: {  	[tilespmem:s22+$0xFFFFFE60] =	vst v11;
	v11 =	vld [tilespmem:s22+$0xFFFFFF70];
	v14 =	vmul.f32 $2.500000000e-01, v5;
	v0 =	vmul.f32 v18, v9  }
0x327: {  	[tilespmem:s22+$0xFFFFFE70] =	vst v12;
	v9 =	vmul.f32 $5.000000000e-01, v4;
	v13 =	vmul.f32 v26, v7;
	v7 =	vld [tilespmem:s22+$0xFFFFFF60]  }
0x328: {  	v12 =	vmul.f32 $1.500000000e+00, v4;
	[tilespmem:s22+$0xFFFFFE80] =	vst v23;
	v23 =	vmul.f32 $7.500000000e-01, v4;
	v26 =	vld [tilespmem:s22+$0xFFFFFF90]  }
0x329: {  	v1 =	vld [tilespmem:s22+$0xFFFFFFA0];
	[tilespmem:s22+$0xFFFFFED0] =	vst v29;
	v18 =	vmul.f32 v17, v10;
	v9 =	vmul.f32 v19, v9;
	v19 =	vadd.f32 v4, v4  }
0x32a: {  	v17 =	vmul.f32 v22, v4;
	[tilespmem:s22+$0xFFFFFEC0] =	vst v27;
	v27 =	vld [tilespmem:s22+$0xFFFFFFE0];
	v4 =	vmul.f32 $3.750000000e-01, v4  }
0x32b: {  	[tilespmem:s22+$0xFFFFFE40] =	vst v24;
	v28 =	vmul.f32 $5.000000000e-01, v5;
	v10 =	vmul.f32 v20, v19;
	v19 =	vld [tilespmem:s22+$0xFFFFFFB0]  }
0x32c: {  	[tilespmem:s22+$0xFFFFFEB0] =	vst v25;
	v24 =	vmul.f32 v11, v23;
	v20 =	vld [tilespmem:s22+$0xFFFFFFC0];
	v25 =	vmul.f32 v21, v4  }
0x32d: {  	[tilespmem:s22+$0xFFFFFEF0] =	vst v31;
	v21 =	vld [tilespmem:s22+$0xFFFFFFD0];
	v22 =	vmul.f32 v7, v12;
	v23 =	vmul.f32 v26, v5  }
0x32e: {  	s26 =	simm.s32 $0x0;
	s6 =	sadd.s32 $0x400, s10;
	s10 =	simm.s32 $0x9A70;
	v2 =	vadd.f32 v5, v5;
	[tilespmem:s22+$0xFFFFFEE0] =	vst v0;
	v12 =	vmul.f32 $7.500000000e-01, v5;
	v26 =	vmul.f32 v1, v28;
	v7 =	vld [tilespmem:s22+$0xFFFFFFF0]  }
.LBB2_9:
0x32f: {  	v5 =	vld [tilespmem:s6+$0x180];
	[tilespmem:s22+$0xFFFFFF00] =	vst v13  }
0x330: {  	[tilespmem:s10+$0xFFFFFF40] =	vst v18;
	v18 =	vld [tilespmem:s6+$0x0]  }
0x331: {  	[tilespmem:s10+$0xFFFFFF20] =	vst v9;
	s22 =	sadd.s32 $0x400, s22;
	v29 =	vld [tilespmem:s6+$0xFFFFFE00]  }
0x332: {  	[tilespmem:s10+$0xFFFFFF30] =	vst v16;
	v28 =	vld [tilespmem:s22+$0x0]  }
0x333: {  	[tilespmem:s10+$0xFFFFFF50] =	vst v10;
	v13 =	vld [tilespmem:s6+$0x80]  }
0x334: {  	[tilespmem:s10+$0xFFFFFF70] =	vst v24;
	v57 =	vld [tilespmem:s22+$0xFFFFFC20]  }
0x335: {  	[tilespmem:s10+$0xFFFFFE10] =	vst v36;
	v58 =	vld [tilespmem:s22+$0xFFFFFC30]  }
0x336: {  	[tilespmem:s10+$0xFFFFFF60] =	vst v22;
	v62 =	vld [tilespmem:s22+$0xFFFFFC50]  }
0x337: {  	v1 =	vld [tilespmem:s22+$0xFFFFFC60];
	[tilespmem:s10+$0xFFFFFE90] =	vst v37  }
0x338: {  	v9 =	vld [tilespmem:s6+$0x100];
	[tilespmem:s10+$0xFFFFFF80] =	vst v25  }
0x339: {  	v3 =	vld [tilespmem:s22+$0xFFFFFC70];
	[tilespmem:s10+$0xFFFFFF10] =	vst v17;
	v14 =	vmul.f32 v19, v14  }
0x33a: {  	v19 =	vld [tilespmem:s6+$0xFFFFFE80];
	v15 =	vmul.f32 v20, v15;
	v31 =	vmul.f32 v21, v2;
	[tilespmem:s10+$0xFFFFFC90] =	vst v39  }
0x33b: {  	v21 =	vld [tilespmem:s6+$0xFFFFFF00];
	v12 =	vmul.f32 v7, v12;
	v7 =	vmov v30;
	[tilespmem:s10+$0xFFFFFD10] =	vst v41;
	v0 =	vmul.f32 $5.000000000e-01, v5  }
0x33c: {  	v20 =	vld [tilespmem:s6+$0xFFFFFF80];
	v10 =	vmul.f32 $3.750000000e-01, v5;
	[tilespmem:s10+$0xFFFFFD90] =	vst v7;
	v7 =	vmul.f32 $1.250000000e-01, v13  }
0x33d: {  	v6 =	vld [tilespmem:s22+$0xFFFFFC80];
	v63 =	vadd.f32 v29, v29;
	[tilespmem:$0x1FC60] =	vst v0;
	v0 =	vadd.f32 v5, v5  }
0x33e: {  	v59 =	vld [tilespmem:s22+$0xFFFFFC40];
	v2 =	vmul.f32 $1.500000000e+00, v29;
	v10 =	vmul.f32 v28, v10;
	[tilespmem:$0x1FBA0] =	vst v7  }
0x33f: {  	v37 =	vld [tilespmem:s22+$0xFFFFFCE0];
	v30 =	vmul.f32 $7.500000000e-01, v29;
	v63 =	vmul.f32 v62, v63;
	[tilespmem:$0x1FC30] =	vst v0  }
0x340: {  	v38 =	vld [tilespmem:s22+$0xFFFFFCF0];
	v4 =	vmul.f32 $3.750000000e-01, v29;
	v1 =	vmul.f32 v1, v2;
	[tilespmem:s22+$0x0] =	vst v10  }
0x341: {  	v39 =	vld [tilespmem:s22+$0xFFFFFD00];
	v3 =	vmul.f32 v3, v30;
	[tilespmem:s22+$0xFFFFFC50] =	vst v63  }
0x342: {  	v33 =	vld [tilespmem:s22+$0xFFFFFC90];
	v4 =	vmul.f32 v6, v4;
	[tilespmem:s22+$0xFFFFFC60] =	vst v1  }
0x343: {  	v11 =	vmul.f32 v27, v43;
	v34 =	vld [tilespmem:s22+$0xFFFFFCA0];
	[tilespmem:s22+$0xFFFFFC70] =	vst v3  }
0x344: {  	v35 =	vld [tilespmem:s22+$0xFFFFFCB0];
	[tilespmem:s22+$0xFFFFFC80] =	vst v4  }
0x345: {  	v36 =	vld [tilespmem:s22+$0xFFFFFCC0];
	v7 =	vmul.f32 $7.500000000e-01, v13;
	[tilespmem:s10+$0xFFFFFFE0] =	vst v11  }
0x346: {  	v60 =	vmul.f32 $5.000000000e-01, v29;
	v40 =	vld [tilespmem:s22+$0xFFFFFD20];
	v0 =	vmul.f32 $2.500000000e-01, v19;
	[tilespmem:s10+$0xFFFFFFF0] =	vst v12  }
0x347: {  	v41 =	vld [tilespmem:s22+$0xFFFFFD30];
	[tilespmem:$0x1FBC0] =	vst v7;
	v7 =	vmul.f32 $3.750000000e-01, v13  }
0x348: {  	v61 =	vmul.f32 $2.500000000e-01, v29;
	v42 =	vld [tilespmem:s22+$0xFFFFFD40];
	v57 =	vmul.f32 v57, v60;
	[tilespmem:$0x1FB40] =	vst v0;
	v0 =	vadd.f32 v19, v19  }
0x349: {  	v60 =	vld [tilespmem:s22+$0xFFFFFD50];
	v44 =	vmul.f32 $1.250000000e-01, v19;
	v12 =	vmul.f32 $2.500000000e-01, v9;
	[tilespmem:$0x1FBD0] =	vst v7  }
0x34a: {  	v58 =	vmul.f32 v58, v61;
	v2 =	vld [tilespmem:s22+$0xFFFFFD70];
	v53 =	vmul.f32 $2.500000000e-01, v21;
	[tilespmem:$0x1FB50] =	vst v0;
	v0 =	vadd.f32 v21, v21  }
0x34b: {  	v6 =	vld [tilespmem:s22+$0xFFFFFD80];
	v48 =	vmul.f32 $1.500000000e+00, v19;
	v61 =	vmul.f32 v36, v44;
	[tilespmem:$0x1FBF0] =	vst v12  }
0x34c: {  	v49 =	vmul.f32 $7.500000000e-01, v19;
	v4 =	vmul.f32 v41, v53;
	[tilespmem:$0x1FB60] =	vst v0;
	v0 =	vld [tilespmem:s22+$0xFFFFFC10]  }
0x34d: {  	v30 =	vld [tilespmem:s22+$0xFFFFFD90];
	v51 =	vmul.f32 $3.750000000e-01, v19;
	v7 =	vmul.f32 $5.000000000e-01, v9;
	[tilespmem:s22+$0xFFFFFCC0] =	vst v61  }
0x34e: {  	v56 =	vmul.f32 $3.750000000e-01, v21;
	v63 =	vld [tilespmem:s22+$0xFFFFFDA0];
	v12 =	vmul.f32 $1.250000000e-01, v9;
	[tilespmem:s22+$0xFFFFFD30] =	vst v4  }
0x34f: {  	v52 =	vmul.f32 $5.000000000e-01, v21;
	v11 =	vld [tilespmem:s22+$0xFFFFFCD0];
	v1 =	vmul.f32 v37, v48;
	[tilespmem:$0x1FBE0] =	vst v7  }
0x350: {  	v48 =	vmul.f32 v38, v49;
	v49 =	vld [tilespmem:s22+$0xFFFFFDB0];
	v6 =	vmul.f32 v6, v56;
	[tilespmem:$0x1FC00] =	vst v12  }
0x351: {  	v3 =	vmul.f32 v39, v51;
	v51 =	vmul.f32 v40, v52;
	v52 =	vld [tilespmem:s22+$0xFFFFFDC0];
	[tilespmem:$0x1FB70] =	vst v0;
	v0 =	vadd.f32 v20, v20  }
0x352: {  	v4 =	vld [tilespmem:s22+$0xFFFFFE60];
	[tilespmem:s22+$0xFFFFFD80] =	vst v6  }
0x353: {  	v62 =	vld [tilespmem:$0x1FB50];
	[tilespmem:$0x1FB80] =	vst v0;
	v0 =	vadd.f32 v18, v18  }
0x354: {  	v25 =	vmul.f32 $1.500000000e+00, v18;
	v17 =	vmul.f32 $2.500000000e-01, v13;
	v7 =	vld [tilespmem:s22+$0xFFFFFD10];
	[tilespmem:s10+$0xFFFFFC10] =	vst v32  }
0x355: {  	v27 =	vmul.f32 $5.000000000e-01, v19;
	v54 =	vmul.f32 $1.250000000e-01, v21;
	v6 =	vld [tilespmem:s22+$0xFFFFFEB0];
	[tilespmem:$0x1FB90] =	vst v0;
	v0 =	vadd.f32 v13, v13  }
0x356: {  	v55 =	vmul.f32 $1.500000000e+00, v21;
	v39 =	vmul.f32 v33, v19;
	v19 =	vld [tilespmem:s22+$0xFFFFFE20];
	[tilespmem:s22+$0xFFFFFC30] =	vst v58  }
0x357: {  	v45 =	vmul.f32 $7.500000000e-01, v21;
	v12 =	vmul.f32 $1.500000000e+00, v9;
	v58 =	vld [tilespmem:s22+$0xFFFFFDD0];
	[tilespmem:$0x1FBB0] =	vst v0;
	v0 =	vadd.f32 v9, v9  }
0x358: {  	[tilespmem:s22+$0xFFFFFCE0] =	vst v1;
	v4 =	vmul.f32 v4, v25;
	v11 =	vmul.f32 v11, v62;
	v62 =	vld [tilespmem:s22+$0xFFFFFE00]  }
0x359: {  	v41 =	vmul.f32 v7, v21;
	v21 =	vld [tilespmem:s22+$0xFFFFFE50];
	[tilespmem:$0x1FC10] =	vst v0;
	v0 =	vmul.f32 $1.250000000e-01, v29  }
0x35a: {  	v50 =	vmul.f32 $5.000000000e-01, v20;
	[tilespmem:$0x1FC20] =	vst v12;
	v6 =	vmul.f32 v6, v17;
	v17 =	vld [tilespmem:s22+$0xFFFFFF10]  }
0x35b: {  	[tilespmem:s22+$0xFFFFFE60] =	vst v4;
	v4 =	vld [tilespmem:$0x1FBE0];
	v0 =	vmul.f32 v59, v0  }
0x35c: {  	v61 =	vmul.f32 v63, v50;
	v32 =	vmul.f32 $1.250000000e-01, v20;
	v63 =	vld [tilespmem:$0x1FB70];
	[tilespmem:s22+$0xFFFFFEB0] =	vst v6  }
0x35d: {  	v6 =	vld [tilespmem:$0x1FC20];
	[tilespmem:s22+$0xFFFFFC40] =	vst v0;
	v0 =	vmul.f32 v34, v27  }
0x35e: {  	[tilespmem:s22+$0xFFFFFCD0] =	vst v11;
	v11 =	vmul.f32 v52, v32;
	v1 =	vld [tilespmem:$0x1FB80]  }
0x35f: {  	v8 =	vmul.f32 $2.500000000e-01, v20;
	[tilespmem:s22+$0xFFFFFCA0] =	vst v0;
	v0 =	vld [tilespmem:$0x1FB60]  }
0x360: {  	v10 =	vmul.f32 $1.500000000e+00, v20;
	v22 =	vmul.f32 $3.750000000e-01, v20;
	[tilespmem:s22+$0xFFFFFDC0] =	vst v11;
	v11 =	vld [tilespmem:s22+$0xFFFFFEE0]  }
0x361: {  	v16 =	vmul.f32 $7.500000000e-01, v20;
	v2 =	vmul.f32 v2, v45;
	v27 =	vld [tilespmem:$0x1FB40]  }
0x362: {  	v30 =	vmul.f32 v30, v20;
	v20 =	vmul.f32 v62, v22;
	v22 =	vld [tilespmem:s22+$0xFFFFFE90]  }
0x363: {  	[tilespmem:s22+$0xFFFFFD70] =	vst v2;
	v2 =	vld [tilespmem:$0x1FB90]  }
0x364: {  	[tilespmem:s10+$0xFFFFFF90] =	vst v23;
	v23 =	vmul.f32 $1.500000000e+00, v13;
	v0 =	vmul.f32 v60, v0;
	v60 =	vld [tilespmem:s22+$0xFFFFFDE0]  }
0x365: {  	[tilespmem:s22+$0xFFFFFE00] =	vst v20;
	v20 =	vld [tilespmem:$0x1FBB0]  }
0x366: {  	v11 =	vmul.f32 v11, v23;
	v23 =	vld [tilespmem:s22+$0xFFFFFF80];
	v27 =	vmul.f32 v35, v27  }
0x367: {  	[tilespmem:s10+$0xFFFFFFD0] =	vst v31;
	v31 =	vmul.f32 $5.000000000e-01, v13;
	v37 =	vmul.f32 v22, v13;
	v13 =	vld [tilespmem:s22+$0xFFFFFEF0]  }
0x368: {  	[tilespmem:s22+$0xFFFFFCB0] =	vst v27;
	v27 =	vld [tilespmem:s22+$0xFFFFFDF0]  }
0x369: {  	v29 =	vmul.f32 v63, v29;
	v7 =	vmul.f32 v60, v10;
	v10 =	vld [tilespmem:s22+$0xFFFFFE30]  }
0x36a: {  	v59 =	vld [tilespmem:s22+$0xFFFFFD60]  }
0x36b: {  	v46 =	vmul.f32 $5.000000000e-01, v18;
	v32 =	vmov v29;
	v29 =	vld [tilespmem:s22+$0xFFFFFE10]  }
0x36c: {  	[tilespmem:s10+$0xFFFFFFA0] =	vst v26;
	v47 =	vmul.f32 $2.500000000e-01, v18;
	v2 =	vmul.f32 v21, v2;
	v21 =	vld [tilespmem:s22+$0xFFFFFEA0]  }
0x36d: {  	v24 =	vmul.f32 $1.250000000e-01, v18;
	[tilespmem:s22+$0xFFFFFD00] =	vst v3;
	v3 =	vmul.f32 v27, v16;
	v16 =	vld [tilespmem:s22+$0xFFFFFE40]  }
0x36e: {  	v26 =	vmul.f32 $3.750000000e-01, v18;
	[tilespmem:s22+$0xFFFFFD50] =	vst v0;
	v0 =	vmul.f32 v10, v47;
	v10 =	vld [tilespmem:s22+$0xFFFFFE80]  }
0x36f: {  	v28 =	vmul.f32 $7.500000000e-01, v18;
	v8 =	vmul.f32 v49, v8;
	[tilespmem:s22+$0xFFFFFE50] =	vst v2;
	v2 =	vld [tilespmem:s22+$0xFFFFFF60]  }
0x370: {  	v36 =	vmul.f32 v29, v18;
	v18 =	vmul.f32 v19, v46;
	v19 =	vld [tilespmem:s22+$0xFFFFFE70]  }
0x371: {  	v1 =	vmul.f32 v58, v1;
	[tilespmem:s22+$0xFFFFFDF0] =	vst v3;
	v3 =	vld [tilespmem:$0x1FBA0]  }
0x372: {  	[tilespmem:s22+$0xFFFFFDB0] =	vst v8;
	v16 =	vmul.f32 v16, v24;
	v24 =	vld [tilespmem:s22+$0xFFFFFEC0]  }
0x373: {  	[tilespmem:s22+$0xFFFFFDD0] =	vst v1;
	v8 =	vmul.f32 v10, v26;
	v10 =	vld [tilespmem:s22+$0xFFFFFED0]  }
0x374: {  	v1 =	vmul.f32 v21, v31;
	[tilespmem:s22+$0xFFFFFE30] =	vst v0;
	v0 =	vld [tilespmem:$0x1FBC0]  }
0x375: {  	[tilespmem:s22+$0xFFFFFE20] =	vst v18;
	v18 =	vld [tilespmem:s22+$0xFFFFFF30]  }
0x376: {  	[tilespmem:s22+$0xFFFFFEA0] =	vst v1;
	v1 =	vld [tilespmem:$0x1FC10]  }
0x377: {  	v12 =	vmul.f32 $7.500000000e-01, v9;
	[tilespmem:s22+$0xFFFFFDE0] =	vst v7;
	v7 =	vld [tilespmem:s22+$0xFFFFFF00]  }
0x378: {  	v21 =	vmul.f32 v10, v20;
	v10 =	vld [tilespmem:s22+$0xFFFFFF20]  }
0x379: {  	[tilespmem:$0x1FC40] =	vst v12;
	v3 =	vmul.f32 v24, v3;
	v0 =	vmul.f32 v13, v0;
	v13 =	vld [tilespmem:$0x1FBD0]  }
0x37a: {  	[tilespmem:s22+$0xFFFFFE80] =	vst v8;
	v8 =	vld [tilespmem:$0x1FC00]  }
0x37b: {  	[tilespmem:s22+$0xFFFFFEC0] =	vst v3;
	v3 =	vld [tilespmem:$0x1FC40]  }
0x37c: {  	[tilespmem:s10+$0xFFFFFFB0] =	vst v14;
	v12 =	vmul.f32 $3.750000000e-01, v9;
	v20 =	vld [tilespmem:s22+$0xFFFFFF40]  }
0x37d: {  	[tilespmem:s10+$0xFFFFFFC0] =	vst v15;
	v17 =	vmul.f32 v17, v9;
	v9 =	vmul.f32 v10, v4;
	v10 =	vld [tilespmem:$0x1FBF0]  }
0x37e: {  	[tilespmem:s22+$0xFFFFFCF0] =	vst v48;
	v4 =	vld [tilespmem:s22+$0xFFFFFF70]  }
0x37f: {  	[tilespmem:s22+$0xFFFFFD20] =	vst v51;
	v13 =	vmul.f32 v7, v13;
	v7 =	vld [tilespmem:s22+$0xFFFFFF50]  }
0x380: {  	[tilespmem:$0x1FC50] =	vst v12;
	v22 =	vmul.f32 v2, v6;
	v2 =	vld [tilespmem:$0x1FC30]  }
0x381: {  	[tilespmem:s22+$0xFFFFFEF0] =	vst v0;
	v0 =	vld [tilespmem:$0x1FC60]  }
0x382: {  	[tilespmem:s22+$0xFFFFFE40] =	vst v16;
	v16 =	vmul.f32 v18, v10;
	v18 =	vmul.f32 v20, v8;
	v8 =	vld [tilespmem:s22+$0xFFFFFF90]  }
0x383: {  	s26 =	sadd.s32 $0x8, s26;
	[tilespmem:s22+$0xFFFFFC20] =	vst v57;
	v19 =	vmul.f32 v19, v28;
	v24 =	vmul.f32 v4, v3;
	v3 =	vld [tilespmem:$0x1FC50]  }
0x384: {  	p2 =	slt.u32 s26, $0x20;
	v57 =	vmul.f32 v42, v54;
	[tilespmem:s22+$0xFFFFFDA0] =	vst v61;
	v10 =	vmul.f32 v7, v1;
	v1 =	vld [tilespmem:s22+$0xFFFFFFA0]  }
.Ltmp5:
0x385: {  	[tilespmem:s22+$0xFFFFFE70] =	vst v19;
	v19 =	vld [tilespmem:s22+$0xFFFFFFB0];
	(pc) =	sbr.rel @p2 .LBB2_9-.Ltmp5, $4  }
0x386: {  	v43 =	vmul.f32 $1.500000000e+00, v5;
	v14 =	vmul.f32 $2.500000000e-01, v5;
	[tilespmem:s22+$0xFFFFFD40] =	vst v57;
	v27 =	vld [tilespmem:s22+$0xFFFFFFE0]  }
0x387: {  	v15 =	vmul.f32 $1.250000000e-01, v5;
	v59 =	vmul.f32 v59, v55;
	[tilespmem:s22+$0xFFFFFED0] =	vst v21;
	v21 =	vld [tilespmem:s22+$0xFFFFFFD0]  }
0x388: {  	v12 =	vmul.f32 $7.500000000e-01, v5;
	[tilespmem:s22+$0xFFFFFEE0] =	vst v11;
	v20 =	vld [tilespmem:s22+$0xFFFFFFC0];
	v25 =	vmul.f32 v23, v3  }
0x389: {  	s6 =	sadd.s32 $0x400, s6;
	s10 =	smov.u32 s22;
	[tilespmem:s22+$0xFFFFFD60] =	vst v59;
	v7 =	vld [tilespmem:s22+$0xFFFFFFF0];
	v23 =	vmul.f32 v8, v5;
	v26 =	vmul.f32 v1, v0  }
0x38a: {  	[tilespmem:s22+$0xFFFFFF00] =	vst v13  }
0x38b: {  	[tilespmem:s10+$0xFFFFFF20] =	vst v9  }
0x38c: {  	[tilespmem:s10+$0xFFFFFF30] =	vst v16  }
0x38d: {  	[tilespmem:s10+$0xFFFFFF40] =	vst v18  }
0x38e: {  	[tilespmem:s10+$0xFFFFFF50] =	vst v10  }
0x38f: {  	[tilespmem:s10+$0xFFFFFF60] =	vst v22  }
0x390: {  	[tilespmem:s10+$0xFFFFFF70] =	vst v24  }
0x391: {  	[tilespmem:s10+$0xFFFFFF80] =	vst v25  }
0x392: {  	[tilespmem:s10+$0xFFFFFC10] =	vst v32  }
0x393: {  	[tilespmem:s10+$0xFFFFFC90] =	vst v39  }
0x394: {  	[tilespmem:s10+$0xFFFFFD10] =	vst v41  }
0x395: {  	[tilespmem:s10+$0xFFFFFD90] =	vst v30  }
0x396: {  	[tilespmem:s10+$0xFFFFFE10] =	vst v36  }
0x397: {  	[tilespmem:s10+$0xFFFFFF10] =	vst v17  }
0x398: {  	[tilespmem:s10+$0xFFFFFFA0] =	vst v26  }
0x399: {  	v0 =	vmul.f32 v19, v14;
	[tilespmem:s10+$0xFFFFFE90] =	vst v37  }
0x39a: {  	[tilespmem:s10+$0xFFFFFF90] =	vst v23;
	v2 =	vmul.f32 v21, v2  }
0x39b: {  	[tilespmem:s10+$0xFFFFFFB0] =	vst v0;
	v1 =	vmul.f32 v20, v15  }
0x39c: {  	v0 =	vmul.f32 v27, v43;
	[tilespmem:s10+$0xFFFFFFD0] =	vst v2  }
0x39d: {  	[tilespmem:s10+$0xFFFFFFC0] =	vst v1;
	v1 =	vmul.f32 v7, v12  }
0x39e: {  	[tilespmem:s10+$0xFFFFFFE0] =	vst v0  }
0x39f: {  	s6 =	sadd.s32 $0x400, s24;
	s28 =	simm.s32 $0x9680;
	[tilespmem:s10+$0xFFFFFFF0] =	vst v1  }
0x3a0: {  	[spmem:s3] =	stream.indirect.scatter.add.f32 [tilespmem:s28], [sflag:$0x9], $0x80, s6, s0, $0xb8;
	[tilespmem:$0x1F700] =	vst v63  }
0x3a1: {  	s6 =	sadd.s32 @!p1 $0x7, s21  }
0x3a2: {  	s10 =	sand.u32 @!p1 $0x3, s6  }
0x3a3: {  	s13 =	simm.s32 @!p1 $0x8;
	s22 =	smul.u32 @!p1 $0x5000, s10  }
0x3a4: {  	_ =	swait.ge @!p1 [sflag:s13], $0x1400;
	s26 =	smul.u32 @!p1 $0x28, s6  }
0x3a5: {  	[sflag:s13] =	ssyncset.done @!p1 $0x0;
	s22 =	sshrl.u32 @!p1 s22, $0x2  }
0x3a6: {  	[sflag:s13] =	ssyncadd.s32 @!p1 $0xFFFFEC00;
	s13 =	sadd.s32 @!p1 $0xA80, s22;
	s22 =	sadd.s32 @!p1 s8, s26  }
0x3a7: {  	s2 =	sadd.s32 @!p1 s6, s2;
	s10 =	sadd.s32 @!p1 $0xB, s10;
	s22 =	sshll.u32 @!p1 s22, $0x4  }
0x3a8: {  	s2 =	smul.u32 @!p1 $0xA0, s2;
	s6 =	sadd.s32 @!p1 s5, s22;
	s22 =	simm.s32 @!p1 $0x0  }
0x3a9: {  	[tilespmem:s13], [sflag:s10] =	stream.linear.gather @!p1 [hbm4b:s6+s22], $0x1400, $0x38;
	[tilespmem:$0x1F700] =	vst v63  }
0x3aa: {  	s2 =	sshra.s32 @!p1 s2, $0x2;
	s6 =	simm.s32 @!p1 $0x28;
	s10 =	simm.s32 @!p1 $0x8280  }
0x3ab: {  	[tilespmem:s10], [sflag:$0x3] =	stream.indirect.gather @!p1 [hbm4b:s1+s6], $0x80, s2, s6, $0xb8;
	[tilespmem:$0x1F700] =	vst v63  }
0x3ac: {  	_ =	swait.ge [sflag:s16], $0x1400  }
0x3ad: {  	v0 =	vmov s23;
	[sflag:s16] =	ssyncset.done $0x0  }
0x3ae: {  	[sflag:s16] =	ssyncadd.s32 $0xFFFFEC00  }
0x3af: {  	_ =	swait.ge [sflag:s19], $0x1400  }
0x3b0: {  	[sflag:s19] =	ssyncset.done $0x0  }
0x3b1: {  	s2 =	simm.s32 $0x0;
	[sflag:s19] =	ssyncadd.s32 $0xFFFFEC00  }
0x3b2: {  	v7 =	vld.idx.msk [tilespmem:v0+s2+$0x180 ss:$0x1], $0xffff  }
0x3b3: {  	v1 =	vld.idx.msk [tilespmem:v0+s2+$0xFFFFFE00 ss:$0x1], $0xffff  }
0x3b4: {  	v3 =	vld.idx.msk [tilespmem:v0+s2+$0xFFFFFE80 ss:$0x1], $0xffff  }
0x3b5: {  	v2 =	vld [tilespmem:s2+$0xAE70]  }
0x3b6: {  	v4 =	vld.idx.msk [tilespmem:v0+s2+$0xFFFFFF00 ss:$0x1], $0xffff  }
0x3b7: {  	v6 =	vld.idx.msk [tilespmem:v0+s2+$0xFFFFFF80 ss:$0x1], $0xffff  }
0x3b8: {  	v9 =	vld.idx.msk [tilespmem:v0+s2+$0x0 ss:$0x1], $0xffff  }
0x3b9: {  	v10 =	vld.idx.msk [tilespmem:v0+s2+$0x80 ss:$0x1], $0xffff;
	[tilespmem:$0x1FB30] =	vst v0  }
0x3ba: {  	v5 =	vld.idx.msk [tilespmem:v0+s2+$0x100 ss:$0x1], $0xffff  }
0x3bb: {  	v8 =	vld [tilespmem:s2+$0xAA80]  }
0x3bc: {  	v11 =	vld [tilespmem:s2+$0xAA90]  }
0x3bd: {  	v12 =	vld [tilespmem:s2+$0xAAA0]  }
0x3be: {  	v13 =	vld [tilespmem:s2+$0xAAB0]  }
0x3bf: {  	v14 =	vld [tilespmem:s2+$0xAAC0]  }
0x3c0: {  	v15 =	vld [tilespmem:s2+$0xAAD0]  }
0x3c1: {  	v16 =	vld [tilespmem:s2+$0xAAE0]  }
0x3c2: {  	v17 =	vld [tilespmem:s2+$0xAAF0]  }
0x3c3: {  	v18 =	vld [tilespmem:s2+$0xAB00]  }
0x3c4: {  	v21 =	vld [tilespmem:s2+$0xAB10];
	v19 =	vmul.f32 $3.750000000e-01, v7;
	v20 =	vmul.f32 $5.000000000e-01, v1  }
0x3c5: {  	v24 =	vld [tilespmem:s2+$0xAB20];
	v22 =	vmul.f32 $2.500000000e-01, v1;
	v23 =	vmul.f32 $1.250000000e-01, v1  }
0x3c6: {  	v25 =	vld [tilespmem:s2+$0xAB30];
	v26 =	vmul.f32 $7.500000000e-01, v1;
	v27 =	vmul.f32 $3.750000000e-01, v1  }
0x3c7: {  	v28 =	vld [tilespmem:s2+$0xAB40];
	v29 =	vmul.f32 $5.000000000e-01, v3;
	v30 =	vmul.f32 $2.500000000e-01, v3  }
0x3c8: {  	v31 =	vld [tilespmem:s2+$0xAB50];
	v55 =	vmul.f32 $1.250000000e-01, v3;
	v33 =	vmul.f32 $1.500000000e+00, v3  }
0x3c9: {  	v34 =	vld [tilespmem:s2+$0xAB60];
	v57 =	vmul.f32 $5.000000000e-01, v4;
	v0 =	vmul.f32 $5.000000000e-01, v7  }
0x3ca: {  	v56 =	vld [tilespmem:s2+$0xAB90];
	v38 =	vmul.f32 v8, v1;
	v8 =	vmul.f32 $7.500000000e-01, v6  }
0x3cb: {  	v58 =	vld [tilespmem:s2+$0xABE0];
	v36 =	vmul.f32 v18, v3;
	v18 =	vmul.f32 $3.750000000e-01, v6  }
0x3cc: {  	v59 =	vld [tilespmem:s2+$0xABF0];
	v2 =	vmul.f32 v2, v19;
	v19 =	vmul.f32 $1.500000000e+00, v1  }
0x3cd: {  	v61 =	vld [tilespmem:s2+$0xAC30];
	v35 =	vadd.f32 v1, v1;
	v11 =	vmul.f32 v11, v20;
	v12 =	vmul.f32 v12, v22  }
0x3ce: {  	v62 =	vld [tilespmem:s2+$0xAC50];
	v22 =	vmul.f32 $7.500000000e-01, v3;
	v13 =	vmul.f32 v13, v23  }
0x3cf: {  	v63 =	vld [tilespmem:s2+$0xAC60];
	v14 =	vmul.f32 v14, v35;
	v16 =	vmul.f32 v16, v26;
	[tilespmem:s2+$0xAE70] =	vst v2  }
0x3d0: {  	v20 =	vld [tilespmem:s2+$0xAB70];
	v17 =	vmul.f32 v17, v27;
	v27 =	vmul.f32 $3.750000000e-01, v3;
	[tilespmem:s2+$0xAA90] =	vst v11  }
0x3d1: {  	v23 =	vld [tilespmem:s2+$0xAB80];
	v26 =	vadd.f32 v3, v3;
	v21 =	vmul.f32 v21, v29;
	v24 =	vmul.f32 v24, v30;
	[tilespmem:s2+$0xAAB0] =	vst v13  }
0x3d2: {  	v29 =	vld [tilespmem:s2+$0xABB0];
	v25 =	vmul.f32 v25, v55;
	v31 =	vmul.f32 v31, v33;
	[tilespmem:s2+$0xAAC0] =	vst v14  }
0x3d3: {  	v30 =	vld [tilespmem:s2+$0xABC0];
	v15 =	vmul.f32 v15, v19;
	v26 =	vmul.f32 v28, v26;
	[tilespmem:s2+$0xAAE0] =	vst v16  }
0x3d4: {  	v1 =	vld [tilespmem:s2+$0xAC90];
	v2 =	vmul.f32 $2.500000000e-01, v4;
	v11 =	vmul.f32 $1.250000000e-01, v4;
	[tilespmem:s2+$0xAAF0] =	vst v17  }
0x3d5: {  	v3 =	vld [tilespmem:s2+$0xAE00];
	v22 =	vmul.f32 v34, v22;
	v13 =	vmul.f32 $1.500000000e+00, v4;
	[tilespmem:s2+$0xAB10] =	vst v21  }
0x3d6: {  	v19 =	vld [tilespmem:s2+$0xABA0];
	v14 =	vmul.f32 $7.500000000e-01, v4;
	v16 =	vmul.f32 $5.000000000e-01, v6;
	[tilespmem:s2+$0xAB20] =	vst v24  }
0x3d7: {  	v28 =	vld [tilespmem:s2+$0xABD0];
	v17 =	vmul.f32 $2.500000000e-01, v6;
	v21 =	vmul.f32 $1.250000000e-01, v6;
	[tilespmem:s2+$0xAB30] =	vst v25  }
0x3d8: {  	v24 =	vld [tilespmem:s2+$0xAC70];
	v25 =	vmul.f32 $1.500000000e+00, v6;
	[tilespmem:s2+$0xAB50] =	vst v31;
	v31 =	vmul.f32 v63, v8  }
0x3d9: {  	v8 =	vld [tilespmem:s2+$0xACC0];
	[tilespmem:s2+$0xAAD0] =	vst v15;
	v15 =	vmul.f32 $3.750000000e-01, v4;
	v14 =	vmul.f32 v58, v14  }
0x3da: {  	v60 =	vadd.f32 v4, v4;
	v21 =	vmul.f32 v61, v21;
	v25 =	vmul.f32 v62, v25;
	[tilespmem:s2+$0xAB60] =	vst v22;
	v22 =	vld [tilespmem:s2+$0xACB0]  }
0x3db: {  	[tilespmem:s2+$0xAAA0] =	vst v12;
	v12 =	vmul.f32 v20, v27;
	v20 =	vld [tilespmem:s2+$0xAC00];
	v27 =	vmul.f32 v56, v57  }
0x3dc: {  	v11 =	vmul.f32 v29, v11;
	v29 =	vld [tilespmem:s2+$0xAC20];
	v30 =	vmul.f32 v30, v60  }
0x3dd: {  	[tilespmem:s2+$0xAB40] =	vst v26;
	v39 =	vmul.f32 v23, v4;
	v19 =	vmul.f32 v19, v2;
	v2 =	vld [tilespmem:s2+$0xAC10]  }
0x3de: {  	v23 =	vld [tilespmem:s2+$0xACD0];
	v15 =	vmul.f32 v59, v15;
	[tilespmem:s2+$0xABE0] =	vst v14;
	v13 =	vmul.f32 v28, v13  }
0x3df: {  	v28 =	vld [tilespmem:s2+$0xAC40];
	[tilespmem:s2+$0xAB70] =	vst v12;
	v12 =	vmul.f32 $5.000000000e-01, v9;
	v18 =	vmul.f32 v24, v18  }
0x3e0: {  	v14 =	vld [tilespmem:s2+$0xAD20];
	v24 =	vmul.f32 $2.500000000e-01, v9;
	[tilespmem:s2+$0xABC0] =	vst v30;
	v30 =	vmul.f32 $7.500000000e-01, v9  }
0x3e1: {  	[tilespmem:s2+$0xAC30] =	vst v21;
	v21 =	vld [tilespmem:s2+$0xAD60];
	v40 =	vmul.f32 v20, v6;
	v20 =	vmul.f32 $1.250000000e-01, v9  }
0x3e2: {  	[tilespmem:s2+$0xAB90] =	vst v27;
	v17 =	vmul.f32 v29, v17;
	v29 =	vld [tilespmem:s2+$0xAC80];
	v16 =	vmul.f32 v2, v16;
	v2 =	vadd.f32 v6, v6  }
0x3e3: {  	v27 =	vadd.f32 v9, v9;
	[tilespmem:s2+$0xABA0] =	vst v19;
	v19 =	vld [tilespmem:s2+$0xACE0];
	v20 =	vmul.f32 v22, v20;
	v22 =	vmul.f32 $1.500000000e+00, v9  }
0x3e4: {  	[tilespmem:s2+$0xAC60] =	vst v31;
	v12 =	vmul.f32 v1, v12;
	v26 =	vmul.f32 v28, v2;
	v28 =	vld [tilespmem:s2+$0xACA0]  }
0x3e5: {  	[tilespmem:s2+$0xABD0] =	vst v13;
	v13 =	vld [tilespmem:s2+$0xAD10];
	v27 =	vmul.f32 v8, v27;
	v22 =	vmul.f32 v23, v22  }
0x3e6: {  	[tilespmem:s2+$0xABB0] =	vst v11;
	v11 =	vld [tilespmem:s2+$0xACF0];
	v23 =	vmul.f32 $5.000000000e-01, v10;
	v2 =	vmul.f32 $5.000000000e-01, v5  }
0x3e7: {  	[tilespmem:s2+$0xABF0] =	vst v15;
	v15 =	vld [tilespmem:s2+$0xAD30];
	v41 =	vmul.f32 v29, v9;
	v9 =	vmul.f32 $3.750000000e-01, v9  }
0x3e8: {  	[tilespmem:s2+$0xAC20] =	vst v17;
	v17 =	vld [tilespmem:s2+$0xAD50];
	v29 =	vmul.f32 v19, v30;
	v19 =	vmul.f32 $2.500000000e-01, v10  }
0x3e9: {  	[tilespmem:s2+$0xAC70] =	vst v18;
	v30 =	vmul.f32 $7.500000000e-01, v10;
	v24 =	vmul.f32 v28, v24;
	v28 =	vld [tilespmem:s2+$0xAD00]  }
0x3ea: {  	[tilespmem:s2+$0xAC10] =	vst v16;
	v16 =	vld [tilespmem:s2+$0xAD40];
	v13 =	vmul.f32 v13, v23;
	v23 =	vmul.f32 $1.500000000e+00, v10  }
0x3eb: {  	v1 =	vld [tilespmem:s2+$0xADA0];
	[tilespmem:s2+$0xACB0] =	vst v20;
	v11 =	vmul.f32 v11, v9;
	v9 =	vmul.f32 $1.250000000e-01, v10  }
0x3ec: {  	v20 =	vld [tilespmem:s2+$0xADD0];
	[tilespmem:s2+$0xAC40] =	vst v26;
	v26 =	vmul.f32 v14, v19;
	v18 =	vmul.f32 v21, v30  }
0x3ed: {  	v14 =	vld [tilespmem:s2+$0xAD70];
	v19 =	vadd.f32 v10, v10;
	v30 =	vmul.f32 $1.500000000e+00, v5;
	[tilespmem:s2+$0xAD10] =	vst v13;
	v13 =	vmul.f32 $7.500000000e-01, v7  }
0x3ee: {  	[tilespmem:s2+$0xAC50] =	vst v25;
	v25 =	vmul.f32 v15, v9;
	v37 =	vmul.f32 v28, v10;
	v28 =	vld [tilespmem:s2+$0xAD90]  }
0x3ef: {  	[tilespmem:s2+$0xAC90] =	vst v12;
	v12 =	vld [tilespmem:s2+$0xADB0];
	v31 =	vmul.f32 v16, v19;
	v16 =	vmul.f32 v17, v23  }
0x3f0: {  	[tilespmem:s2+$0xACC0] =	vst v27;
	v15 =	vld [tilespmem:s2+$0xAD80];
	v17 =	vmul.f32 $2.500000000e-01, v5;
	v23 =	vmul.f32 $1.250000000e-01, v5  }
0x3f1: {  	v27 =	vmul.f32 v20, v30;
	[tilespmem:s2+$0xACA0] =	vst v24;
	v24 =	vld [tilespmem:s2+$0xADC0];
	v10 =	vmul.f32 $3.750000000e-01, v10  }
0x3f2: {  	v9 =	vmul.f32 $1.500000000e+00, v7;
	v21 =	vmul.f32 v1, v17;
	v1 =	vld [tilespmem:s2+$0xADF0]  }
0x3f3: {  	[tilespmem:s2+$0xACD0] =	vst v22;
	v19 =	vmul.f32 v14, v10;
	v10 =	vmul.f32 v28, v2;
	v28 =	vld [tilespmem:s2+$0xADE0]  }
0x3f4: {  	v22 =	vld [tilespmem:s2+$0xAE10];
	v23 =	vmul.f32 v12, v23;
	[tilespmem:s2+$0xAD30] =	vst v25;
	v25 =	vmul.f32 v3, v7  }
0x3f5: {  	[tilespmem:s2+$0xACE0] =	vst v29;
	v29 =	vld [tilespmem:s2+$0xAE40];
	v17 =	vmul.f32 v15, v5;
	v15 =	vmul.f32 $1.250000000e-01, v7;
	v14 =	vadd.f32 v5, v5  }
0x3f6: {  	[tilespmem:s2+$0xACF0] =	vst v11;
	v20 =	vld [tilespmem:s2+$0xAE20];
	v2 =	vmul.f32 $7.500000000e-01, v5;
	v5 =	vmul.f32 $3.750000000e-01, v5  }
0x3f7: {  	[tilespmem:s2+$0xAD20] =	vst v26;
	v30 =	vld [tilespmem:s2+$0xAE50];
	v12 =	vmul.f32 v24, v14;
	v14 =	vmul.f32 $2.500000000e-01, v7  }
0x3f8: {  	s10 =	simm.s32 $0x0;
	s6 =	simm.s32 $0x1000;
	v4 =	vadd.f32 v7, v7;
	[tilespmem:s2+$0xAD40] =	vst v31;
	v26 =	vmul.f32 v1, v5;
	v24 =	vmul.f32 v28, v2;
	v28 =	vld [tilespmem:s2+$0xAE30]  }
.LBB2_11:
0x3f9: {  	_ =	sdelay $0x1  }
0x3fa: {  	s22 =	sshra.s32 s6, $0x2  }
0x3fb: {  	[tilespmem:s2+$0xAD60] =	vst v18;
	v18 =	vld [tilespmem:s22+$0xAE70]  }
0x3fc: {  	v31 =	vmul.f32 v22, v0;
	v0 =	vld [tilespmem:$0x1FB30]  }
0x3fd: {  	v51 =	vld [tilespmem:s22+$0xAA90]  }
0x3fe: {  	v54 =	vld [tilespmem:s22+$0xAAA0]  }
0x3ff: {  	v57 =	vld [tilespmem:s22+$0xAAB0]  }
0x400: {  	v60 =	vld [tilespmem:s22+$0xAAC0]  }
0x401: {  	v63 =	vld [tilespmem:s22+$0xAAD0]  }
0x402: {  	[tilespmem:s2+$0xAD70] =	vst v19;
	v3 =	vld [tilespmem:s22+$0xAAE0]  }
0x403: {  	[tilespmem:s2+$0xAD90] =	vst v10;
	v6 =	vld [tilespmem:s22+$0xAAF0]  }
0x404: {  	[tilespmem:s2+$0xADA0] =	vst v21;
	v7 =	vld.idx.msk [tilespmem:v0+s22+$0x180 ss:$0x1], $0xffff  }
0x405: {  	[tilespmem:s2+$0xADB0] =	vst v23;
	v14 =	vmul.f32 v20, v14;
	v20 =	vld.idx.msk [tilespmem:v0+s22+$0xFFFFFE00 ss:$0x1], $0xffff  }
0x406: {  	[tilespmem:s2+$0xADC0] =	vst v12;
	v19 =	vld.idx.msk [tilespmem:v0+s22+$0xFFFFFE80 ss:$0x1], $0xffff  }
0x407: {  	[tilespmem:s2+$0xADD0] =	vst v27;
	v22 =	vld.idx.msk [tilespmem:v0+s22+$0xFFFFFF00 ss:$0x1], $0xffff  }
0x408: {  	[tilespmem:s2+$0xADE0] =	vst v24;
	v21 =	vld.idx.msk [tilespmem:v0+s22+$0xFFFFFF80 ss:$0x1], $0xffff  }
0x409: {  	[tilespmem:s2+$0xAD50] =	vst v16;
	v23 =	vld.idx.msk [tilespmem:v0+s22+$0x0 ss:$0x1], $0xffff  }
0x40a: {  	v10 =	vld.idx.msk [tilespmem:v0+s22+$0x100 ss:$0x1], $0xffff;
	[tilespmem:s2+$0xADF0] =	vst v26  }
0x40b: {  	v16 =	vld.idx.msk [tilespmem:v0+s22+$0x80 ss:$0x1], $0xffff;
	[tilespmem:s2+$0xAE10] =	vst v31  }
0x40c: {  	v0 =	vld [tilespmem:s22+$0xAA80];
	[tilespmem:s2+$0xAA80] =	vst v38  }
0x40d: {  	v24 =	vld [tilespmem:s22+$0xAB00];
	[tilespmem:s2+$0xAB00] =	vst v36  }
0x40e: {  	[tilespmem:s2+$0xAB80] =	vst v39  }
0x40f: {  	[tilespmem:s2+$0xAC00] =	vst v40;
	v12 =	vmul.f32 $3.750000000e-01, v7  }
0x410: {  	[tilespmem:s2+$0xAC80] =	vst v41  }
0x411: {  	v1 =	vld [tilespmem:s2+$0xAE60];
	[tilespmem:s2+$0xAD00] =	vst v37;
	v12 =	vmul.f32 v18, v12  }
0x412: {  	[tilespmem:s2+$0xAD80] =	vst v17  }
0x413: {  	v15 =	vmul.f32 v28, v15;
	[tilespmem:s22+$0xAE70] =	vst v12  }
0x414: {  	v28 =	vmul.f32 v29, v4;
	[tilespmem:s2+$0xAE20] =	vst v14  }
0x415: {  	v11 =	vmul.f32 v30, v9;
	v35 =	vld [tilespmem:s22+$0xAB10];
	[tilespmem:s2+$0xAE30] =	vst v15  }
0x416: {  	v13 =	vmul.f32 v1, v13;
	v38 =	vld [tilespmem:s22+$0xAB30];
	[tilespmem:s2+$0xAE40] =	vst v28  }
0x417: {  	v39 =	vld [tilespmem:s22+$0xAB40];
	v1 =	vmul.f32 $5.000000000e-01, v7;
	[tilespmem:s2+$0xAE50] =	vst v11  }
0x418: {  	v40 =	vld [tilespmem:s22+$0xAB50];
	v45 =	vmul.f32 $5.000000000e-01, v20;
	v46 =	vmul.f32 $2.500000000e-01, v20;
	[tilespmem:s2+$0xAE60] =	vst v13  }
0x419: {  	v41 =	vld [tilespmem:s22+$0xAB60];
	v48 =	vmul.f32 $1.250000000e-01, v20;
	v49 =	vmul.f32 $1.500000000e+00, v20;
	[tilespmem:s2+$0xAE00] =	vst v25;
	s2 =	smov.u32 s22  }
0x41a: {  	v50 =	vmul.f32 $7.500000000e-01, v20;
	v52 =	vmul.f32 $3.750000000e-01, v20;
	v42 =	vld [tilespmem:s2+$0xAB70]  }
0x41b: {  	[tilespmem:$0x1FA10] =	vst v0;
	v53 =	vmul.f32 $5.000000000e-01, v19;
	v0 =	vadd.f32 v22, v22;
	v55 =	vmul.f32 $2.500000000e-01, v19;
	v43 =	vld [tilespmem:s2+$0xAB80]  }
0x41c: {  	v56 =	vmul.f32 $1.250000000e-01, v19;
	v9 =	vmul.f32 $7.500000000e-01, v23;
	[tilespmem:$0x1FB20] =	vst v1;
	v44 =	vld [tilespmem:s2+$0xAB90]  }
0x41d: {  	v58 =	vmul.f32 $1.500000000e+00, v19;
	v59 =	vmul.f32 $7.500000000e-01, v19;
	v1 =	vadd.f32 v7, v7;
	[tilespmem:$0x1F9F0] =	vst v0;
	v47 =	vld [tilespmem:s2+$0xABA0]  }
0x41e: {  	v61 =	vmul.f32 $3.750000000e-01, v19;
	v62 =	vmul.f32 $5.000000000e-01, v22;
	v0 =	vadd.f32 v21, v21;
	[tilespmem:$0x1FA30] =	vst v9;
	v11 =	vld [tilespmem:s2+$0xABB0]  }
0x41f: {  	v27 =	vadd.f32 v20, v20;
	v2 =	vmul.f32 $1.250000000e-01, v22;
	v9 =	vmul.f32 $3.750000000e-01, v23;
	[tilespmem:$0x1FB00] =	vst v1;
	v37 =	vld [tilespmem:s2+$0xABC0]  }
0x420: {  	v4 =	vmul.f32 $1.500000000e+00, v22;
	v45 =	vmul.f32 v51, v45;
	[tilespmem:$0x1FA00] =	vst v0;
	v0 =	vadd.f32 v23, v23;
	v51 =	vld [tilespmem:s2+$0xABD0]  }
0x421: {  	v8 =	vmul.f32 $5.000000000e-01, v21;
	v46 =	vmul.f32 v54, v46;
	[tilespmem:$0x1FA40] =	vst v9;
	v54 =	vld [tilespmem:s2+$0xABE0]  }
0x422: {  	v27 =	vmul.f32 v60, v27;
	v9 =	vmul.f32 $5.000000000e-01, v16;
	[tilespmem:$0x1FA20] =	vst v0;
	v60 =	vld [tilespmem:s2+$0xABF0]  }
0x423: {  	v33 =	vmul.f32 $2.500000000e-01, v21;
	v34 =	vmul.f32 $1.250000000e-01, v21;
	[tilespmem:s2+$0xAAA0] =	vst v46;
	v46 =	vld [tilespmem:s2+$0xAC00]  }
0x424: {  	v48 =	vmul.f32 v57, v48;
	v57 =	vmul.f32 v63, v49;
	[tilespmem:$0x1FA50] =	vst v9;
	v63 =	vld [tilespmem:s2+$0xAC10]  }
0x425: {  	v3 =	vmul.f32 v3, v50;
	v6 =	vmul.f32 v6, v52;
	[tilespmem:s2+$0xAAC0] =	vst v27;
	v50 =	vld [tilespmem:s2+$0xAC20]  }
0x426: {  	v36 =	vmul.f32 $1.500000000e+00, v21;
	v18 =	vmul.f32 $3.750000000e-01, v21;
	v0 =	vadd.f32 v16, v16;
	[tilespmem:s2+$0xAAD0] =	vst v57;
	v57 =	vld [tilespmem:s2+$0xAC40]  }
0x427: {  	v35 =	vmul.f32 v35, v53;
	v9 =	vmul.f32 $1.250000000e-01, v16;
	[tilespmem:s2+$0xAAF0] =	vst v6;
	v6 =	vld [tilespmem:s2+$0xAC50]  }
0x428: {  	v52 =	vmul.f32 v40, v58;
	v53 =	vmul.f32 v41, v59;
	v58 =	vld [tilespmem:s2+$0xAC60];
	[tilespmem:$0x1FA70] =	vst v0;
	v0 =	vadd.f32 v10, v10  }
0x429: {  	v1 =	vmul.f32 $2.500000000e-01, v22;
	v59 =	vld [tilespmem:s2+$0xAC70];
	[tilespmem:$0x1FA60] =	vst v9;
	v9 =	vmul.f32 $7.500000000e-01, v16  }
0x42a: {  	v12 =	vmul.f32 $7.500000000e-01, v21;
	v27 =	vmul.f32 v38, v56;
	[tilespmem:$0x1FAD0] =	vst v0;
	v0 =	vld [tilespmem:s22+$0xAB20]  }
0x42b: {  	[tilespmem:$0x1FA80] =	vst v9;
	v9 =	vmul.f32 $3.750000000e-01, v16;
	v2 =	vmul.f32 v11, v2;
	v11 =	vld [tilespmem:$0x1F9F0]  }
0x42c: {  	[tilespmem:s2+$0xAAE0] =	vst v3;
	v3 =	vmul.f32 v42, v61;
	v56 =	vmul.f32 v44, v62;
	v62 =	vld [tilespmem:s2+$0xAC90]  }
0x42d: {  	v1 =	vmul.f32 v47, v1;
	v8 =	vmul.f32 v63, v8;
	v63 =	vld [tilespmem:$0x1FA10]  }
0x42e: {  	v29 =	vadd.f32 v19, v19;
	v6 =	vmul.f32 v6, v36;
	v36 =	vmul.f32 v24, v19;
	v19 =	vld [tilespmem:s2+$0xACB0];
	[tilespmem:$0x1FA90] =	vst v9  }
0x42f: {  	v4 =	vmul.f32 v51, v4;
	v40 =	vmul.f32 v46, v21;
	v21 =	vld [tilespmem:s2+$0xACD0];
	[tilespmem:s2+$0xAB70] =	vst v3  }
0x430: {  	v3 =	vmul.f32 v59, v18;
	v18 =	vld [tilespmem:s2+$0xACC0];
	[tilespmem:s2+$0xABA0] =	vst v1  }
0x431: {  	v5 =	vmul.f32 $7.500000000e-01, v22;
	v30 =	vmul.f32 $1.250000000e-01, v23;
	[tilespmem:s2+$0xABD0] =	vst v4;
	v4 =	vld [tilespmem:$0x1FA20]  }
0x432: {  	v31 =	vmul.f32 $1.500000000e+00, v23;
	v9 =	vmul.f32 $5.000000000e-01, v10;
	[tilespmem:s2+$0xAC10] =	vst v8;
	v8 =	vld [tilespmem:$0x1FA40]  }
0x433: {  	v28 =	vmul.f32 $5.000000000e-01, v23;
	[tilespmem:s2+$0xAC70] =	vst v3;
	v3 =	vld [tilespmem:s2+$0xADA0];
	v11 =	vmul.f32 v37, v11  }
0x434: {  	[tilespmem:$0x1FAA0] =	vst v9;
	v0 =	vmul.f32 v0, v55;
	v38 =	vmul.f32 v63, v20;
	v20 =	vld [tilespmem:s2+$0xACA0]  }
0x435: {  	v1 =	vmul.f32 v62, v28;
	[tilespmem:s2+$0xABC0] =	vst v11;
	v11 =	vmul.f32 v19, v30;
	v19 =	vld [tilespmem:s2+$0xAD00]  }
0x436: {  	[tilespmem:s2+$0xAB20] =	vst v0;
	v0 =	vmul.f32 v54, v5;
	v4 =	vmul.f32 v18, v4;
	v18 =	vld [tilespmem:s2+$0xAD10]  }
0x437: {  	v26 =	vmul.f32 $2.500000000e-01, v23;
	[tilespmem:s2+$0xAC90] =	vst v1;
	v1 =	vld [tilespmem:$0x1FA80]  }
0x438: {  	v9 =	vmul.f32 $2.500000000e-01, v10;
	[tilespmem:s2+$0xABE0] =	vst v0;
	v0 =	vmul.f32 v21, v31;
	v21 =	vld [tilespmem:s2+$0xAD20]  }
0x439: {  	[tilespmem:s2+$0xABB0] =	vst v2;
	v2 =	vmul.f32 v20, v26;
	v20 =	vld [tilespmem:s2+$0xACF0]  }
0x43a: {  	[tilespmem:$0x1FAB0] =	vst v9;
	v37 =	vmul.f32 v19, v16;
	v19 =	vld [tilespmem:$0x1FA50]  }
0x43b: {  	v17 =	vmul.f32 $2.500000000e-01, v16;
	[tilespmem:s2+$0xACD0] =	vst v0;
	v0 =	vld [tilespmem:$0x1FAB0]  }
0x43c: {  	[tilespmem:s2+$0xACA0] =	vst v2;
	v2 =	vld [tilespmem:$0x1FA90]  }
0x43d: {  	v26 =	vmul.f32 v21, v17;
	v17 =	vld [tilespmem:s2+$0xAD70]  }
0x43e: {  	v12 =	vmul.f32 v58, v12;
	v21 =	vld [tilespmem:s2+$0xAD80]  }
0x43f: {  	v32 =	vmul.f32 $3.750000000e-01, v22;
	v24 =	vmul.f32 v18, v19;
	v18 =	vld [tilespmem:s2+$0xAD60]  }
0x440: {  	[tilespmem:s2+$0xAC60] =	vst v12;
	v12 =	vld [tilespmem:$0x1FA70];
	v9 =	vmul.f32 $1.250000000e-01, v10  }
0x441: {  	v5 =	vmul.f32 v60, v32;
	v60 =	vld [tilespmem:s2+$0xAC80]  }
0x442: {  	[tilespmem:$0x1FAC0] =	vst v9;
	v8 =	vmul.f32 v20, v8;
	v20 =	vld [tilespmem:s2+$0xAD40];
	v19 =	vmul.f32 v17, v2  }
0x443: {  	v17 =	vmul.f32 v21, v10;
	v21 =	vmul.f32 v3, v0;
	v3 =	vld [tilespmem:$0x1FAC0]  }
0x444: {  	v18 =	vmul.f32 v18, v1;
	v1 =	vld [tilespmem:s2+$0xADB0]  }
0x445: {  	v61 =	vld [tilespmem:$0x1FA00]  }
0x446: {  	[tilespmem:s2+$0xACC0] =	vst v4;
	v4 =	vld [tilespmem:$0x1FAA0]  }
0x447: {  	[tilespmem:s2+$0xAA90] =	vst v45;
	v2 =	vld [tilespmem:s2+$0xADC0]  }
0x448: {  	[tilespmem:s2+$0xAAB0] =	vst v48;
	v9 =	vmul.f32 $1.500000000e+00, v10;
	v30 =	vmul.f32 v20, v12;
	v12 =	vld [tilespmem:s2+$0xAD90]  }
0x449: {  	[tilespmem:s2+$0xAB10] =	vst v35;
	v41 =	vmul.f32 v60, v23;
	v23 =	vmul.f32 v1, v3;
	v3 =	vld [tilespmem:$0x1FAD0]  }
0x44a: {  	v29 =	vmul.f32 v39, v29;
	[tilespmem:s2+$0xAC50] =	vst v6;
	v55 =	vld [tilespmem:s2+$0xAC30]  }
0x44b: {  	v39 =	vmul.f32 v43, v22;
	v22 =	vld [tilespmem:s2+$0xACE0];
	[tilespmem:$0x1FAE0] =	vst v9;
	v9 =	vmul.f32 $7.500000000e-01, v10  }
0x44c: {  	v6 =	vld [tilespmem:$0x1FA60];
	[tilespmem:s2+$0xACB0] =	vst v11  }
0x44d: {  	v11 =	vld [tilespmem:s2+$0xADD0];
	[tilespmem:$0x1FAF0] =	vst v9;
	v9 =	vmul.f32 $3.750000000e-01, v10  }
0x44e: {  	[tilespmem:s2+$0xAB40] =	vst v29;
	v10 =	vmul.f32 v12, v4;
	v12 =	vmul.f32 v2, v3;
	v2 =	vld [tilespmem:$0x1FAE0]  }
0x44f: {  	[tilespmem:s2+$0xABF0] =	vst v5;
	v5 =	vld [tilespmem:$0x1FA30];
	v29 =	vmul.f32 v55, v34  }
0x450: {  	[tilespmem:s2+$0xAB30] =	vst v27;
	v28 =	vld [tilespmem:s2+$0xAE30]  }
0x451: {  	v27 =	vmul.f32 v50, v33;
	[tilespmem:s2+$0xAC30] =	vst v29;
	v29 =	vld [tilespmem:s2+$0xAE40]  }
0x452: {  	[tilespmem:s2+$0xAB50] =	vst v52;
	v4 =	vld [tilespmem:s2+$0xADE0]  }
0x453: {  	[tilespmem:s2+$0xAC20] =	vst v27;
	v27 =	vmul.f32 v11, v2;
	v2 =	vld [tilespmem:$0x1FAF0]  }
0x454: {  	[tilespmem:s2+$0xAB60] =	vst v53;
	v34 =	vmul.f32 v57, v61;
	v5 =	vmul.f32 v22, v5;
	v22 =	vld [tilespmem:s2+$0xAD30]  }
0x455: {  	v25 =	vmul.f32 $1.500000000e+00, v16;
	[tilespmem:s2+$0xAB90] =	vst v56;
	v16 =	vld [tilespmem:s2+$0xAD50]  }
0x456: {  	[tilespmem:s2+$0xAC40] =	vst v34;
	v0 =	vld [tilespmem:s2+$0xADF0]  }
0x457: {  	s10 =	sadd.s32 $0x8, s10;
	[tilespmem:$0x1FB10] =	vst v9;
	v1 =	vld [tilespmem:s2+$0xAE00]  }
0x458: {  	p2 =	slt.u32 s10, $0x20;
	[tilespmem:s2+$0xAD10] =	vst v24;
	v24 =	vmul.f32 v4, v2;
	v2 =	vld [tilespmem:$0x1FB10]  }
.Ltmp6:
0x459: {  	[tilespmem:s2+$0xACE0] =	vst v5;
	v6 =	vmul.f32 v22, v6;
	v22 =	vld [tilespmem:s2+$0xAE10];
	(pc) =	sbr.rel @p2 .LBB2_11-.Ltmp6, $4  }
0x45a: {  	v14 =	vmul.f32 $2.500000000e-01, v7;
	[tilespmem:s2+$0xAD20] =	vst v26;
	v20 =	vld [tilespmem:s2+$0xAE20]  }
0x45b: {  	v15 =	vmul.f32 $1.250000000e-01, v7;
	v13 =	vmul.f32 $7.500000000e-01, v7;
	[tilespmem:s2+$0xAD40] =	vst v30;
	v30 =	vld [tilespmem:s2+$0xAE50]  }
0x45c: {  	v9 =	vmul.f32 $1.500000000e+00, v7;
	v16 =	vmul.f32 v16, v25;
	[tilespmem:s2+$0xACF0] =	vst v8;
	v4 =	vld [tilespmem:$0x1FB00]  }
0x45d: {  	s6 =	sadd.s32 $0x1000, s6;
	[tilespmem:s2+$0xAD30] =	vst v6;
	v25 =	vmul.f32 v1, v7;
	v26 =	vmul.f32 v0, v2;
	v0 =	vld [tilespmem:$0x1FB20]  }
0x45e: {  	[tilespmem:s2+$0xAD50] =	vst v16  }
0x45f: {  	[tilespmem:s2+$0xAD60] =	vst v18  }
0x460: {  	[tilespmem:s2+$0xAD70] =	vst v19  }
0x461: {  	[tilespmem:s2+$0xAD90] =	vst v10  }
0x462: {  	[tilespmem:s2+$0xADA0] =	vst v21  }
0x463: {  	[tilespmem:s2+$0xADB0] =	vst v23  }
0x464: {  	[tilespmem:s2+$0xADC0] =	vst v12  }
0x465: {  	[tilespmem:s2+$0xADD0] =	vst v27  }
0x466: {  	[tilespmem:s2+$0xADE0] =	vst v24  }
0x467: {  	[tilespmem:s2+$0xAA80] =	vst v38  }
0x468: {  	[tilespmem:s2+$0xAB00] =	vst v36  }
0x469: {  	[tilespmem:s2+$0xAB80] =	vst v39  }
0x46a: {  	[tilespmem:s2+$0xAC00] =	vst v40  }
0x46b: {  	[tilespmem:s2+$0xAC80] =	vst v41  }
0x46c: {  	[tilespmem:s2+$0xAD00] =	vst v37  }
0x46d: {  	[tilespmem:s2+$0xAD80] =	vst v17  }
0x46e: {  	v1 =	vld [tilespmem:s2+$0xAE60];
	v3 =	vmul.f32 v28, v15;
	[tilespmem:s2+$0xADF0] =	vst v26  }
0x46f: {  	v2 =	vmul.f32 v20, v14;
	[tilespmem:s2+$0xAE00] =	vst v25  }
0x470: {  	v63 =	vmul.f32 v30, v9;
	[tilespmem:s2+$0xAE30] =	vst v3  }
0x471: {  	v62 =	vmul.f32 v29, v4;
	[tilespmem:s2+$0xAE20] =	vst v2  }
.Ltmp7:
0x472: {  	v0 =	vmul.f32 v22, v0;
	[tilespmem:s2+$0xAE50] =	vst v63;
	(pc) =	sbr.rel @p1 .LBB2_14-.Ltmp7, $4  }
0x473: {  	v1 =	vmul.f32 v1, v13;
	[tilespmem:s2+$0xAE40] =	vst v62  }
0x474: {  	[tilespmem:s2+$0xAE10] =	vst v0  }
0x475: {  	s31 =	sadd.s32 $0x480, s24;
	s6 =	simm.s32 $0xAA80;
	[tilespmem:s2+$0xAE60] =	vst v1  }
0x476: {  	[spmem:s3] =	stream.indirect.scatter.add.f32 [tilespmem:s6], [sflag:$0xA], $0x80, s31, s0, $0xb8;
	[tilespmem:$0x1F700] =	vst v63  }
0x477: {  	s6 =	sadd.s32 $0x1, s18  }
0x478: {  	s2 =	smulhi.u32 $0xAAAAAAAB, s6;
	_ =	sdelay $0x1  }
0x479: {  	s2 =	sshrl.u32 s2, $0x1  }
0x47a: {  	s2 =	smul.u32 $0x3, s2;
	_ =	sdelay $0x1  }
0x47b: {  	s10 =	sadd.s32 $0x8, s21;
	s13 =	sxor.u32 $0xFFFFFFFF, s18;
	s2 =	ssub.s32 s6, s2  }
0x47c: {  	s29 =	smul.u32 $0x28, s10;
	s2 =	sadd.s32 s13, s2  }
0x47d: {  	_ =	swait.ge [sflag:s20], $0x1400;
	s17 =	sadd.s32 $0x1, s17;
	s2 =	smul.u32 $0x5, s2  }
.Ltmp8:
0x47e: {  	s30 =	sadd.s32 $0x1, s30;
	s13 =	sadd.s32 s8, s29;
	(pc) =	sbr.rel .LBB2_2-.Ltmp8, $4  }
0x47f: {  	[sflag:s20] =	ssyncset.done $0x0;
	s31 =	sshll.u32 s13, $0x4;
	s2 =	sadd.s32 s10, s2  }
0x480: {  	[sflag:s20] =	ssyncadd.s32 $0xFFFFEC00;
	s10 =	sadd.s32 s5, s31;
	s2 =	smul.u32 $0xA0, s2  }
0x481: {  	[tilespmem:s25], [sflag:s19] =	stream.linear.gather [hbm4b:s10+s4], $0x1400, $0x38;
	[tilespmem:$0x1F700] =	vst v63  }
0x482: {  	s15 =	sadd.s32 $0x1, s15;
	s18 =	smov.u32 s6;
	s2 =	sshra.s32 s2, $0x2  }
.LBB2_15:
0x483: {  	_ =	sfence.sel $0x180000  }
0x484: {  	[bflag:$0x0] =	sbarrier.arrive $0xFFFF  }
0x485: {  	_ =	strace $0x90000047  }
0x486: {  	[bflag:$0x2] =	sbarrier.arrive $0xFFFF  }
0x487: {  	s0 =	rddreg [dreg:$0x5]  }
0x488: {  	s0 =	sadd.s32 @!p0 $0x100000, s0  }
0x489: {  	[sflag:s0] =	ssyncadd.tile.s32 @!p0 $0x1;
	_ =	shalt  }
.Lfunc_end2:
_tile_overlayer_lowered:
.L_overlay_start_2:
0x48a: {  	(tag) =	ssettag $0x2  }
0x48b: {  	s0 =	rddreg [dreg:$0x0];
	s2 =	stileid.u32  }
0x48c: {  	s1 =	rddreg [dreg:$0x1];
	p0 =	sne.s32 s2, $0x0  }
0x48d: {  	s3 =	rddreg [dreg:$0x2];
	[bflag:$0x3] =	sbarrier.arrive $0xFFFF;
	s2 =	simm.s32 @!p0 $0x1C15  }
0x48e: {  	[timem:s3], [sflag:s2] =	dma.local @!p0 [hbm:s0], s1  }
0x48f: {  	s0 =	simm.s32 @!p0 $0x15  }
0x490: {  	_ =	swait.ge @!p0 [sflag:s0], s1  }
0x491: {  	s1 =	ssub.s32 @!p0 $0x0, s1;
	[sflag:s0] =	ssyncset.done @!p0 $0x0  }
0x492: {  	[sflag:s0] =	ssyncadd.s32 @!p0 s1  }
0x493: {  	[bflag:$0x3] =	sbarrier.arrive $0xFFFF  }
0x494: {  	_ =	shalt  }

</sc_bundles>
